<compile_context>
chip_gen: v7x
topology: tpu7x:2x2x1
jax: 0.10.2.dev20260603
libtpu: 0.0.44.dev20260713+nightly
codegen_flags: <defaults>
</compile_context>

<pallas_src>
import functools

import jax
import jax.numpy as jnp
from jax import lax
from jax.experimental import pallas as pl
from jax.experimental.pallas import tpu as pltpu
from jax.experimental.pallas import tpu_sc as plsc

_SCALE = 8.0


@functools.lru_cache(maxsize=None)
def _make_sc_kernel(N, S, V, D):
    info = plsc.get_sparse_core_info()
    NC, NS, L = info.num_cores, info.num_subcores, info.num_lanes
    NW = NC * NS
    BB = N // NW
    assert BB == 128 and D % L == 0 and D % 8 == 0
    DT = D // 8
    assert S % 8 == 0
    mesh = plsc.VectorSubcoreMesh(core_axis_name="c", subcore_axis_name="s")

    @functools.partial(
        pl.kernel,
        mesh=mesh,
        compiler_params=pltpu.CompilerParams(use_tc_tiling_on_sc=False,
                                             needs_layout_passes=False),
        out_type=jax.ShapeDtypeStruct((S, DT, NW, 8, BB), jnp.float32),
        scratch_types=[
            pltpu.VMEM((2, 8, BB), jnp.int32),
            pltpu.VMEM((2, BB, D), jnp.float32),
            pltpu.VMEM((2, DT, 8, BB + 1), jnp.float32),
            pltpu.SemaphoreType.DMA,
            pltpu.SemaphoreType.DMA,
        ],
    )
    def k(idx_hbm, table_hbm, out_hbm, idx_v, rows_v, timg_v, gsem, ssem):
        wid = lax.axis_index("s") * NC + lax.axis_index("c")
        b0 = wid * BB
        iota = lax.iota(jnp.int32, L)
        rt_base = lax.div(iota, jnp.int32(8))
        r_idx = lax.rem(iota, jnp.int32(8))
        rt_idx = [lax.add(rt_base, jnp.int32(2 * j)) for j in range(D // L)]

        def load_fire(s, b):
            @pl.when(lax.rem(s, 8) == 0)
            def _():
                pltpu.sync_copy(idx_hbm.at[pl.ds(s, 8), pl.ds(b0, BB)],
                                idx_v.at[lax.rem(lax.div(s, 8), 2)])

            pltpu.async_copy(
                table_hbm.at[idx_v.at[lax.rem(lax.div(s, 8), 2),
                                      lax.rem(s, 8)]],
                rows_v.at[b], gsem)

        def wait_gather(s, b):
            pltpu.make_async_copy(
                table_hbm.at[idx_v.at[lax.rem(lax.div(s, 8), 2),
                                      lax.rem(s, 8)]],
                rows_v.at[b], gsem).wait()

        def fire_store(s, b):
            pltpu.async_copy(timg_v.at[b, :, :, pl.ds(0, BB)],
                             out_hbm.at[s, :, wid], ssem)

        def wait_store(s, b):
            pltpu.make_async_copy(timg_v.at[b, :, :, pl.ds(0, BB)],
                                  out_hbm.at[s, :, wid], ssem).wait()

        def transpose_scale(b):
            @plsc.parallel_loop(0, BB, unroll=8)
            def _tok(t):
                c_idx = lax.broadcast_in_dim(t, (L,), ())
                for j in range(D // L):
                    v = rows_v[b, t, pl.ds(j * L, L)] * _SCALE
                    plsc.store_scatter(timg_v.at[b],
                                       [rt_idx[j], r_idx, c_idx], v)

        def step(s, b, first, last):
            wait_gather(s, b)
            if not first:
                wait_store(s - 2, b)
            transpose_scale(b)
            fire_store(s, b)
            if not last:
                load_fire(s + 2, b)

        load_fire(jnp.int32(0), 0)
        load_fire(jnp.int32(1), 1)

        step(jnp.int32(0), 0, True, False)
        step(jnp.int32(1), 1, True, False)

        @pl.loop(1, S // 2 - 1)
        def _pair(g2):
            s = g2 * 2
            step(s, 0, False, False)
            step(s + 1, 1, False, False)

        step(jnp.int32(S - 2), 0, False, True)
        step(jnp.int32(S - 1), 1, False, True)
        wait_store(jnp.int32(S - 2), 0)
        wait_store(jnp.int32(S - 1), 1)

    return k


def kernel(inputs, table):
    N, S = inputs.shape
    V, D = table.shape
    img = _make_sc_kernel(N, S, V, D)(inputs.T.astype(jnp.int32), table)
    return img.transpose(2, 4, 0, 1, 3).reshape(N, S, D)

# --- scband reference (transcript-rebuilt; emitter-appended) ---
"""Pipeline reference for scband-token-embedding-12352325943442 (READ-ONLY COPY).

The authoritative reference and input builder live on the scoring server;
editing this copy changes nothing except your own understanding.
"""

import jax, jax.numpy as jnp
import numpy as np
from math import sqrt

VOCAB = 1000000
MODEL_DIM = 64

def setup_inputs(seed: int = 0) -> dict:
    key = jax.random.key(seed)
    k1, k2 = jax.random.split(key)
    inputs = jax.random.randint(k1, (4096, 200), 0, VOCAB, dtype=jnp.int64 if jax.config.jax_enable_x64 else jnp.int32)
    table = jax.random.normal(k2, (VOCAB, MODEL_DIM), dtype=jnp.float32)
    return {"inputs": inputs, "table": table}

def reference(inputs, table):
    # TokenEmbedding.forward: embedding lookup scaled by sqrt(model_dim)
    emb = jnp.take(table, inputs, axis=0)
    return emb * sqrt(MODEL_DIM)

if __name__ == "__main__":
    import jax
    _d = setup_inputs()
    print(jax.jit(kernel)(*tuple(_d.values())))

</pallas_src>

<mosaic_0001>
#map = affine_map<(d0, d1) -> (0, 0)>
#map1 = affine_map<(d0, d1) -> (0, 0, 0, 0, 0)>
module attributes {stable_mosaic.version = 14 : i64} {
  func.func @k(%arg0: i32, %arg1: i32, %arg2: memref<200x4096xi32, #tpu.memory_space<hbm>>, %arg3: memref<1000000x64xf32, #tpu.memory_space<hbm>>, %arg4: memref<200x8x32x8x128xf32, #tpu.memory_space<hbm>>, %arg5: memref<2x8x128xi32, #tpu.memory_space<vmem>>, %arg6: memref<2x128x64xf32, #tpu.memory_space<vmem>>, %arg7: memref<2x8x8x129xf32, #tpu.memory_space<vmem>>, %arg8: memref<!tpu.dma_semaphore, #tpu.memory_space<semaphore_mem>>, %arg9: memref<!tpu.dma_semaphore, #tpu.memory_space<semaphore_mem>>) attributes {dimension_semantics = [#tpu.dimension_semantics<core_parallel>, #tpu.dimension_semantics<subcore_parallel>], iteration_bounds = array<i64: 2, 16>, scalar_prefetch = 0 : i64, scratch_operands = 5 : i64, tpu.core_type = #tpu.core_type<sc_vector_subcore>, window_params = [{transform_indices = #map}, {transform_indices = #map}, {transform_indices = #map1}]} {
    %mul3A = arith.constant 2 : i32
    %mul3A_0 = arith.muli %arg1, %mul3A : i32
    %add3A = arith.addi %mul3A_0, %arg0 : i32
    %mul3A_1 = arith.constant 128 : i32
    %mul3A_2 = arith.muli %add3A, %mul3A_1 : i32
    %iota3A = tpu.iota {dimensions = array<i32: 0>} : vector<16xi32>
    %div3A = arith.constant 8 : i32
    %div3A_3 = vector.broadcast %div3A : i32 to vector<16xi32>
    %div3A_4 = arith.divsi %iota3A, %div3A_3 : vector<16xi32>
    %rem3A = arith.constant 8 : i32
    %rem3A_5 = vector.broadcast %rem3A : i32 to vector<16xi32>
    %rem3A_6 = arith.remsi %iota3A, %rem3A_5 : vector<16xi32>
    %add3A_7 = arith.constant 0 : i32
    %add3A_8 = vector.broadcast %add3A_7 : i32 to vector<16xi32>
    %add3A_9 = arith.addi %div3A_4, %add3A_8 : vector<16xi32>
    %add3A_10 = arith.constant 2 : i32
    %add3A_11 = vector.broadcast %add3A_10 : i32 to vector<16xi32>
    %add3A_12 = arith.addi %div3A_4, %add3A_11 : vector<16xi32>
    %add3A_13 = arith.constant 4 : i32
    %add3A_14 = vector.broadcast %add3A_13 : i32 to vector<16xi32>
    %add3A_15 = arith.addi %div3A_4, %add3A_14 : vector<16xi32>
    %add3A_16 = arith.constant 6 : i32
    %add3A_17 = vector.broadcast %add3A_16 : i32 to vector<16xi32>
    %add3A_18 = arith.addi %div3A_4, %add3A_17 : vector<16xi32>
    %rem3A_19 = arith.constant 0 : i32
    %rem3A_20 = arith.constant 8 : i32
    %rem3A_21 = arith.remsi %rem3A_19, %rem3A_20 : i32
    %eq3A = arith.constant 0 : i32
    %eq3A_22 = arith.cmpi eq, %rem3A_21, %eq3A : i32
    %convert_element_type3A = arith.extui %eq3A_22 : i1 to i32
    %cond3A = arith.constant 0 : i32
    %cond3A_23 = arith.constant 0 : i32
    %cond3A_24 = arith.cmpi ne, %convert_element_type3A, %cond3A_23 : i32
    scf.if %cond3A_24 {
      %div3A_394 = arith.constant 8 : i32
      %div3A_395 = arith.divsi %cond3A, %div3A_394 : i32
      %rem3A_396 = arith.constant 2 : i32
      %rem3A_397 = arith.remsi %div3A_395, %rem3A_396 : i32
      "tpu.region"() ({
        %run_scoped3A = tpu.sem_alloc : memref<!tpu.dma_semaphore, #tpu.memory_space<semaphore_mem>>
        %dma_start3A_398 = arith.constant 0 : i32
        %dma_start3A_399 = arith.constant 0 : i32
        %dma_start3A_400 = tpu.memref_slice %arg5[%rem3A_397, %dma_start3A_398, %dma_start3A_399] : memref<2x8x128xi32, #tpu.memory_space<vmem>> -> memref<1x8x128xi32, #tpu.memory_space<vmem>>
        %dma_start3A_401 = tpu.memref_squeeze %dma_start3A_400 : memref<1x8x128xi32, #tpu.memory_space<vmem>> -> memref<8x128xi32, #tpu.memory_space<vmem>>
        %dma_start3A_402 = tpu.memref_slice %arg2[%cond3A, %mul3A_2] : memref<200x4096xi32, #tpu.memory_space<hbm>> -> memref<8x128xi32, #tpu.memory_space<hbm>>
        %dma_start3A_403 = arith.constant 0 : i32
        %dma_start3A_404 = arith.constant 0 : i32
        %dma_start3A_405 = tpu.memref_slice %arg5[%rem3A_397, %dma_start3A_403, %dma_start3A_404] : memref<2x8x128xi32, #tpu.memory_space<vmem>> -> memref<1x8x128xi32, #tpu.memory_space<vmem>>
        %dma_start3A_406 = tpu.memref_squeeze %dma_start3A_405 : memref<1x8x128xi32, #tpu.memory_space<vmem>> -> memref<8x128xi32, #tpu.memory_space<vmem>>
        %dma_start3A_407 = tpu.memref_slice %arg2[%cond3A, %mul3A_2] : memref<200x4096xi32, #tpu.memory_space<hbm>> -> memref<8x128xi32, #tpu.memory_space<hbm>>
        tpu.enqueue_dma source(%dma_start3A_407 : memref<8x128xi32, #tpu.memory_space<hbm>>) target(%dma_start3A_406 : memref<8x128xi32, #tpu.memory_space<vmem>>) target_semaphore(%run_scoped3A : memref<!tpu.dma_semaphore, #tpu.memory_space<semaphore_mem>>)
        %dma_wait3A_408 = arith.constant 0 : i32
        %dma_wait3A_409 = arith.constant 0 : i32
        %dma_wait3A_410 = tpu.memref_slice %arg5[%rem3A_397, %dma_wait3A_408, %dma_wait3A_409] : memref<2x8x128xi32, #tpu.memory_space<vmem>> -> memref<1x8x128xi32, #tpu.memory_space<vmem>>
        %dma_wait3A_411 = tpu.memref_squeeze %dma_wait3A_410 : memref<1x8x128xi32, #tpu.memory_space<vmem>> -> memref<8x128xi32, #tpu.memory_space<vmem>>
        %dma_wait3A_412 = tpu.memref_slice %arg2[%cond3A, %mul3A_2] : memref<200x4096xi32, #tpu.memory_space<hbm>> -> memref<8x128xi32, #tpu.memory_space<hbm>>
        %dma_wait3A_413 = arith.constant 0 : i32
        %dma_wait3A_414 = arith.constant 0 : i32
        %dma_wait3A_415 = tpu.memref_slice %arg5[%rem3A_397, %dma_wait3A_413, %dma_wait3A_414] : memref<2x8x128xi32, #tpu.memory_space<vmem>> -> memref<1x8x128xi32, #tpu.memory_space<vmem>>
        %dma_wait3A_416 = tpu.memref_squeeze %dma_wait3A_415 : memref<1x8x128xi32, #tpu.memory_space<vmem>> -> memref<8x128xi32, #tpu.memory_space<vmem>>
        %dma_wait3A_417 = tpu.memref_slice %arg2[%cond3A, %mul3A_2] : memref<200x4096xi32, #tpu.memory_space<hbm>> -> memref<8x128xi32, #tpu.memory_space<hbm>>
        tpu.wait_dma2 semaphore(%run_scoped3A : memref<!tpu.dma_semaphore, #tpu.memory_space<semaphore_mem>>) src(%dma_wait3A_417 : memref<8x128xi32, #tpu.memory_space<hbm>>) dst(%dma_wait3A_416 : memref<8x128xi32, #tpu.memory_space<vmem>>)
        tpu.yield
      }) : () -> ()
    } else {
    }
    %div3A_25 = arith.constant 0 : i32
    %div3A_26 = arith.constant 8 : i32
    %div3A_27 = arith.divsi %div3A_25, %div3A_26 : i32
    %rem3A_28 = arith.constant 2 : i32
    %rem3A_29 = arith.remsi %div3A_27, %rem3A_28 : i32
    %rem3A_30 = arith.constant 0 : i32
    %rem3A_31 = arith.constant 8 : i32
    %rem3A_32 = arith.remsi %rem3A_30, %rem3A_31 : i32
    %dma_start3A = arith.constant 0 : i32
    %dma_start3A_33 = arith.constant 0 : i32
    %dma_start3A_34 = arith.constant 0 : i32
    %dma_start3A_35 = tpu.memref_slice %arg6[%dma_start3A, %dma_start3A_33, %dma_start3A_34] : memref<2x128x64xf32, #tpu.memory_space<vmem>> -> memref<1x128x64xf32, #tpu.memory_space<vmem>>
    %dma_start3A_36 = tpu.memref_squeeze %dma_start3A_35 : memref<1x128x64xf32, #tpu.memory_space<vmem>> -> memref<128x64xf32, #tpu.memory_space<vmem>>
    %dma_start3A_37 = arith.constant 0 : i32
    %dma_start3A_38 = tpu.memref_slice %arg5[%rem3A_29, %rem3A_32, %dma_start3A_37] : memref<2x8x128xi32, #tpu.memory_space<vmem>> -> memref<1x1x128xi32, #tpu.memory_space<vmem>>
    %dma_start3A_39 = tpu.memref_squeeze %dma_start3A_38 : memref<1x1x128xi32, #tpu.memory_space<vmem>> -> memref<128xi32, #tpu.memory_space<vmem>>
    %dma_start3A_40 = arith.constant 0 : i32
    %dma_start3A_41 = arith.constant 0 : i32
    %dma_start3A_42 = tpu.memref_slice %arg3[%dma_start3A_40, %dma_start3A_41] : memref<1000000x64xf32, #tpu.memory_space<hbm>> -> memref<1000000x64xf32, #tpu.memory_space<hbm>>
    tpu.enqueue_indirect_dma source(%dma_start3A_42 : memref<1000000x64xf32, #tpu.memory_space<hbm>>) target(%dma_start3A_36 : memref<128x64xf32, #tpu.memory_space<vmem>>) offsets(%dma_start3A_39 : memref<128xi32, #tpu.memory_space<vmem>>) semaphore(%arg8 : memref<!tpu.dma_semaphore, #tpu.memory_space<semaphore_mem>>)
    %rem3A_43 = arith.constant 1 : i32
    %rem3A_44 = arith.constant 8 : i32
    %rem3A_45 = arith.remsi %rem3A_43, %rem3A_44 : i32
    %eq3A_46 = arith.constant 0 : i32
    %eq3A_47 = arith.cmpi eq, %rem3A_45, %eq3A_46 : i32
    %convert_element_type3A_48 = arith.extui %eq3A_47 : i1 to i32
    %cond3A_49 = arith.constant 1 : i32
    %cond3A_50 = arith.constant 0 : i32
    %cond3A_51 = arith.cmpi ne, %convert_element_type3A_48, %cond3A_50 : i32
    scf.if %cond3A_51 {
      %div3A_394 = arith.constant 8 : i32
      %div3A_395 = arith.divsi %cond3A_49, %div3A_394 : i32
      %rem3A_396 = arith.constant 2 : i32
      %rem3A_397 = arith.remsi %div3A_395, %rem3A_396 : i32
      "tpu.region"() ({
        %run_scoped3A = tpu.sem_alloc : memref<!tpu.dma_semaphore, #tpu.memory_space<semaphore_mem>>
        %dma_start3A_398 = arith.constant 0 : i32
        %dma_start3A_399 = arith.constant 0 : i32
        %dma_start3A_400 = tpu.memref_slice %arg5[%rem3A_397, %dma_start3A_398, %dma_start3A_399] : memref<2x8x128xi32, #tpu.memory_space<vmem>> -> memref<1x8x128xi32, #tpu.memory_space<vmem>>
        %dma_start3A_401 = tpu.memref_squeeze %dma_start3A_400 : memref<1x8x128xi32, #tpu.memory_space<vmem>> -> memref<8x128xi32, #tpu.memory_space<vmem>>
        %dma_start3A_402 = tpu.memref_slice %arg2[%cond3A_49, %mul3A_2] : memref<200x4096xi32, #tpu.memory_space<hbm>> -> memref<8x128xi32, #tpu.memory_space<hbm>>
        %dma_start3A_403 = arith.constant 0 : i32
        %dma_start3A_404 = arith.constant 0 : i32
        %dma_start3A_405 = tpu.memref_slice %arg5[%rem3A_397, %dma_start3A_403, %dma_start3A_404] : memref<2x8x128xi32, #tpu.memory_space<vmem>> -> memref<1x8x128xi32, #tpu.memory_space<vmem>>
        %dma_start3A_406 = tpu.memref_squeeze %dma_start3A_405 : memref<1x8x128xi32, #tpu.memory_space<vmem>> -> memref<8x128xi32, #tpu.memory_space<vmem>>
        %dma_start3A_407 = tpu.memref_slice %arg2[%cond3A_49, %mul3A_2] : memref<200x4096xi32, #tpu.memory_space<hbm>> -> memref<8x128xi32, #tpu.memory_space<hbm>>
        tpu.enqueue_dma source(%dma_start3A_407 : memref<8x128xi32, #tpu.memory_space<hbm>>) target(%dma_start3A_406 : memref<8x128xi32, #tpu.memory_space<vmem>>) target_semaphore(%run_scoped3A : memref<!tpu.dma_semaphore, #tpu.memory_space<semaphore_mem>>)
        %dma_wait3A_408 = arith.constant 0 : i32
        %dma_wait3A_409 = arith.constant 0 : i32
        %dma_wait3A_410 = tpu.memref_slice %arg5[%rem3A_397, %dma_wait3A_408, %dma_wait3A_409] : memref<2x8x128xi32, #tpu.memory_space<vmem>> -> memref<1x8x128xi32, #tpu.memory_space<vmem>>
        %dma_wait3A_411 = tpu.memref_squeeze %dma_wait3A_410 : memref<1x8x128xi32, #tpu.memory_space<vmem>> -> memref<8x128xi32, #tpu.memory_space<vmem>>
        %dma_wait3A_412 = tpu.memref_slice %arg2[%cond3A_49, %mul3A_2] : memref<200x4096xi32, #tpu.memory_space<hbm>> -> memref<8x128xi32, #tpu.memory_space<hbm>>
        %dma_wait3A_413 = arith.constant 0 : i32
        %dma_wait3A_414 = arith.constant 0 : i32
        %dma_wait3A_415 = tpu.memref_slice %arg5[%rem3A_397, %dma_wait3A_413, %dma_wait3A_414] : memref<2x8x128xi32, #tpu.memory_space<vmem>> -> memref<1x8x128xi32, #tpu.memory_space<vmem>>
        %dma_wait3A_416 = tpu.memref_squeeze %dma_wait3A_415 : memref<1x8x128xi32, #tpu.memory_space<vmem>> -> memref<8x128xi32, #tpu.memory_space<vmem>>
        %dma_wait3A_417 = tpu.memref_slice %arg2[%cond3A_49, %mul3A_2] : memref<200x4096xi32, #tpu.memory_space<hbm>> -> memref<8x128xi32, #tpu.memory_space<hbm>>
        tpu.wait_dma2 semaphore(%run_scoped3A : memref<!tpu.dma_semaphore, #tpu.memory_space<semaphore_mem>>) src(%dma_wait3A_417 : memref<8x128xi32, #tpu.memory_space<hbm>>) dst(%dma_wait3A_416 : memref<8x128xi32, #tpu.memory_space<vmem>>)
        tpu.yield
      }) : () -> ()
    } else {
    }
    %div3A_52 = arith.constant 1 : i32
    %div3A_53 = arith.constant 8 : i32
    %div3A_54 = arith.divsi %div3A_52, %div3A_53 : i32
    %rem3A_55 = arith.constant 2 : i32
    %rem3A_56 = arith.remsi %div3A_54, %rem3A_55 : i32
    %rem3A_57 = arith.constant 1 : i32
    %rem3A_58 = arith.constant 8 : i32
    %rem3A_59 = arith.remsi %rem3A_57, %rem3A_58 : i32
    %dma_start3A_60 = arith.constant 1 : i32
    %dma_start3A_61 = arith.constant 0 : i32
    %dma_start3A_62 = arith.constant 0 : i32
    %dma_start3A_63 = tpu.memref_slice %arg6[%dma_start3A_60, %dma_start3A_61, %dma_start3A_62] : memref<2x128x64xf32, #tpu.memory_space<vmem>> -> memref<1x128x64xf32, #tpu.memory_space<vmem>>
    %dma_start3A_64 = tpu.memref_squeeze %dma_start3A_63 : memref<1x128x64xf32, #tpu.memory_space<vmem>> -> memref<128x64xf32, #tpu.memory_space<vmem>>
    %dma_start3A_65 = arith.constant 0 : i32
    %dma_start3A_66 = tpu.memref_slice %arg5[%rem3A_56, %rem3A_59, %dma_start3A_65] : memref<2x8x128xi32, #tpu.memory_space<vmem>> -> memref<1x1x128xi32, #tpu.memory_space<vmem>>
    %dma_start3A_67 = tpu.memref_squeeze %dma_start3A_66 : memref<1x1x128xi32, #tpu.memory_space<vmem>> -> memref<128xi32, #tpu.memory_space<vmem>>
    %dma_start3A_68 = arith.constant 0 : i32
    %dma_start3A_69 = arith.constant 0 : i32
    %dma_start3A_70 = tpu.memref_slice %arg3[%dma_start3A_68, %dma_start3A_69] : memref<1000000x64xf32, #tpu.memory_space<hbm>> -> memref<1000000x64xf32, #tpu.memory_space<hbm>>
    tpu.enqueue_indirect_dma source(%dma_start3A_70 : memref<1000000x64xf32, #tpu.memory_space<hbm>>) target(%dma_start3A_64 : memref<128x64xf32, #tpu.memory_space<vmem>>) offsets(%dma_start3A_67 : memref<128xi32, #tpu.memory_space<vmem>>) semaphore(%arg8 : memref<!tpu.dma_semaphore, #tpu.memory_space<semaphore_mem>>)
    %div3A_71 = arith.constant 0 : i32
    %div3A_72 = arith.constant 8 : i32
    %div3A_73 = arith.divsi %div3A_71, %div3A_72 : i32
    %rem3A_74 = arith.constant 2 : i32
    %rem3A_75 = arith.remsi %div3A_73, %rem3A_74 : i32
    %rem3A_76 = arith.constant 0 : i32
    %rem3A_77 = arith.constant 8 : i32
    %rem3A_78 = arith.remsi %rem3A_76, %rem3A_77 : i32
    %dma_wait3A = arith.constant 0 : i32
    %dma_wait3A_79 = arith.constant 0 : i32
    %dma_wait3A_80 = arith.constant 0 : i32
    %dma_wait3A_81 = tpu.memref_slice %arg6[%dma_wait3A, %dma_wait3A_79, %dma_wait3A_80] : memref<2x128x64xf32, #tpu.memory_space<vmem>> -> memref<1x128x64xf32, #tpu.memory_space<vmem>>
    %dma_wait3A_82 = tpu.memref_squeeze %dma_wait3A_81 : memref<1x128x64xf32, #tpu.memory_space<vmem>> -> memref<128x64xf32, #tpu.memory_space<vmem>>
    %dma_wait3A_83 = arith.constant 0 : i32
    %dma_wait3A_84 = tpu.memref_slice %arg5[%rem3A_75, %rem3A_78, %dma_wait3A_83] : memref<2x8x128xi32, #tpu.memory_space<vmem>> -> memref<1x1x128xi32, #tpu.memory_space<vmem>>
    %dma_wait3A_85 = tpu.memref_squeeze %dma_wait3A_84 : memref<1x1x128xi32, #tpu.memory_space<vmem>> -> memref<128xi32, #tpu.memory_space<vmem>>
    %dma_wait3A_86 = arith.constant 0 : i32
    %dma_wait3A_87 = arith.constant 0 : i32
    %dma_wait3A_88 = tpu.memref_slice %arg3[%dma_wait3A_86, %dma_wait3A_87] : memref<1000000x64xf32, #tpu.memory_space<hbm>> -> memref<1000000x64xf32, #tpu.memory_space<hbm>>
    tpu.wait_indirect_dma semaphore(%arg8 : memref<!tpu.dma_semaphore, #tpu.memory_space<semaphore_mem>>) src(%dma_wait3A_88 : memref<1000000x64xf32, #tpu.memory_space<hbm>>) dst(%dma_wait3A_82 : memref<128x64xf32, #tpu.memory_space<vmem>>)
    %parallel_loop3A = arith.constant 0 : i32
    %parallel_loop3A_89 = arith.constant 128 : i32
    %parallel_loop3A_90 = arith.constant 1 : i32
    scf.for %parallel_loop3A_394 = %parallel_loop3A to %parallel_loop3A_89 step %parallel_loop3A_90  : i32 {
      %parallel_loop3A_395 = vector.broadcast %parallel_loop3A_394 : i32 to vector<16xi32>
      %parallel_loop3A_396 = arith.constant 0 : i32
      %parallel_loop3A_397 = arith.index_cast %parallel_loop3A_396 : i32 to index
      %parallel_loop3A_398 = arith.index_cast %parallel_loop3A_394 : i32 to index
      %parallel_loop3A_399 = arith.constant 0 : index
      %parallel_loop3A_400 = tpu.vector_load %arg6[%parallel_loop3A_397, %parallel_loop3A_398, %parallel_loop3A_399] {strides = array<i32>} : memref<2x128x64xf32, #tpu.memory_space<vmem>>, vector<16xf32>,
      %parallel_loop3A_401 = arith.constant 8.000000e+00 : f32
      %parallel_loop3A_402 = vector.broadcast %parallel_loop3A_401 : f32 to vector<16xf32>
      %parallel_loop3A_403 = arith.mulf %parallel_loop3A_400, %parallel_loop3A_402 : vector<16xf32>
      %parallel_loop3A_404 = arith.constant 0 : i32
      %parallel_loop3A_405 = arith.constant 0 : i32
      %parallel_loop3A_406 = arith.constant 0 : i32
      %parallel_loop3A_407 = arith.constant 0 : i32
      %parallel_loop3A_408 = tpu.memref_slice %arg7[%parallel_loop3A_404, %parallel_loop3A_405, %parallel_loop3A_406, %parallel_loop3A_407] : memref<2x8x8x129xf32, #tpu.memory_space<vmem>> -> memref<1x8x8x129xf32, #tpu.memory_space<vmem>>
      %parallel_loop3A_409 = tpu.memref_squeeze %parallel_loop3A_408 : memref<1x8x8x129xf32, #tpu.memory_space<vmem>> -> memref<8x8x129xf32, #tpu.memory_space<vmem>>
      tpu.vector_store_idx %parallel_loop3A_409[%add3A_9, %rem3A_6, %parallel_loop3A_395], %parallel_loop3A_403 : memref<8x8x129xf32, #tpu.memory_space<vmem>>[vector<16xi32>, vector<16xi32>, vector<16xi32>], vector<16xf32>,
      %parallel_loop3A_410 = arith.constant 0 : i32
      %parallel_loop3A_411 = arith.index_cast %parallel_loop3A_410 : i32 to index
      %parallel_loop3A_412 = arith.index_cast %parallel_loop3A_394 : i32 to index
      %parallel_loop3A_413 = arith.constant 16 : index
      %parallel_loop3A_414 = tpu.vector_load %arg6[%parallel_loop3A_411, %parallel_loop3A_412, %parallel_loop3A_413] {strides = array<i32>} : memref<2x128x64xf32, #tpu.memory_space<vmem>>, vector<16xf32>,
      %parallel_loop3A_415 = arith.constant 8.000000e+00 : f32
      %parallel_loop3A_416 = vector.broadcast %parallel_loop3A_415 : f32 to vector<16xf32>
      %parallel_loop3A_417 = arith.mulf %parallel_loop3A_414, %parallel_loop3A_416 : vector<16xf32>
      %parallel_loop3A_418 = arith.constant 0 : i32
      %parallel_loop3A_419 = arith.constant 0 : i32
      %parallel_loop3A_420 = arith.constant 0 : i32
      %parallel_loop3A_421 = arith.constant 0 : i32
      %parallel_loop3A_422 = tpu.memref_slice %arg7[%parallel_loop3A_418, %parallel_loop3A_419, %parallel_loop3A_420, %parallel_loop3A_421] : memref<2x8x8x129xf32, #tpu.memory_space<vmem>> -> memref<1x8x8x129xf32, #tpu.memory_space<vmem>>
      %parallel_loop3A_423 = tpu.memref_squeeze %parallel_loop3A_422 : memref<1x8x8x129xf32, #tpu.memory_space<vmem>> -> memref<8x8x129xf32, #tpu.memory_space<vmem>>
      tpu.vector_store_idx %parallel_loop3A_423[%add3A_12, %rem3A_6, %parallel_loop3A_395], %parallel_loop3A_417 : memref<8x8x129xf32, #tpu.memory_space<vmem>>[vector<16xi32>, vector<16xi32>, vector<16xi32>], vector<16xf32>,
      %parallel_loop3A_424 = arith.constant 0 : i32
      %parallel_loop3A_425 = arith.index_cast %parallel_loop3A_424 : i32 to index
      %parallel_loop3A_426 = arith.index_cast %parallel_loop3A_394 : i32 to index
      %parallel_loop3A_427 = arith.constant 32 : index
      %parallel_loop3A_428 = tpu.vector_load %arg6[%parallel_loop3A_425, %parallel_loop3A_426, %parallel_loop3A_427] {strides = array<i32>} : memref<2x128x64xf32, #tpu.memory_space<vmem>>, vector<16xf32>,
      %parallel_loop3A_429 = arith.constant 8.000000e+00 : f32
      %parallel_loop3A_430 = vector.broadcast %parallel_loop3A_429 : f32 to vector<16xf32>
      %parallel_loop3A_431 = arith.mulf %parallel_loop3A_428, %parallel_loop3A_430 : vector<16xf32>
      %parallel_loop3A_432 = arith.constant 0 : i32
      %parallel_loop3A_433 = arith.constant 0 : i32
      %parallel_loop3A_434 = arith.constant 0 : i32
      %parallel_loop3A_435 = arith.constant 0 : i32
      %parallel_loop3A_436 = tpu.memref_slice %arg7[%parallel_loop3A_432, %parallel_loop3A_433, %parallel_loop3A_434, %parallel_loop3A_435] : memref<2x8x8x129xf32, #tpu.memory_space<vmem>> -> memref<1x8x8x129xf32, #tpu.memory_space<vmem>>
      %parallel_loop3A_437 = tpu.memref_squeeze %parallel_loop3A_436 : memref<1x8x8x129xf32, #tpu.memory_space<vmem>> -> memref<8x8x129xf32, #tpu.memory_space<vmem>>
      tpu.vector_store_idx %parallel_loop3A_437[%add3A_15, %rem3A_6, %parallel_loop3A_395], %parallel_loop3A_431 : memref<8x8x129xf32, #tpu.memory_space<vmem>>[vector<16xi32>, vector<16xi32>, vector<16xi32>], vector<16xf32>,
      %parallel_loop3A_438 = arith.constant 0 : i32
      %parallel_loop3A_439 = arith.index_cast %parallel_loop3A_438 : i32 to index
      %parallel_loop3A_440 = arith.index_cast %parallel_loop3A_394 : i32 to index
      %parallel_loop3A_441 = arith.constant 48 : index
      %parallel_loop3A_442 = tpu.vector_load %arg6[%parallel_loop3A_439, %parallel_loop3A_440, %parallel_loop3A_441] {strides = array<i32>} : memref<2x128x64xf32, #tpu.memory_space<vmem>>, vector<16xf32>,
      %parallel_loop3A_443 = arith.constant 8.000000e+00 : f32
      %parallel_loop3A_444 = vector.broadcast %parallel_loop3A_443 : f32 to vector<16xf32>
      %parallel_loop3A_445 = arith.mulf %parallel_loop3A_442, %parallel_loop3A_444 : vector<16xf32>
      %parallel_loop3A_446 = arith.constant 0 : i32
      %parallel_loop3A_447 = arith.constant 0 : i32
      %parallel_loop3A_448 = arith.constant 0 : i32
      %parallel_loop3A_449 = arith.constant 0 : i32
      %parallel_loop3A_450 = tpu.memref_slice %arg7[%parallel_loop3A_446, %parallel_loop3A_447, %parallel_loop3A_448, %parallel_loop3A_449] : memref<2x8x8x129xf32, #tpu.memory_space<vmem>> -> memref<1x8x8x129xf32, #tpu.memory_space<vmem>>
      %parallel_loop3A_451 = tpu.memref_squeeze %parallel_loop3A_450 : memref<1x8x8x129xf32, #tpu.memory_space<vmem>> -> memref<8x8x129xf32, #tpu.memory_space<vmem>>
      tpu.vector_store_idx %parallel_loop3A_451[%add3A_18, %rem3A_6, %parallel_loop3A_395], %parallel_loop3A_445 : memref<8x8x129xf32, #tpu.memory_space<vmem>>[vector<16xi32>, vector<16xi32>, vector<16xi32>], vector<16xf32>,
    } {sc.loop_unroll_factor = 8 : i64, sc.parallel_access}
    %dma_start3A_91 = arith.constant 0 : i32
    %dma_start3A_92 = arith.constant 0 : i32
    %dma_start3A_93 = arith.constant 0 : i32
    %dma_start3A_94 = arith.constant 0 : i32
    %dma_start3A_95 = arith.constant 0 : i32
    %dma_start3A_96 = tpu.memref_slice %arg7[%dma_start3A_91, %dma_start3A_93, %dma_start3A_94, %dma_start3A_95] : memref<2x8x8x129xf32, #tpu.memory_space<vmem>> -> memref<1x8x8x128xf32, #tpu.memory_space<vmem>>
    %dma_start3A_97 = tpu.memref_squeeze %dma_start3A_96 : memref<1x8x8x128xf32, #tpu.memory_space<vmem>> -> memref<8x8x128xf32, #tpu.memory_space<vmem>>
    %dma_start3A_98 = arith.constant 0 : i32
    %dma_start3A_99 = arith.constant 0 : i32
    %dma_start3A_100 = arith.constant 0 : i32
    %dma_start3A_101 = tpu.memref_slice %arg4[%dma_start3A_92, %dma_start3A_98, %add3A, %dma_start3A_99, %dma_start3A_100] : memref<200x8x32x8x128xf32, #tpu.memory_space<hbm>> -> memref<1x8x1x8x128xf32, #tpu.memory_space<hbm>>
    %dma_start3A_102 = tpu.memref_squeeze %dma_start3A_101 : memref<1x8x1x8x128xf32, #tpu.memory_space<hbm>> -> memref<8x8x128xf32, #tpu.memory_space<hbm>>
    %dma_start3A_103 = arith.constant 0 : i32
    %dma_start3A_104 = arith.constant 0 : i32
    %dma_start3A_105 = arith.constant 0 : i32
    %dma_start3A_106 = tpu.memref_slice %arg4[%dma_start3A_92, %dma_start3A_103, %add3A, %dma_start3A_104, %dma_start3A_105] : memref<200x8x32x8x128xf32, #tpu.memory_space<hbm>> -> memref<1x8x1x8x128xf32, #tpu.memory_space<hbm>>
    %dma_start3A_107 = tpu.memref_squeeze %dma_start3A_106 : memref<1x8x1x8x128xf32, #tpu.memory_space<hbm>> -> memref<8x8x128xf32, #tpu.memory_space<hbm>>
    %dma_start3A_108 = arith.constant 0 : i32
    %dma_start3A_109 = arith.constant 0 : i32
    %dma_start3A_110 = arith.constant 0 : i32
    %dma_start3A_111 = tpu.memref_slice %arg7[%dma_start3A_91, %dma_start3A_108, %dma_start3A_109, %dma_start3A_110] : memref<2x8x8x129xf32, #tpu.memory_space<vmem>> -> memref<1x8x8x128xf32, #tpu.memory_space<vmem>>
    %dma_start3A_112 = tpu.memref_squeeze %dma_start3A_111 : memref<1x8x8x128xf32, #tpu.memory_space<vmem>> -> memref<8x8x128xf32, #tpu.memory_space<vmem>>
    tpu.enqueue_dma source(%dma_start3A_112 : memref<8x8x128xf32, #tpu.memory_space<vmem>>) target(%dma_start3A_107 : memref<8x8x128xf32, #tpu.memory_space<hbm>>) target_semaphore(%arg9 : memref<!tpu.dma_semaphore, #tpu.memory_space<semaphore_mem>>)
    %add3A_113 = arith.constant 0 : i32
    %add3A_114 = arith.constant 2 : i32
    %add3A_115 = arith.addi %add3A_113, %add3A_114 : i32
    %rem3A_116 = arith.constant 8 : i32
    %rem3A_117 = arith.remsi %add3A_115, %rem3A_116 : i32
    %eq3A_118 = arith.constant 0 : i32
    %eq3A_119 = arith.cmpi eq, %rem3A_117, %eq3A_118 : i32
    %convert_element_type3A_120 = arith.extui %eq3A_119 : i1 to i32
    %cond3A_121 = arith.constant 0 : i32
    %cond3A_122 = arith.cmpi ne, %convert_element_type3A_120, %cond3A_121 : i32
    scf.if %cond3A_122 {
      %div3A_394 = arith.constant 8 : i32
      %div3A_395 = arith.divsi %add3A_115, %div3A_394 : i32
      %rem3A_396 = arith.constant 2 : i32
      %rem3A_397 = arith.remsi %div3A_395, %rem3A_396 : i32
      "tpu.region"() ({
        %run_scoped3A = tpu.sem_alloc : memref<!tpu.dma_semaphore, #tpu.memory_space<semaphore_mem>>
        %dma_start3A_398 = arith.constant 0 : i32
        %dma_start3A_399 = arith.constant 0 : i32
        %dma_start3A_400 = tpu.memref_slice %arg5[%rem3A_397, %dma_start3A_398, %dma_start3A_399] : memref<2x8x128xi32, #tpu.memory_space<vmem>> -> memref<1x8x128xi32, #tpu.memory_space<vmem>>
        %dma_start3A_401 = tpu.memref_squeeze %dma_start3A_400 : memref<1x8x128xi32, #tpu.memory_space<vmem>> -> memref<8x128xi32, #tpu.memory_space<vmem>>
        %dma_start3A_402 = tpu.memref_slice %arg2[%add3A_115, %mul3A_2] : memref<200x4096xi32, #tpu.memory_space<hbm>> -> memref<8x128xi32, #tpu.memory_space<hbm>>
        %dma_start3A_403 = arith.constant 0 : i32
        %dma_start3A_404 = arith.constant 0 : i32
        %dma_start3A_405 = tpu.memref_slice %arg5[%rem3A_397, %dma_start3A_403, %dma_start3A_404] : memref<2x8x128xi32, #tpu.memory_space<vmem>> -> memref<1x8x128xi32, #tpu.memory_space<vmem>>
        %dma_start3A_406 = tpu.memref_squeeze %dma_start3A_405 : memref<1x8x128xi32, #tpu.memory_space<vmem>> -> memref<8x128xi32, #tpu.memory_space<vmem>>
        %dma_start3A_407 = tpu.memref_slice %arg2[%add3A_115, %mul3A_2] : memref<200x4096xi32, #tpu.memory_space<hbm>> -> memref<8x128xi32, #tpu.memory_space<hbm>>
        tpu.enqueue_dma source(%dma_start3A_407 : memref<8x128xi32, #tpu.memory_space<hbm>>) target(%dma_start3A_406 : memref<8x128xi32, #tpu.memory_space<vmem>>) target_semaphore(%run_scoped3A : memref<!tpu.dma_semaphore, #tpu.memory_space<semaphore_mem>>)
        %dma_wait3A_408 = arith.constant 0 : i32
        %dma_wait3A_409 = arith.constant 0 : i32
        %dma_wait3A_410 = tpu.memref_slice %arg5[%rem3A_397, %dma_wait3A_408, %dma_wait3A_409] : memref<2x8x128xi32, #tpu.memory_space<vmem>> -> memref<1x8x128xi32, #tpu.memory_space<vmem>>
        %dma_wait3A_411 = tpu.memref_squeeze %dma_wait3A_410 : memref<1x8x128xi32, #tpu.memory_space<vmem>> -> memref<8x128xi32, #tpu.memory_space<vmem>>
        %dma_wait3A_412 = tpu.memref_slice %arg2[%add3A_115, %mul3A_2] : memref<200x4096xi32, #tpu.memory_space<hbm>> -> memref<8x128xi32, #tpu.memory_space<hbm>>
        %dma_wait3A_413 = arith.constant 0 : i32
        %dma_wait3A_414 = arith.constant 0 : i32
        %dma_wait3A_415 = tpu.memref_slice %arg5[%rem3A_397, %dma_wait3A_413, %dma_wait3A_414] : memref<2x8x128xi32, #tpu.memory_space<vmem>> -> memref<1x8x128xi32, #tpu.memory_space<vmem>>
        %dma_wait3A_416 = tpu.memref_squeeze %dma_wait3A_415 : memref<1x8x128xi32, #tpu.memory_space<vmem>> -> memref<8x128xi32, #tpu.memory_space<vmem>>
        %dma_wait3A_417 = tpu.memref_slice %arg2[%add3A_115, %mul3A_2] : memref<200x4096xi32, #tpu.memory_space<hbm>> -> memref<8x128xi32, #tpu.memory_space<hbm>>
        tpu.wait_dma2 semaphore(%run_scoped3A : memref<!tpu.dma_semaphore, #tpu.memory_space<semaphore_mem>>) src(%dma_wait3A_417 : memref<8x128xi32, #tpu.memory_space<hbm>>) dst(%dma_wait3A_416 : memref<8x128xi32, #tpu.memory_space<vmem>>)
        tpu.yield
      }) : () -> ()
    } else {
    }
    %div3A_123 = arith.constant 8 : i32
    %div3A_124 = arith.divsi %add3A_115, %div3A_123 : i32
    %rem3A_125 = arith.constant 2 : i32
    %rem3A_126 = arith.remsi %div3A_124, %rem3A_125 : i32
    %rem3A_127 = arith.constant 8 : i32
    %rem3A_128 = arith.remsi %add3A_115, %rem3A_127 : i32
    %dma_start3A_129 = arith.constant 0 : i32
    %dma_start3A_130 = arith.constant 0 : i32
    %dma_start3A_131 = arith.constant 0 : i32
    %dma_start3A_132 = tpu.memref_slice %arg6[%dma_start3A_129, %dma_start3A_130, %dma_start3A_131] : memref<2x128x64xf32, #tpu.memory_space<vmem>> -> memref<1x128x64xf32, #tpu.memory_space<vmem>>
    %dma_start3A_133 = tpu.memref_squeeze %dma_start3A_132 : memref<1x128x64xf32, #tpu.memory_space<vmem>> -> memref<128x64xf32, #tpu.memory_space<vmem>>
    %dma_start3A_134 = arith.constant 0 : i32
    %dma_start3A_135 = tpu.memref_slice %arg5[%rem3A_126, %rem3A_128, %dma_start3A_134] : memref<2x8x128xi32, #tpu.memory_space<vmem>> -> memref<1x1x128xi32, #tpu.memory_space<vmem>>
    %dma_start3A_136 = tpu.memref_squeeze %dma_start3A_135 : memref<1x1x128xi32, #tpu.memory_space<vmem>> -> memref<128xi32, #tpu.memory_space<vmem>>
    %dma_start3A_137 = arith.constant 0 : i32
    %dma_start3A_138 = arith.constant 0 : i32
    %dma_start3A_139 = tpu.memref_slice %arg3[%dma_start3A_137, %dma_start3A_138] : memref<1000000x64xf32, #tpu.memory_space<hbm>> -> memref<1000000x64xf32, #tpu.memory_space<hbm>>
    tpu.enqueue_indirect_dma source(%dma_start3A_139 : memref<1000000x64xf32, #tpu.memory_space<hbm>>) target(%dma_start3A_133 : memref<128x64xf32, #tpu.memory_space<vmem>>) offsets(%dma_start3A_136 : memref<128xi32, #tpu.memory_space<vmem>>) semaphore(%arg8 : memref<!tpu.dma_semaphore, #tpu.memory_space<semaphore_mem>>)
    %div3A_140 = arith.constant 1 : i32
    %div3A_141 = arith.constant 8 : i32
    %div3A_142 = arith.divsi %div3A_140, %div3A_141 : i32
    %rem3A_143 = arith.constant 2 : i32
    %rem3A_144 = arith.remsi %div3A_142, %rem3A_143 : i32
    %rem3A_145 = arith.constant 1 : i32
    %rem3A_146 = arith.constant 8 : i32
    %rem3A_147 = arith.remsi %rem3A_145, %rem3A_146 : i32
    %dma_wait3A_148 = arith.constant 1 : i32
    %dma_wait3A_149 = arith.constant 0 : i32
    %dma_wait3A_150 = arith.constant 0 : i32
    %dma_wait3A_151 = tpu.memref_slice %arg6[%dma_wait3A_148, %dma_wait3A_149, %dma_wait3A_150] : memref<2x128x64xf32, #tpu.memory_space<vmem>> -> memref<1x128x64xf32, #tpu.memory_space<vmem>>
    %dma_wait3A_152 = tpu.memref_squeeze %dma_wait3A_151 : memref<1x128x64xf32, #tpu.memory_space<vmem>> -> memref<128x64xf32, #tpu.memory_space<vmem>>
    %dma_wait3A_153 = arith.constant 0 : i32
    %dma_wait3A_154 = tpu.memref_slice %arg5[%rem3A_144, %rem3A_147, %dma_wait3A_153] : memref<2x8x128xi32, #tpu.memory_space<vmem>> -> memref<1x1x128xi32, #tpu.memory_space<vmem>>
    %dma_wait3A_155 = tpu.memref_squeeze %dma_wait3A_154 : memref<1x1x128xi32, #tpu.memory_space<vmem>> -> memref<128xi32, #tpu.memory_space<vmem>>
    %dma_wait3A_156 = arith.constant 0 : i32
    %dma_wait3A_157 = arith.constant 0 : i32
    %dma_wait3A_158 = tpu.memref_slice %arg3[%dma_wait3A_156, %dma_wait3A_157] : memref<1000000x64xf32, #tpu.memory_space<hbm>> -> memref<1000000x64xf32, #tpu.memory_space<hbm>>
    tpu.wait_indirect_dma semaphore(%arg8 : memref<!tpu.dma_semaphore, #tpu.memory_space<semaphore_mem>>) src(%dma_wait3A_158 : memref<1000000x64xf32, #tpu.memory_space<hbm>>) dst(%dma_wait3A_152 : memref<128x64xf32, #tpu.memory_space<vmem>>)
    %parallel_loop3A_159 = arith.constant 0 : i32
    %parallel_loop3A_160 = arith.constant 128 : i32
    %parallel_loop3A_161 = arith.constant 1 : i32
    scf.for %parallel_loop3A_394 = %parallel_loop3A_159 to %parallel_loop3A_160 step %parallel_loop3A_161  : i32 {
      %parallel_loop3A_395 = vector.broadcast %parallel_loop3A_394 : i32 to vector<16xi32>
      %parallel_loop3A_396 = arith.constant 1 : i32
      %parallel_loop3A_397 = arith.index_cast %parallel_loop3A_396 : i32 to index
      %parallel_loop3A_398 = arith.index_cast %parallel_loop3A_394 : i32 to index
      %parallel_loop3A_399 = arith.constant 0 : index
      %parallel_loop3A_400 = tpu.vector_load %arg6[%parallel_loop3A_397, %parallel_loop3A_398, %parallel_loop3A_399] {strides = array<i32>} : memref<2x128x64xf32, #tpu.memory_space<vmem>>, vector<16xf32>,
      %parallel_loop3A_401 = arith.constant 8.000000e+00 : f32
      %parallel_loop3A_402 = vector.broadcast %parallel_loop3A_401 : f32 to vector<16xf32>
      %parallel_loop3A_403 = arith.mulf %parallel_loop3A_400, %parallel_loop3A_402 : vector<16xf32>
      %parallel_loop3A_404 = arith.constant 1 : i32
      %parallel_loop3A_405 = arith.constant 0 : i32
      %parallel_loop3A_406 = arith.constant 0 : i32
      %parallel_loop3A_407 = arith.constant 0 : i32
      %parallel_loop3A_408 = tpu.memref_slice %arg7[%parallel_loop3A_404, %parallel_loop3A_405, %parallel_loop3A_406, %parallel_loop3A_407] : memref<2x8x8x129xf32, #tpu.memory_space<vmem>> -> memref<1x8x8x129xf32, #tpu.memory_space<vmem>>
      %parallel_loop3A_409 = tpu.memref_squeeze %parallel_loop3A_408 : memref<1x8x8x129xf32, #tpu.memory_space<vmem>> -> memref<8x8x129xf32, #tpu.memory_space<vmem>>
      tpu.vector_store_idx %parallel_loop3A_409[%add3A_9, %rem3A_6, %parallel_loop3A_395], %parallel_loop3A_403 : memref<8x8x129xf32, #tpu.memory_space<vmem>>[vector<16xi32>, vector<16xi32>, vector<16xi32>], vector<16xf32>,
      %parallel_loop3A_410 = arith.constant 1 : i32
      %parallel_loop3A_411 = arith.index_cast %parallel_loop3A_410 : i32 to index
      %parallel_loop3A_412 = arith.index_cast %parallel_loop3A_394 : i32 to index
      %parallel_loop3A_413 = arith.constant 16 : index
      %parallel_loop3A_414 = tpu.vector_load %arg6[%parallel_loop3A_411, %parallel_loop3A_412, %parallel_loop3A_413] {strides = array<i32>} : memref<2x128x64xf32, #tpu.memory_space<vmem>>, vector<16xf32>,
      %parallel_loop3A_415 = arith.constant 8.000000e+00 : f32
      %parallel_loop3A_416 = vector.broadcast %parallel_loop3A_415 : f32 to vector<16xf32>
      %parallel_loop3A_417 = arith.mulf %parallel_loop3A_414, %parallel_loop3A_416 : vector<16xf32>
      %parallel_loop3A_418 = arith.constant 1 : i32
      %parallel_loop3A_419 = arith.constant 0 : i32
      %parallel_loop3A_420 = arith.constant 0 : i32
      %parallel_loop3A_421 = arith.constant 0 : i32
      %parallel_loop3A_422 = tpu.memref_slice %arg7[%parallel_loop3A_418, %parallel_loop3A_419, %parallel_loop3A_420, %parallel_loop3A_421] : memref<2x8x8x129xf32, #tpu.memory_space<vmem>> -> memref<1x8x8x129xf32, #tpu.memory_space<vmem>>
      %parallel_loop3A_423 = tpu.memref_squeeze %parallel_loop3A_422 : memref<1x8x8x129xf32, #tpu.memory_space<vmem>> -> memref<8x8x129xf32, #tpu.memory_space<vmem>>
      tpu.vector_store_idx %parallel_loop3A_423[%add3A_12, %rem3A_6, %parallel_loop3A_395], %parallel_loop3A_417 : memref<8x8x129xf32, #tpu.memory_space<vmem>>[vector<16xi32>, vector<16xi32>, vector<16xi32>], vector<16xf32>,
      %parallel_loop3A_424 = arith.constant 1 : i32
      %parallel_loop3A_425 = arith.index_cast %parallel_loop3A_424 : i32 to index
      %parallel_loop3A_426 = arith.index_cast %parallel_loop3A_394 : i32 to index
      %parallel_loop3A_427 = arith.constant 32 : index
      %parallel_loop3A_428 = tpu.vector_load %arg6[%parallel_loop3A_425, %parallel_loop3A_426, %parallel_loop3A_427] {strides = array<i32>} : memref<2x128x64xf32, #tpu.memory_space<vmem>>, vector<16xf32>,
      %parallel_loop3A_429 = arith.constant 8.000000e+00 : f32
      %parallel_loop3A_430 = vector.broadcast %parallel_loop3A_429 : f32 to vector<16xf32>
      %parallel_loop3A_431 = arith.mulf %parallel_loop3A_428, %parallel_loop3A_430 : vector<16xf32>
      %parallel_loop3A_432 = arith.constant 1 : i32
      %parallel_loop3A_433 = arith.constant 0 : i32
      %parallel_loop3A_434 = arith.constant 0 : i32
      %parallel_loop3A_435 = arith.constant 0 : i32
      %parallel_loop3A_436 = tpu.memref_slice %arg7[%parallel_loop3A_432, %parallel_loop3A_433, %parallel_loop3A_434, %parallel_loop3A_435] : memref<2x8x8x129xf32, #tpu.memory_space<vmem>> -> memref<1x8x8x129xf32, #tpu.memory_space<vmem>>
      %parallel_loop3A_437 = tpu.memref_squeeze %parallel_loop3A_436 : memref<1x8x8x129xf32, #tpu.memory_space<vmem>> -> memref<8x8x129xf32, #tpu.memory_space<vmem>>
      tpu.vector_store_idx %parallel_loop3A_437[%add3A_15, %rem3A_6, %parallel_loop3A_395], %parallel_loop3A_431 : memref<8x8x129xf32, #tpu.memory_space<vmem>>[vector<16xi32>, vector<16xi32>, vector<16xi32>], vector<16xf32>,
      %parallel_loop3A_438 = arith.constant 1 : i32
      %parallel_loop3A_439 = arith.index_cast %parallel_loop3A_438 : i32 to index
      %parallel_loop3A_440 = arith.index_cast %parallel_loop3A_394 : i32 to index
      %parallel_loop3A_441 = arith.constant 48 : index
      %parallel_loop3A_442 = tpu.vector_load %arg6[%parallel_loop3A_439, %parallel_loop3A_440, %parallel_loop3A_441] {strides = array<i32>} : memref<2x128x64xf32, #tpu.memory_space<vmem>>, vector<16xf32>,
      %parallel_loop3A_443 = arith.constant 8.000000e+00 : f32
      %parallel_loop3A_444 = vector.broadcast %parallel_loop3A_443 : f32 to vector<16xf32>
      %parallel_loop3A_445 = arith.mulf %parallel_loop3A_442, %parallel_loop3A_444 : vector<16xf32>
      %parallel_loop3A_446 = arith.constant 1 : i32
      %parallel_loop3A_447 = arith.constant 0 : i32
      %parallel_loop3A_448 = arith.constant 0 : i32
      %parallel_loop3A_449 = arith.constant 0 : i32
      %parallel_loop3A_450 = tpu.memref_slice %arg7[%parallel_loop3A_446, %parallel_loop3A_447, %parallel_loop3A_448, %parallel_loop3A_449] : memref<2x8x8x129xf32, #tpu.memory_space<vmem>> -> memref<1x8x8x129xf32, #tpu.memory_space<vmem>>
      %parallel_loop3A_451 = tpu.memref_squeeze %parallel_loop3A_450 : memref<1x8x8x129xf32, #tpu.memory_space<vmem>> -> memref<8x8x129xf32, #tpu.memory_space<vmem>>
      tpu.vector_store_idx %parallel_loop3A_451[%add3A_18, %rem3A_6, %parallel_loop3A_395], %parallel_loop3A_445 : memref<8x8x129xf32, #tpu.memory_space<vmem>>[vector<16xi32>, vector<16xi32>, vector<16xi32>], vector<16xf32>,
    } {sc.loop_unroll_factor = 8 : i64, sc.parallel_access}
    %dma_start3A_162 = arith.constant 1 : i32
    %dma_start3A_163 = arith.constant 1 : i32
    %dma_start3A_164 = arith.constant 0 : i32
    %dma_start3A_165 = arith.constant 0 : i32
    %dma_start3A_166 = arith.constant 0 : i32
    %dma_start3A_167 = tpu.memref_slice %arg7[%dma_start3A_162, %dma_start3A_164, %dma_start3A_165, %dma_start3A_166] : memref<2x8x8x129xf32, #tpu.memory_space<vmem>> -> memref<1x8x8x128xf32, #tpu.memory_space<vmem>>
    %dma_start3A_168 = tpu.memref_squeeze %dma_start3A_167 : memref<1x8x8x128xf32, #tpu.memory_space<vmem>> -> memref<8x8x128xf32, #tpu.memory_space<vmem>>
    %dma_start3A_169 = arith.constant 0 : i32
    %dma_start3A_170 = arith.constant 0 : i32
    %dma_start3A_171 = arith.constant 0 : i32
    %dma_start3A_172 = tpu.memref_slice %arg4[%dma_start3A_163, %dma_start3A_169, %add3A, %dma_start3A_170, %dma_start3A_171] : memref<200x8x32x8x128xf32, #tpu.memory_space<hbm>> -> memref<1x8x1x8x128xf32, #tpu.memory_space<hbm>>
    %dma_start3A_173 = tpu.memref_squeeze %dma_start3A_172 : memref<1x8x1x8x128xf32, #tpu.memory_space<hbm>> -> memref<8x8x128xf32, #tpu.memory_space<hbm>>
    %dma_start3A_174 = arith.constant 0 : i32
    %dma_start3A_175 = arith.constant 0 : i32
    %dma_start3A_176 = arith.constant 0 : i32
    %dma_start3A_177 = tpu.memref_slice %arg4[%dma_start3A_163, %dma_start3A_174, %add3A, %dma_start3A_175, %dma_start3A_176] : memref<200x8x32x8x128xf32, #tpu.memory_space<hbm>> -> memref<1x8x1x8x128xf32, #tpu.memory_space<hbm>>
    %dma_start3A_178 = tpu.memref_squeeze %dma_start3A_177 : memref<1x8x1x8x128xf32, #tpu.memory_space<hbm>> -> memref<8x8x128xf32, #tpu.memory_space<hbm>>
    %dma_start3A_179 = arith.constant 0 : i32
    %dma_start3A_180 = arith.constant 0 : i32
    %dma_start3A_181 = arith.constant 0 : i32
    %dma_start3A_182 = tpu.memref_slice %arg7[%dma_start3A_162, %dma_start3A_179, %dma_start3A_180, %dma_start3A_181] : memref<2x8x8x129xf32, #tpu.memory_space<vmem>> -> memref<1x8x8x128xf32, #tpu.memory_space<vmem>>
    %dma_start3A_183 = tpu.memref_squeeze %dma_start3A_182 : memref<1x8x8x128xf32, #tpu.memory_space<vmem>> -> memref<8x8x128xf32, #tpu.memory_space<vmem>>
    tpu.enqueue_dma source(%dma_start3A_183 : memref<8x8x128xf32, #tpu.memory_space<vmem>>) target(%dma_start3A_178 : memref<8x8x128xf32, #tpu.memory_space<hbm>>) target_semaphore(%arg9 : memref<!tpu.dma_semaphore, #tpu.memory_space<semaphore_mem>>)
    %add3A_184 = arith.constant 1 : i32
    %add3A_185 = arith.constant 2 : i32
    %add3A_186 = arith.addi %add3A_184, %add3A_185 : i32
    %rem3A_187 = arith.constant 8 : i32
    %rem3A_188 = arith.remsi %add3A_186, %rem3A_187 : i32
    %eq3A_189 = arith.constant 0 : i32
    %eq3A_190 = arith.cmpi eq, %rem3A_188, %eq3A_189 : i32
    %convert_element_type3A_191 = arith.extui %eq3A_190 : i1 to i32
    %cond3A_192 = arith.constant 0 : i32
    %cond3A_193 = arith.cmpi ne, %convert_element_type3A_191, %cond3A_192 : i32
    scf.if %cond3A_193 {
      %div3A_394 = arith.constant 8 : i32
      %div3A_395 = arith.divsi %add3A_186, %div3A_394 : i32
      %rem3A_396 = arith.constant 2 : i32
      %rem3A_397 = arith.remsi %div3A_395, %rem3A_396 : i32
      "tpu.region"() ({
        %run_scoped3A = tpu.sem_alloc : memref<!tpu.dma_semaphore, #tpu.memory_space<semaphore_mem>>
        %dma_start3A_398 = arith.constant 0 : i32
        %dma_start3A_399 = arith.constant 0 : i32
        %dma_start3A_400 = tpu.memref_slice %arg5[%rem3A_397, %dma_start3A_398, %dma_start3A_399] : memref<2x8x128xi32, #tpu.memory_space<vmem>> -> memref<1x8x128xi32, #tpu.memory_space<vmem>>
        %dma_start3A_401 = tpu.memref_squeeze %dma_start3A_400 : memref<1x8x128xi32, #tpu.memory_space<vmem>> -> memref<8x128xi32, #tpu.memory_space<vmem>>
        %dma_start3A_402 = tpu.memref_slice %arg2[%add3A_186, %mul3A_2] : memref<200x4096xi32, #tpu.memory_space<hbm>> -> memref<8x128xi32, #tpu.memory_space<hbm>>
        %dma_start3A_403 = arith.constant 0 : i32
        %dma_start3A_404 = arith.constant 0 : i32
        %dma_start3A_405 = tpu.memref_slice %arg5[%rem3A_397, %dma_start3A_403, %dma_start3A_404] : memref<2x8x128xi32, #tpu.memory_space<vmem>> -> memref<1x8x128xi32, #tpu.memory_space<vmem>>
        %dma_start3A_406 = tpu.memref_squeeze %dma_start3A_405 : memref<1x8x128xi32, #tpu.memory_space<vmem>> -> memref<8x128xi32, #tpu.memory_space<vmem>>
        %dma_start3A_407 = tpu.memref_slice %arg2[%add3A_186, %mul3A_2] : memref<200x4096xi32, #tpu.memory_space<hbm>> -> memref<8x128xi32, #tpu.memory_space<hbm>>
        tpu.enqueue_dma source(%dma_start3A_407 : memref<8x128xi32, #tpu.memory_space<hbm>>) target(%dma_start3A_406 : memref<8x128xi32, #tpu.memory_space<vmem>>) target_semaphore(%run_scoped3A : memref<!tpu.dma_semaphore, #tpu.memory_space<semaphore_mem>>)
        %dma_wait3A_408 = arith.constant 0 : i32
        %dma_wait3A_409 = arith.constant 0 : i32
        %dma_wait3A_410 = tpu.memref_slice %arg5[%rem3A_397, %dma_wait3A_408, %dma_wait3A_409] : memref<2x8x128xi32, #tpu.memory_space<vmem>> -> memref<1x8x128xi32, #tpu.memory_space<vmem>>
        %dma_wait3A_411 = tpu.memref_squeeze %dma_wait3A_410 : memref<1x8x128xi32, #tpu.memory_space<vmem>> -> memref<8x128xi32, #tpu.memory_space<vmem>>
        %dma_wait3A_412 = tpu.memref_slice %arg2[%add3A_186, %mul3A_2] : memref<200x4096xi32, #tpu.memory_space<hbm>> -> memref<8x128xi32, #tpu.memory_space<hbm>>
        %dma_wait3A_413 = arith.constant 0 : i32
        %dma_wait3A_414 = arith.constant 0 : i32
        %dma_wait3A_415 = tpu.memref_slice %arg5[%rem3A_397, %dma_wait3A_413, %dma_wait3A_414] : memref<2x8x128xi32, #tpu.memory_space<vmem>> -> memref<1x8x128xi32, #tpu.memory_space<vmem>>
        %dma_wait3A_416 = tpu.memref_squeeze %dma_wait3A_415 : memref<1x8x128xi32, #tpu.memory_space<vmem>> -> memref<8x128xi32, #tpu.memory_space<vmem>>
        %dma_wait3A_417 = tpu.memref_slice %arg2[%add3A_186, %mul3A_2] : memref<200x4096xi32, #tpu.memory_space<hbm>> -> memref<8x128xi32, #tpu.memory_space<hbm>>
        tpu.wait_dma2 semaphore(%run_scoped3A : memref<!tpu.dma_semaphore, #tpu.memory_space<semaphore_mem>>) src(%dma_wait3A_417 : memref<8x128xi32, #tpu.memory_space<hbm>>) dst(%dma_wait3A_416 : memref<8x128xi32, #tpu.memory_space<vmem>>)
        tpu.yield
      }) : () -> ()
    } else {
    }
    %div3A_194 = arith.constant 8 : i32
    %div3A_195 = arith.divsi %add3A_186, %div3A_194 : i32
    %rem3A_196 = arith.constant 2 : i32
    %rem3A_197 = arith.remsi %div3A_195, %rem3A_196 : i32
    %rem3A_198 = arith.constant 8 : i32
    %rem3A_199 = arith.remsi %add3A_186, %rem3A_198 : i32
    %dma_start3A_200 = arith.constant 1 : i32
    %dma_start3A_201 = arith.constant 0 : i32
    %dma_start3A_202 = arith.constant 0 : i32
    %dma_start3A_203 = tpu.memref_slice %arg6[%dma_start3A_200, %dma_start3A_201, %dma_start3A_202] : memref<2x128x64xf32, #tpu.memory_space<vmem>> -> memref<1x128x64xf32, #tpu.memory_space<vmem>>
    %dma_start3A_204 = tpu.memref_squeeze %dma_start3A_203 : memref<1x128x64xf32, #tpu.memory_space<vmem>> -> memref<128x64xf32, #tpu.memory_space<vmem>>
    %dma_start3A_205 = arith.constant 0 : i32
    %dma_start3A_206 = tpu.memref_slice %arg5[%rem3A_197, %rem3A_199, %dma_start3A_205] : memref<2x8x128xi32, #tpu.memory_space<vmem>> -> memref<1x1x128xi32, #tpu.memory_space<vmem>>
    %dma_start3A_207 = tpu.memref_squeeze %dma_start3A_206 : memref<1x1x128xi32, #tpu.memory_space<vmem>> -> memref<128xi32, #tpu.memory_space<vmem>>
    %dma_start3A_208 = arith.constant 0 : i32
    %dma_start3A_209 = arith.constant 0 : i32
    %dma_start3A_210 = tpu.memref_slice %arg3[%dma_start3A_208, %dma_start3A_209] : memref<1000000x64xf32, #tpu.memory_space<hbm>> -> memref<1000000x64xf32, #tpu.memory_space<hbm>>
    tpu.enqueue_indirect_dma source(%dma_start3A_210 : memref<1000000x64xf32, #tpu.memory_space<hbm>>) target(%dma_start3A_204 : memref<128x64xf32, #tpu.memory_space<vmem>>) offsets(%dma_start3A_207 : memref<128xi32, #tpu.memory_space<vmem>>) semaphore(%arg8 : memref<!tpu.dma_semaphore, #tpu.memory_space<semaphore_mem>>)
    %scan3A = arith.constant 0 : i32
    %scan3A_211 = arith.constant 98 : i32
    %scan3A_212 = arith.addi %scan3A, %scan3A_211 : i32
    %scan3A_213 = arith.constant 1 : i32
    scf.for %scan3A_394 = %scan3A to %scan3A_212 step %scan3A_213  : i32 {
      %mul3A_395 = arith.constant 1 : i32
      %mul3A_396 = arith.muli %scan3A_394, %mul3A_395 : i32
      %add3A_397 = arith.constant 1 : i32
      %add3A_398 = arith.addi %add3A_397, %mul3A_396 : i32
      %mul3A_399 = arith.constant 2 : i32
      %mul3A_400 = arith.muli %add3A_398, %mul3A_399 : i32
      %div3A_401 = arith.constant 8 : i32
      %div3A_402 = arith.divsi %mul3A_400, %div3A_401 : i32
      %rem3A_403 = arith.constant 2 : i32
      %rem3A_404 = arith.remsi %div3A_402, %rem3A_403 : i32
      %rem3A_405 = arith.constant 8 : i32
      %rem3A_406 = arith.remsi %mul3A_400, %rem3A_405 : i32
      %dma_wait3A_407 = arith.constant 0 : i32
      %dma_wait3A_408 = arith.constant 0 : i32
      %dma_wait3A_409 = arith.constant 0 : i32
      %dma_wait3A_410 = tpu.memref_slice %arg6[%dma_wait3A_407, %dma_wait3A_408, %dma_wait3A_409] : memref<2x128x64xf32, #tpu.memory_space<vmem>> -> memref<1x128x64xf32, #tpu.memory_space<vmem>>
      %dma_wait3A_411 = tpu.memref_squeeze %dma_wait3A_410 : memref<1x128x64xf32, #tpu.memory_space<vmem>> -> memref<128x64xf32, #tpu.memory_space<vmem>>
      %dma_wait3A_412 = arith.constant 0 : i32
      %dma_wait3A_413 = tpu.memref_slice %arg5[%rem3A_404, %rem3A_406, %dma_wait3A_412] : memref<2x8x128xi32, #tpu.memory_space<vmem>> -> memref<1x1x128xi32, #tpu.memory_space<vmem>>
      %dma_wait3A_414 = tpu.memref_squeeze %dma_wait3A_413 : memref<1x1x128xi32, #tpu.memory_space<vmem>> -> memref<128xi32, #tpu.memory_space<vmem>>
      %dma_wait3A_415 = arith.constant 0 : i32
      %dma_wait3A_416 = arith.constant 0 : i32
      %dma_wait3A_417 = tpu.memref_slice %arg3[%dma_wait3A_415, %dma_wait3A_416] : memref<1000000x64xf32, #tpu.memory_space<hbm>> -> memref<1000000x64xf32, #tpu.memory_space<hbm>>
      tpu.wait_indirect_dma semaphore(%arg8 : memref<!tpu.dma_semaphore, #tpu.memory_space<semaphore_mem>>) src(%dma_wait3A_417 : memref<1000000x64xf32, #tpu.memory_space<hbm>>) dst(%dma_wait3A_411 : memref<128x64xf32, #tpu.memory_space<vmem>>)
      %sub3A_418 = arith.constant 2 : i32
      %sub3A_419 = arith.subi %mul3A_400, %sub3A_418 : i32
      %dma_wait3A_420 = arith.constant 0 : i32
      %dma_wait3A_421 = arith.constant 0 : i32
      %dma_wait3A_422 = arith.constant 0 : i32
      %dma_wait3A_423 = arith.constant 0 : i32
      %dma_wait3A_424 = tpu.memref_slice %arg7[%dma_wait3A_420, %dma_wait3A_421, %dma_wait3A_422, %dma_wait3A_423] : memref<2x8x8x129xf32, #tpu.memory_space<vmem>> -> memref<1x8x8x128xf32, #tpu.memory_space<vmem>>
      %dma_wait3A_425 = tpu.memref_squeeze %dma_wait3A_424 : memref<1x8x8x128xf32, #tpu.memory_space<vmem>> -> memref<8x8x128xf32, #tpu.memory_space<vmem>>
      %dma_wait3A_426 = arith.constant 0 : i32
      %dma_wait3A_427 = arith.constant 0 : i32
      %dma_wait3A_428 = arith.constant 0 : i32
      %dma_wait3A_429 = tpu.memref_slice %arg4[%sub3A_419, %dma_wait3A_426, %add3A, %dma_wait3A_427, %dma_wait3A_428] : memref<200x8x32x8x128xf32, #tpu.memory_space<hbm>> -> memref<1x8x1x8x128xf32, #tpu.memory_space<hbm>>
      %dma_wait3A_430 = tpu.memref_squeeze %dma_wait3A_429 : memref<1x8x1x8x128xf32, #tpu.memory_space<hbm>> -> memref<8x8x128xf32, #tpu.memory_space<hbm>>
      %dma_wait3A_431 = arith.constant 0 : i32
      %dma_wait3A_432 = arith.constant 0 : i32
      %dma_wait3A_433 = arith.constant 0 : i32
      %dma_wait3A_434 = tpu.memref_slice %arg4[%sub3A_419, %dma_wait3A_431, %add3A, %dma_wait3A_432, %dma_wait3A_433] : memref<200x8x32x8x128xf32, #tpu.memory_space<hbm>> -> memref<1x8x1x8x128xf32, #tpu.memory_space<hbm>>
      %dma_wait3A_435 = tpu.memref_squeeze %dma_wait3A_434 : memref<1x8x1x8x128xf32, #tpu.memory_space<hbm>> -> memref<8x8x128xf32, #tpu.memory_space<hbm>>
      %dma_wait3A_436 = arith.constant 0 : i32
      %dma_wait3A_437 = arith.constant 0 : i32
      %dma_wait3A_438 = arith.constant 0 : i32
      %dma_wait3A_439 = tpu.memref_slice %arg7[%dma_wait3A_420, %dma_wait3A_436, %dma_wait3A_437, %dma_wait3A_438] : memref<2x8x8x129xf32, #tpu.memory_space<vmem>> -> memref<1x8x8x128xf32, #tpu.memory_space<vmem>>
      %dma_wait3A_440 = tpu.memref_squeeze %dma_wait3A_439 : memref<1x8x8x128xf32, #tpu.memory_space<vmem>> -> memref<8x8x128xf32, #tpu.memory_space<vmem>>
      tpu.wait_dma2 semaphore(%arg9 : memref<!tpu.dma_semaphore, #tpu.memory_space<semaphore_mem>>) src(%dma_wait3A_440 : memref<8x8x128xf32, #tpu.memory_space<vmem>>) dst(%dma_wait3A_435 : memref<8x8x128xf32, #tpu.memory_space<hbm>>)
      %parallel_loop3A_441 = arith.constant 0 : i32
      %parallel_loop3A_442 = arith.constant 128 : i32
      %parallel_loop3A_443 = arith.constant 1 : i32
      scf.for %parallel_loop3A_583 = %parallel_loop3A_441 to %parallel_loop3A_442 step %parallel_loop3A_443  : i32 {
        %parallel_loop3A_584 = vector.broadcast %parallel_loop3A_583 : i32 to vector<16xi32>
        %parallel_loop3A_585 = arith.constant 0 : i32
        %parallel_loop3A_586 = arith.index_cast %parallel_loop3A_585 : i32 to index
        %parallel_loop3A_587 = arith.index_cast %parallel_loop3A_583 : i32 to index
        %parallel_loop3A_588 = arith.constant 0 : index
        %parallel_loop3A_589 = tpu.vector_load %arg6[%parallel_loop3A_586, %parallel_loop3A_587, %parallel_loop3A_588] {strides = array<i32>} : memref<2x128x64xf32, #tpu.memory_space<vmem>>, vector<16xf32>,
        %parallel_loop3A_590 = arith.constant 8.000000e+00 : f32
        %parallel_loop3A_591 = vector.broadcast %parallel_loop3A_590 : f32 to vector<16xf32>
        %parallel_loop3A_592 = arith.mulf %parallel_loop3A_589, %parallel_loop3A_591 : vector<16xf32>
        %parallel_loop3A_593 = arith.constant 0 : i32
        %parallel_loop3A_594 = arith.constant 0 : i32
        %parallel_loop3A_595 = arith.constant 0 : i32
        %parallel_loop3A_596 = arith.constant 0 : i32
        %parallel_loop3A_597 = tpu.memref_slice %arg7[%parallel_loop3A_593, %parallel_loop3A_594, %parallel_loop3A_595, %parallel_loop3A_596] : memref<2x8x8x129xf32, #tpu.memory_space<vmem>> -> memref<1x8x8x129xf32, #tpu.memory_space<vmem>>
        %parallel_loop3A_598 = tpu.memref_squeeze %parallel_loop3A_597 : memref<1x8x8x129xf32, #tpu.memory_space<vmem>> -> memref<8x8x129xf32, #tpu.memory_space<vmem>>
        tpu.vector_store_idx %parallel_loop3A_598[%add3A_9, %rem3A_6, %parallel_loop3A_584], %parallel_loop3A_592 : memref<8x8x129xf32, #tpu.memory_space<vmem>>[vector<16xi32>, vector<16xi32>, vector<16xi32>], vector<16xf32>,
        %parallel_loop3A_599 = arith.constant 0 : i32
        %parallel_loop3A_600 = arith.index_cast %parallel_loop3A_599 : i32 to index
        %parallel_loop3A_601 = arith.index_cast %parallel_loop3A_583 : i32 to index
        %parallel_loop3A_602 = arith.constant 16 : index
        %parallel_loop3A_603 = tpu.vector_load %arg6[%parallel_loop3A_600, %parallel_loop3A_601, %parallel_loop3A_602] {strides = array<i32>} : memref<2x128x64xf32, #tpu.memory_space<vmem>>, vector<16xf32>,
        %parallel_loop3A_604 = arith.constant 8.000000e+00 : f32
        %parallel_loop3A_605 = vector.broadcast %parallel_loop3A_604 : f32 to vector<16xf32>
        %parallel_loop3A_606 = arith.mulf %parallel_loop3A_603, %parallel_loop3A_605 : vector<16xf32>
        %parallel_loop3A_607 = arith.constant 0 : i32
        %parallel_loop3A_608 = arith.constant 0 : i32
        %parallel_loop3A_609 = arith.constant 0 : i32
        %parallel_loop3A_610 = arith.constant 0 : i32
        %parallel_loop3A_611 = tpu.memref_slice %arg7[%parallel_loop3A_607, %parallel_loop3A_608, %parallel_loop3A_609, %parallel_loop3A_610] : memref<2x8x8x129xf32, #tpu.memory_space<vmem>> -> memref<1x8x8x129xf32, #tpu.memory_space<vmem>>
        %parallel_loop3A_612 = tpu.memref_squeeze %parallel_loop3A_611 : memref<1x8x8x129xf32, #tpu.memory_space<vmem>> -> memref<8x8x129xf32, #tpu.memory_space<vmem>>
        tpu.vector_store_idx %parallel_loop3A_612[%add3A_12, %rem3A_6, %parallel_loop3A_584], %parallel_loop3A_606 : memref<8x8x129xf32, #tpu.memory_space<vmem>>[vector<16xi32>, vector<16xi32>, vector<16xi32>], vector<16xf32>,
        %parallel_loop3A_613 = arith.constant 0 : i32
        %parallel_loop3A_614 = arith.index_cast %parallel_loop3A_613 : i32 to index
        %parallel_loop3A_615 = arith.index_cast %parallel_loop3A_583 : i32 to index
        %parallel_loop3A_616 = arith.constant 32 : index
        %parallel_loop3A_617 = tpu.vector_load %arg6[%parallel_loop3A_614, %parallel_loop3A_615, %parallel_loop3A_616] {strides = array<i32>} : memref<2x128x64xf32, #tpu.memory_space<vmem>>, vector<16xf32>,
        %parallel_loop3A_618 = arith.constant 8.000000e+00 : f32
        %parallel_loop3A_619 = vector.broadcast %parallel_loop3A_618 : f32 to vector<16xf32>
        %parallel_loop3A_620 = arith.mulf %parallel_loop3A_617, %parallel_loop3A_619 : vector<16xf32>
        %parallel_loop3A_621 = arith.constant 0 : i32
        %parallel_loop3A_622 = arith.constant 0 : i32
        %parallel_loop3A_623 = arith.constant 0 : i32
        %parallel_loop3A_624 = arith.constant 0 : i32
        %parallel_loop3A_625 = tpu.memref_slice %arg7[%parallel_loop3A_621, %parallel_loop3A_622, %parallel_loop3A_623, %parallel_loop3A_624] : memref<2x8x8x129xf32, #tpu.memory_space<vmem>> -> memref<1x8x8x129xf32, #tpu.memory_space<vmem>>
        %parallel_loop3A_626 = tpu.memref_squeeze %parallel_loop3A_625 : memref<1x8x8x129xf32, #tpu.memory_space<vmem>> -> memref<8x8x129xf32, #tpu.memory_space<vmem>>
        tpu.vector_store_idx %parallel_loop3A_626[%add3A_15, %rem3A_6, %parallel_loop3A_584], %parallel_loop3A_620 : memref<8x8x129xf32, #tpu.memory_space<vmem>>[vector<16xi32>, vector<16xi32>, vector<16xi32>], vector<16xf32>,
        %parallel_loop3A_627 = arith.constant 0 : i32
        %parallel_loop3A_628 = arith.index_cast %parallel_loop3A_627 : i32 to index
        %parallel_loop3A_629 = arith.index_cast %parallel_loop3A_583 : i32 to index
        %parallel_loop3A_630 = arith.constant 48 : index
        %parallel_loop3A_631 = tpu.vector_load %arg6[%parallel_loop3A_628, %parallel_loop3A_629, %parallel_loop3A_630] {strides = array<i32>} : memref<2x128x64xf32, #tpu.memory_space<vmem>>, vector<16xf32>,
        %parallel_loop3A_632 = arith.constant 8.000000e+00 : f32
        %parallel_loop3A_633 = vector.broadcast %parallel_loop3A_632 : f32 to vector<16xf32>
        %parallel_loop3A_634 = arith.mulf %parallel_loop3A_631, %parallel_loop3A_633 : vector<16xf32>
        %parallel_loop3A_635 = arith.constant 0 : i32
        %parallel_loop3A_636 = arith.constant 0 : i32
        %parallel_loop3A_637 = arith.constant 0 : i32
        %parallel_loop3A_638 = arith.constant 0 : i32
        %parallel_loop3A_639 = tpu.memref_slice %arg7[%parallel_loop3A_635, %parallel_loop3A_636, %parallel_loop3A_637, %parallel_loop3A_638] : memref<2x8x8x129xf32, #tpu.memory_space<vmem>> -> memref<1x8x8x129xf32, #tpu.memory_space<vmem>>
        %parallel_loop3A_640 = tpu.memref_squeeze %parallel_loop3A_639 : memref<1x8x8x129xf32, #tpu.memory_space<vmem>> -> memref<8x8x129xf32, #tpu.memory_space<vmem>>
        tpu.vector_store_idx %parallel_loop3A_640[%add3A_18, %rem3A_6, %parallel_loop3A_584], %parallel_loop3A_634 : memref<8x8x129xf32, #tpu.memory_space<vmem>>[vector<16xi32>, vector<16xi32>, vector<16xi32>], vector<16xf32>,
      } {sc.loop_unroll_factor = 8 : i64, sc.parallel_access}
      %dma_start3A_444 = arith.constant 0 : i32
      %dma_start3A_445 = arith.constant 0 : i32
      %dma_start3A_446 = arith.constant 0 : i32
      %dma_start3A_447 = arith.constant 0 : i32
      %dma_start3A_448 = tpu.memref_slice %arg7[%dma_start3A_444, %dma_start3A_445, %dma_start3A_446, %dma_start3A_447] : memref<2x8x8x129xf32, #tpu.memory_space<vmem>> -> memref<1x8x8x128xf32, #tpu.memory_space<vmem>>
      %dma_start3A_449 = tpu.memref_squeeze %dma_start3A_448 : memref<1x8x8x128xf32, #tpu.memory_space<vmem>> -> memref<8x8x128xf32, #tpu.memory_space<vmem>>
      %dma_start3A_450 = arith.constant 0 : i32
      %dma_start3A_451 = arith.constant 0 : i32
      %dma_start3A_452 = arith.constant 0 : i32
      %dma_start3A_453 = tpu.memref_slice %arg4[%mul3A_400, %dma_start3A_450, %add3A, %dma_start3A_451, %dma_start3A_452] : memref<200x8x32x8x128xf32, #tpu.memory_space<hbm>> -> memref<1x8x1x8x128xf32, #tpu.memory_space<hbm>>
      %dma_start3A_454 = tpu.memref_squeeze %dma_start3A_453 : memref<1x8x1x8x128xf32, #tpu.memory_space<hbm>> -> memref<8x8x128xf32, #tpu.memory_space<hbm>>
      %dma_start3A_455 = arith.constant 0 : i32
      %dma_start3A_456 = arith.constant 0 : i32
      %dma_start3A_457 = arith.constant 0 : i32
      %dma_start3A_458 = tpu.memref_slice %arg4[%mul3A_400, %dma_start3A_455, %add3A, %dma_start3A_456, %dma_start3A_457] : memref<200x8x32x8x128xf32, #tpu.memory_space<hbm>> -> memref<1x8x1x8x128xf32, #tpu.memory_space<hbm>>
      %dma_start3A_459 = tpu.memref_squeeze %dma_start3A_458 : memref<1x8x1x8x128xf32, #tpu.memory_space<hbm>> -> memref<8x8x128xf32, #tpu.memory_space<hbm>>
      %dma_start3A_460 = arith.constant 0 : i32
      %dma_start3A_461 = arith.constant 0 : i32
      %dma_start3A_462 = arith.constant 0 : i32
      %dma_start3A_463 = tpu.memref_slice %arg7[%dma_start3A_444, %dma_start3A_460, %dma_start3A_461, %dma_start3A_462] : memref<2x8x8x129xf32, #tpu.memory_space<vmem>> -> memref<1x8x8x128xf32, #tpu.memory_space<vmem>>
      %dma_start3A_464 = tpu.memref_squeeze %dma_start3A_463 : memref<1x8x8x128xf32, #tpu.memory_space<vmem>> -> memref<8x8x128xf32, #tpu.memory_space<vmem>>
      tpu.enqueue_dma source(%dma_start3A_464 : memref<8x8x128xf32, #tpu.memory_space<vmem>>) target(%dma_start3A_459 : memref<8x8x128xf32, #tpu.memory_space<hbm>>) target_semaphore(%arg9 : memref<!tpu.dma_semaphore, #tpu.memory_space<semaphore_mem>>)
      %add3A_465 = arith.constant 2 : i32
      %add3A_466 = arith.addi %mul3A_400, %add3A_465 : i32
      %rem3A_467 = arith.constant 8 : i32
      %rem3A_468 = arith.remsi %add3A_466, %rem3A_467 : i32
      %eq3A_469 = arith.constant 0 : i32
      %eq3A_470 = arith.cmpi eq, %rem3A_468, %eq3A_469 : i32
      %convert_element_type3A_471 = arith.extui %eq3A_470 : i1 to i32
      %cond3A_472 = arith.constant 0 : i32
      %cond3A_473 = arith.cmpi ne, %convert_element_type3A_471, %cond3A_472 : i32
      scf.if %cond3A_473 {
        %div3A_583 = arith.constant 8 : i32
        %div3A_584 = arith.divsi %add3A_466, %div3A_583 : i32
        %rem3A_585 = arith.constant 2 : i32
        %rem3A_586 = arith.remsi %div3A_584, %rem3A_585 : i32
        "tpu.region"() ({
          %run_scoped3A = tpu.sem_alloc : memref<!tpu.dma_semaphore, #tpu.memory_space<semaphore_mem>>
          %dma_start3A_587 = arith.constant 0 : i32
          %dma_start3A_588 = arith.constant 0 : i32
          %dma_start3A_589 = tpu.memref_slice %arg5[%rem3A_586, %dma_start3A_587, %dma_start3A_588] : memref<2x8x128xi32, #tpu.memory_space<vmem>> -> memref<1x8x128xi32, #tpu.memory_space<vmem>>
          %dma_start3A_590 = tpu.memref_squeeze %dma_start3A_589 : memref<1x8x128xi32, #tpu.memory_space<vmem>> -> memref<8x128xi32, #tpu.memory_space<vmem>>
          %dma_start3A_591 = tpu.memref_slice %arg2[%add3A_466, %mul3A_2] : memref<200x4096xi32, #tpu.memory_space<hbm>> -> memref<8x128xi32, #tpu.memory_space<hbm>>
          %dma_start3A_592 = arith.constant 0 : i32
          %dma_start3A_593 = arith.constant 0 : i32
          %dma_start3A_594 = tpu.memref_slice %arg5[%rem3A_586, %dma_start3A_592, %dma_start3A_593] : memref<2x8x128xi32, #tpu.memory_space<vmem>> -> memref<1x8x128xi32, #tpu.memory_space<vmem>>
          %dma_start3A_595 = tpu.memref_squeeze %dma_start3A_594 : memref<1x8x128xi32, #tpu.memory_space<vmem>> -> memref<8x128xi32, #tpu.memory_space<vmem>>
          %dma_start3A_596 = tpu.memref_slice %arg2[%add3A_466, %mul3A_2] : memref<200x4096xi32, #tpu.memory_space<hbm>> -> memref<8x128xi32, #tpu.memory_space<hbm>>
          tpu.enqueue_dma source(%dma_start3A_596 : memref<8x128xi32, #tpu.memory_space<hbm>>) target(%dma_start3A_595 : memref<8x128xi32, #tpu.memory_space<vmem>>) target_semaphore(%run_scoped3A : memref<!tpu.dma_semaphore, #tpu.memory_space<semaphore_mem>>)
          %dma_wait3A_597 = arith.constant 0 : i32
          %dma_wait3A_598 = arith.constant 0 : i32
          %dma_wait3A_599 = tpu.memref_slice %arg5[%rem3A_586, %dma_wait3A_597, %dma_wait3A_598] : memref<2x8x128xi32, #tpu.memory_space<vmem>> -> memref<1x8x128xi32, #tpu.memory_space<vmem>>
          %dma_wait3A_600 = tpu.memref_squeeze %dma_wait3A_599 : memref<1x8x128xi32, #tpu.memory_space<vmem>> -> memref<8x128xi32, #tpu.memory_space<vmem>>
          %dma_wait3A_601 = tpu.memref_slice %arg2[%add3A_466, %mul3A_2] : memref<200x4096xi32, #tpu.memory_space<hbm>> -> memref<8x128xi32, #tpu.memory_space<hbm>>
          %dma_wait3A_602 = arith.constant 0 : i32
          %dma_wait3A_603 = arith.constant 0 : i32
          %dma_wait3A_604 = tpu.memref_slice %arg5[%rem3A_586, %dma_wait3A_602, %dma_wait3A_603] : memref<2x8x128xi32, #tpu.memory_space<vmem>> -> memref<1x8x128xi32, #tpu.memory_space<vmem>>
          %dma_wait3A_605 = tpu.memref_squeeze %dma_wait3A_604 : memref<1x8x128xi32, #tpu.memory_space<vmem>> -> memref<8x128xi32, #tpu.memory_space<vmem>>
          %dma_wait3A_606 = tpu.memref_slice %arg2[%add3A_466, %mul3A_2] : memref<200x4096xi32, #tpu.memory_space<hbm>> -> memref<8x128xi32, #tpu.memory_space<hbm>>
          tpu.wait_dma2 semaphore(%run_scoped3A : memref<!tpu.dma_semaphore, #tpu.memory_space<semaphore_mem>>) src(%dma_wait3A_606 : memref<8x128xi32, #tpu.memory_space<hbm>>) dst(%dma_wait3A_605 : memref<8x128xi32, #tpu.memory_space<vmem>>)
          tpu.yield
        }) : () -> ()
      } else {
      }
      %div3A_474 = arith.constant 8 : i32
      %div3A_475 = arith.divsi %add3A_466, %div3A_474 : i32
      %rem3A_476 = arith.constant 2 : i32
      %rem3A_477 = arith.remsi %div3A_475, %rem3A_476 : i32
      %rem3A_478 = arith.constant 8 : i32
      %rem3A_479 = arith.remsi %add3A_466, %rem3A_478 : i32
      %dma_start3A_480 = arith.constant 0 : i32
      %dma_start3A_481 = arith.constant 0 : i32
      %dma_start3A_482 = arith.constant 0 : i32
      %dma_start3A_483 = tpu.memref_slice %arg6[%dma_start3A_480, %dma_start3A_481, %dma_start3A_482] : memref<2x128x64xf32, #tpu.memory_space<vmem>> -> memref<1x128x64xf32, #tpu.memory_space<vmem>>
      %dma_start3A_484 = tpu.memref_squeeze %dma_start3A_483 : memref<1x128x64xf32, #tpu.memory_space<vmem>> -> memref<128x64xf32, #tpu.memory_space<vmem>>
      %dma_start3A_485 = arith.constant 0 : i32
      %dma_start3A_486 = tpu.memref_slice %arg5[%rem3A_477, %rem3A_479, %dma_start3A_485] : memref<2x8x128xi32, #tpu.memory_space<vmem>> -> memref<1x1x128xi32, #tpu.memory_space<vmem>>
      %dma_start3A_487 = tpu.memref_squeeze %dma_start3A_486 : memref<1x1x128xi32, #tpu.memory_space<vmem>> -> memref<128xi32, #tpu.memory_space<vmem>>
      %dma_start3A_488 = arith.constant 0 : i32
      %dma_start3A_489 = arith.constant 0 : i32
      %dma_start3A_490 = tpu.memref_slice %arg3[%dma_start3A_488, %dma_start3A_489] : memref<1000000x64xf32, #tpu.memory_space<hbm>> -> memref<1000000x64xf32, #tpu.memory_space<hbm>>
      tpu.enqueue_indirect_dma source(%dma_start3A_490 : memref<1000000x64xf32, #tpu.memory_space<hbm>>) target(%dma_start3A_484 : memref<128x64xf32, #tpu.memory_space<vmem>>) offsets(%dma_start3A_487 : memref<128xi32, #tpu.memory_space<vmem>>) semaphore(%arg8 : memref<!tpu.dma_semaphore, #tpu.memory_space<semaphore_mem>>)
      %add3A_491 = arith.constant 1 : i32
      %add3A_492 = arith.addi %mul3A_400, %add3A_491 : i32
      %div3A_493 = arith.constant 8 : i32
      %div3A_494 = arith.divsi %add3A_492, %div3A_493 : i32
      %rem3A_495 = arith.constant 2 : i32
      %rem3A_496 = arith.remsi %div3A_494, %rem3A_495 : i32
      %rem3A_497 = arith.constant 8 : i32
      %rem3A_498 = arith.remsi %add3A_492, %rem3A_497 : i32
      %dma_wait3A_499 = arith.constant 1 : i32
      %dma_wait3A_500 = arith.constant 0 : i32
      %dma_wait3A_501 = arith.constant 0 : i32
      %dma_wait3A_502 = tpu.memref_slice %arg6[%dma_wait3A_499, %dma_wait3A_500, %dma_wait3A_501] : memref<2x128x64xf32, #tpu.memory_space<vmem>> -> memref<1x128x64xf32, #tpu.memory_space<vmem>>
      %dma_wait3A_503 = tpu.memref_squeeze %dma_wait3A_502 : memref<1x128x64xf32, #tpu.memory_space<vmem>> -> memref<128x64xf32, #tpu.memory_space<vmem>>
      %dma_wait3A_504 = arith.constant 0 : i32
      %dma_wait3A_505 = tpu.memref_slice %arg5[%rem3A_496, %rem3A_498, %dma_wait3A_504] : memref<2x8x128xi32, #tpu.memory_space<vmem>> -> memref<1x1x128xi32, #tpu.memory_space<vmem>>
      %dma_wait3A_506 = tpu.memref_squeeze %dma_wait3A_505 : memref<1x1x128xi32, #tpu.memory_space<vmem>> -> memref<128xi32, #tpu.memory_space<vmem>>
      %dma_wait3A_507 = arith.constant 0 : i32
      %dma_wait3A_508 = arith.constant 0 : i32
      %dma_wait3A_509 = tpu.memref_slice %arg3[%dma_wait3A_507, %dma_wait3A_508] : memref<1000000x64xf32, #tpu.memory_space<hbm>> -> memref<1000000x64xf32, #tpu.memory_space<hbm>>
      tpu.wait_indirect_dma semaphore(%arg8 : memref<!tpu.dma_semaphore, #tpu.memory_space<semaphore_mem>>) src(%dma_wait3A_509 : memref<1000000x64xf32, #tpu.memory_space<hbm>>) dst(%dma_wait3A_503 : memref<128x64xf32, #tpu.memory_space<vmem>>)
      %sub3A_510 = arith.constant 2 : i32
      %sub3A_511 = arith.subi %add3A_492, %sub3A_510 : i32
      %dma_wait3A_512 = arith.constant 1 : i32
      %dma_wait3A_513 = arith.constant 0 : i32
      %dma_wait3A_514 = arith.constant 0 : i32
      %dma_wait3A_515 = arith.constant 0 : i32
      %dma_wait3A_516 = tpu.memref_slice %arg7[%dma_wait3A_512, %dma_wait3A_513, %dma_wait3A_514, %dma_wait3A_515] : memref<2x8x8x129xf32, #tpu.memory_space<vmem>> -> memref<1x8x8x128xf32, #tpu.memory_space<vmem>>
      %dma_wait3A_517 = tpu.memref_squeeze %dma_wait3A_516 : memref<1x8x8x128xf32, #tpu.memory_space<vmem>> -> memref<8x8x128xf32, #tpu.memory_space<vmem>>
      %dma_wait3A_518 = arith.constant 0 : i32
      %dma_wait3A_519 = arith.constant 0 : i32
      %dma_wait3A_520 = arith.constant 0 : i32
      %dma_wait3A_521 = tpu.memref_slice %arg4[%sub3A_511, %dma_wait3A_518, %add3A, %dma_wait3A_519, %dma_wait3A_520] : memref<200x8x32x8x128xf32, #tpu.memory_space<hbm>> -> memref<1x8x1x8x128xf32, #tpu.memory_space<hbm>>
      %dma_wait3A_522 = tpu.memref_squeeze %dma_wait3A_521 : memref<1x8x1x8x128xf32, #tpu.memory_space<hbm>> -> memref<8x8x128xf32, #tpu.memory_space<hbm>>
      %dma_wait3A_523 = arith.constant 0 : i32
      %dma_wait3A_524 = arith.constant 0 : i32
      %dma_wait3A_525 = arith.constant 0 : i32
      %dma_wait3A_526 = tpu.memref_slice %arg4[%sub3A_511, %dma_wait3A_523, %add3A, %dma_wait3A_524, %dma_wait3A_525] : memref<200x8x32x8x128xf32, #tpu.memory_space<hbm>> -> memref<1x8x1x8x128xf32, #tpu.memory_space<hbm>>
      %dma_wait3A_527 = tpu.memref_squeeze %dma_wait3A_526 : memref<1x8x1x8x128xf32, #tpu.memory_space<hbm>> -> memref<8x8x128xf32, #tpu.memory_space<hbm>>
      %dma_wait3A_528 = arith.constant 0 : i32
      %dma_wait3A_529 = arith.constant 0 : i32
      %dma_wait3A_530 = arith.constant 0 : i32
      %dma_wait3A_531 = tpu.memref_slice %arg7[%dma_wait3A_512, %dma_wait3A_528, %dma_wait3A_529, %dma_wait3A_530] : memref<2x8x8x129xf32, #tpu.memory_space<vmem>> -> memref<1x8x8x128xf32, #tpu.memory_space<vmem>>
      %dma_wait3A_532 = tpu.memref_squeeze %dma_wait3A_531 : memref<1x8x8x128xf32, #tpu.memory_space<vmem>> -> memref<8x8x128xf32, #tpu.memory_space<vmem>>
      tpu.wait_dma2 semaphore(%arg9 : memref<!tpu.dma_semaphore, #tpu.memory_space<semaphore_mem>>) src(%dma_wait3A_532 : memref<8x8x128xf32, #tpu.memory_space<vmem>>) dst(%dma_wait3A_527 : memref<8x8x128xf32, #tpu.memory_space<hbm>>)
      %parallel_loop3A_533 = arith.constant 0 : i32
      %parallel_loop3A_534 = arith.constant 128 : i32
      %parallel_loop3A_535 = arith.constant 1 : i32
      scf.for %parallel_loop3A_583 = %parallel_loop3A_533 to %parallel_loop3A_534 step %parallel_loop3A_535  : i32 {
        %parallel_loop3A_584 = vector.broadcast %parallel_loop3A_583 : i32 to vector<16xi32>
        %parallel_loop3A_585 = arith.constant 1 : i32
        %parallel_loop3A_586 = arith.index_cast %parallel_loop3A_585 : i32 to index
        %parallel_loop3A_587 = arith.index_cast %parallel_loop3A_583 : i32 to index
        %parallel_loop3A_588 = arith.constant 0 : index
        %parallel_loop3A_589 = tpu.vector_load %arg6[%parallel_loop3A_586, %parallel_loop3A_587, %parallel_loop3A_588] {strides = array<i32>} : memref<2x128x64xf32, #tpu.memory_space<vmem>>, vector<16xf32>,
        %parallel_loop3A_590 = arith.constant 8.000000e+00 : f32
        %parallel_loop3A_591 = vector.broadcast %parallel_loop3A_590 : f32 to vector<16xf32>
        %parallel_loop3A_592 = arith.mulf %parallel_loop3A_589, %parallel_loop3A_591 : vector<16xf32>
        %parallel_loop3A_593 = arith.constant 1 : i32
        %parallel_loop3A_594 = arith.constant 0 : i32
        %parallel_loop3A_595 = arith.constant 0 : i32
        %parallel_loop3A_596 = arith.constant 0 : i32
        %parallel_loop3A_597 = tpu.memref_slice %arg7[%parallel_loop3A_593, %parallel_loop3A_594, %parallel_loop3A_595, %parallel_loop3A_596] : memref<2x8x8x129xf32, #tpu.memory_space<vmem>> -> memref<1x8x8x129xf32, #tpu.memory_space<vmem>>
        %parallel_loop3A_598 = tpu.memref_squeeze %parallel_loop3A_597 : memref<1x8x8x129xf32, #tpu.memory_space<vmem>> -> memref<8x8x129xf32, #tpu.memory_space<vmem>>
        tpu.vector_store_idx %parallel_loop3A_598[%add3A_9, %rem3A_6, %parallel_loop3A_584], %parallel_loop3A_592 : memref<8x8x129xf32, #tpu.memory_space<vmem>>[vector<16xi32>, vector<16xi32>, vector<16xi32>], vector<16xf32>,
        %parallel_loop3A_599 = arith.constant 1 : i32
        %parallel_loop3A_600 = arith.index_cast %parallel_loop3A_599 : i32 to index
        %parallel_loop3A_601 = arith.index_cast %parallel_loop3A_583 : i32 to index
        %parallel_loop3A_602 = arith.constant 16 : index
        %parallel_loop3A_603 = tpu.vector_load %arg6[%parallel_loop3A_600, %parallel_loop3A_601, %parallel_loop3A_602] {strides = array<i32>} : memref<2x128x64xf32, #tpu.memory_space<vmem>>, vector<16xf32>,
        %parallel_loop3A_604 = arith.constant 8.000000e+00 : f32
        %parallel_loop3A_605 = vector.broadcast %parallel_loop3A_604 : f32 to vector<16xf32>
        %parallel_loop3A_606 = arith.mulf %parallel_loop3A_603, %parallel_loop3A_605 : vector<16xf32>
        %parallel_loop3A_607 = arith.constant 1 : i32
        %parallel_loop3A_608 = arith.constant 0 : i32
        %parallel_loop3A_609 = arith.constant 0 : i32
        %parallel_loop3A_610 = arith.constant 0 : i32
        %parallel_loop3A_611 = tpu.memref_slice %arg7[%parallel_loop3A_607, %parallel_loop3A_608, %parallel_loop3A_609, %parallel_loop3A_610] : memref<2x8x8x129xf32, #tpu.memory_space<vmem>> -> memref<1x8x8x129xf32, #tpu.memory_space<vmem>>
        %parallel_loop3A_612 = tpu.memref_squeeze %parallel_loop3A_611 : memref<1x8x8x129xf32, #tpu.memory_space<vmem>> -> memref<8x8x129xf32, #tpu.memory_space<vmem>>
        tpu.vector_store_idx %parallel_loop3A_612[%add3A_12, %rem3A_6, %parallel_loop3A_584], %parallel_loop3A_606 : memref<8x8x129xf32, #tpu.memory_space<vmem>>[vector<16xi32>, vector<16xi32>, vector<16xi32>], vector<16xf32>,
        %parallel_loop3A_613 = arith.constant 1 : i32
        %parallel_loop3A_614 = arith.index_cast %parallel_loop3A_613 : i32 to index
        %parallel_loop3A_615 = arith.index_cast %parallel_loop3A_583 : i32 to index
        %parallel_loop3A_616 = arith.constant 32 : index
        %parallel_loop3A_617 = tpu.vector_load %arg6[%parallel_loop3A_614, %parallel_loop3A_615, %parallel_loop3A_616] {strides = array<i32>} : memref<2x128x64xf32, #tpu.memory_space<vmem>>, vector<16xf32>,
        %parallel_loop3A_618 = arith.constant 8.000000e+00 : f32
        %parallel_loop3A_619 = vector.broadcast %parallel_loop3A_618 : f32 to vector<16xf32>
        %parallel_loop3A_620 = arith.mulf %parallel_loop3A_617, %parallel_loop3A_619 : vector<16xf32>
        %parallel_loop3A_621 = arith.constant 1 : i32
        %parallel_loop3A_622 = arith.constant 0 : i32
        %parallel_loop3A_623 = arith.constant 0 : i32
        %parallel_loop3A_624 = arith.constant 0 : i32
        %parallel_loop3A_625 = tpu.memref_slice %arg7[%parallel_loop3A_621, %parallel_loop3A_622, %parallel_loop3A_623, %parallel_loop3A_624] : memref<2x8x8x129xf32, #tpu.memory_space<vmem>> -> memref<1x8x8x129xf32, #tpu.memory_space<vmem>>
        %parallel_loop3A_626 = tpu.memref_squeeze %parallel_loop3A_625 : memref<1x8x8x129xf32, #tpu.memory_space<vmem>> -> memref<8x8x129xf32, #tpu.memory_space<vmem>>
        tpu.vector_store_idx %parallel_loop3A_626[%add3A_15, %rem3A_6, %parallel_loop3A_584], %parallel_loop3A_620 : memref<8x8x129xf32, #tpu.memory_space<vmem>>[vector<16xi32>, vector<16xi32>, vector<16xi32>], vector<16xf32>,
        %parallel_loop3A_627 = arith.constant 1 : i32
        %parallel_loop3A_628 = arith.index_cast %parallel_loop3A_627 : i32 to index
        %parallel_loop3A_629 = arith.index_cast %parallel_loop3A_583 : i32 to index
        %parallel_loop3A_630 = arith.constant 48 : index
        %parallel_loop3A_631 = tpu.vector_load %arg6[%parallel_loop3A_628, %parallel_loop3A_629, %parallel_loop3A_630] {strides = array<i32>} : memref<2x128x64xf32, #tpu.memory_space<vmem>>, vector<16xf32>,
        %parallel_loop3A_632 = arith.constant 8.000000e+00 : f32
        %parallel_loop3A_633 = vector.broadcast %parallel_loop3A_632 : f32 to vector<16xf32>
        %parallel_loop3A_634 = arith.mulf %parallel_loop3A_631, %parallel_loop3A_633 : vector<16xf32>
        %parallel_loop3A_635 = arith.constant 1 : i32
        %parallel_loop3A_636 = arith.constant 0 : i32
        %parallel_loop3A_637 = arith.constant 0 : i32
        %parallel_loop3A_638 = arith.constant 0 : i32
        %parallel_loop3A_639 = tpu.memref_slice %arg7[%parallel_loop3A_635, %parallel_loop3A_636, %parallel_loop3A_637, %parallel_loop3A_638] : memref<2x8x8x129xf32, #tpu.memory_space<vmem>> -> memref<1x8x8x129xf32, #tpu.memory_space<vmem>>
        %parallel_loop3A_640 = tpu.memref_squeeze %parallel_loop3A_639 : memref<1x8x8x129xf32, #tpu.memory_space<vmem>> -> memref<8x8x129xf32, #tpu.memory_space<vmem>>
        tpu.vector_store_idx %parallel_loop3A_640[%add3A_18, %rem3A_6, %parallel_loop3A_584], %parallel_loop3A_634 : memref<8x8x129xf32, #tpu.memory_space<vmem>>[vector<16xi32>, vector<16xi32>, vector<16xi32>], vector<16xf32>,
      } {sc.loop_unroll_factor = 8 : i64, sc.parallel_access}
      %dma_start3A_536 = arith.constant 1 : i32
      %dma_start3A_537 = arith.constant 0 : i32
      %dma_start3A_538 = arith.constant 0 : i32
      %dma_start3A_539 = arith.constant 0 : i32
      %dma_start3A_540 = tpu.memref_slice %arg7[%dma_start3A_536, %dma_start3A_537, %dma_start3A_538, %dma_start3A_539] : memref<2x8x8x129xf32, #tpu.memory_space<vmem>> -> memref<1x8x8x128xf32, #tpu.memory_space<vmem>>
      %dma_start3A_541 = tpu.memref_squeeze %dma_start3A_540 : memref<1x8x8x128xf32, #tpu.memory_space<vmem>> -> memref<8x8x128xf32, #tpu.memory_space<vmem>>
      %dma_start3A_542 = arith.constant 0 : i32
      %dma_start3A_543 = arith.constant 0 : i32
      %dma_start3A_544 = arith.constant 0 : i32
      %dma_start3A_545 = tpu.memref_slice %arg4[%add3A_492, %dma_start3A_542, %add3A, %dma_start3A_543, %dma_start3A_544] : memref<200x8x32x8x128xf32, #tpu.memory_space<hbm>> -> memref<1x8x1x8x128xf32, #tpu.memory_space<hbm>>
      %dma_start3A_546 = tpu.memref_squeeze %dma_start3A_545 : memref<1x8x1x8x128xf32, #tpu.memory_space<hbm>> -> memref<8x8x128xf32, #tpu.memory_space<hbm>>
      %dma_start3A_547 = arith.constant 0 : i32
      %dma_start3A_548 = arith.constant 0 : i32
      %dma_start3A_549 = arith.constant 0 : i32
      %dma_start3A_550 = tpu.memref_slice %arg4[%add3A_492, %dma_start3A_547, %add3A, %dma_start3A_548, %dma_start3A_549] : memref<200x8x32x8x128xf32, #tpu.memory_space<hbm>> -> memref<1x8x1x8x128xf32, #tpu.memory_space<hbm>>
      %dma_start3A_551 = tpu.memref_squeeze %dma_start3A_550 : memref<1x8x1x8x128xf32, #tpu.memory_space<hbm>> -> memref<8x8x128xf32, #tpu.memory_space<hbm>>
      %dma_start3A_552 = arith.constant 0 : i32
      %dma_start3A_553 = arith.constant 0 : i32
      %dma_start3A_554 = arith.constant 0 : i32
      %dma_start3A_555 = tpu.memref_slice %arg7[%dma_start3A_536, %dma_start3A_552, %dma_start3A_553, %dma_start3A_554] : memref<2x8x8x129xf32, #tpu.memory_space<vmem>> -> memref<1x8x8x128xf32, #tpu.memory_space<vmem>>
      %dma_start3A_556 = tpu.memref_squeeze %dma_start3A_555 : memref<1x8x8x128xf32, #tpu.memory_space<vmem>> -> memref<8x8x128xf32, #tpu.memory_space<vmem>>
      tpu.enqueue_dma source(%dma_start3A_556 : memref<8x8x128xf32, #tpu.memory_space<vmem>>) target(%dma_start3A_551 : memref<8x8x128xf32, #tpu.memory_space<hbm>>) target_semaphore(%arg9 : memref<!tpu.dma_semaphore, #tpu.memory_space<semaphore_mem>>)
      %add3A_557 = arith.constant 2 : i32
      %add3A_558 = arith.addi %add3A_492, %add3A_557 : i32
      %rem3A_559 = arith.constant 8 : i32
      %rem3A_560 = arith.remsi %add3A_558, %rem3A_559 : i32
      %eq3A_561 = arith.constant 0 : i32
      %eq3A_562 = arith.cmpi eq, %rem3A_560, %eq3A_561 : i32
      %convert_element_type3A_563 = arith.extui %eq3A_562 : i1 to i32
      %cond3A_564 = arith.constant 0 : i32
      %cond3A_565 = arith.cmpi ne, %convert_element_type3A_563, %cond3A_564 : i32
      scf.if %cond3A_565 {
        %div3A_583 = arith.constant 8 : i32
        %div3A_584 = arith.divsi %add3A_558, %div3A_583 : i32
        %rem3A_585 = arith.constant 2 : i32
        %rem3A_586 = arith.remsi %div3A_584, %rem3A_585 : i32
        "tpu.region"() ({
          %run_scoped3A = tpu.sem_alloc : memref<!tpu.dma_semaphore, #tpu.memory_space<semaphore_mem>>
          %dma_start3A_587 = arith.constant 0 : i32
          %dma_start3A_588 = arith.constant 0 : i32
          %dma_start3A_589 = tpu.memref_slice %arg5[%rem3A_586, %dma_start3A_587, %dma_start3A_588] : memref<2x8x128xi32, #tpu.memory_space<vmem>> -> memref<1x8x128xi32, #tpu.memory_space<vmem>>
          %dma_start3A_590 = tpu.memref_squeeze %dma_start3A_589 : memref<1x8x128xi32, #tpu.memory_space<vmem>> -> memref<8x128xi32, #tpu.memory_space<vmem>>
          %dma_start3A_591 = tpu.memref_slice %arg2[%add3A_558, %mul3A_2] : memref<200x4096xi32, #tpu.memory_space<hbm>> -> memref<8x128xi32, #tpu.memory_space<hbm>>
          %dma_start3A_592 = arith.constant 0 : i32
          %dma_start3A_593 = arith.constant 0 : i32
          %dma_start3A_594 = tpu.memref_slice %arg5[%rem3A_586, %dma_start3A_592, %dma_start3A_593] : memref<2x8x128xi32, #tpu.memory_space<vmem>> -> memref<1x8x128xi32, #tpu.memory_space<vmem>>
          %dma_start3A_595 = tpu.memref_squeeze %dma_start3A_594 : memref<1x8x128xi32, #tpu.memory_space<vmem>> -> memref<8x128xi32, #tpu.memory_space<vmem>>
          %dma_start3A_596 = tpu.memref_slice %arg2[%add3A_558, %mul3A_2] : memref<200x4096xi32, #tpu.memory_space<hbm>> -> memref<8x128xi32, #tpu.memory_space<hbm>>
          tpu.enqueue_dma source(%dma_start3A_596 : memref<8x128xi32, #tpu.memory_space<hbm>>) target(%dma_start3A_595 : memref<8x128xi32, #tpu.memory_space<vmem>>) target_semaphore(%run_scoped3A : memref<!tpu.dma_semaphore, #tpu.memory_space<semaphore_mem>>)
          %dma_wait3A_597 = arith.constant 0 : i32
          %dma_wait3A_598 = arith.constant 0 : i32
          %dma_wait3A_599 = tpu.memref_slice %arg5[%rem3A_586, %dma_wait3A_597, %dma_wait3A_598] : memref<2x8x128xi32, #tpu.memory_space<vmem>> -> memref<1x8x128xi32, #tpu.memory_space<vmem>>
          %dma_wait3A_600 = tpu.memref_squeeze %dma_wait3A_599 : memref<1x8x128xi32, #tpu.memory_space<vmem>> -> memref<8x128xi32, #tpu.memory_space<vmem>>
          %dma_wait3A_601 = tpu.memref_slice %arg2[%add3A_558, %mul3A_2] : memref<200x4096xi32, #tpu.memory_space<hbm>> -> memref<8x128xi32, #tpu.memory_space<hbm>>
          %dma_wait3A_602 = arith.constant 0 : i32
          %dma_wait3A_603 = arith.constant 0 : i32
          %dma_wait3A_604 = tpu.memref_slice %arg5[%rem3A_586, %dma_wait3A_602, %dma_wait3A_603] : memref<2x8x128xi32, #tpu.memory_space<vmem>> -> memref<1x8x128xi32, #tpu.memory_space<vmem>>
          %dma_wait3A_605 = tpu.memref_squeeze %dma_wait3A_604 : memref<1x8x128xi32, #tpu.memory_space<vmem>> -> memref<8x128xi32, #tpu.memory_space<vmem>>
          %dma_wait3A_606 = tpu.memref_slice %arg2[%add3A_558, %mul3A_2] : memref<200x4096xi32, #tpu.memory_space<hbm>> -> memref<8x128xi32, #tpu.memory_space<hbm>>
          tpu.wait_dma2 semaphore(%run_scoped3A : memref<!tpu.dma_semaphore, #tpu.memory_space<semaphore_mem>>) src(%dma_wait3A_606 : memref<8x128xi32, #tpu.memory_space<hbm>>) dst(%dma_wait3A_605 : memref<8x128xi32, #tpu.memory_space<vmem>>)
          tpu.yield
        }) : () -> ()
      } else {
      }
      %div3A_566 = arith.constant 8 : i32
      %div3A_567 = arith.divsi %add3A_558, %div3A_566 : i32
      %rem3A_568 = arith.constant 2 : i32
      %rem3A_569 = arith.remsi %div3A_567, %rem3A_568 : i32
      %rem3A_570 = arith.constant 8 : i32
      %rem3A_571 = arith.remsi %add3A_558, %rem3A_570 : i32
      %dma_start3A_572 = arith.constant 1 : i32
      %dma_start3A_573 = arith.constant 0 : i32
      %dma_start3A_574 = arith.constant 0 : i32
      %dma_start3A_575 = tpu.memref_slice %arg6[%dma_start3A_572, %dma_start3A_573, %dma_start3A_574] : memref<2x128x64xf32, #tpu.memory_space<vmem>> -> memref<1x128x64xf32, #tpu.memory_space<vmem>>
      %dma_start3A_576 = tpu.memref_squeeze %dma_start3A_575 : memref<1x128x64xf32, #tpu.memory_space<vmem>> -> memref<128x64xf32, #tpu.memory_space<vmem>>
      %dma_start3A_577 = arith.constant 0 : i32
      %dma_start3A_578 = tpu.memref_slice %arg5[%rem3A_569, %rem3A_571, %dma_start3A_577] : memref<2x8x128xi32, #tpu.memory_space<vmem>> -> memref<1x1x128xi32, #tpu.memory_space<vmem>>
      %dma_start3A_579 = tpu.memref_squeeze %dma_start3A_578 : memref<1x1x128xi32, #tpu.memory_space<vmem>> -> memref<128xi32, #tpu.memory_space<vmem>>
      %dma_start3A_580 = arith.constant 0 : i32
      %dma_start3A_581 = arith.constant 0 : i32
      %dma_start3A_582 = tpu.memref_slice %arg3[%dma_start3A_580, %dma_start3A_581] : memref<1000000x64xf32, #tpu.memory_space<hbm>> -> memref<1000000x64xf32, #tpu.memory_space<hbm>>
      tpu.enqueue_indirect_dma source(%dma_start3A_582 : memref<1000000x64xf32, #tpu.memory_space<hbm>>) target(%dma_start3A_576 : memref<128x64xf32, #tpu.memory_space<vmem>>) offsets(%dma_start3A_579 : memref<128xi32, #tpu.memory_space<vmem>>) semaphore(%arg8 : memref<!tpu.dma_semaphore, #tpu.memory_space<semaphore_mem>>)
    }
    %scan3A_214 = arith.constant 98 : i32
    %div3A_215 = arith.constant 198 : i32
    %div3A_216 = arith.constant 8 : i32
    %div3A_217 = arith.divsi %div3A_215, %div3A_216 : i32
    %rem3A_218 = arith.constant 2 : i32
    %rem3A_219 = arith.remsi %div3A_217, %rem3A_218 : i32
    %rem3A_220 = arith.constant 198 : i32
    %rem3A_221 = arith.constant 8 : i32
    %rem3A_222 = arith.remsi %rem3A_220, %rem3A_221 : i32
    %dma_wait3A_223 = arith.constant 0 : i32
    %dma_wait3A_224 = arith.constant 0 : i32
    %dma_wait3A_225 = arith.constant 0 : i32
    %dma_wait3A_226 = tpu.memref_slice %arg6[%dma_wait3A_223, %dma_wait3A_224, %dma_wait3A_225] : memref<2x128x64xf32, #tpu.memory_space<vmem>> -> memref<1x128x64xf32, #tpu.memory_space<vmem>>
    %dma_wait3A_227 = tpu.memref_squeeze %dma_wait3A_226 : memref<1x128x64xf32, #tpu.memory_space<vmem>> -> memref<128x64xf32, #tpu.memory_space<vmem>>
    %dma_wait3A_228 = arith.constant 0 : i32
    %dma_wait3A_229 = tpu.memref_slice %arg5[%rem3A_219, %rem3A_222, %dma_wait3A_228] : memref<2x8x128xi32, #tpu.memory_space<vmem>> -> memref<1x1x128xi32, #tpu.memory_space<vmem>>
    %dma_wait3A_230 = tpu.memref_squeeze %dma_wait3A_229 : memref<1x1x128xi32, #tpu.memory_space<vmem>> -> memref<128xi32, #tpu.memory_space<vmem>>
    %dma_wait3A_231 = arith.constant 0 : i32
    %dma_wait3A_232 = arith.constant 0 : i32
    %dma_wait3A_233 = tpu.memref_slice %arg3[%dma_wait3A_231, %dma_wait3A_232] : memref<1000000x64xf32, #tpu.memory_space<hbm>> -> memref<1000000x64xf32, #tpu.memory_space<hbm>>
    tpu.wait_indirect_dma semaphore(%arg8 : memref<!tpu.dma_semaphore, #tpu.memory_space<semaphore_mem>>) src(%dma_wait3A_233 : memref<1000000x64xf32, #tpu.memory_space<hbm>>) dst(%dma_wait3A_227 : memref<128x64xf32, #tpu.memory_space<vmem>>)
    %sub3A = arith.constant 198 : i32
    %sub3A_234 = arith.constant 2 : i32
    %sub3A_235 = arith.subi %sub3A, %sub3A_234 : i32
    %dma_wait3A_236 = arith.constant 0 : i32
    %dma_wait3A_237 = arith.constant 0 : i32
    %dma_wait3A_238 = arith.constant 0 : i32
    %dma_wait3A_239 = arith.constant 0 : i32
    %dma_wait3A_240 = tpu.memref_slice %arg7[%dma_wait3A_236, %dma_wait3A_237, %dma_wait3A_238, %dma_wait3A_239] : memref<2x8x8x129xf32, #tpu.memory_space<vmem>> -> memref<1x8x8x128xf32, #tpu.memory_space<vmem>>
    %dma_wait3A_241 = tpu.memref_squeeze %dma_wait3A_240 : memref<1x8x8x128xf32, #tpu.memory_space<vmem>> -> memref<8x8x128xf32, #tpu.memory_space<vmem>>
    %dma_wait3A_242 = arith.constant 0 : i32
    %dma_wait3A_243 = arith.constant 0 : i32
    %dma_wait3A_244 = arith.constant 0 : i32
    %dma_wait3A_245 = tpu.memref_slice %arg4[%sub3A_235, %dma_wait3A_242, %add3A, %dma_wait3A_243, %dma_wait3A_244] : memref<200x8x32x8x128xf32, #tpu.memory_space<hbm>> -> memref<1x8x1x8x128xf32, #tpu.memory_space<hbm>>
    %dma_wait3A_246 = tpu.memref_squeeze %dma_wait3A_245 : memref<1x8x1x8x128xf32, #tpu.memory_space<hbm>> -> memref<8x8x128xf32, #tpu.memory_space<hbm>>
    %dma_wait3A_247 = arith.constant 0 : i32
    %dma_wait3A_248 = arith.constant 0 : i32
    %dma_wait3A_249 = arith.constant 0 : i32
    %dma_wait3A_250 = tpu.memref_slice %arg4[%sub3A_235, %dma_wait3A_247, %add3A, %dma_wait3A_248, %dma_wait3A_249] : memref<200x8x32x8x128xf32, #tpu.memory_space<hbm>> -> memref<1x8x1x8x128xf32, #tpu.memory_space<hbm>>
    %dma_wait3A_251 = tpu.memref_squeeze %dma_wait3A_250 : memref<1x8x1x8x128xf32, #tpu.memory_space<hbm>> -> memref<8x8x128xf32, #tpu.memory_space<hbm>>
    %dma_wait3A_252 = arith.constant 0 : i32
    %dma_wait3A_253 = arith.constant 0 : i32
    %dma_wait3A_254 = arith.constant 0 : i32
    %dma_wait3A_255 = tpu.memref_slice %arg7[%dma_wait3A_236, %dma_wait3A_252, %dma_wait3A_253, %dma_wait3A_254] : memref<2x8x8x129xf32, #tpu.memory_space<vmem>> -> memref<1x8x8x128xf32, #tpu.memory_space<vmem>>
    %dma_wait3A_256 = tpu.memref_squeeze %dma_wait3A_255 : memref<1x8x8x128xf32, #tpu.memory_space<vmem>> -> memref<8x8x128xf32, #tpu.memory_space<vmem>>
    tpu.wait_dma2 semaphore(%arg9 : memref<!tpu.dma_semaphore, #tpu.memory_space<semaphore_mem>>) src(%dma_wait3A_256 : memref<8x8x128xf32, #tpu.memory_space<vmem>>) dst(%dma_wait3A_251 : memref<8x8x128xf32, #tpu.memory_space<hbm>>)
    %parallel_loop3A_257 = arith.constant 0 : i32
    %parallel_loop3A_258 = arith.constant 128 : i32
    %parallel_loop3A_259 = arith.constant 1 : i32
    scf.for %parallel_loop3A_394 = %parallel_loop3A_257 to %parallel_loop3A_258 step %parallel_loop3A_259  : i32 {
      %parallel_loop3A_395 = vector.broadcast %parallel_loop3A_394 : i32 to vector<16xi32>
      %parallel_loop3A_396 = arith.constant 0 : i32
      %parallel_loop3A_397 = arith.index_cast %parallel_loop3A_396 : i32 to index
      %parallel_loop3A_398 = arith.index_cast %parallel_loop3A_394 : i32 to index
      %parallel_loop3A_399 = arith.constant 0 : index
      %parallel_loop3A_400 = tpu.vector_load %arg6[%parallel_loop3A_397, %parallel_loop3A_398, %parallel_loop3A_399] {strides = array<i32>} : memref<2x128x64xf32, #tpu.memory_space<vmem>>, vector<16xf32>,
      %parallel_loop3A_401 = arith.constant 8.000000e+00 : f32
      %parallel_loop3A_402 = vector.broadcast %parallel_loop3A_401 : f32 to vector<16xf32>
      %parallel_loop3A_403 = arith.mulf %parallel_loop3A_400, %parallel_loop3A_402 : vector<16xf32>
      %parallel_loop3A_404 = arith.constant 0 : i32
      %parallel_loop3A_405 = arith.constant 0 : i32
      %parallel_loop3A_406 = arith.constant 0 : i32
      %parallel_loop3A_407 = arith.constant 0 : i32
      %parallel_loop3A_408 = tpu.memref_slice %arg7[%parallel_loop3A_404, %parallel_loop3A_405, %parallel_loop3A_406, %parallel_loop3A_407] : memref<2x8x8x129xf32, #tpu.memory_space<vmem>> -> memref<1x8x8x129xf32, #tpu.memory_space<vmem>>
      %parallel_loop3A_409 = tpu.memref_squeeze %parallel_loop3A_408 : memref<1x8x8x129xf32, #tpu.memory_space<vmem>> -> memref<8x8x129xf32, #tpu.memory_space<vmem>>
      tpu.vector_store_idx %parallel_loop3A_409[%add3A_9, %rem3A_6, %parallel_loop3A_395], %parallel_loop3A_403 : memref<8x8x129xf32, #tpu.memory_space<vmem>>[vector<16xi32>, vector<16xi32>, vector<16xi32>], vector<16xf32>,
      %parallel_loop3A_410 = arith.constant 0 : i32
      %parallel_loop3A_411 = arith.index_cast %parallel_loop3A_410 : i32 to index
      %parallel_loop3A_412 = arith.index_cast %parallel_loop3A_394 : i32 to index
      %parallel_loop3A_413 = arith.constant 16 : index
      %parallel_loop3A_414 = tpu.vector_load %arg6[%parallel_loop3A_411, %parallel_loop3A_412, %parallel_loop3A_413] {strides = array<i32>} : memref<2x128x64xf32, #tpu.memory_space<vmem>>, vector<16xf32>,
      %parallel_loop3A_415 = arith.constant 8.000000e+00 : f32
      %parallel_loop3A_416 = vector.broadcast %parallel_loop3A_415 : f32 to vector<16xf32>
      %parallel_loop3A_417 = arith.mulf %parallel_loop3A_414, %parallel_loop3A_416 : vector<16xf32>
      %parallel_loop3A_418 = arith.constant 0 : i32
      %parallel_loop3A_419 = arith.constant 0 : i32
      %parallel_loop3A_420 = arith.constant 0 : i32
      %parallel_loop3A_421 = arith.constant 0 : i32
      %parallel_loop3A_422 = tpu.memref_slice %arg7[%parallel_loop3A_418, %parallel_loop3A_419, %parallel_loop3A_420, %parallel_loop3A_421] : memref<2x8x8x129xf32, #tpu.memory_space<vmem>> -> memref<1x8x8x129xf32, #tpu.memory_space<vmem>>
      %parallel_loop3A_423 = tpu.memref_squeeze %parallel_loop3A_422 : memref<1x8x8x129xf32, #tpu.memory_space<vmem>> -> memref<8x8x129xf32, #tpu.memory_space<vmem>>
      tpu.vector_store_idx %parallel_loop3A_423[%add3A_12, %rem3A_6, %parallel_loop3A_395], %parallel_loop3A_417 : memref<8x8x129xf32, #tpu.memory_space<vmem>>[vector<16xi32>, vector<16xi32>, vector<16xi32>], vector<16xf32>,
      %parallel_loop3A_424 = arith.constant 0 : i32
      %parallel_loop3A_425 = arith.index_cast %parallel_loop3A_424 : i32 to index
      %parallel_loop3A_426 = arith.index_cast %parallel_loop3A_394 : i32 to index
      %parallel_loop3A_427 = arith.constant 32 : index
      %parallel_loop3A_428 = tpu.vector_load %arg6[%parallel_loop3A_425, %parallel_loop3A_426, %parallel_loop3A_427] {strides = array<i32>} : memref<2x128x64xf32, #tpu.memory_space<vmem>>, vector<16xf32>,
      %parallel_loop3A_429 = arith.constant 8.000000e+00 : f32
      %parallel_loop3A_430 = vector.broadcast %parallel_loop3A_429 : f32 to vector<16xf32>
      %parallel_loop3A_431 = arith.mulf %parallel_loop3A_428, %parallel_loop3A_430 : vector<16xf32>
      %parallel_loop3A_432 = arith.constant 0 : i32
      %parallel_loop3A_433 = arith.constant 0 : i32
      %parallel_loop3A_434 = arith.constant 0 : i32
      %parallel_loop3A_435 = arith.constant 0 : i32
      %parallel_loop3A_436 = tpu.memref_slice %arg7[%parallel_loop3A_432, %parallel_loop3A_433, %parallel_loop3A_434, %parallel_loop3A_435] : memref<2x8x8x129xf32, #tpu.memory_space<vmem>> -> memref<1x8x8x129xf32, #tpu.memory_space<vmem>>
      %parallel_loop3A_437 = tpu.memref_squeeze %parallel_loop3A_436 : memref<1x8x8x129xf32, #tpu.memory_space<vmem>> -> memref<8x8x129xf32, #tpu.memory_space<vmem>>
      tpu.vector_store_idx %parallel_loop3A_437[%add3A_15, %rem3A_6, %parallel_loop3A_395], %parallel_loop3A_431 : memref<8x8x129xf32, #tpu.memory_space<vmem>>[vector<16xi32>, vector<16xi32>, vector<16xi32>], vector<16xf32>,
      %parallel_loop3A_438 = arith.constant 0 : i32
      %parallel_loop3A_439 = arith.index_cast %parallel_loop3A_438 : i32 to index
      %parallel_loop3A_440 = arith.index_cast %parallel_loop3A_394 : i32 to index
      %parallel_loop3A_441 = arith.constant 48 : index
      %parallel_loop3A_442 = tpu.vector_load %arg6[%parallel_loop3A_439, %parallel_loop3A_440, %parallel_loop3A_441] {strides = array<i32>} : memref<2x128x64xf32, #tpu.memory_space<vmem>>, vector<16xf32>,
      %parallel_loop3A_443 = arith.constant 8.000000e+00 : f32
      %parallel_loop3A_444 = vector.broadcast %parallel_loop3A_443 : f32 to vector<16xf32>
      %parallel_loop3A_445 = arith.mulf %parallel_loop3A_442, %parallel_loop3A_444 : vector<16xf32>
      %parallel_loop3A_446 = arith.constant 0 : i32
      %parallel_loop3A_447 = arith.constant 0 : i32
      %parallel_loop3A_448 = arith.constant 0 : i32
      %parallel_loop3A_449 = arith.constant 0 : i32
      %parallel_loop3A_450 = tpu.memref_slice %arg7[%parallel_loop3A_446, %parallel_loop3A_447, %parallel_loop3A_448, %parallel_loop3A_449] : memref<2x8x8x129xf32, #tpu.memory_space<vmem>> -> memref<1x8x8x129xf32, #tpu.memory_space<vmem>>
      %parallel_loop3A_451 = tpu.memref_squeeze %parallel_loop3A_450 : memref<1x8x8x129xf32, #tpu.memory_space<vmem>> -> memref<8x8x129xf32, #tpu.memory_space<vmem>>
      tpu.vector_store_idx %parallel_loop3A_451[%add3A_18, %rem3A_6, %parallel_loop3A_395], %parallel_loop3A_445 : memref<8x8x129xf32, #tpu.memory_space<vmem>>[vector<16xi32>, vector<16xi32>, vector<16xi32>], vector<16xf32>,
    } {sc.loop_unroll_factor = 8 : i64, sc.parallel_access}
    %dma_start3A_260 = arith.constant 0 : i32
    %dma_start3A_261 = arith.constant 198 : i32
    %dma_start3A_262 = arith.constant 0 : i32
    %dma_start3A_263 = arith.constant 0 : i32
    %dma_start3A_264 = arith.constant 0 : i32
    %dma_start3A_265 = tpu.memref_slice %arg7[%dma_start3A_260, %dma_start3A_262, %dma_start3A_263, %dma_start3A_264] : memref<2x8x8x129xf32, #tpu.memory_space<vmem>> -> memref<1x8x8x128xf32, #tpu.memory_space<vmem>>
    %dma_start3A_266 = tpu.memref_squeeze %dma_start3A_265 : memref<1x8x8x128xf32, #tpu.memory_space<vmem>> -> memref<8x8x128xf32, #tpu.memory_space<vmem>>
    %dma_start3A_267 = arith.constant 0 : i32
    %dma_start3A_268 = arith.constant 0 : i32
    %dma_start3A_269 = arith.constant 0 : i32
    %dma_start3A_270 = tpu.memref_slice %arg4[%dma_start3A_261, %dma_start3A_267, %add3A, %dma_start3A_268, %dma_start3A_269] : memref<200x8x32x8x128xf32, #tpu.memory_space<hbm>> -> memref<1x8x1x8x128xf32, #tpu.memory_space<hbm>>
    %dma_start3A_271 = tpu.memref_squeeze %dma_start3A_270 : memref<1x8x1x8x128xf32, #tpu.memory_space<hbm>> -> memref<8x8x128xf32, #tpu.memory_space<hbm>>
    %dma_start3A_272 = arith.constant 0 : i32
    %dma_start3A_273 = arith.constant 0 : i32
    %dma_start3A_274 = arith.constant 0 : i32
    %dma_start3A_275 = tpu.memref_slice %arg4[%dma_start3A_261, %dma_start3A_272, %add3A, %dma_start3A_273, %dma_start3A_274] : memref<200x8x32x8x128xf32, #tpu.memory_space<hbm>> -> memref<1x8x1x8x128xf32, #tpu.memory_space<hbm>>
    %dma_start3A_276 = tpu.memref_squeeze %dma_start3A_275 : memref<1x8x1x8x128xf32, #tpu.memory_space<hbm>> -> memref<8x8x128xf32, #tpu.memory_space<hbm>>
    %dma_start3A_277 = arith.constant 0 : i32
    %dma_start3A_278 = arith.constant 0 : i32
    %dma_start3A_279 = arith.constant 0 : i32
    %dma_start3A_280 = tpu.memref_slice %arg7[%dma_start3A_260, %dma_start3A_277, %dma_start3A_278, %dma_start3A_279] : memref<2x8x8x129xf32, #tpu.memory_space<vmem>> -> memref<1x8x8x128xf32, #tpu.memory_space<vmem>>
    %dma_start3A_281 = tpu.memref_squeeze %dma_start3A_280 : memref<1x8x8x128xf32, #tpu.memory_space<vmem>> -> memref<8x8x128xf32, #tpu.memory_space<vmem>>
    tpu.enqueue_dma source(%dma_start3A_281 : memref<8x8x128xf32, #tpu.memory_space<vmem>>) target(%dma_start3A_276 : memref<8x8x128xf32, #tpu.memory_space<hbm>>) target_semaphore(%arg9 : memref<!tpu.dma_semaphore, #tpu.memory_space<semaphore_mem>>)
    %div3A_282 = arith.constant 199 : i32
    %div3A_283 = arith.constant 8 : i32
    %div3A_284 = arith.divsi %div3A_282, %div3A_283 : i32
    %rem3A_285 = arith.constant 2 : i32
    %rem3A_286 = arith.remsi %div3A_284, %rem3A_285 : i32
    %rem3A_287 = arith.constant 199 : i32
    %rem3A_288 = arith.constant 8 : i32
    %rem3A_289 = arith.remsi %rem3A_287, %rem3A_288 : i32
    %dma_wait3A_290 = arith.constant 1 : i32
    %dma_wait3A_291 = arith.constant 0 : i32
    %dma_wait3A_292 = arith.constant 0 : i32
    %dma_wait3A_293 = tpu.memref_slice %arg6[%dma_wait3A_290, %dma_wait3A_291, %dma_wait3A_292] : memref<2x128x64xf32, #tpu.memory_space<vmem>> -> memref<1x128x64xf32, #tpu.memory_space<vmem>>
    %dma_wait3A_294 = tpu.memref_squeeze %dma_wait3A_293 : memref<1x128x64xf32, #tpu.memory_space<vmem>> -> memref<128x64xf32, #tpu.memory_space<vmem>>
    %dma_wait3A_295 = arith.constant 0 : i32
    %dma_wait3A_296 = tpu.memref_slice %arg5[%rem3A_286, %rem3A_289, %dma_wait3A_295] : memref<2x8x128xi32, #tpu.memory_space<vmem>> -> memref<1x1x128xi32, #tpu.memory_space<vmem>>
    %dma_wait3A_297 = tpu.memref_squeeze %dma_wait3A_296 : memref<1x1x128xi32, #tpu.memory_space<vmem>> -> memref<128xi32, #tpu.memory_space<vmem>>
    %dma_wait3A_298 = arith.constant 0 : i32
    %dma_wait3A_299 = arith.constant 0 : i32
    %dma_wait3A_300 = tpu.memref_slice %arg3[%dma_wait3A_298, %dma_wait3A_299] : memref<1000000x64xf32, #tpu.memory_space<hbm>> -> memref<1000000x64xf32, #tpu.memory_space<hbm>>
    tpu.wait_indirect_dma semaphore(%arg8 : memref<!tpu.dma_semaphore, #tpu.memory_space<semaphore_mem>>) src(%dma_wait3A_300 : memref<1000000x64xf32, #tpu.memory_space<hbm>>) dst(%dma_wait3A_294 : memref<128x64xf32, #tpu.memory_space<vmem>>)
    %sub3A_301 = arith.constant 199 : i32
    %sub3A_302 = arith.constant 2 : i32
    %sub3A_303 = arith.subi %sub3A_301, %sub3A_302 : i32
    %dma_wait3A_304 = arith.constant 1 : i32
    %dma_wait3A_305 = arith.constant 0 : i32
    %dma_wait3A_306 = arith.constant 0 : i32
    %dma_wait3A_307 = arith.constant 0 : i32
    %dma_wait3A_308 = tpu.memref_slice %arg7[%dma_wait3A_304, %dma_wait3A_305, %dma_wait3A_306, %dma_wait3A_307] : memref<2x8x8x129xf32, #tpu.memory_space<vmem>> -> memref<1x8x8x128xf32, #tpu.memory_space<vmem>>
    %dma_wait3A_309 = tpu.memref_squeeze %dma_wait3A_308 : memref<1x8x8x128xf32, #tpu.memory_space<vmem>> -> memref<8x8x128xf32, #tpu.memory_space<vmem>>
    %dma_wait3A_310 = arith.constant 0 : i32
    %dma_wait3A_311 = arith.constant 0 : i32
    %dma_wait3A_312 = arith.constant 0 : i32
    %dma_wait3A_313 = tpu.memref_slice %arg4[%sub3A_303, %dma_wait3A_310, %add3A, %dma_wait3A_311, %dma_wait3A_312] : memref<200x8x32x8x128xf32, #tpu.memory_space<hbm>> -> memref<1x8x1x8x128xf32, #tpu.memory_space<hbm>>
    %dma_wait3A_314 = tpu.memref_squeeze %dma_wait3A_313 : memref<1x8x1x8x128xf32, #tpu.memory_space<hbm>> -> memref<8x8x128xf32, #tpu.memory_space<hbm>>
    %dma_wait3A_315 = arith.constant 0 : i32
    %dma_wait3A_316 = arith.constant 0 : i32
    %dma_wait3A_317 = arith.constant 0 : i32
    %dma_wait3A_318 = tpu.memref_slice %arg4[%sub3A_303, %dma_wait3A_315, %add3A, %dma_wait3A_316, %dma_wait3A_317] : memref<200x8x32x8x128xf32, #tpu.memory_space<hbm>> -> memref<1x8x1x8x128xf32, #tpu.memory_space<hbm>>
    %dma_wait3A_319 = tpu.memref_squeeze %dma_wait3A_318 : memref<1x8x1x8x128xf32, #tpu.memory_space<hbm>> -> memref<8x8x128xf32, #tpu.memory_space<hbm>>
    %dma_wait3A_320 = arith.constant 0 : i32
    %dma_wait3A_321 = arith.constant 0 : i32
    %dma_wait3A_322 = arith.constant 0 : i32
    %dma_wait3A_323 = tpu.memref_slice %arg7[%dma_wait3A_304, %dma_wait3A_320, %dma_wait3A_321, %dma_wait3A_322] : memref<2x8x8x129xf32, #tpu.memory_space<vmem>> -> memref<1x8x8x128xf32, #tpu.memory_space<vmem>>
    %dma_wait3A_324 = tpu.memref_squeeze %dma_wait3A_323 : memref<1x8x8x128xf32, #tpu.memory_space<vmem>> -> memref<8x8x128xf32, #tpu.memory_space<vmem>>
    tpu.wait_dma2 semaphore(%arg9 : memref<!tpu.dma_semaphore, #tpu.memory_space<semaphore_mem>>) src(%dma_wait3A_324 : memref<8x8x128xf32, #tpu.memory_space<vmem>>) dst(%dma_wait3A_319 : memref<8x8x128xf32, #tpu.memory_space<hbm>>)
    %parallel_loop3A_325 = arith.constant 0 : i32
    %parallel_loop3A_326 = arith.constant 128 : i32
    %parallel_loop3A_327 = arith.constant 1 : i32
    scf.for %parallel_loop3A_394 = %parallel_loop3A_325 to %parallel_loop3A_326 step %parallel_loop3A_327  : i32 {
      %parallel_loop3A_395 = vector.broadcast %parallel_loop3A_394 : i32 to vector<16xi32>
      %parallel_loop3A_396 = arith.constant 1 : i32
      %parallel_loop3A_397 = arith.index_cast %parallel_loop3A_396 : i32 to index
      %parallel_loop3A_398 = arith.index_cast %parallel_loop3A_394 : i32 to index
      %parallel_loop3A_399 = arith.constant 0 : index
      %parallel_loop3A_400 = tpu.vector_load %arg6[%parallel_loop3A_397, %parallel_loop3A_398, %parallel_loop3A_399] {strides = array<i32>} : memref<2x128x64xf32, #tpu.memory_space<vmem>>, vector<16xf32>,
      %parallel_loop3A_401 = arith.constant 8.000000e+00 : f32
      %parallel_loop3A_402 = vector.broadcast %parallel_loop3A_401 : f32 to vector<16xf32>
      %parallel_loop3A_403 = arith.mulf %parallel_loop3A_400, %parallel_loop3A_402 : vector<16xf32>
      %parallel_loop3A_404 = arith.constant 1 : i32
      %parallel_loop3A_405 = arith.constant 0 : i32
      %parallel_loop3A_406 = arith.constant 0 : i32
      %parallel_loop3A_407 = arith.constant 0 : i32
      %parallel_loop3A_408 = tpu.memref_slice %arg7[%parallel_loop3A_404, %parallel_loop3A_405, %parallel_loop3A_406, %parallel_loop3A_407] : memref<2x8x8x129xf32, #tpu.memory_space<vmem>> -> memref<1x8x8x129xf32, #tpu.memory_space<vmem>>
      %parallel_loop3A_409 = tpu.memref_squeeze %parallel_loop3A_408 : memref<1x8x8x129xf32, #tpu.memory_space<vmem>> -> memref<8x8x129xf32, #tpu.memory_space<vmem>>
      tpu.vector_store_idx %parallel_loop3A_409[%add3A_9, %rem3A_6, %parallel_loop3A_395], %parallel_loop3A_403 : memref<8x8x129xf32, #tpu.memory_space<vmem>>[vector<16xi32>, vector<16xi32>, vector<16xi32>], vector<16xf32>,
      %parallel_loop3A_410 = arith.constant 1 : i32
      %parallel_loop3A_411 = arith.index_cast %parallel_loop3A_410 : i32 to index
      %parallel_loop3A_412 = arith.index_cast %parallel_loop3A_394 : i32 to index
      %parallel_loop3A_413 = arith.constant 16 : index
      %parallel_loop3A_414 = tpu.vector_load %arg6[%parallel_loop3A_411, %parallel_loop3A_412, %parallel_loop3A_413] {strides = array<i32>} : memref<2x128x64xf32, #tpu.memory_space<vmem>>, vector<16xf32>,
      %parallel_loop3A_415 = arith.constant 8.000000e+00 : f32
      %parallel_loop3A_416 = vector.broadcast %parallel_loop3A_415 : f32 to vector<16xf32>
      %parallel_loop3A_417 = arith.mulf %parallel_loop3A_414, %parallel_loop3A_416 : vector<16xf32>
      %parallel_loop3A_418 = arith.constant 1 : i32
      %parallel_loop3A_419 = arith.constant 0 : i32
      %parallel_loop3A_420 = arith.constant 0 : i32
      %parallel_loop3A_421 = arith.constant 0 : i32
      %parallel_loop3A_422 = tpu.memref_slice %arg7[%parallel_loop3A_418, %parallel_loop3A_419, %parallel_loop3A_420, %parallel_loop3A_421] : memref<2x8x8x129xf32, #tpu.memory_space<vmem>> -> memref<1x8x8x129xf32, #tpu.memory_space<vmem>>
      %parallel_loop3A_423 = tpu.memref_squeeze %parallel_loop3A_422 : memref<1x8x8x129xf32, #tpu.memory_space<vmem>> -> memref<8x8x129xf32, #tpu.memory_space<vmem>>
      tpu.vector_store_idx %parallel_loop3A_423[%add3A_12, %rem3A_6, %parallel_loop3A_395], %parallel_loop3A_417 : memref<8x8x129xf32, #tpu.memory_space<vmem>>[vector<16xi32>, vector<16xi32>, vector<16xi32>], vector<16xf32>,
      %parallel_loop3A_424 = arith.constant 1 : i32
      %parallel_loop3A_425 = arith.index_cast %parallel_loop3A_424 : i32 to index
      %parallel_loop3A_426 = arith.index_cast %parallel_loop3A_394 : i32 to index
      %parallel_loop3A_427 = arith.constant 32 : index
      %parallel_loop3A_428 = tpu.vector_load %arg6[%parallel_loop3A_425, %parallel_loop3A_426, %parallel_loop3A_427] {strides = array<i32>} : memref<2x128x64xf32, #tpu.memory_space<vmem>>, vector<16xf32>,
      %parallel_loop3A_429 = arith.constant 8.000000e+00 : f32
      %parallel_loop3A_430 = vector.broadcast %parallel_loop3A_429 : f32 to vector<16xf32>
      %parallel_loop3A_431 = arith.mulf %parallel_loop3A_428, %parallel_loop3A_430 : vector<16xf32>
      %parallel_loop3A_432 = arith.constant 1 : i32
      %parallel_loop3A_433 = arith.constant 0 : i32
      %parallel_loop3A_434 = arith.constant 0 : i32
      %parallel_loop3A_435 = arith.constant 0 : i32
      %parallel_loop3A_436 = tpu.memref_slice %arg7[%parallel_loop3A_432, %parallel_loop3A_433, %parallel_loop3A_434, %parallel_loop3A_435] : memref<2x8x8x129xf32, #tpu.memory_space<vmem>> -> memref<1x8x8x129xf32, #tpu.memory_space<vmem>>
      %parallel_loop3A_437 = tpu.memref_squeeze %parallel_loop3A_436 : memref<1x8x8x129xf32, #tpu.memory_space<vmem>> -> memref<8x8x129xf32, #tpu.memory_space<vmem>>
      tpu.vector_store_idx %parallel_loop3A_437[%add3A_15, %rem3A_6, %parallel_loop3A_395], %parallel_loop3A_431 : memref<8x8x129xf32, #tpu.memory_space<vmem>>[vector<16xi32>, vector<16xi32>, vector<16xi32>], vector<16xf32>,
      %parallel_loop3A_438 = arith.constant 1 : i32
      %parallel_loop3A_439 = arith.index_cast %parallel_loop3A_438 : i32 to index
      %parallel_loop3A_440 = arith.index_cast %parallel_loop3A_394 : i32 to index
      %parallel_loop3A_441 = arith.constant 48 : index
      %parallel_loop3A_442 = tpu.vector_load %arg6[%parallel_loop3A_439, %parallel_loop3A_440, %parallel_loop3A_441] {strides = array<i32>} : memref<2x128x64xf32, #tpu.memory_space<vmem>>, vector<16xf32>,
      %parallel_loop3A_443 = arith.constant 8.000000e+00 : f32
      %parallel_loop3A_444 = vector.broadcast %parallel_loop3A_443 : f32 to vector<16xf32>
      %parallel_loop3A_445 = arith.mulf %parallel_loop3A_442, %parallel_loop3A_444 : vector<16xf32>
      %parallel_loop3A_446 = arith.constant 1 : i32
      %parallel_loop3A_447 = arith.constant 0 : i32
      %parallel_loop3A_448 = arith.constant 0 : i32
      %parallel_loop3A_449 = arith.constant 0 : i32
      %parallel_loop3A_450 = tpu.memref_slice %arg7[%parallel_loop3A_446, %parallel_loop3A_447, %parallel_loop3A_448, %parallel_loop3A_449] : memref<2x8x8x129xf32, #tpu.memory_space<vmem>> -> memref<1x8x8x129xf32, #tpu.memory_space<vmem>>
      %parallel_loop3A_451 = tpu.memref_squeeze %parallel_loop3A_450 : memref<1x8x8x129xf32, #tpu.memory_space<vmem>> -> memref<8x8x129xf32, #tpu.memory_space<vmem>>
      tpu.vector_store_idx %parallel_loop3A_451[%add3A_18, %rem3A_6, %parallel_loop3A_395], %parallel_loop3A_445 : memref<8x8x129xf32, #tpu.memory_space<vmem>>[vector<16xi32>, vector<16xi32>, vector<16xi32>], vector<16xf32>,
    } {sc.loop_unroll_factor = 8 : i64, sc.parallel_access}
    %dma_start3A_328 = arith.constant 1 : i32
    %dma_start3A_329 = arith.constant 199 : i32
    %dma_start3A_330 = arith.constant 0 : i32
    %dma_start3A_331 = arith.constant 0 : i32
    %dma_start3A_332 = arith.constant 0 : i32
    %dma_start3A_333 = tpu.memref_slice %arg7[%dma_start3A_328, %dma_start3A_330, %dma_start3A_331, %dma_start3A_332] : memref<2x8x8x129xf32, #tpu.memory_space<vmem>> -> memref<1x8x8x128xf32, #tpu.memory_space<vmem>>
    %dma_start3A_334 = tpu.memref_squeeze %dma_start3A_333 : memref<1x8x8x128xf32, #tpu.memory_space<vmem>> -> memref<8x8x128xf32, #tpu.memory_space<vmem>>
    %dma_start3A_335 = arith.constant 0 : i32
    %dma_start3A_336 = arith.constant 0 : i32
    %dma_start3A_337 = arith.constant 0 : i32
    %dma_start3A_338 = tpu.memref_slice %arg4[%dma_start3A_329, %dma_start3A_335, %add3A, %dma_start3A_336, %dma_start3A_337] : memref<200x8x32x8x128xf32, #tpu.memory_space<hbm>> -> memref<1x8x1x8x128xf32, #tpu.memory_space<hbm>>
    %dma_start3A_339 = tpu.memref_squeeze %dma_start3A_338 : memref<1x8x1x8x128xf32, #tpu.memory_space<hbm>> -> memref<8x8x128xf32, #tpu.memory_space<hbm>>
    %dma_start3A_340 = arith.constant 0 : i32
    %dma_start3A_341 = arith.constant 0 : i32
    %dma_start3A_342 = arith.constant 0 : i32
    %dma_start3A_343 = tpu.memref_slice %arg4[%dma_start3A_329, %dma_start3A_340, %add3A, %dma_start3A_341, %dma_start3A_342] : memref<200x8x32x8x128xf32, #tpu.memory_space<hbm>> -> memref<1x8x1x8x128xf32, #tpu.memory_space<hbm>>
    %dma_start3A_344 = tpu.memref_squeeze %dma_start3A_343 : memref<1x8x1x8x128xf32, #tpu.memory_space<hbm>> -> memref<8x8x128xf32, #tpu.memory_space<hbm>>
    %dma_start3A_345 = arith.constant 0 : i32
    %dma_start3A_346 = arith.constant 0 : i32
    %dma_start3A_347 = arith.constant 0 : i32
    %dma_start3A_348 = tpu.memref_slice %arg7[%dma_start3A_328, %dma_start3A_345, %dma_start3A_346, %dma_start3A_347] : memref<2x8x8x129xf32, #tpu.memory_space<vmem>> -> memref<1x8x8x128xf32, #tpu.memory_space<vmem>>
    %dma_start3A_349 = tpu.memref_squeeze %dma_start3A_348 : memref<1x8x8x128xf32, #tpu.memory_space<vmem>> -> memref<8x8x128xf32, #tpu.memory_space<vmem>>
    tpu.enqueue_dma source(%dma_start3A_349 : memref<8x8x128xf32, #tpu.memory_space<vmem>>) target(%dma_start3A_344 : memref<8x8x128xf32, #tpu.memory_space<hbm>>) target_semaphore(%arg9 : memref<!tpu.dma_semaphore, #tpu.memory_space<semaphore_mem>>)
    %dma_wait3A_350 = arith.constant 0 : i32
    %dma_wait3A_351 = arith.constant 198 : i32
    %dma_wait3A_352 = arith.constant 0 : i32
    %dma_wait3A_353 = arith.constant 0 : i32
    %dma_wait3A_354 = arith.constant 0 : i32
    %dma_wait3A_355 = tpu.memref_slice %arg7[%dma_wait3A_350, %dma_wait3A_352, %dma_wait3A_353, %dma_wait3A_354] : memref<2x8x8x129xf32, #tpu.memory_space<vmem>> -> memref<1x8x8x128xf32, #tpu.memory_space<vmem>>
    %dma_wait3A_356 = tpu.memref_squeeze %dma_wait3A_355 : memref<1x8x8x128xf32, #tpu.memory_space<vmem>> -> memref<8x8x128xf32, #tpu.memory_space<vmem>>
    %dma_wait3A_357 = arith.constant 0 : i32
    %dma_wait3A_358 = arith.constant 0 : i32
    %dma_wait3A_359 = arith.constant 0 : i32
    %dma_wait3A_360 = tpu.memref_slice %arg4[%dma_wait3A_351, %dma_wait3A_357, %add3A, %dma_wait3A_358, %dma_wait3A_359] : memref<200x8x32x8x128xf32, #tpu.memory_space<hbm>> -> memref<1x8x1x8x128xf32, #tpu.memory_space<hbm>>
    %dma_wait3A_361 = tpu.memref_squeeze %dma_wait3A_360 : memref<1x8x1x8x128xf32, #tpu.memory_space<hbm>> -> memref<8x8x128xf32, #tpu.memory_space<hbm>>
    %dma_wait3A_362 = arith.constant 0 : i32
    %dma_wait3A_363 = arith.constant 0 : i32
    %dma_wait3A_364 = arith.constant 0 : i32
    %dma_wait3A_365 = tpu.memref_slice %arg4[%dma_wait3A_351, %dma_wait3A_362, %add3A, %dma_wait3A_363, %dma_wait3A_364] : memref<200x8x32x8x128xf32, #tpu.memory_space<hbm>> -> memref<1x8x1x8x128xf32, #tpu.memory_space<hbm>>
    %dma_wait3A_366 = tpu.memref_squeeze %dma_wait3A_365 : memref<1x8x1x8x128xf32, #tpu.memory_space<hbm>> -> memref<8x8x128xf32, #tpu.memory_space<hbm>>
    %dma_wait3A_367 = arith.constant 0 : i32
    %dma_wait3A_368 = arith.constant 0 : i32
    %dma_wait3A_369 = arith.constant 0 : i32
    %dma_wait3A_370 = tpu.memref_slice %arg7[%dma_wait3A_350, %dma_wait3A_367, %dma_wait3A_368, %dma_wait3A_369] : memref<2x8x8x129xf32, #tpu.memory_space<vmem>> -> memref<1x8x8x128xf32, #tpu.memory_space<vmem>>
    %dma_wait3A_371 = tpu.memref_squeeze %dma_wait3A_370 : memref<1x8x8x128xf32, #tpu.memory_space<vmem>> -> memref<8x8x128xf32, #tpu.memory_space<vmem>>
    tpu.wait_dma2 semaphore(%arg9 : memref<!tpu.dma_semaphore, #tpu.memory_space<semaphore_mem>>) src(%dma_wait3A_371 : memref<8x8x128xf32, #tpu.memory_space<vmem>>) dst(%dma_wait3A_366 : memref<8x8x128xf32, #tpu.memory_space<hbm>>)
    %dma_wait3A_372 = arith.constant 1 : i32
    %dma_wait3A_373 = arith.constant 199 : i32
    %dma_wait3A_374 = arith.constant 0 : i32
    %dma_wait3A_375 = arith.constant 0 : i32
    %dma_wait3A_376 = arith.constant 0 : i32
    %dma_wait3A_377 = tpu.memref_slice %arg7[%dma_wait3A_372, %dma_wait3A_374, %dma_wait3A_375, %dma_wait3A_376] : memref<2x8x8x129xf32, #tpu.memory_space<vmem>> -> memref<1x8x8x128xf32, #tpu.memory_space<vmem>>
    %dma_wait3A_378 = tpu.memref_squeeze %dma_wait3A_377 : memref<1x8x8x128xf32, #tpu.memory_space<vmem>> -> memref<8x8x128xf32, #tpu.memory_space<vmem>>
    %dma_wait3A_379 = arith.constant 0 : i32
    %dma_wait3A_380 = arith.constant 0 : i32
    %dma_wait3A_381 = arith.constant 0 : i32
    %dma_wait3A_382 = tpu.memref_slice %arg4[%dma_wait3A_373, %dma_wait3A_379, %add3A, %dma_wait3A_380, %dma_wait3A_381] : memref<200x8x32x8x128xf32, #tpu.memory_space<hbm>> -> memref<1x8x1x8x128xf32, #tpu.memory_space<hbm>>
    %dma_wait3A_383 = tpu.memref_squeeze %dma_wait3A_382 : memref<1x8x1x8x128xf32, #tpu.memory_space<hbm>> -> memref<8x8x128xf32, #tpu.memory_space<hbm>>
    %dma_wait3A_384 = arith.constant 0 : i32
    %dma_wait3A_385 = arith.constant 0 : i32
    %dma_wait3A_386 = arith.constant 0 : i32
    %dma_wait3A_387 = tpu.memref_slice %arg4[%dma_wait3A_373, %dma_wait3A_384, %add3A, %dma_wait3A_385, %dma_wait3A_386] : memref<200x8x32x8x128xf32, #tpu.memory_space<hbm>> -> memref<1x8x1x8x128xf32, #tpu.memory_space<hbm>>
    %dma_wait3A_388 = tpu.memref_squeeze %dma_wait3A_387 : memref<1x8x1x8x128xf32, #tpu.memory_space<hbm>> -> memref<8x8x128xf32, #tpu.memory_space<hbm>>
    %dma_wait3A_389 = arith.constant 0 : i32
    %dma_wait3A_390 = arith.constant 0 : i32
    %dma_wait3A_391 = arith.constant 0 : i32
    %dma_wait3A_392 = tpu.memref_slice %arg7[%dma_wait3A_372, %dma_wait3A_389, %dma_wait3A_390, %dma_wait3A_391] : memref<2x8x8x129xf32, #tpu.memory_space<vmem>> -> memref<1x8x8x128xf32, #tpu.memory_space<vmem>>
    %dma_wait3A_393 = tpu.memref_squeeze %dma_wait3A_392 : memref<1x8x8x128xf32, #tpu.memory_space<vmem>> -> memref<8x8x128xf32, #tpu.memory_space<vmem>>
    tpu.wait_dma2 semaphore(%arg9 : memref<!tpu.dma_semaphore, #tpu.memory_space<semaphore_mem>>) src(%dma_wait3A_393 : memref<8x8x128xf32, #tpu.memory_space<vmem>>) dst(%dma_wait3A_388 : memref<8x8x128xf32, #tpu.memory_space<hbm>>)
    return
  }
}

</mosaic_0001>

<sc_bundles>
// kernel: kernel.3.cloned.1.call-start
scs
__scs_entry_jumppad:
0x0: {  	(pc) =	sbr.rel $0x88, $3  }
0x1: {  	(tag) =	ssettag $0x0;
	lr =	simm.s32 $0x1  }
0x2: {  	[smem:$0x3F9F] =	sst lr;
	_ =	strace $0xD0000000  }
0x3: {  	_ = 	snop  }
0x4: {  	_ = 	snop  }
0x5: {  	_ = 	snop  }
0x6: {  	_ = 	snop  }
0x7: {  	_ = 	snop  }
__scs_overlays_trampoline_lowered:
0x8: {  	[smem:$0x3FAE] =	sst s0  }
0x9: {  	[smem:$0x3FAF] =	sst s1  }
0xa: {  	[smem:$0x3FB0] =	sst s2  }
0xb: {  	[smem:$0x3FB1] =	sst s3  }
0xc: {  	[smem:$0x3FB2] =	sst s4  }
0xd: {  	[smem:$0x3FB3] =	sst s5  }
0xe: {  	[smem:$0x3FB4] =	sst s6  }
0xf: {  	[smem:$0x3FB5] =	sst s7  }
0x10: {  	[smem:$0x3FB6] =	sst s8  }
0x11: {  	[smem:$0x3FB7] =	sst s9;
	s0 =	simm.s32 @!p0 $0x0  }
0x12: {  	s1 =	sld [smem:$0x3F9D];
	s0 =	simm.s32 @p0 $0x1  }
0x13: {  	[smem:$0x3FB8] =	sst s0;
	s0 =	simm.s32 @!p1 $0x0  }
0x14: {  	s2 =	sld [smem:$0x3F9C];
	s0 =	simm.s32 @p1 $0x1  }
0x15: {  	[smem:$0x3FB9] =	sst s0;
	s0 =	simm.s32 @!p2 $0x0  }
0x16: {  	s3 =	sld [smem:$0x3FDB];
	s0 =	simm.s32 @p2 $0x1  }
0x17: {  	s4 =	simm.s32 $0x1BF5;
	[smem:$0x3FBB] =	sst s0  }
0x18: {  	s0 =	sld [smem:$0x3F9E];
	_ =	swait.ge [sflag:s4], $0x0  }
0x19: {  	s7 =	sld [smem:$0x3F9F]  }
0x1a: {  	s8 =	sadd.s32 $0xFFFFE003, lr  }
0x1b: {  	s9 =	sadd.s32 $0xFFFFFEF7, lr;
	s5 =	simm.s32 $0xFFFFFFFF;
	p2 =	slt.u32 s8, $0xFFFFF086  }
0x1c: {  	p1 =	slt.u32 s9, $0xF7A;
	s5 =	simm.s32 @!p2 $0x0  }
0x1d: {  	s5 =	simm.s32 @p1 $0x1;
	p0 =	seq.s32 s7, s2  }
0x1e: {  	s7 =	smul.u32 @!p0 $0xF7A, s2;
	p2 =	seq.s32 @!p0 s5, $0x0  }
0x1f: {  	s9 =	smul.u32 $0xF7A, s1;
	s8 =	simm.s32 @!p0 $0x1BF5;
	p2 =	por !p2, p0  }
0x20: {  	[sflag:s8] =	ssyncset.s32 @!p0 $0xFFFFF086;
	s6 =	sadd.s32 @!p0 s3, s7;
	s7 =	simm.s32 @!p0 $0x108  }
0x21: {  	s3 =	sadd.s32 s3, s9;
	s6 =	sadd.s32 @!p0 $0x88, s6;
	s7 =	simm.s32 @p2 $0x1082  }
0x22: {  	[simem:s7], [sflag:s8] =	dma.local @!p0 [hbm:s6], $0xF7A  }
0x23: {  	s9 =	sor.u32 $0xD0000000, s2;
	s6 =	simm.s32 $0x108;
	_ =	swait.ge @!p0 [sflag:s8], $0x0  }
0x24: {  	s3 =	sadd.s32 $0x88, s3;
	s6 =	simm.s32 @!p1 $0x1082;
	[sflag:s4] =	ssyncset.s32 $0xFFFFF086  }
0x25: {  	[simem:s6], [sflag:s4] =	dma.local [hbm:s3], $0xF7A  }
0x26: {  	[smem:$0x3F9F] =	sst s1;
	(tag) =	ssettag s2;
	_ =	strace s9  }
0x27: {  	s1 =	sld [smem:$0x3FAF]  }
0x28: {  	s2 =	sld [smem:$0x3FB0]  }
0x29: {  	s4 =	sld [smem:$0x3FB2]  }
0x2a: {  	p0 =	seq.s32 s5, $0x0;
	s5 =	sld [smem:$0x3FB3]  }
0x2b: {  	s6 =	sld [smem:$0x3FB4]  }
0x2c: {  	s7 =	sld [smem:$0x3FB5]  }
0x2d: {  	s3 =	simm.s32 $0x108;
	s8 =	sld [smem:$0x3FB6]  }
0x2e: {  	s3 =	simm.s32 @!p0 $0x1082;
	s9 =	sld [smem:$0x3FB7]  }
0x2f: {  	lr =	sadd.s32 s0, s3;
	s0 =	sld [smem:$0x3FAE]  }
0x30: {  	s3 =	sld [smem:$0x3FB1]  }
0x31: {  	[smem:$0x3FBA] =	sst s10  }
0x32: {  	s10 =	sld [smem:$0x3FB8];
	_ =	sdelay $0x3  }
0x33: {  	p0 =	seq.s32 s10, $0x1;
	s10 =	sld [smem:$0x3FBA];
	_ =	sdelay $0x3  }
0x34: {  	[smem:$0x3FBA] =	sst s10  }
0x35: {  	s10 =	sld [smem:$0x3FB9];
	_ =	sdelay $0x3  }
0x36: {  	p1 =	seq.s32 s10, $0x1;
	s10 =	sld [smem:$0x3FBA];
	_ =	sdelay $0x3  }
0x37: {  	[smem:$0x3FBA] =	sst s10  }
0x38: {  	s10 =	sld [smem:$0x3FBB]  }
0x39: {  	_ = 	snop;
	(pc) =	sbr.ind lr, $3  }
0x3a: {  	_ = 	snop  }
0x3b: {  	_ = 	snop  }
0x3c: {  	p2 =	seq.s32 s10, $0x1;
	s10 =	sld [smem:$0x3FBA]  }
0x3d: {  	_ =	shalt  }
0x3e: {  	_ =	shalt  }
0x3f: {  	_ =	shalt  }
0x40: {  	_ =	shalt  }
0x41: {  	_ =	shalt  }
0x42: {  	_ =	shalt  }
0x43: {  	_ =	shalt  }
0x44: {  	_ =	shalt  }
0x45: {  	_ =	shalt  }
0x46: {  	_ =	shalt  }
0x47: {  	_ =	shalt  }
0x48: {  	_ =	shalt  }
0x49: {  	_ =	shalt  }
0x4a: {  	_ =	shalt  }
0x4b: {  	_ =	shalt  }
0x4c: {  	_ =	shalt  }
0x4d: {  	_ =	shalt  }
0x4e: {  	_ =	shalt  }
0x4f: {  	_ =	shalt  }
0x50: {  	_ =	shalt  }
0x51: {  	_ =	shalt  }
0x52: {  	_ =	shalt  }
0x53: {  	_ =	shalt  }
0x54: {  	_ =	shalt  }
0x55: {  	_ =	shalt  }
0x56: {  	_ =	shalt  }
0x57: {  	_ =	shalt  }
0x58: {  	_ =	shalt  }
0x59: {  	_ =	shalt  }
0x5a: {  	_ =	shalt  }
0x5b: {  	_ =	shalt  }
0x5c: {  	_ =	shalt  }
0x5d: {  	_ =	shalt  }
0x5e: {  	_ =	shalt  }
0x5f: {  	_ =	shalt  }
0x60: {  	_ =	shalt  }
0x61: {  	_ =	shalt  }
0x62: {  	_ =	shalt  }
0x63: {  	_ =	shalt  }
0x64: {  	_ =	shalt  }
0x65: {  	_ =	shalt  }
0x66: {  	_ =	shalt  }
0x67: {  	_ =	shalt  }
0x68: {  	_ =	shalt  }
0x69: {  	_ =	shalt  }
0x6a: {  	_ =	shalt  }
0x6b: {  	_ =	shalt  }
0x6c: {  	_ =	shalt  }
0x6d: {  	_ =	shalt  }
0x6e: {  	_ =	shalt  }
0x6f: {  	_ =	shalt  }
0x70: {  	_ =	shalt  }
0x71: {  	_ =	shalt  }
0x72: {  	_ =	shalt  }
0x73: {  	_ =	shalt  }
0x74: {  	_ =	shalt  }
0x75: {  	_ =	shalt  }
0x76: {  	_ =	shalt  }
0x77: {  	_ =	shalt  }
0x78: {  	_ =	shalt  }
0x79: {  	_ =	shalt  }
0x7a: {  	_ =	shalt  }
0x7b: {  	_ =	shalt  }
0x7c: {  	_ =	shalt  }
0x7d: {  	_ =	shalt  }
0x7e: {  	_ =	shalt  }
0x7f: {  	_ =	shalt  }
0x80: {  	_ =	shalt  }
0x81: {  	_ =	shalt  }
0x82: {  	_ =	shalt  }
0x83: {  	_ =	shalt  }
0x84: {  	_ =	shalt  }
0x85: {  	_ =	shalt  }
0x86: {  	_ =	shalt  }
0x87: {  	_ =	shalt  }
.Lfunc_end0:
.L_simem_size_0:
called_computation_lowered:
.L_overlay_start_0:
0x88: {  	s2 =	sld [smem:$0x3FD9]  }
0x89: {  	s3 =	sld [smem:$0x3FFE];
	_ =	sdelay $0x1  }
0x8a: {  	s1 =	srdreg.scid  }
0x8b: {  	s0 =	sand.u32 $0x1, s1  }
0x8c: {  	s17 =	sshll.u32 s0, $0xA;
	s2 =	sadd.s32 s3, s2  }
0x8d: {  	s2 =	sadd.s32 s2, s17  }
0x8e: {  	[smem:$0x3FC6] =	sst s2  }
0x8f: {  	_ = 	snop  }
0x90: {  	s2 =	sld [smem:$0x3FD0];
	(tm) =	ssettm $0x1  }
0x91: {  	s18 =	sld [smem:$0x3FFB];
	_ =	sdelay $0x3  }
0x92: {  	_ =	strace s18  }
0x93: {  	s3 =	sld [smem:$0x3FFC];
	_ =	sdelay $0x3  }
0x94: {  	_ =	strace s3  }
0x95: {  	s3 =	sld [smem:$0x3FFD];
	_ =	sdelay $0x3  }
0x96: {  	_ =	strace s3  }
0x97: {  	_ =	strace $0x8FFFFFFF  }
0x98: {  	s19 =	sld [smem:$0x3FDB];
	_ =	sdelay $0x1  }
0x99: {  	s4 =	simm.s32 $_scs_section_size  }
0x9a: {  	s5 =	simm.s32 $_size__tile_overlayer_lowered;
	s6 =	simm.s32 $_tile_overlayer_lowered  }
0x9b: {  	s22 =	simm.s32 $0x1BFF;
	s21 =	sshll.u32 s6, $0x1;
	s3 =	sadd.s32 s4, s19  }
0x9c: {  	s7 =	simm.s32 $0x0;
	s20 =	sshll.u32 s5, $0x1;
	s5 =	sadd.s32 s21, s3  }
0x9d: {  	[timem:s7], [sflag:s22] =	dma.local [hbm:s5], s20  }
0x9e: {  	_ =	swait.ge [sflag:s22], s20  }
0x9f: {  	s4 =	ssub.s32 $0x0, s20;
	[sflag:s22] =	ssyncset.done $0x0  }
0xa0: {  	[sflag:s22] =	ssyncadd.s32 s4;
	_ =	sdelay $0x1  }
0xa1: {  	s23 =	simm.s32 $0x1B8B  }
0xa2: {  	_ =	swait.ge [sflag:s23], $0x1  }
0xa3: {  	[sflag:s23] =	ssyncset.done $0x0  }
0xa4: {  	s25 =	simm.s32 $0x1B8E;
	s24 =	sld [smem:$0x3FFE];
	[sflag:s23] =	ssyncadd.s32 $0xFFFFFFFF  }
0xa5: {  	s26 =	simm.s32 $execute0_lowered;
	[smem:$0x3FD2] =	sst s25  }
0xa6: {  	s5 =	sshll.u32 s26, $0x1;
	_ =	strace $0x80000046;
	[dreg:$0x1] =	wrdreg $0xFFFFFFFF  }
0xa7: {  	s28 =	simm.s32 $_size_execute0_lowered;
	s3 =	sadd.s32 s3, s5;
	[dreg:$0x0] =	wrdreg $0x0  }
0xa8: {  	s5 =	sshll.u32 s28, $0x1;
	[dreg:$0x2] =	wrdreg s3  }
0xa9: {  	[dreg:$0x3] =	wrdreg s5  }
0xaa: {  	[dreg:$0x4] =	wrdreg $0xC0  }
0xab: {  	_ =	task [dreg:s7], $0x5FFFF  }
0xac: {  	[dreg:$0x1] =	wrdreg $0xFFFFFFFF  }
0xad: {  	[dreg:$0x0] =	wrdreg $0x60  }
0xae: {  	[dreg:$0x2] =	wrdreg s24  }
0xaf: {  	[dreg:$0x3] =	wrdreg s2  }
0xb0: {  	[dreg:$0x4] =	wrdreg $0x9  }
0xb1: {  	_ =	task.clear_ibuf [dreg:s7], $0x5FFFF;
	_ =	strace $0x90000046  }
0xb2: {  	s29 =	simm.s32 $0x9;
	_ =	strace $0x80000048  }
0xb3: {  	_ =	swait.ge [sflag:s29], $0x1  }
0xb4: {  	[sflag:s29] =	ssyncadd.s32 $0xFFFFFFFF  }
0xb5: {  	_ =	strace $0x90000048  }
0xb6: {  	_ =	sfence  }
0xb7: {  	s30 =	sld [smem:$0x0];
	_ =	sdelay $0x2  }
0xb8: {  	s31 =	sshll.u32 s1, $0xD;
	s1 =	sshrl.u32 s1, $0x2  }
0xb9: {  	s3 =	sand.u32 $0x4000, s31;
	s1 =	sadd.s32 s1, s30  }
0xba: {  	s0 =	sor.u32 s3, s0;
	s1 =	sshll.u32 s1, $0x11  }
0xbb: {  	s0 =	sor.u32 s1, s0  }
0xbc: {  	s0 =	sadd.s32 $0x8F2B, s0  }
0xbd: {  	[sflag:s0] =	ssyncadd.remote.s32 $0x1  }
0xbe: {  	_ =	sfence.sel $0xFFFF  }
0xbf: {  	[dreg:$0x0] =	wrdreg $0xFFFFFFFF;
	(pc) =	sbr.abs _section_cstart, $3  }
0xc0: {  	[dreg:$0x1] =	wrdreg $0xFFFFFFFF  }
0xc1: {  	_ =	task.clear_ibuf [dreg:s7], $0x2FFFF;
	_ =	strace $0x9FFFFFFF  }
0xc2: {  	(tm) =	ssettm $0x7FFFFFFF  }
0xc3: {  	_ =	shalt  }
tec
execute0_lowered:
.L_overlay_start_1:
0x0: {  	(tag) =	ssettag $0x1  }
0x1: {  	v0 =	vlaneseq.u32  }
0x2: {  	s0 =	rddreg [dreg:$0x0];
	s3 =	simm.s32 $0x0;
	v22 =	vmul.u32 $0x88, v0  }
0x3: {  	[smem:$0x7FF] =	sst s3  }
0x4: {  	s1 =	rddreg [dreg:$0x1];
	_ =	strace $0x80000047;
	v2 =	vadd.s32 $0x1981, v22;
	[tilespmem:$0x1FEA0] =	vst v22  }
0x5: {  	v4 =	vadd.s32 $0x1106, v22;
	[tilespmem:$0x1FE50] =	vst v2  }
0x6: {  	v7 =	vadd.s32 $0x880, v22;
	[tilespmem:$0x1FE80] =	vst v4  }
0x7: {  	v18 =	vadd.s32 $0x1100, v22;
	[tilespmem:$0x1FEB0] =	vst v7  }
0x8: {  	v0 =	vadd.s32 $0x1980, v22;
	[tilespmem:$0x1FEC0] =	vst v18  }
0x9: {  	v25 =	vor.u32 $0x1, v22;
	[tilespmem:$0x1FED0] =	vst v0  }
0xa: {  	v31 =	vadd.s32 $0x1101, v22;
	[tilespmem:$0x1FEE0] =	vst v25  }
0xb: {  	v19 =	vor.u32 $0x2, v22;
	[tilespmem:$0x1FEF0] =	vst v31  }
0xc: {  	v24 =	vadd.s32 $0x1102, v22;
	[tilespmem:$0x1FF00] =	vst v19  }
0xd: {  	v23 =	vadd.s32 $0x1982, v22;
	[tilespmem:$0x1FF10] =	vst v24  }
0xe: {  	v53 =	vor.u32 $0x3, v22;
	[tilespmem:$0x1FF20] =	vst v23  }
0xf: {  	v6 =	vadd.s32 $0x1983, v22;
	[tilespmem:$0x1FF30] =	vst v53  }
0x10: {  	v15 =	vor.u32 $0x4, v22;
	[tilespmem:$0x1FF40] =	vst v6  }
0x11: {  	v8 =	vadd.s32 $0x1104, v22;
	[tilespmem:$0x1FF50] =	vst v15  }
0x12: {  	v20 =	vadd.s32 $0x1984, v22;
	[tilespmem:$0x1FF60] =	vst v8  }
0x13: {  	v28 =	vor.u32 $0x5, v22;
	[tilespmem:$0x1FF70] =	vst v20  }
0x14: {  	v59 =	vadd.s32 $0x1985, v22;
	[tilespmem:$0x1FF80] =	vst v28  }
0x15: {  	s2 =	srdreg.scid;
	s4 =	stileid.u32;
	s13 =	simm.s32 $0x80;
	v9 =	vor.u32 $0x6, v22;
	[tilespmem:$0x1FF90] =	vst v59  }
0x16: {  	s15 =	simm.s32 $0x3;
	s16 =	simm.s32 $0x800;
	s17 =	simm.s32 $0x2800;
	v21 =	vadd.s32 $0x1986, v22;
	[tilespmem:$0x1FFA0] =	vst v9  }
0x17: {  	s18 =	simm.s32 $0x1;
	s19 =	simm.s32 $0x4800;
	s20 =	simm.s32 $0x100;
	v12 =	vor.u32 $0x7, v22;
	[tilespmem:$0x1FFB0] =	vst v21  }
0x18: {  	s21 =	simm.s32 $0x6A00;
	s22 =	simm.s32 $0x180;
	s23 =	simm.s32 $0x2;
	v29 =	vadd.s32 $0x1107, v22;
	[tilespmem:$0x1FFC0] =	vst v12  }
0x19: {  	s24 =	simm.s32 $0x0;
	s2 =	sand.u32 $0x1, s2;
	s4 =	sshll.u32 s4, $0x1;
	v14 =	vadd.s32 $0x882, v22;
	[tilespmem:$0x1FFD0] =	vst v29  }
0x1a: {  	v1 =	vimm.s32 $0x0;
	s6 =	sadd.s32 $0x8000, s1;
	s5 =	sor.u32 s2, s4;
	s2 =	ssub.s32 $0x2, s2;
	v32 =	vadd.s32 $0x887, v22;
	[tilespmem:$0x1FFE0] =	vst v14  }
0x1b: {  	vm0 =	vcmask $0x300;
	s4 =	sshll.u32 s5, $0x4;
	s31 =	sshrl.u32 s2, $0x1;
	s5 =	sshll.u32 s5, $0x7;
	v2 =	vadd.s32 $0x1103, v22;
	v4 =	vadd.s32 $0x1987, v22;
	[tilespmem:$0x1FFF0] =	vst v32  }
0x1c: {  	v1 =	vsel vm0, $0x3, v1;
	s7 =	sadd.s32 s4, s0;
	s4 =	sadd.s32 $0xF42A00, s0;
	s0 =	ssub.s32 s2, s31;
	[tilespmem:$0x1FE60] =	vst v2  }
0x1d: {  	v27 =	vadd.s32 $0x881, v22;
	v10 =	vadd.s32 $0x883, v22;
	s8 =	sadd.s32 s1, s5;
	s9 =	sadd.s32 s5, s6;
	s7 =	sadd.s32 $0x600, s7;
	v2 =	vadd.s32 $0x1105, v22;
	[tilespmem:$0x1FE90] =	vst v4  }
0x1e: {  	v13 =	vadd.s32 $0x884, v22;
	v30 =	vadd.s32 $0x885, v22;
	v11 =	vadd.s32 $0x886, v22;
	s10 =	sadd.s32 $0x630000, s8;
	s11 =	sadd.s32 $0x638000, s8;
	s12 =	smax.u32 s0, $0x1;
	[tilespmem:$0x1FE70] =	vst v2;
	v4 =	vmovc v0  }
.LBB2_1:
0x1f: {  	s0 =	simm.s32 $0x1000  }
0x20: {  	[tilespmem:s3], [sflag:$0x3] =	stream.strided.gather [hbm4b:s7+s13], $0x400, s0, s13, $0x38;
	[tilespmem:$0x8C00] =	vst v63  }
0x21: {  	_ =	swait.ge [sflag:s15], $0x400  }
0x22: {  	s14 =	simm.s32 $0x1;
	s2 =	simm.s32 $0x2;
	[sflag:s15] =	ssyncset.done $0x0  }
0x23: {  	s25 =	simm.s32 $0x3;
	s26 =	simm.s32 $0x5;
	[sflag:s15] =	ssyncadd.s32 $0xFFFFFC00  }
0x24: {  	v33 =	vmov s3;
	v34 =	vmov s14;
	[tilespmem:s16], [sflag:$0x1] =	stream.indirect.gather [hbm4b:s4+s13], $0x40, s3, s13, $0xb8;
	[tilespmem:$0x8C00] =	vst v63  }
0x25: {  	s29 =	simm.s32 $0x6;
	s30 =	simm.s32 $0x7;
	v35 =	vmov s2;
	v36 =	vmov s25;
	s25 =	simm.s32 $0x4;
	v38 =	vmov s26  }
0x26: {  	v33 =	vshrl.u32 v33, $0x3;
	v39 =	vmov s29;
	v40 =	vmov s30;
	[tilespmem:s17], [sflag:$0x1] =	stream.indirect.gather [hbm4b:s4+s13], $0x40, s13, s13, $0xb8;
	[tilespmem:$0x8C00] =	vst v63  }
0x27: {  	v37 =	vmov s25;
	v33 =	vshll.u32 v33, v1;
	v34 =	vshrl.u32 v34, $0x3;
	_ =	swait.ge [sflag:s18], $0x2000  }
0x28: {  	v35 =	vshrl.u32 v35, $0x3;
	v36 =	vshrl.u32 v36, $0x3;
	v40 =	vshrl.u32 v40, $0x3;
	[sflag:s18] =	ssyncset.done $0x0  }
0x29: {  	s25 =	simm.s32 $0x900;
	v38 =	vshrl.u32 v38, $0x3;
	v42 =	vshrl.u32 v39, $0x3;
	v40 =	vshll.u32 v40, v1;
	[sflag:s18] =	ssyncadd.s32 $0xFFFFE000  }
0x2a: {  	v37 =	vshrl.u32 v37, $0x3;
	v0 =	vbroadcast v33, $0x0;
	v3 =	vbroadcast v40, $0x0;
	v58 =	vld [tilespmem:s25+$0xC0]  }
0x2b: {  	v34 =	vshll.u32 v34, v1;
	v35 =	vshll.u32 v35, v1;
	v36 =	vshll.u32 v36, v1;
	v43 =	vld [tilespmem:s25+$0xFFFFFF00]  }
0x2c: {  	v60 =	vshll.u32 v38, v1;
	v2 =	vbroadcast v34, $0x0;
	v46 =	vadd.s32 v12, v3;
	v45 =	vld [tilespmem:s25+$0xFFFFFF40]  }
0x2d: {  	v44 =	vshll.u32 v37, v1;
	v37 =	vbroadcast v35, $0x0;
	v61 =	vadd.s32 v22, v0;
	v47 =	vld [tilespmem:s25+$0xFFFFFF80]  }
0x2e: {  	v42 =	vshll.u32 v42, v1;
	v36 =	vbroadcast v36, $0x0;
	v48 =	vadd.s32 v25, v2;
	v49 =	vld [tilespmem:s25+$0xFFFFFFC0]  }
0x2f: {  	v35 =	vbroadcast v44, $0x0;
	v50 =	vadd.s32 v19, v37;
	v51 =	vld [tilespmem:s25+$0x0];
	v62 =	vmul.f32 $8.000000000e+00, v58  }
0x30: {  	v33 =	vbroadcast v60, $0x0;
	v52 =	vadd.s32 v53, v36;
	v63 =	vld [tilespmem:s25+$0x40];
	v43 =	vmul.f32 $8.000000000e+00, v43  }
0x31: {  	v34 =	vbroadcast v42, $0x0;
	v54 =	vadd.s32 v15, v35;
	v55 =	vld [tilespmem:s25+$0x80];
	v45 =	vmul.f32 $8.000000000e+00, v45;
	[tilespmem:v46+s19+$0x0] =	vst.idx.msk $0xffff, v62  }
0x32: {  	v58 =	vmul.f32 $8.000000000e+00, v47;
	[tilespmem:v61+s19+$0x0] =	vst.idx.msk $0xffff, v43;
	v43 =	vadd.s32 v28, v33;
	v44 =	vld [tilespmem:s25+$0xD0]  }
0x33: {  	s31 =	simm.s32 $0x8;
	v47 =	vadd.s32 v9, v34;
	[tilespmem:v48+s19+$0x0] =	vst.idx.msk $0xffff, v45;
	v61 =	vmul.f32 $8.000000000e+00, v49;
	v60 =	vld [tilespmem:s25+$0xFFFFFF10]  }
0x34: {  	v57 =	vmov s31;
	[tilespmem:v50+s19+$0x0] =	vst.idx.msk $0xffff, v58;
	v62 =	vmul.f32 $8.000000000e+00, v51;
	v50 =	vadd.s32 v32, v3;
	v49 =	vld [tilespmem:s25+$0xFFFFFF50]  }
0x35: {  	v42 =	vshrl.u32 v57, $0x3;
	v56 =	vadd.s32 v7, v0;
	v63 =	vmul.f32 $8.000000000e+00, v63;
	v57 =	vld [tilespmem:s25+$0xFFFFFF90];
	[tilespmem:v52+s19+$0x0] =	vst.idx.msk $0xffff, v61  }
0x36: {  	v53 =	vadd.s32 v27, v2;
	v38 =	vmul.f32 $8.000000000e+00, v55;
	[tilespmem:v54+s19+$0x0] =	vst.idx.msk $0xffff, v62;
	v58 =	vld [tilespmem:s25+$0xFFFFFFD0]  }
0x37: {  	v17 =	vmov v59;
	v55 =	vadd.s32 v14, v37;
	v59 =	vld [tilespmem:s25+$0x10];
	[tilespmem:v43+s19+$0x0] =	vst.idx.msk $0xffff, v63;
	v43 =	vmul.f32 $8.000000000e+00, v44  }
0x38: {  	v46 =	vadd.s32 v10, v36;
	[tilespmem:v47+s19+$0x0] =	vst.idx.msk $0xffff, v38;
	v45 =	vmul.f32 $8.000000000e+00, v60;
	v60 =	vld [tilespmem:s25+$0x50]  }
0x39: {  	v61 =	vld [tilespmem:s25+$0x90];
	v39 =	vmul.f32 $8.000000000e+00, v49;
	v49 =	vadd.s32 v13, v35;
	[tilespmem:v50+s19+$0x0] =	vst.idx.msk $0xffff, v43  }
0x3a: {  	v62 =	vmul.f32 $8.000000000e+00, v57;
	[tilespmem:v56+s19+$0x0] =	vst.idx.msk $0xffff, v45;
	v45 =	vadd.s32 v30, v33;
	v50 =	vld [tilespmem:s25+$0xE0]  }
0x3b: {  	[tilespmem:v53+s19+$0x0] =	vst.idx.msk $0xffff, v39;
	v63 =	vmul.f32 $8.000000000e+00, v58;
	v53 =	vadd.s32 v11, v34;
	v56 =	vld [tilespmem:s25+$0xFFFFFF20]  }
0x3c: {  	[tilespmem:v55+s19+$0x0] =	vst.idx.msk $0xffff, v62;
	v39 =	vmul.f32 $8.000000000e+00, v59;
	v55 =	vadd.s32 v29, v3;
	v57 =	vld [tilespmem:s25+$0xFFFFFF60]  }
0x3d: {  	s30 =	simm.s32 $0xD;
	v58 =	vadd.s32 v18, v0;
	[tilespmem:v46+s19+$0x0] =	vst.idx.msk $0xffff, v63;
	v46 =	vmul.f32 $8.000000000e+00, v60  }
0x3e: {  	v44 =	vmov s30;
	v47 =	vmul.f32 $8.000000000e+00, v61;
	v60 =	vadd.s32 v31, v2;
	[tilespmem:v49+s19+$0x0] =	vst.idx.msk $0xffff, v39  }
0x3f: {  	s31 =	simm.s32 $0xE;
	v41 =	vshrl.u32 v44, $0x3;
	[tilespmem:v45+s19+$0x0] =	vst.idx.msk $0xffff, v46;
	v44 =	vmul.f32 $8.000000000e+00, v50  }
0x40: {  	v38 =	vmov s31;
	v43 =	vshll.u32 v42, v1;
	v50 =	vmul.f32 $8.000000000e+00, v56;
	v16 =	vld [tilespmem:$0x1FE60];
	[tilespmem:v53+s19+$0x0] =	vst.idx.msk $0xffff, v47  }
0x41: {  	v42 =	vshrl.u32 v38, $0x3;
	v59 =	vld [tilespmem:s25+$0xFFFFFFA0];
	v38 =	vbroadcast v43, $0x0;
	v43 =	vmul.f32 $8.000000000e+00, v57;
	[tilespmem:v55+s19+$0x0] =	vst.idx.msk $0xffff, v44  }
0x42: {  	[tilespmem:v58+s19+$0x0] =	vst.idx.msk $0xffff, v50  }
0x43: {  	v5 =	vmov v11;
	v49 =	vadd.s32 v24, v37;
	v11 =	vld [tilespmem:$0x1FE70];
	[tilespmem:v60+s19+$0x0] =	vst.idx.msk $0xffff, v43  }
0x44: {  	v26 =	vmov v8;
	v57 =	vadd.s32 v8, v35;
	v8 =	vld [tilespmem:$0x1FE80];
	_ =	sdelay $0x1  }
0x45: {  	s14 =	simm.s32 $0xA;
	v62 =	vld [tilespmem:s25+$0xFFFFFFE0];
	v46 =	vmul.f32 $8.000000000e+00, v59  }
0x46: {  	v51 =	vmov s14  }
0x47: {  	v51 =	vshrl.u32 v51, $0x3;
	[tilespmem:v49+s19+$0x0] =	vst.idx.msk $0xffff, v46;
	v39 =	vadd.s32 v16, v36  }
0x48: {  	v44 =	vshll.u32 v51, v1;
	v51 =	vadd.s32 v8, v34;
	v8 =	vld [tilespmem:$0x1FE90];
	_ =	sdelay $0x1  }
0x49: {  	v63 =	vld [tilespmem:s25+$0x20];
	v62 =	vmul.f32 $8.000000000e+00, v62  }
0x4a: {  	v40 =	vld [tilespmem:s25+$0x60]  }
0x4b: {  	s26 =	simm.s32 $0xB;
	v61 =	vld [tilespmem:s25+$0xA0];
	[tilespmem:v39+s19+$0x0] =	vst.idx.msk $0xffff, v62  }
0x4c: {  	s2 =	simm.s32 $0x9;
	s29 =	simm.s32 $0xC;
	v52 =	vmov s26;
	v53 =	vadd.s32 v8, v3;
	v8 =	vld [tilespmem:$0x1FE50]  }
0x4d: {  	v48 =	vmov s2;
	v54 =	vmov s29;
	v52 =	vshrl.u32 v52, $0x3;
	v56 =	vld [tilespmem:s25+$0xF0]  }
0x4e: {  	v48 =	vshrl.u32 v48, $0x3;
	v54 =	vshrl.u32 v54, $0x3;
	v45 =	vshll.u32 v52, v1;
	v50 =	vld [tilespmem:s25+$0xFFFFFF30]  }
0x4f: {  	v47 =	vshll.u32 v48, v1;
	v63 =	vmul.f32 $8.000000000e+00, v63;
	v52 =	vld [tilespmem:s25+$0xFFFFFF70];
	v55 =	vadd.s32 v11, v33  }
0x50: {  	v48 =	vadd.s32 v4, v0;
	v43 =	vshll.u32 v41, v1;
	v46 =	vshll.u32 v54, v1;
	v49 =	vld [tilespmem:s25+$0xFFFFFFB0]  }
0x51: {  	s28 =	simm.s32 $0xF;
	s26 =	simm.s32 $0x10;
	v39 =	vmul.f32 $8.000000000e+00, v40;
	v40 =	vmul.f32 $8.000000000e+00, v61;
	v54 =	vld [tilespmem:s25+$0xFFFFFFF0];
	[tilespmem:v57+s19+$0x0] =	vst.idx.msk $0xffff, v63;
	v41 =	vadd.s32 v8, v2  }
.LBB2_2:
0x52: {  	_ = 	snop  }
0x53: {  	v57 =	vmov s28;
	v58 =	vld [tilespmem:s25+$0x30]  }
0x54: {  	v37 =	vadd.s32 v23, v37;
	v36 =	vadd.s32 v6, v36;
	v0 =	vld [tilespmem:$0x1FF30];
	[tilespmem:v55+s19+$0x0] =	vst.idx.msk $0xffff, v39;
	v60 =	vmul.f32 $8.000000000e+00, v56  }
0x55: {  	v35 =	vadd.s32 v20, v35;
	v61 =	vshrl.u32 v57, $0x3;
	[tilespmem:v51+s19+$0x0] =	vst.idx.msk $0xffff, v40;
	v62 =	vld [tilespmem:s25+$0x70];
	v50 =	vmul.f32 $8.000000000e+00, v50  }
0x56: {  	v39 =	vmov v38;
	v38 =	vshll.u32 v61, v1;
	v63 =	vmul.f32 $8.000000000e+00, v52;
	v52 =	vld [tilespmem:s25+$0xB0];
	s25 =	sadd.s32 $0x200, s25;
	[tilespmem:v53+s19+$0x0] =	vst.idx.msk $0xffff, v60  }
0x57: {  	v33 =	vadd.s32 v17, v33;
	v40 =	vbroadcast v38, $0x0;
	v55 =	vmul.f32 $8.000000000e+00, v49;
	[tilespmem:v48+s19+$0x0] =	vst.idx.msk $0xffff, v50;
	v53 =	vld [tilespmem:s25+$0xC0]  }
0x58: {  	v34 =	vadd.s32 v21, v34;
	v57 =	vmul.f32 $8.000000000e+00, v54;
	[tilespmem:v41+s19+$0x0] =	vst.idx.msk $0xffff, v63;
	v48 =	vld [tilespmem:s25+$0xFFFFFF00]  }
0x59: {  	v41 =	vbroadcast v47, $0x0;
	v47 =	vadd.s32 v12, v40;
	[tilespmem:v37+s19+$0x0] =	vst.idx.msk $0xffff, v55;
	v60 =	vmul.f32 $8.000000000e+00, v58;
	v59 =	vld [tilespmem:s25+$0xFFFFFF40]  }
0x5a: {  	v51 =	vadd.s32 v22, v39;
	[tilespmem:v36+s19+$0x0] =	vst.idx.msk $0xffff, v57;
	v61 =	vld [tilespmem:s25+$0xFFFFFF80];
	v62 =	vmul.f32 $8.000000000e+00, v62  }
0x5b: {  	v37 =	vbroadcast v44, $0x0;
	v63 =	vld [tilespmem:s25+$0xFFFFFFC0];
	v49 =	vadd.s32 v25, v41;
	[tilespmem:v35+s19+$0x0] =	vst.idx.msk $0xffff, v60;
	v56 =	vmul.f32 $8.000000000e+00, v52  }
0x5c: {  	v42 =	vshll.u32 v42, v1;
	v35 =	vbroadcast v46, $0x0;
	v52 =	vld [tilespmem:s25+$0x0];
	[tilespmem:v33+s19+$0x0] =	vst.idx.msk $0xffff, v62;
	v57 =	vmul.f32 $8.000000000e+00, v53  }
0x5d: {  	v36 =	vbroadcast v45, $0x0;
	v45 =	vadd.s32 v19, v37;
	[tilespmem:v34+s19+$0x0] =	vst.idx.msk $0xffff, v56;
	v58 =	vmul.f32 $8.000000000e+00, v48;
	v53 =	vld [tilespmem:s25+$0x40]  }
0x5e: {  	v33 =	vbroadcast v43, $0x0;
	v43 =	vadd.s32 v15, v35;
	v59 =	vmul.f32 $8.000000000e+00, v59;
	v50 =	vld [tilespmem:s25+$0x80];
	[tilespmem:v47+s19+$0x0] =	vst.idx.msk $0xffff, v57  }
0x5f: {  	v34 =	vbroadcast v42, $0x0;
	v48 =	vadd.s32 v0, v36;
	[tilespmem:v51+s19+$0x0] =	vst.idx.msk $0xffff, v58;
	v47 =	vld [tilespmem:s25+$0xD0]  }
0x60: {  	v60 =	vmov s26;
	v62 =	vadd.s32 v28, v33;
	v61 =	vmul.f32 $8.000000000e+00, v61;
	[tilespmem:v49+s19+$0x0] =	vst.idx.msk $0xffff, v59;
	v51 =	vld [tilespmem:s25+$0xFFFFFF10]  }
0x61: {  	v42 =	vshrl.u32 v60, $0x3;
	v49 =	vadd.s32 v9, v34;
	v60 =	vmul.f32 $8.000000000e+00, v52;
	v55 =	vld [tilespmem:s25+$0xFFFFFF50]  }
0x62: {  	v63 =	vmul.f32 $8.000000000e+00, v63;
	[tilespmem:v45+s19+$0x0] =	vst.idx.msk $0xffff, v61;
	v45 =	vadd.s32 v32, v40  }
0x63: {  	v56 =	vadd.s32 v7, v39;
	v57 =	vld [tilespmem:s25+$0xFFFFFF90];
	[tilespmem:v43+s19+$0x0] =	vst.idx.msk $0xffff, v60;
	v61 =	vmul.f32 $8.000000000e+00, v53  }
0x64: {  	[tilespmem:v48+s19+$0x0] =	vst.idx.msk $0xffff, v63;
	v53 =	vadd.s32 v27, v41;
	v43 =	vmul.f32 $8.000000000e+00, v50;
	v59 =	vld [tilespmem:s25+$0x10]  }
0x65: {  	v50 =	vadd.s32 v14, v37;
	v58 =	vld [tilespmem:s25+$0xFFFFFFD0];
	[tilespmem:v62+s19+$0x0] =	vst.idx.msk $0xffff, v61;
	v38 =	vmul.f32 $8.000000000e+00, v47  }
0x66: {  	s0 =	sadd.s32 $0x1, s26;
	[tilespmem:v49+s19+$0x0] =	vst.idx.msk $0xffff, v43;
	v47 =	vmul.f32 $8.000000000e+00, v51;
	v60 =	vld [tilespmem:s25+$0x50];
	v49 =	vmul.f32 $8.000000000e+00, v55;
	v55 =	vadd.s32 v13, v35  }
0x67: {  	v54 =	vmov s0;
	v51 =	vadd.s32 v10, v36;
	v61 =	vld [tilespmem:s25+$0x90];
	[tilespmem:v45+s19+$0x0] =	vst.idx.msk $0xffff, v38  }
0x68: {  	v54 =	vshrl.u32 v54, $0x3;
	v62 =	vmul.f32 $8.000000000e+00, v57;
	[tilespmem:v56+s19+$0x0] =	vst.idx.msk $0xffff, v47;
	v45 =	vadd.s32 v30, v33;
	v47 =	vld [tilespmem:s25+$0xE0]  }
0x69: {  	s29 =	sadd.s32 $0x4, s26;
	s30 =	sadd.s32 $0x5, s26;
	v38 =	vshll.u32 v42, v1;
	[tilespmem:v53+s19+$0x0] =	vst.idx.msk $0xffff, v49;
	v53 =	vadd.s32 v5, v34;
	v42 =	vmul.f32 $8.000000000e+00, v59;
	v56 =	vld [tilespmem:s25+$0xFFFFFF20]  }
0x6a: {  	s2 =	sadd.s32 $0x2, s26;
	v44 =	vmov s29;
	v46 =	vmov s30;
	[tilespmem:v50+s19+$0x0] =	vst.idx.msk $0xffff, v62;
	v63 =	vmul.f32 $8.000000000e+00, v58;
	v57 =	vld [tilespmem:s25+$0xFFFFFF60]  }
0x6b: {  	v52 =	vmov s2;
	v50 =	vadd.s32 v29, v40;
	v59 =	vld [tilespmem:s25+$0xFFFFFFA0];
	v49 =	vmul.f32 $8.000000000e+00, v60;
	[tilespmem:v55+s19+$0x0] =	vst.idx.msk $0xffff, v42  }
0x6c: {  	s14 =	sadd.s32 $0x3, s26;
	v58 =	vadd.s32 v18, v39;
	[tilespmem:v51+s19+$0x0] =	vst.idx.msk $0xffff, v63;
	v60 =	vshrl.u32 v44, $0x3;
	v44 =	vmul.f32 $8.000000000e+00, v61;
	v63 =	vld [tilespmem:s25+$0x20]  }
0x6d: {  	s31 =	sadd.s32 $0x6, s26;
	v0 =	vadd.s32 v16, v36;
	v52 =	vshrl.u32 v52, $0x3;
	v48 =	vmov s14;
	v62 =	vld [tilespmem:s25+$0xFFFFFFE0];
	[tilespmem:v45+s19+$0x0] =	vst.idx.msk $0xffff, v49  }
0x6e: {  	v43 =	vmov s31;
	v51 =	vadd.s32 v31, v41;
	[tilespmem:v53+s19+$0x0] =	vst.idx.msk $0xffff, v44;
	v45 =	vmul.f32 $8.000000000e+00, v47;
	v2 =	vld [tilespmem:s25+$0x60]  }
0x6f: {  	v61 =	vshrl.u32 v46, $0x3;
	v46 =	vadd.s32 v24, v37;
	v55 =	vmul.f32 $8.000000000e+00, v56;
	v3 =	vld [tilespmem:s25+$0xA0]  }
0x70: {  	v48 =	vshrl.u32 v48, $0x3;
	v42 =	vshrl.u32 v43, $0x3;
	v43 =	vmul.f32 $8.000000000e+00, v59;
	v59 =	vld [tilespmem:$0x1FE80];
	[tilespmem:v50+s19+$0x0] =	vst.idx.msk $0xffff, v45  }
0x71: {  	p0 =	slt.u32 s26, $0x78;
	v49 =	vmul.f32 $8.000000000e+00, v57;
	v57 =	vadd.s32 v26, v35;
	[tilespmem:v58+s19+$0x0] =	vst.idx.msk $0xffff, v55;
	v58 =	vmul.f32 $8.000000000e+00, v63;
	v63 =	vld [tilespmem:$0x1FE90]  }
.Ltmp0:
0x72: {  	v41 =	vadd.s32 v8, v41;
	v44 =	vshll.u32 v52, v1;
	v47 =	vshll.u32 v54, v1;
	v56 =	vld [tilespmem:s25+$0xF0];
	(pc) =	sbr.rel @p0 .LBB2_2-.Ltmp0, $4  }
0x73: {  	v55 =	vadd.s32 v11, v33;
	[tilespmem:v51+s19+$0x0] =	vst.idx.msk $0xffff, v49;
	v45 =	vshll.u32 v48, v1;
	v50 =	vld [tilespmem:s25+$0xFFFFFF30];
	v54 =	vmul.f32 $8.000000000e+00, v62  }
0x74: {  	[tilespmem:v46+s19+$0x0] =	vst.idx.msk $0xffff, v43;
	v46 =	vshll.u32 v60, v1;
	v48 =	vadd.s32 v4, v39;
	v52 =	vld [tilespmem:s25+$0xFFFFFF70]  }
0x75: {  	v38 =	vbroadcast v38, $0x0;
	v43 =	vshll.u32 v61, v1;
	v49 =	vld [tilespmem:s25+$0xFFFFFFB0];
	v51 =	vadd.s32 v59, v34;
	[tilespmem:v0+s19+$0x0] =	vst.idx.msk $0xffff, v54  }
0x76: {  	s28 =	sadd.s32 $0x7, s26;
	s26 =	sadd.s32 $0x8, s26;
	v39 =	vmul.f32 $8.000000000e+00, v2;
	[tilespmem:v57+s19+$0x0] =	vst.idx.msk $0xffff, v58;
	v54 =	vld [tilespmem:s25+$0xFFFFFFF0];
	v53 =	vadd.s32 v63, v40;
	v40 =	vmul.f32 $8.000000000e+00, v3  }
0x77: {  	_ =	sdelay $0x3  }
0x78: {  	v2 =	vadd.s32 v23, v37;
	v3 =	vld [tilespmem:s25+$0x30];
	v57 =	vmul.f32 $8.000000000e+00, v56;
	[tilespmem:v55+s19+$0x0] =	vst.idx.msk $0xffff, v39  }
0x79: {  	v36 =	vadd.s32 v6, v36;
	v58 =	vmul.f32 $8.000000000e+00, v50;
	[tilespmem:v51+s19+$0x0] =	vst.idx.msk $0xffff, v40;
	v50 =	vld [tilespmem:s25+$0x70]  }
0x7a: {  	v35 =	vadd.s32 v20, v35;
	v60 =	vmul.f32 $8.000000000e+00, v52;
	[tilespmem:v53+s19+$0x0] =	vst.idx.msk $0xffff, v57  }
0x7b: {  	v33 =	vadd.s32 v17, v33;
	[tilespmem:v48+s19+$0x0] =	vst.idx.msk $0xffff, v58;
	v61 =	vmul.f32 $8.000000000e+00, v49  }
0x7c: {  	[tilespmem:v41+s19+$0x0] =	vst.idx.msk $0xffff, v60;
	v62 =	vmul.f32 $8.000000000e+00, v54  }
0x7d: {  	v0 =	vmov s28;
	s2 =	sadd.s32 $0x200, s25;
	[tilespmem:v2+s19+$0x0] =	vst.idx.msk $0xffff, v61;
	v2 =	vmul.f32 $8.000000000e+00, v3  }
0x7e: {  	v0 =	vshrl.u32 v0, $0x3;
	v37 =	vld [tilespmem:s2+$0xC0];
	[tilespmem:v36+s19+$0x0] =	vst.idx.msk $0xffff, v62;
	v61 =	vmul.f32 $8.000000000e+00, v50  }
0x7f: {  	v0 =	vshll.u32 v0, v1;
	v51 =	vld [tilespmem:s25+$0xB0];
	[tilespmem:v35+s19+$0x0] =	vst.idx.msk $0xffff, v2  }
0x80: {  	v0 =	vbroadcast v0, $0x0;
	v48 =	vld [tilespmem:s2+$0xFFFFFF00];
	[tilespmem:v33+s19+$0x0] =	vst.idx.msk $0xffff, v61  }
0x81: {  	v34 =	vadd.s32 v21, v34;
	v54 =	vld [tilespmem:$0x1FF30]  }
0x82: {  	v47 =	vbroadcast v47, $0x0;
	v60 =	vld [tilespmem:s2+$0xFFFFFF40];
	v49 =	vadd.s32 v12, v0  }
0x83: {  	v42 =	vshll.u32 v42, v1;
	v44 =	vbroadcast v44, $0x0;
	v39 =	vld [tilespmem:s2+$0xFFFFFF80];
	v3 =	vadd.s32 v22, v38  }
0x84: {  	v45 =	vbroadcast v45, $0x0;
	v40 =	vadd.s32 v25, v47;
	v50 =	vld [tilespmem:s2+$0xFFFFFFC0];
	v2 =	vmul.f32 $8.000000000e+00, v51  }
0x85: {  	v46 =	vbroadcast v46, $0x0;
	v37 =	vmul.f32 $8.000000000e+00, v37;
	v35 =	vadd.s32 v19, v44;
	v51 =	vld [tilespmem:s2+$0x0]  }
0x86: {  	v43 =	vbroadcast v43, $0x0;
	v57 =	vld [tilespmem:s2+$0x40];
	v62 =	vmul.f32 $8.000000000e+00, v48;
	[tilespmem:v34+s19+$0x0] =	vst.idx.msk $0xffff, v2;
	v36 =	vadd.s32 v54, v45  }
0x87: {  	v42 =	vbroadcast v42, $0x0;
	v58 =	vadd.s32 v15, v46;
	v2 =	vmul.f32 $8.000000000e+00, v60;
	v60 =	vld [tilespmem:s2+$0x80];
	[tilespmem:v49+s19+$0x0] =	vst.idx.msk $0xffff, v37  }
0x88: {  	v61 =	vadd.s32 v28, v43;
	[tilespmem:v3+s19+$0x0] =	vst.idx.msk $0xffff, v62;
	v3 =	vmul.f32 $8.000000000e+00, v39;
	v37 =	vld [tilespmem:s2+$0xD0]  }
0x89: {  	v62 =	vld [tilespmem:s2+$0xFFFFFF10];
	[tilespmem:v40+s19+$0x0] =	vst.idx.msk $0xffff, v2;
	v2 =	vmul.f32 $8.000000000e+00, v50;
	v40 =	vadd.s32 v9, v42  }
0x8a: {  	[tilespmem:v35+s19+$0x0] =	vst.idx.msk $0xffff, v3;
	v3 =	vmul.f32 $8.000000000e+00, v51;
	v35 =	vadd.s32 v32, v0;
	v49 =	vld [tilespmem:s2+$0xFFFFFF50]  }
0x8b: {  	v50 =	vadd.s32 v7, v38;
	v55 =	vld [tilespmem:s2+$0xFFFFFF90];
	[tilespmem:v36+s19+$0x0] =	vst.idx.msk $0xffff, v2;
	v2 =	vmul.f32 $8.000000000e+00, v57  }
0x8c: {  	[tilespmem:v58+s19+$0x0] =	vst.idx.msk $0xffff, v3;
	v3 =	vmul.f32 $8.000000000e+00, v60;
	v36 =	vadd.s32 v27, v47;
	v48 =	vld [tilespmem:s2+$0xFFFFFFD0]  }
0x8d: {  	v34 =	vadd.s32 v14, v44;
	v41 =	vld [tilespmem:s2+$0x10];
	[tilespmem:v61+s19+$0x0] =	vst.idx.msk $0xffff, v2;
	v2 =	vmul.f32 $8.000000000e+00, v37  }
0x8e: {  	v60 =	vmul.f32 $8.000000000e+00, v62;
	[tilespmem:v40+s19+$0x0] =	vst.idx.msk $0xffff, v3;
	v61 =	vadd.s32 v10, v45;
	v62 =	vld [tilespmem:s2+$0x50]  }
0x8f: {  	v40 =	vadd.s32 v13, v46;
	v3 =	vmul.f32 $8.000000000e+00, v49;
	v49 =	vld [tilespmem:s2+$0x90];
	[tilespmem:v35+s19+$0x0] =	vst.idx.msk $0xffff, v2  }
0x90: {  	[tilespmem:v50+s19+$0x0] =	vst.idx.msk $0xffff, v60;
	v2 =	vmul.f32 $8.000000000e+00, v55;
	v55 =	vadd.s32 v30, v43;
	v35 =	vld [tilespmem:s2+$0xE0]  }
0x91: {  	v50 =	vld [tilespmem:s2+$0xFFFFFF20];
	[tilespmem:v36+s19+$0x0] =	vst.idx.msk $0xffff, v3;
	v36 =	vadd.s32 v5, v42;
	v3 =	vmul.f32 $8.000000000e+00, v48  }
0x92: {  	v48 =	vld [tilespmem:s2+$0xFFFFFF60];
	[tilespmem:v34+s19+$0x0] =	vst.idx.msk $0xffff, v2;
	v2 =	vmul.f32 $8.000000000e+00, v41;
	v34 =	vadd.s32 v29, v0  }
0x93: {  	v41 =	vadd.s32 v18, v38;
	v51 =	vld [tilespmem:s2+$0xFFFFFFA0];
	[tilespmem:v61+s19+$0x0] =	vst.idx.msk $0xffff, v3;
	v3 =	vmul.f32 $8.000000000e+00, v62  }
0x94: {  	v37 =	vadd.s32 v31, v47;
	[tilespmem:v40+s19+$0x0] =	vst.idx.msk $0xffff, v2;
	v2 =	vmul.f32 $8.000000000e+00, v49;
	v39 =	vld [tilespmem:s2+$0xFFFFFFE0]  }
0x95: {  	v40 =	vadd.s32 v24, v44;
	v49 =	vld [tilespmem:s2+$0x20];
	[tilespmem:v55+s19+$0x0] =	vst.idx.msk $0xffff, v3;
	v3 =	vmul.f32 $8.000000000e+00, v35  }
0x96: {  	v55 =	vmul.f32 $8.000000000e+00, v50;
	v35 =	vadd.s32 v16, v45;
	[tilespmem:v36+s19+$0x0] =	vst.idx.msk $0xffff, v2;
	v50 =	vld [tilespmem:s2+$0x60]  }
0x97: {  	v36 =	vadd.s32 v26, v46;
	v2 =	vmul.f32 $8.000000000e+00, v48;
	v48 =	vld [tilespmem:s2+$0xA0];
	[tilespmem:v34+s19+$0x0] =	vst.idx.msk $0xffff, v3  }
0x98: {  	[tilespmem:v41+s19+$0x0] =	vst.idx.msk $0xffff, v55;
	v3 =	vmul.f32 $8.000000000e+00, v51;
	v55 =	vadd.s32 v11, v43;
	v34 =	vld [tilespmem:s2+$0xF0]  }
0x99: {  	v59 =	vadd.s32 v59, v42;
	v41 =	vld [tilespmem:s2+$0xFFFFFF30];
	[tilespmem:v37+s19+$0x0] =	vst.idx.msk $0xffff, v2;
	v2 =	vmul.f32 $8.000000000e+00, v39  }
0x9a: {  	v0 =	vadd.s32 v63, v0;
	v60 =	vld [tilespmem:s2+$0xFFFFFF70];
	[tilespmem:v40+s19+$0x0] =	vst.idx.msk $0xffff, v3;
	v3 =	vmul.f32 $8.000000000e+00, v49  }
0x9b: {  	v38 =	vadd.s32 v4, v38;
	v40 =	vld [tilespmem:s2+$0xFFFFFFB0];
	[tilespmem:v35+s19+$0x0] =	vst.idx.msk $0xffff, v2;
	v2 =	vmul.f32 $8.000000000e+00, v50  }
0x9c: {  	v35 =	vadd.s32 v8, v47;
	[tilespmem:v36+s19+$0x0] =	vst.idx.msk $0xffff, v3;
	v3 =	vmul.f32 $8.000000000e+00, v48;
	v63 =	vld [tilespmem:s2+$0xFFFFFFF0]  }
0x9d: {  	v48 =	vadd.s32 v23, v44;
	v49 =	vld [tilespmem:s2+$0x30];
	[tilespmem:v55+s19+$0x0] =	vst.idx.msk $0xffff, v2;
	v2 =	vmul.f32 $8.000000000e+00, v34  }
0x9e: {  	v51 =	vadd.s32 v6, v45;
	v50 =	vmul.f32 $8.000000000e+00, v41;
	[tilespmem:v59+s19+$0x0] =	vst.idx.msk $0xffff, v3;
	v55 =	vld [tilespmem:s2+$0x70]  }
0x9f: {  	v59 =	vadd.s32 v20, v46;
	v3 =	vmul.f32 $8.000000000e+00, v60;
	v60 =	vld [tilespmem:s2+$0xB0];
	[tilespmem:v0+s19+$0x0] =	vst.idx.msk $0xffff, v2  }
0xa0: {  	v56 =	vmov v21;
	[tilespmem:v38+s19+$0x0] =	vst.idx.msk $0xffff, v50;
	v0 =	vmul.f32 $8.000000000e+00, v40;
	v2 =	vadd.s32 v17, v43  }
0xa1: {  	[tilespmem:v35+s19+$0x0] =	vst.idx.msk $0xffff, v3;
	v3 =	vmul.f32 $8.000000000e+00, v63;
	v63 =	vadd.s32 v56, v42  }
0xa2: {  	[tilespmem:v48+s19+$0x0] =	vst.idx.msk $0xffff, v0;
	v0 =	vmul.f32 $8.000000000e+00, v49  }
0xa3: {  	[tilespmem:v51+s19+$0x0] =	vst.idx.msk $0xffff, v3;
	v3 =	vmul.f32 $8.000000000e+00, v55  }
0xa4: {  	[tilespmem:v59+s19+$0x0] =	vst.idx.msk $0xffff, v0;
	v0 =	vmul.f32 $8.000000000e+00, v60  }
0xa5: {  	[tilespmem:v2+s19+$0x0] =	vst.idx.msk $0xffff, v3  }
0xa6: {  	s0 =	simm.s32 $0x4800;
	[tilespmem:v63+s19+$0x0] =	vst.idx.msk $0xffff, v0  }
0xa7: {  	[hbm4b:s8+s3] =	stream.linear.scatter [tilespmem:s0], [sflag:$0x2], $0x80, $0x38;
	[tilespmem:$0x8C00] =	vst v63  }
0xa8: {  	s14 =	simm.s32 $0x4888;
	s2 =	sadd.s32 $0x10, s8  }
0xa9: {  	[hbm4b:s2+s3] =	stream.linear.scatter [tilespmem:s14], [sflag:$0x2], $0x80, $0x38;
	[tilespmem:$0x8C00] =	vst v63  }
0xaa: {  	s26 =	sadd.s32 $0x20, s8;
	s30 =	simm.s32 $0x4998;
	s25 =	simm.s32 $0x4910  }
0xab: {  	[hbm4b:s26+s3] =	stream.linear.scatter [tilespmem:s25], [sflag:$0x2], $0x80, $0x38;
	[tilespmem:$0x8C00] =	vst v63  }
0xac: {  	s31 =	sadd.s32 $0x30, s8;
	s28 =	simm.s32 $0x2200;
	s29 =	simm.s32 $0x4BB8  }
0xad: {  	[hbm4b:s31+s3] =	stream.linear.scatter [tilespmem:s30], [sflag:$0x2], $0x80, $0x38;
	[tilespmem:$0x8C00] =	vst v63  }
0xae: {  	s0 =	sadd.s32 $0x70, s8;
	s2 =	simm.s32 $0x4A20;
	s14 =	sadd.s32 $0x40, s8  }
0xaf: {  	[hbm4b:s14+s3] =	stream.linear.scatter [tilespmem:s2], [sflag:$0x2], $0x80, $0x38;
	[tilespmem:$0x8C00] =	vst v63  }
0xb0: {  	v21 =	vmov v5;
	v52 =	vmov v12;
	s25 =	simm.s32 $0x4AA8;
	s26 =	sadd.s32 $0x50, s8;
	s30 =	simm.s32 $0x4B30  }
0xb1: {  	v53 =	vmovc v28;
	v12 =	vmovc v32;
	v28 =	vmov v9;
	v9 =	vmov v27;
	v32 =	vmov v29;
	[hbm4b:s26+s3] =	stream.linear.scatter [tilespmem:s25], [sflag:$0x2], $0x80, $0x38;
	[tilespmem:$0x8C00] =	vst v63  }
0xb2: {  	v58 =	vmovc v13;
	v57 =	vmovc v10;
	v27 =	vmov v30;
	v10 =	vmov v9;
	v5 =	vmov v18;
	s31 =	sadd.s32 $0x60, s8;
	s25 =	simm.s32 $0x440;
	s26 =	sadd.s32 $0x1000, s8  }
0xb3: {  	v4 =	vmovc v21;
	v61 =	vmovc v31;
	v62 =	vmov v16;
	v23 =	vmov v25;
	v25 =	vmov v54;
	[hbm4b:s31+s3] =	stream.linear.scatter [tilespmem:s30], [sflag:$0x2], $0x80, $0x38;
	[tilespmem:$0x8C00] =	vst v63  }
.LBB2_4:
0xb4: {  	[hbm4b:s0+s3] =	stream.linear.scatter [tilespmem:s29], [sflag:$0x2], $0x80, $0x38;
	[tilespmem:$0x8C00] =	vst v63  }
0xb5: {  	s0 =	smov.u32 s25;
	s2 =	smov.u32 s28  }
0xb6: {  	s25 =	sshra.s32 s2, $0x2;
	s2 =	sadd.s32 $0x1100, s28;
	s29 =	sadd.s32 $0x4800, s0  }
0xb7: {  	[hbm4b:s26+s3] =	stream.linear.scatter [tilespmem:s29], [sflag:$0x2], $0x80, $0x38;
	[tilespmem:$0x8C00] =	vst v63  }
0xb8: {  	p0 =	sne.s32 s28, $0x7700;
	s28 =	sadd.s32 $0x4888, s0;
	s29 =	sadd.s32 $0x10, s26  }
0xb9: {  	[hbm4b:s29+s3] =	stream.linear.scatter [tilespmem:s28], [sflag:$0x2], $0x80, $0x38;
	[tilespmem:$0x8C00] =	vst v63  }
0xba: {  	s28 =	sadd.s32 $0x4910, s0;
	s29 =	sadd.s32 $0x20, s26  }
0xbb: {  	[hbm4b:s29+s3] =	stream.linear.scatter [tilespmem:s28], [sflag:$0x2], $0x80, $0x38;
	[tilespmem:$0x8C00] =	vst v63  }
0xbc: {  	s28 =	sadd.s32 $0x4998, s0;
	s29 =	sadd.s32 $0x30, s26  }
0xbd: {  	[hbm4b:s29+s3] =	stream.linear.scatter [tilespmem:s28], [sflag:$0x2], $0x80, $0x38;
	[tilespmem:$0x8C00] =	vst v63  }
0xbe: {  	s28 =	sadd.s32 $0x4A20, s0;
	s29 =	sadd.s32 $0x40, s26  }
0xbf: {  	[hbm4b:s29+s3] =	stream.linear.scatter [tilespmem:s28], [sflag:$0x2], $0x80, $0x38;
	[tilespmem:$0x8C00] =	vst v63  }
0xc0: {  	s28 =	sadd.s32 $0x4AA8, s0;
	s29 =	sadd.s32 $0x50, s26  }
0xc1: {  	[hbm4b:s29+s3] =	stream.linear.scatter [tilespmem:s28], [sflag:$0x2], $0x80, $0x38;
	[tilespmem:$0x8C00] =	vst v63  }
.Ltmp1:
0xc2: {  	_ = 	snop;
	(pc) =	sbr.rel @p0 .LBB2_4-.Ltmp1, $4  }
0xc3: {  	s28 =	sadd.s32 $0x4B30, s0;
	s29 =	sadd.s32 $0x60, s26  }
0xc4: {  	[hbm4b:s29+s3] =	stream.linear.scatter [tilespmem:s28], [sflag:$0x2], $0x80, $0x38;
	[tilespmem:$0x8C00] =	vst v63  }
0xc5: {  	s29 =	sadd.s32 $0x4BB8, s0  }
0xc6: {  	s0 =	sadd.s32 $0x70, s26;
	s26 =	sadd.s32 $0x1000, s26;
	s28 =	smov.u32 s2  }
0xc7: {  	[hbm4b:s0+s3] =	stream.linear.scatter [tilespmem:s29], [sflag:$0x2], $0x80, $0x38;
	[tilespmem:$0x8C00] =	vst v63  }
0xc8: {  	s30 =	sadd.s32 $0x4800, s25  }
0xc9: {  	[hbm4b:s26+s3] =	stream.linear.scatter [tilespmem:s30], [sflag:$0x2], $0x80, $0x38;
	[tilespmem:$0x8C00] =	vst v63  }
0xca: {  	s31 =	sadd.s32 $0x4888, s25;
	s2 =	sadd.s32 $0x10, s26  }
0xcb: {  	[hbm4b:s2+s3] =	stream.linear.scatter [tilespmem:s31], [sflag:$0x2], $0x80, $0x38;
	[tilespmem:$0x8C00] =	vst v63  }
0xcc: {  	s14 =	sadd.s32 $0x4910, s25;
	s29 =	sadd.s32 $0x20, s26  }
0xcd: {  	[hbm4b:s29+s3] =	stream.linear.scatter [tilespmem:s14], [sflag:$0x2], $0x80, $0x38;
	[tilespmem:$0x8C00] =	vst v63  }
0xce: {  	s30 =	sadd.s32 $0x4998, s25;
	s31 =	sadd.s32 $0x30, s26  }
0xcf: {  	[hbm4b:s31+s3] =	stream.linear.scatter [tilespmem:s30], [sflag:$0x2], $0x80, $0x38;
	[tilespmem:$0x8C00] =	vst v63  }
0xd0: {  	s2 =	sadd.s32 $0x4B30, s25;
	s14 =	sadd.s32 $0x4A20, s25;
	s29 =	sadd.s32 $0x40, s26  }
0xd1: {  	[hbm4b:s29+s3] =	stream.linear.scatter [tilespmem:s14], [sflag:$0x2], $0x80, $0x38;
	[tilespmem:$0x8C00] =	vst v63  }
0xd2: {  	s30 =	sadd.s32 $0x4AA8, s25;
	s31 =	sadd.s32 $0x50, s26;
	s25 =	sadd.s32 $0x4BB8, s25  }
0xd3: {  	[hbm4b:s31+s3] =	stream.linear.scatter [tilespmem:s30], [sflag:$0x2], $0x80, $0x38;
	[tilespmem:$0x8C00] =	vst v63  }
0xd4: {  	s14 =	sadd.s32 $0x60, s26;
	s26 =	sadd.s32 $0x70, s26;
	s29 =	simm.s32 $0x0  }
0xd5: {  	[hbm4b:s14+s3] =	stream.linear.scatter [tilespmem:s2], [sflag:$0x2], $0x80, $0x38;
	[tilespmem:$0x8C00] =	vst v63  }
0xd6: {  	v0 =	vmov s29;
	s29 =	simm.s32 $0x6;
	s30 =	simm.s32 $0x1;
	s31 =	simm.s32 $0x2  }
0xd7: {  	v0 =	vshrl.u32 v0, $0x3;
	[hbm4b:s26+s3] =	stream.linear.scatter [tilespmem:s25], [sflag:$0x2], $0x80, $0x38;
	[tilespmem:$0x8C00] =	vst v63  }
0xd8: {  	v36 =	vmov s29;
	v2 =	vmov s30;
	v3 =	vmov s31;
	s30 =	simm.s32 $0x7  }
0xd9: {  	v0 =	vshll.u32 v0, v1;
	v36 =	vshrl.u32 v36, $0x3;
	v2 =	vshrl.u32 v2, $0x3;
	[tilespmem:s16], [sflag:$0x1] =	stream.indirect.gather [hbm4b:s4+s13], $0x40, s20, s13, $0xb8;
	[tilespmem:$0x8C00] =	vst v63  }
0xda: {  	s14 =	simm.s32 $0x3;
	v37 =	vmov s30;
	v3 =	vshrl.u32 v3, $0x3;
	v39 =	vbroadcast v0, $0x0;
	_ =	swait.ge [sflag:s18], $0x2000  }
0xdb: {  	v33 =	vmov s14;
	v37 =	vshrl.u32 v37, $0x3;
	v2 =	vshll.u32 v2, v1;
	s25 =	simm.s32 $0x4;
	[sflag:s18] =	ssyncset.done $0x0  }
0xdc: {  	v3 =	vshll.u32 v3, v1;
	v37 =	vshll.u32 v37, v1;
	v34 =	vmov s25;
	s25 =	simm.s32 $0x29F0;
	[sflag:s18] =	ssyncadd.s32 $0xFFFFE000  }
0xdd: {  	s26 =	simm.s32 $0x5;
	v33 =	vshrl.u32 v33, $0x3;
	v21 =	vbroadcast v2, $0x0;
	v41 =	vbroadcast v37, $0x0;
	v0 =	vld [tilespmem:s25+$0xFFFFFFD0]  }
0xde: {  	v44 =	vadd.s32 v22, v39;
	v35 =	vmov s26;
	v33 =	vshll.u32 v33, v1;
	v38 =	vld [tilespmem:s25+$0xFFFFFE10]  }
0xdf: {  	v37 =	vbroadcast v3, $0x0;
	v3 =	vshll.u32 v36, v1;
	v2 =	vadd.s32 v52, v41;
	v42 =	vld [tilespmem:s25+$0xFFFFFE50]  }
0xe0: {  	v34 =	vshrl.u32 v34, $0x3;
	v35 =	vshrl.u32 v35, $0x3;
	v46 =	vadd.s32 v23, v21;
	v45 =	vld [tilespmem:s25+$0xFFFFFE90]  }
0xe1: {  	v36 =	vbroadcast v33, $0x0;
	v34 =	vshll.u32 v34, v1;
	v43 =	vshll.u32 v35, v1;
	v47 =	vld [tilespmem:s25+$0xFFFFFED0]  }
0xe2: {  	v48 =	vadd.s32 v19, v37;
	v35 =	vbroadcast v34, $0x0;
	v49 =	vld [tilespmem:s25+$0xFFFFFF10];
	v0 =	vmul.f32 $8.000000000e+00, v0  }
0xe3: {  	v50 =	vadd.s32 v25, v36;
	v33 =	vbroadcast v43, $0x0;
	v51 =	vld [tilespmem:s25+$0xFFFFFF50];
	v38 =	vmul.f32 $8.000000000e+00, v38  }
0xe4: {  	v6 =	vmovc v52;
	v34 =	vbroadcast v3, $0x0;
	v43 =	vadd.s32 v15, v35;
	v52 =	vld [tilespmem:s25+$0xFFFFFF90];
	v42 =	vmul.f32 $8.000000000e+00, v42;
	[tilespmem:v2+s21+$0x0] =	vst.idx.msk $0xffff, v0  }
0xe5: {  	v3 =	vadd.s32 v53, v33;
	[tilespmem:v44+s21+$0x0] =	vst.idx.msk $0xffff, v38;
	v2 =	vmul.f32 $8.000000000e+00, v45;
	v38 =	vld [tilespmem:s25+$0xFFFFFFE0]  }
0xe6: {  	v59 =	vmul.f32 $8.000000000e+00, v47;
	[tilespmem:v46+s21+$0x0] =	vst.idx.msk $0xffff, v42;
	v45 =	vadd.s32 v28, v34;
	v44 =	vld [tilespmem:s25+$0xFFFFFE20]  }
0xe7: {  	v60 =	vld [tilespmem:s25+$0xFFFFFE60];
	[tilespmem:v48+s21+$0x0] =	vst.idx.msk $0xffff, v2;
	v2 =	vmul.f32 $8.000000000e+00, v49;
	v48 =	vadd.s32 v12, v41  }
0xe8: {  	v17 =	vmov v53;
	v53 =	vadd.s32 v7, v39;
	v63 =	vmul.f32 $8.000000000e+00, v51;
	[tilespmem:v50+s21+$0x0] =	vst.idx.msk $0xffff, v59;
	v54 =	vld [tilespmem:s25+$0xFFFFFEA0]  }
0xe9: {  	v51 =	vadd.s32 v10, v21;
	v55 =	vld [tilespmem:s25+$0xFFFFFEE0];
	[tilespmem:v43+s21+$0x0] =	vst.idx.msk $0xffff, v2;
	v2 =	vmul.f32 $8.000000000e+00, v52  }
0xea: {  	[tilespmem:v3+s21+$0x0] =	vst.idx.msk $0xffff, v63;
	v52 =	vadd.s32 v14, v37;
	v56 =	vld [tilespmem:s25+$0xFFFFFF20];
	v3 =	vmul.f32 $8.000000000e+00, v38  }
0xeb: {  	v29 =	vmovc v25;
	v25 =	vmov v57;
	v42 =	vmul.f32 $8.000000000e+00, v44;
	v44 =	vadd.s32 v57, v36;
	v57 =	vld [tilespmem:s25+$0xFFFFFF60];
	[tilespmem:v45+s21+$0x0] =	vst.idx.msk $0xffff, v2  }
0xec: {  	s31 =	simm.s32 $0x8;
	v45 =	vmul.f32 $8.000000000e+00, v60;
	v60 =	vadd.s32 v58, v35;
	v63 =	vld [tilespmem:s25+$0xFFFFFFA0];
	[tilespmem:v48+s21+$0x0] =	vst.idx.msk $0xffff, v3  }
0xed: {  	s26 =	simm.s32 $0xB;
	v0 =	vmov s31;
	[tilespmem:v53+s21+$0x0] =	vst.idx.msk $0xffff, v42;
	v3 =	vmul.f32 $8.000000000e+00, v54;
	v42 =	vadd.s32 v27, v33;
	v48 =	vld [tilespmem:s25+$0xFFFFFFF0]  }
0xee: {  	v50 =	vmov s26;
	v40 =	vmul.f32 $8.000000000e+00, v55;
	[tilespmem:v51+s21+$0x0] =	vst.idx.msk $0xffff, v45;
	v51 =	vadd.s32 v4, v34;
	v53 =	vld [tilespmem:s25+$0xFFFFFE30]  }
0xef: {  	v0 =	vshrl.u32 v0, $0x3;
	v54 =	vld [tilespmem:s25+$0xFFFFFE70];
	[tilespmem:v52+s21+$0x0] =	vst.idx.msk $0xffff, v3;
	v3 =	vmul.f32 $8.000000000e+00, v56;
	v52 =	vadd.s32 v32, v41  }
0xf0: {  	v59 =	vshrl.u32 v50, $0x3;
	v50 =	vadd.s32 v5, v39;
	v55 =	vld [tilespmem:s25+$0xFFFFFEB0];
	[tilespmem:v44+s21+$0x0] =	vst.idx.msk $0xffff, v40;
	v44 =	vmul.f32 $8.000000000e+00, v57  }
0xf1: {  	s31 =	simm.s32 $0xE;
	v0 =	vshll.u32 v0, v1;
	v45 =	vadd.s32 v61, v21;
	[tilespmem:v60+s21+$0x0] =	vst.idx.msk $0xffff, v3;
	v3 =	vmul.f32 $8.000000000e+00, v63  }
0xf2: {  	s30 =	simm.s32 $0xD;
	v2 =	vmov s31;
	v57 =	vld [tilespmem:s25+$0xFFFFFEF0];
	v60 =	vadd.s32 v24, v37;
	[tilespmem:v42+s21+$0x0] =	vst.idx.msk $0xffff, v44;
	v56 =	vmul.f32 $8.000000000e+00, v48  }
0xf3: {  	v18 =	vmovc v23;
	v23 =	vmovc v61;
	v38 =	vmov s30;
	v61 =	vld [tilespmem:s25+$0xFFFFFF30];
	v42 =	vshrl.u32 v2, $0x3;
	v2 =	vmul.f32 $8.000000000e+00, v53;
	[tilespmem:v51+s21+$0x0] =	vst.idx.msk $0xffff, v3  }
0xf4: {  	v13 =	vmovc v58;
	v58 =	vshrl.u32 v38, $0x3;
	v38 =	vbroadcast v0, $0x0;
	v0 =	vmul.f32 $8.000000000e+00, v54;
	v24 =	vld [tilespmem:$0x1FF60];
	[tilespmem:v52+s21+$0x0] =	vst.idx.msk $0xffff, v56  }
0xf5: {  	v63 =	vld [tilespmem:s25+$0xFFFFFF70];
	[tilespmem:v50+s21+$0x0] =	vst.idx.msk $0xffff, v2;
	v2 =	vmul.f32 $8.000000000e+00, v55  }
0xf6: {  	v16 =	vld [tilespmem:$0x1FE70];
	[tilespmem:v45+s21+$0x0] =	vst.idx.msk $0xffff, v0  }
0xf7: {  	v26 =	vmov v19;
	v19 =	vmov v4;
	v4 =	vld [tilespmem:$0x1FE80];
	[tilespmem:v60+s21+$0x0] =	vst.idx.msk $0xffff, v2  }
0xf8: {  	v31 =	vmov v7;
	s2 =	simm.s32 $0x9;
	v7 =	vld [tilespmem:$0x1FE90]  }
0xf9: {  	v20 =	vmov v62;
	v62 =	vadd.s32 v62, v36;
	v46 =	vmov s2;
	v40 =	vld [tilespmem:s25+$0xFFFFFFB0]  }
0xfa: {  	s14 =	simm.s32 $0xA;
	v46 =	vshrl.u32 v46, $0x3;
	v56 =	vld [tilespmem:s25+$0x0];
	v3 =	vadd.s32 v24, v35  }
0xfb: {  	s29 =	simm.s32 $0xC;
	v49 =	vmov s14;
	v47 =	vshll.u32 v46, v1;
	v50 =	vld [tilespmem:s25+$0xFFFFFE40]  }
0xfc: {  	v49 =	vshrl.u32 v49, $0x3;
	v43 =	vmov s29;
	v0 =	vmul.f32 $8.000000000e+00, v57;
	v52 =	vld [tilespmem:s25+$0xFFFFFE80]  }
0xfd: {  	v11 =	vmovc v22;
	v30 =	vmovc v28;
	v43 =	vshrl.u32 v43, $0x3;
	v2 =	vmul.f32 $8.000000000e+00, v61;
	v53 =	vadd.s32 v7, v41;
	v7 =	vld [tilespmem:$0x1FED0]  }
0xfe: {  	v22 =	vmov v15;
	v46 =	vshll.u32 v43, v1;
	v44 =	vshll.u32 v49, v1;
	v49 =	vld [tilespmem:s25+$0xFFFFFEC0];
	[tilespmem:v62+s21+$0x0] =	vst.idx.msk $0xffff, v0  }
0xff: {  	v43 =	vshll.u32 v58, v1;
	v45 =	vshll.u32 v59, v1;
	v60 =	vmov v24;
	v54 =	vld [tilespmem:s25+$0xFFFFFF00];
	[tilespmem:v3+s21+$0x0] =	vst.idx.msk $0xffff, v2  }
0x100: {  	v40 =	vmul.f32 $8.000000000e+00, v40;
	v24 =	vmovc v23;
	v23 =	vmovc v12;
	v12 =	vmov v60;
	v55 =	vadd.s32 v16, v33;
	v15 =	vld [tilespmem:$0x1FF40]  }
0x101: {  	v51 =	vadd.s32 v4, v34;
	v41 =	vadd.s32 v8, v21;
	v8 =	vmovc v27;
	v21 =	vmovc v14;
	v0 =	vmov v13;
	v9 =	vld [tilespmem:$0x1FF70]  }
0x102: {  	v14 =	vmovc v26;
	v27 =	vmovc v10;
	v10 =	vmov v18;
	v48 =	vadd.s32 v7, v39;
	v7 =	vmov v31;
	v31 =	vld [tilespmem:$0x1FF20]  }
0x103: {  	v18 =	vmovc v29;
	v3 =	vmovc v19;
	v19 =	vmov v32;
	v28 =	vld [tilespmem:$0x1FF90];
	v39 =	vmul.f32 $8.000000000e+00, v63;
	v63 =	vmov v17  }
0x104: {  	s28 =	simm.s32 $0xF;
	s26 =	simm.s32 $0x10;
	v13 =	vmovc v8;
	v29 =	vmovc v0;
	v32 =	vld [tilespmem:$0x1FFB0];
	v8 =	vmov v5;
	v17 =	vmov v3;
	v26 =	vmov v63  }
.LBB2_6:
0x105: {  	_ = 	snop  }
0x106: {  	v0 =	vmov s28  }
0x107: {  	v2 =	vadd.s32 v31, v37;
	v3 =	vld [tilespmem:s25+$0xFFFFFF40];
	v36 =	vadd.s32 v15, v36;
	[tilespmem:v55+s21+$0x0] =	vst.idx.msk $0xffff, v39;
	v63 =	vmul.f32 $8.000000000e+00, v56  }
0x108: {  	v35 =	vadd.s32 v9, v35;
	v0 =	vshrl.u32 v0, $0x3;
	[tilespmem:v51+s21+$0x0] =	vst.idx.msk $0xffff, v40;
	v57 =	vld [tilespmem:s25+$0xFFFFFF80];
	v56 =	vmul.f32 $8.000000000e+00, v50  }
0x109: {  	v33 =	vadd.s32 v28, v33;
	v0 =	vshll.u32 v0, v1;
	v59 =	vld [tilespmem:s25+$0xFFFFFFC0];
	s25 =	sadd.s32 $0x200, s25;
	v58 =	vmul.f32 $8.000000000e+00, v52;
	[tilespmem:v53+s21+$0x0] =	vst.idx.msk $0xffff, v63  }
0x10a: {  	v42 =	vshll.u32 v42, v1;
	v40 =	vbroadcast v0, $0x0;
	v0 =	vmul.f32 $8.000000000e+00, v49;
	[tilespmem:v48+s21+$0x0] =	vst.idx.msk $0xffff, v56;
	v53 =	vld [tilespmem:s25+$0xFFFFFFD0]  }
0x10b: {  	v34 =	vadd.s32 v32, v34;
	v39 =	vmov v38;
	v61 =	vmul.f32 $8.000000000e+00, v54;
	[tilespmem:v41+s21+$0x0] =	vst.idx.msk $0xffff, v58;
	v38 =	vld [tilespmem:s25+$0xFFFFFE10]  }
0x10c: {  	v41 =	vbroadcast v47, $0x0;
	v63 =	vadd.s32 v6, v40;
	[tilespmem:v2+s21+$0x0] =	vst.idx.msk $0xffff, v0;
	v0 =	vmul.f32 $8.000000000e+00, v3;
	v62 =	vld [tilespmem:s25+$0xFFFFFE50]  }
0x10d: {  	v37 =	vbroadcast v44, $0x0;
	v2 =	vadd.s32 v11, v39;
	[tilespmem:v36+s21+$0x0] =	vst.idx.msk $0xffff, v61;
	v3 =	vld [tilespmem:s25+$0xFFFFFE90];
	v60 =	vmul.f32 $8.000000000e+00, v57  }
0x10e: {  	v36 =	vbroadcast v45, $0x0;
	v61 =	vld [tilespmem:s25+$0xFFFFFED0];
	v48 =	vadd.s32 v10, v41;
	[tilespmem:v35+s21+$0x0] =	vst.idx.msk $0xffff, v0;
	v0 =	vmul.f32 $8.000000000e+00, v59  }
0x10f: {  	v45 =	vadd.s32 v14, v37;
	v35 =	vbroadcast v46, $0x0;
	v51 =	vld [tilespmem:s25+$0xFFFFFF10];
	[tilespmem:v33+s21+$0x0] =	vst.idx.msk $0xffff, v60;
	v56 =	vmul.f32 $8.000000000e+00, v53  }
0x110: {  	v44 =	vadd.s32 v18, v36;
	v33 =	vbroadcast v43, $0x0;
	v57 =	vld [tilespmem:s25+$0xFFFFFF50];
	[tilespmem:v34+s21+$0x0] =	vst.idx.msk $0xffff, v0;
	v38 =	vmul.f32 $8.000000000e+00, v38  }
0x111: {  	v58 =	vadd.s32 v22, v35;
	v34 =	vbroadcast v42, $0x0;
	v59 =	vld [tilespmem:s25+$0xFFFFFF90];
	v0 =	vmul.f32 $8.000000000e+00, v62;
	[tilespmem:v63+s21+$0x0] =	vst.idx.msk $0xffff, v56  }
0x112: {  	[tilespmem:v2+s21+$0x0] =	vst.idx.msk $0xffff, v38;
	v2 =	vmul.f32 $8.000000000e+00, v3;
	v3 =	vadd.s32 v26, v33;
	v63 =	vld [tilespmem:s25+$0xFFFFFFE0]  }
0x113: {  	v47 =	vadd.s32 v30, v34;
	[tilespmem:v48+s21+$0x0] =	vst.idx.msk $0xffff, v0;
	v0 =	vmul.f32 $8.000000000e+00, v61;
	v60 =	vld [tilespmem:s25+$0xFFFFFE20]  }
0x114: {  	v61 =	vld [tilespmem:s25+$0xFFFFFE60];
	[tilespmem:v45+s21+$0x0] =	vst.idx.msk $0xffff, v2;
	v2 =	vmul.f32 $8.000000000e+00, v51;
	v45 =	vadd.s32 v23, v40  }
0x115: {  	v4 =	vld [tilespmem:$0x1FF10];
	v62 =	vmov s26;
	v53 =	vadd.s32 v7, v39;
	[tilespmem:v44+s21+$0x0] =	vst.idx.msk $0xffff, v0;
	v0 =	vmul.f32 $8.000000000e+00, v57  }
0x116: {  	v52 =	vadd.s32 v27, v41;
	v42 =	vshrl.u32 v62, $0x3;
	v62 =	vld [tilespmem:s25+$0xFFFFFEA0];
	[tilespmem:v58+s21+$0x0] =	vst.idx.msk $0xffff, v2;
	v2 =	vmul.f32 $8.000000000e+00, v59  }
0x117: {  	v55 =	vld [tilespmem:s25+$0xFFFFFEE0];
	[tilespmem:v3+s21+$0x0] =	vst.idx.msk $0xffff, v0;
	v0 =	vmul.f32 $8.000000000e+00, v63  }
0x118: {  	v49 =	vadd.s32 v21, v37;
	v56 =	vld [tilespmem:s25+$0xFFFFFF20];
	v63 =	vmul.f32 $8.000000000e+00, v60;
	[tilespmem:v47+s21+$0x0] =	vst.idx.msk $0xffff, v2  }
0x119: {  	v60 =	vadd.s32 v25, v36;
	v57 =	vld [tilespmem:s25+$0xFFFFFF60];
	v61 =	vmul.f32 $8.000000000e+00, v61;
	[tilespmem:v45+s21+$0x0] =	vst.idx.msk $0xffff, v0  }
0x11a: {  	v50 =	vadd.s32 v29, v35;
	v58 =	vld [tilespmem:s25+$0xFFFFFFA0];
	[tilespmem:v53+s21+$0x0] =	vst.idx.msk $0xffff, v63  }
0x11b: {  	s14 =	sadd.s32 $0x3, s26;
	v0 =	vshll.u32 v42, v1;
	v62 =	vmul.f32 $8.000000000e+00, v62;
	v42 =	vadd.s32 v13, v33;
	[tilespmem:v52+s21+$0x0] =	vst.idx.msk $0xffff, v61;
	v53 =	vld [tilespmem:s25+$0xFFFFFE30]  }
0x11c: {  	v44 =	vmov s14;
	v63 =	vmul.f32 $8.000000000e+00, v55;
	v52 =	vadd.s32 v17, v34;
	v54 =	vld [tilespmem:s25+$0xFFFFFE70]  }
0x11d: {  	v59 =	vshrl.u32 v44, $0x3;
	v44 =	vadd.s32 v8, v39;
	v45 =	vld [tilespmem:s25+$0xFFFFFFF0];
	[tilespmem:v49+s21+$0x0] =	vst.idx.msk $0xffff, v62;
	v38 =	vmul.f32 $8.000000000e+00, v56  }
0x11e: {  	s31 =	sadd.s32 $0x6, s26;
	v55 =	vld [tilespmem:s25+$0xFFFFFEB0];
	[tilespmem:v60+s21+$0x0] =	vst.idx.msk $0xffff, v63;
	v46 =	vmul.f32 $8.000000000e+00, v57;
	v57 =	vadd.s32 v24, v41  }
0x11f: {  	v2 =	vmov s31;
	v49 =	vadd.s32 v19, v40;
	v60 =	vld [tilespmem:s25+$0xFFFFFEF0];
	[tilespmem:v50+s21+$0x0] =	vst.idx.msk $0xffff, v38;
	v50 =	vmul.f32 $8.000000000e+00, v58  }
0x120: {  	v58 =	vadd.s32 v4, v37;
	v61 =	vld [tilespmem:s25+$0xFFFFFF30];
	[tilespmem:v42+s21+$0x0] =	vst.idx.msk $0xffff, v46;
	v42 =	vshrl.u32 v2, $0x3;
	v2 =	vmul.f32 $8.000000000e+00, v53  }
0x121: {  	v62 =	vadd.s32 v20, v36;
	v38 =	vbroadcast v0, $0x0;
	v63 =	vld [tilespmem:s25+$0xFFFFFF70];
	[tilespmem:v52+s21+$0x0] =	vst.idx.msk $0xffff, v50;
	v0 =	vmul.f32 $8.000000000e+00, v54  }
0x122: {  	v45 =	vmul.f32 $8.000000000e+00, v45;
	v5 =	vld [tilespmem:s25+$0xFFFFFFB0];
	[tilespmem:v44+s21+$0x0] =	vst.idx.msk $0xffff, v2  }
0x123: {  	s29 =	sadd.s32 $0x4, s26;
	v2 =	vmul.f32 $8.000000000e+00, v55;
	[tilespmem:v57+s21+$0x0] =	vst.idx.msk $0xffff, v0;
	v57 =	vld [tilespmem:$0x1FE80]  }
0x124: {  	s0 =	sadd.s32 $0x1, s26;
	v43 =	vmov s29;
	[tilespmem:v49+s21+$0x0] =	vst.idx.msk $0xffff, v45;
	v0 =	vmul.f32 $8.000000000e+00, v60;
	v60 =	vld [tilespmem:$0x1FE90]  }
0x125: {  	s2 =	sadd.s32 $0x2, s26;
	s30 =	sadd.s32 $0x5, s26;
	v43 =	vshrl.u32 v43, $0x3;
	v48 =	vmov s0;
	[tilespmem:v58+s21+$0x0] =	vst.idx.msk $0xffff, v2;
	v2 =	vmul.f32 $8.000000000e+00, v61;
	v61 =	vld [tilespmem:$0x1FED0]  }
0x126: {  	p0 =	slt.u32 s26, $0x78;
	v51 =	vmov s2;
	v3 =	vmov s30;
	v4 =	vadd.s32 v12, v35;
	[tilespmem:v62+s21+$0x0] =	vst.idx.msk $0xffff, v0;
	v0 =	vld [tilespmem:$0x1FE50]  }
.Ltmp2:
0x127: {  	v48 =	vshrl.u32 v48, $0x3;
	v51 =	vshrl.u32 v51, $0x3;
	v3 =	vshrl.u32 v3, $0x3;
	v56 =	vld [tilespmem:s25+$0x0];
	(pc) =	sbr.rel @p0 .LBB2_6-.Ltmp2, $4  }
0x128: {  	v47 =	vshll.u32 v48, v1;
	v46 =	vshll.u32 v43, v1;
	v43 =	vshll.u32 v3, v1;
	v50 =	vld [tilespmem:s25+$0xFFFFFE40]  }
0x129: {  	v55 =	vadd.s32 v16, v33;
	v44 =	vshll.u32 v51, v1;
	v45 =	vshll.u32 v59, v1;
	v52 =	vld [tilespmem:s25+$0xFFFFFE80]  }
0x12a: {  	v49 =	vld [tilespmem:s25+$0xFFFFFEC0];
	v51 =	vadd.s32 v57, v34;
	v53 =	vadd.s32 v60, v40;
	v40 =	vmul.f32 $8.000000000e+00, v5  }
0x12b: {  	s28 =	sadd.s32 $0x7, s26;
	s26 =	sadd.s32 $0x8, s26;
	v54 =	vld [tilespmem:s25+$0xFFFFFF00];
	[tilespmem:v4+s21+$0x0] =	vst.idx.msk $0xffff, v2;
	v48 =	vadd.s32 v61, v39;
	v39 =	vmul.f32 $8.000000000e+00, v63;
	v41 =	vadd.s32 v0, v41  }
0x12c: {  	_ =	sdelay $0x3  }
0x12d: {  	v0 =	vmov s28;
	v2 =	vadd.s32 v31, v37;
	v3 =	vld [tilespmem:s25+$0xFFFFFF40];
	v4 =	vmul.f32 $8.000000000e+00, v56;
	[tilespmem:v55+s21+$0x0] =	vst.idx.msk $0xffff, v39  }
0x12e: {  	v36 =	vadd.s32 v15, v36;
	[tilespmem:v51+s21+$0x0] =	vst.idx.msk $0xffff, v40;
	v0 =	vshrl.u32 v0, $0x3;
	v5 =	vmul.f32 $8.000000000e+00, v50;
	v62 =	vld [tilespmem:s25+$0xFFFFFF80]  }
0x12f: {  	v35 =	vadd.s32 v9, v35;
	s2 =	sadd.s32 $0x200, s25;
	v40 =	vld [tilespmem:s25+$0xFFFFFFC0];
	v0 =	vshll.u32 v0, v1;
	v63 =	vmul.f32 $8.000000000e+00, v52;
	[tilespmem:v53+s21+$0x0] =	vst.idx.msk $0xffff, v4  }
0x130: {  	v33 =	vadd.s32 v28, v33;
	v4 =	vld [tilespmem:s2+$0xFFFFFFD0];
	v0 =	vbroadcast v0, $0x0;
	[tilespmem:v48+s21+$0x0] =	vst.idx.msk $0xffff, v5;
	v5 =	vmul.f32 $8.000000000e+00, v49  }
0x131: {  	v42 =	vshll.u32 v42, v1;
	v34 =	vadd.s32 v32, v34;
	v52 =	vld [tilespmem:s2+$0xFFFFFE10];
	[tilespmem:v41+s21+$0x0] =	vst.idx.msk $0xffff, v63;
	v53 =	vmul.f32 $8.000000000e+00, v54  }
0x132: {  	v47 =	vbroadcast v47, $0x0;
	v54 =	vld [tilespmem:s2+$0xFFFFFE50];
	v55 =	vadd.s32 v6, v0;
	[tilespmem:v2+s21+$0x0] =	vst.idx.msk $0xffff, v5;
	v2 =	vmul.f32 $8.000000000e+00, v3  }
0x133: {  	v44 =	vbroadcast v44, $0x0;
	v3 =	vadd.s32 v11, v38;
	v5 =	vld [tilespmem:s2+$0xFFFFFE90];
	[tilespmem:v36+s21+$0x0] =	vst.idx.msk $0xffff, v53;
	v56 =	vmul.f32 $8.000000000e+00, v62  }
0x134: {  	v45 =	vbroadcast v45, $0x0;
	v58 =	vld [tilespmem:s2+$0xFFFFFED0];
	v57 =	vadd.s32 v10, v47;
	[tilespmem:v35+s21+$0x0] =	vst.idx.msk $0xffff, v2;
	v2 =	vmul.f32 $8.000000000e+00, v40  }
0x135: {  	v46 =	vbroadcast v46, $0x0;
	v60 =	vld [tilespmem:s2+$0xFFFFFF10];
	v59 =	vadd.s32 v14, v44;
	v4 =	vmul.f32 $8.000000000e+00, v4;
	[tilespmem:v33+s21+$0x0] =	vst.idx.msk $0xffff, v56  }
0x136: {  	v43 =	vbroadcast v43, $0x0;
	v63 =	vld [tilespmem:s2+$0xFFFFFF50];
	v61 =	vmul.f32 $8.000000000e+00, v52;
	v62 =	vadd.s32 v18, v45;
	[tilespmem:v34+s21+$0x0] =	vst.idx.msk $0xffff, v2  }
0x137: {  	v42 =	vbroadcast v42, $0x0;
	v53 =	vld [tilespmem:s2+$0xFFFFFF90];
	v52 =	vadd.s32 v22, v46;
	v2 =	vmul.f32 $8.000000000e+00, v54;
	[tilespmem:v55+s21+$0x0] =	vst.idx.msk $0xffff, v4  }
0x138: {  	[tilespmem:v3+s21+$0x0] =	vst.idx.msk $0xffff, v61;
	v3 =	vmul.f32 $8.000000000e+00, v5;
	v4 =	vadd.s32 v26, v43;
	v5 =	vld [tilespmem:s2+$0xFFFFFFE0]  }
0x139: {  	v54 =	vadd.s32 v30, v42;
	v33 =	vld [tilespmem:s2+$0xFFFFFE20];
	[tilespmem:v57+s21+$0x0] =	vst.idx.msk $0xffff, v2;
	v2 =	vmul.f32 $8.000000000e+00, v58  }
0x13a: {  	v56 =	vadd.s32 v23, v0;
	v55 =	vld [tilespmem:s2+$0xFFFFFE60];
	[tilespmem:v59+s21+$0x0] =	vst.idx.msk $0xffff, v3;
	v3 =	vmul.f32 $8.000000000e+00, v60  }
0x13b: {  	v57 =	vadd.s32 v7, v38;
	v58 =	vld [tilespmem:s2+$0xFFFFFEA0];
	[tilespmem:v62+s21+$0x0] =	vst.idx.msk $0xffff, v2;
	v2 =	vmul.f32 $8.000000000e+00, v63  }
0x13c: {  	v59 =	vadd.s32 v27, v47;
	v60 =	vld [tilespmem:s2+$0xFFFFFEE0];
	[tilespmem:v52+s21+$0x0] =	vst.idx.msk $0xffff, v3;
	v3 =	vmul.f32 $8.000000000e+00, v53  }
0x13d: {  	v61 =	vadd.s32 v21, v44;
	v62 =	vld [tilespmem:s2+$0xFFFFFF20];
	[tilespmem:v4+s21+$0x0] =	vst.idx.msk $0xffff, v2;
	v2 =	vmul.f32 $8.000000000e+00, v5  }
0x13e: {  	v4 =	vmul.f32 $8.000000000e+00, v33;
	v5 =	vadd.s32 v25, v45;
	[tilespmem:v54+s21+$0x0] =	vst.idx.msk $0xffff, v3  }
0x13f: {  	v52 =	vadd.s32 v29, v46;
	v3 =	vmul.f32 $8.000000000e+00, v55;
	[tilespmem:v56+s21+$0x0] =	vst.idx.msk $0xffff, v2  }
0x140: {  	[tilespmem:v57+s21+$0x0] =	vst.idx.msk $0xffff, v4;
	v2 =	vmul.f32 $8.000000000e+00, v58  }
0x141: {  	[tilespmem:v59+s21+$0x0] =	vst.idx.msk $0xffff, v3;
	v3 =	vmul.f32 $8.000000000e+00, v60  }
0x142: {  	v63 =	vld [tilespmem:s2+$0xFFFFFF60];
	[tilespmem:v61+s21+$0x0] =	vst.idx.msk $0xffff, v2;
	v2 =	vmul.f32 $8.000000000e+00, v62  }
0x143: {  	v53 =	vld [tilespmem:s2+$0xFFFFFFA0];
	[tilespmem:v5+s21+$0x0] =	vst.idx.msk $0xffff, v3  }
0x144: {  	v35 =	vld [tilespmem:s2+$0xFFFFFFF0];
	[tilespmem:v52+s21+$0x0] =	vst.idx.msk $0xffff, v2  }
0x145: {  	v4 =	vadd.s32 v13, v43;
	v5 =	vadd.s32 v24, v47;
	v24 =	vld [tilespmem:$0x1FF10]  }
0x146: {  	v54 =	vadd.s32 v17, v42;
	v40 =	vld [tilespmem:s2+$0xFFFFFE30]  }
0x147: {  	v56 =	vadd.s32 v19, v0;
	v55 =	vld [tilespmem:s2+$0xFFFFFE70]  }
0x148: {  	v57 =	vadd.s32 v8, v38;
	v58 =	vld [tilespmem:s2+$0xFFFFFEB0];
	v3 =	vmul.f32 $8.000000000e+00, v63  }
0x149: {  	v2 =	vmul.f32 $8.000000000e+00, v53  }
0x14a: {  	[tilespmem:v4+s21+$0x0] =	vst.idx.msk $0xffff, v3;
	v3 =	vmul.f32 $8.000000000e+00, v35;
	v60 =	vadd.s32 v24, v44  }
0x14b: {  	v4 =	vmul.f32 $8.000000000e+00, v40;
	[tilespmem:v54+s21+$0x0] =	vst.idx.msk $0xffff, v2  }
0x14c: {  	v2 =	vmul.f32 $8.000000000e+00, v55;
	[tilespmem:v56+s21+$0x0] =	vst.idx.msk $0xffff, v3  }
0x14d: {  	v59 =	vld [tilespmem:s2+$0xFFFFFEF0];
	[tilespmem:v57+s21+$0x0] =	vst.idx.msk $0xffff, v4;
	v3 =	vmul.f32 $8.000000000e+00, v58  }
0x14e: {  	v61 =	vld [tilespmem:s2+$0xFFFFFF30];
	[tilespmem:v5+s21+$0x0] =	vst.idx.msk $0xffff, v2  }
0x14f: {  	v62 =	vadd.s32 v20, v45;
	v24 =	vld [tilespmem:$0x1FE80];
	[tilespmem:v60+s21+$0x0] =	vst.idx.msk $0xffff, v3  }
0x150: {  	v7 =	vld [tilespmem:$0x1FED0]  }
0x151: {  	v63 =	vld [tilespmem:s2+$0xFFFFFF70]  }
0x152: {  	v2 =	vmul.f32 $8.000000000e+00, v59;
	v11 =	vld [tilespmem:$0x1FE90]  }
0x153: {  	v52 =	vadd.s32 v12, v46;
	v53 =	vld [tilespmem:s2+$0xFFFFFFB0]  }
0x154: {  	v4 =	vadd.s32 v16, v43;
	v34 =	vld [tilespmem:s2+$0x0];
	[tilespmem:v62+s21+$0x0] =	vst.idx.msk $0xffff, v2  }
0x155: {  	v5 =	vadd.s32 v24, v42;
	v55 =	vadd.s32 v7, v38;
	v7 =	vld [tilespmem:$0x1FE50]  }
0x156: {  	v41 =	vld [tilespmem:s2+$0xFFFFFE40];
	v3 =	vmul.f32 $8.000000000e+00, v61  }
0x157: {  	v56 =	vld [tilespmem:s2+$0xFFFFFEC0];
	v2 =	vmul.f32 $8.000000000e+00, v63;
	v0 =	vadd.s32 v11, v0  }
0x158: {  	v54 =	vld [tilespmem:s2+$0xFFFFFE80];
	[tilespmem:v52+s21+$0x0] =	vst.idx.msk $0xffff, v3;
	v3 =	vmul.f32 $8.000000000e+00, v53  }
0x159: {  	v59 =	vadd.s32 v31, v44;
	[tilespmem:v4+s21+$0x0] =	vst.idx.msk $0xffff, v2;
	v60 =	vld [tilespmem:s2+$0xFFFFFF40]  }
0x15a: {  	v58 =	vld [tilespmem:s2+$0xFFFFFF00];
	v2 =	vmul.f32 $8.000000000e+00, v34;
	[tilespmem:v5+s21+$0x0] =	vst.idx.msk $0xffff, v3;
	v57 =	vadd.s32 v7, v47  }
0x15b: {  	v4 =	vmul.f32 $8.000000000e+00, v41;
	v5 =	vadd.s32 v9, v46;
	v63 =	vld [tilespmem:s2+$0xFFFFFFC0]  }
0x15c: {  	v61 =	vadd.s32 v15, v45;
	v62 =	vld [tilespmem:s2+$0xFFFFFF80];
	[tilespmem:v0+s21+$0x0] =	vst.idx.msk $0xffff, v2;
	v0 =	vmul.f32 $8.000000000e+00, v56  }
0x15d: {  	v3 =	vmul.f32 $8.000000000e+00, v54;
	[tilespmem:v55+s21+$0x0] =	vst.idx.msk $0xffff, v4;
	v4 =	vadd.s32 v32, v42  }
0x15e: {  	v2 =	vadd.s32 v28, v43;
	[tilespmem:v59+s21+$0x0] =	vst.idx.msk $0xffff, v0;
	v0 =	vmul.f32 $8.000000000e+00, v60  }
0x15f: {  	[tilespmem:v57+s21+$0x0] =	vst.idx.msk $0xffff, v3;
	v3 =	vmul.f32 $8.000000000e+00, v58  }
0x160: {  	[tilespmem:v5+s21+$0x0] =	vst.idx.msk $0xffff, v0;
	v0 =	vmul.f32 $8.000000000e+00, v63  }
0x161: {  	[tilespmem:v61+s21+$0x0] =	vst.idx.msk $0xffff, v3;
	v3 =	vmul.f32 $8.000000000e+00, v62  }
0x162: {  	[tilespmem:v4+s21+$0x0] =	vst.idx.msk $0xffff, v0  }
0x163: {  	s0 =	simm.s32 $0x6A00;
	[tilespmem:v2+s21+$0x0] =	vst.idx.msk $0xffff, v3  }
0x164: {  	[hbm4b:s9+s3] =	stream.linear.scatter [tilespmem:s0], [sflag:$0x2], $0x80, $0x38;
	[tilespmem:$0x8C00] =	vst v63  }
0x165: {  	s14 =	simm.s32 $0x6A88;
	s2 =	sadd.s32 $0x10, s9  }
0x166: {  	[hbm4b:s2+s3] =	stream.linear.scatter [tilespmem:s14], [sflag:$0x2], $0x80, $0x38;
	[tilespmem:$0x8C00] =	vst v63  }
0x167: {  	s26 =	sadd.s32 $0x20, s9;
	s30 =	simm.s32 $0x6B98;
	s25 =	simm.s32 $0x6B10  }
0x168: {  	[hbm4b:s26+s3] =	stream.linear.scatter [tilespmem:s25], [sflag:$0x2], $0x80, $0x38;
	[tilespmem:$0x8C00] =	vst v63  }
0x169: {  	s31 =	sadd.s32 $0x30, s9;
	s28 =	simm.s32 $0x2200;
	s29 =	simm.s32 $0x6DB8  }
0x16a: {  	[hbm4b:s31+s3] =	stream.linear.scatter [tilespmem:s30], [sflag:$0x2], $0x80, $0x38;
	[tilespmem:$0x8C00] =	vst v63  }
0x16b: {  	s0 =	sadd.s32 $0x70, s9;
	s2 =	simm.s32 $0x6C20;
	s14 =	sadd.s32 $0x40, s9  }
0x16c: {  	[hbm4b:s14+s3] =	stream.linear.scatter [tilespmem:s2], [sflag:$0x2], $0x80, $0x38;
	[tilespmem:$0x8C00] =	vst v63  }
0x16d: {  	s25 =	simm.s32 $0x6CA8;
	s26 =	sadd.s32 $0x50, s9;
	s30 =	simm.s32 $0x6D30  }
0x16e: {  	[hbm4b:s26+s3] =	stream.linear.scatter [tilespmem:s25], [sflag:$0x2], $0x80, $0x38;
	[tilespmem:$0x8C00] =	vst v63  }
0x16f: {  	v6 =	vmov v23;
	v22 =	vmov v25;
	s31 =	sadd.s32 $0x60, s9;
	s25 =	simm.s32 $0x440;
	s26 =	sadd.s32 $0x1000, s9  }
0x170: {  	v26 =	vmovc v27;
	v27 =	vmovc v32;
	v19 =	vmov v29;
	v29 =	vmov v13;
	v13 =	vmov v17;
	[hbm4b:s31+s3] =	stream.linear.scatter [tilespmem:s30], [sflag:$0x2], $0x80, $0x38;
	[tilespmem:$0x8C00] =	vst v63  }
.LBB2_8:
0x171: {  	[hbm4b:s0+s3] =	stream.linear.scatter [tilespmem:s29], [sflag:$0x2], $0x80, $0x38;
	[tilespmem:$0x8C00] =	vst v63  }
0x172: {  	s0 =	smov.u32 s25;
	s2 =	smov.u32 s28  }
0x173: {  	s25 =	sshra.s32 s2, $0x2;
	s2 =	sadd.s32 $0x1100, s28;
	s29 =	sadd.s32 $0x6A00, s0  }
0x174: {  	[hbm4b:s26+s3] =	stream.linear.scatter [tilespmem:s29], [sflag:$0x2], $0x80, $0x38;
	[tilespmem:$0x8C00] =	vst v63  }
0x175: {  	p0 =	sne.s32 s28, $0x7700;
	s28 =	sadd.s32 $0x6A88, s0;
	s29 =	sadd.s32 $0x10, s26  }
0x176: {  	[hbm4b:s29+s3] =	stream.linear.scatter [tilespmem:s28], [sflag:$0x2], $0x80, $0x38;
	[tilespmem:$0x8C00] =	vst v63  }
0x177: {  	s28 =	sadd.s32 $0x6B10, s0;
	s29 =	sadd.s32 $0x20, s26  }
0x178: {  	[hbm4b:s29+s3] =	stream.linear.scatter [tilespmem:s28], [sflag:$0x2], $0x80, $0x38;
	[tilespmem:$0x8C00] =	vst v63  }
0x179: {  	s28 =	sadd.s32 $0x6B98, s0;
	s29 =	sadd.s32 $0x30, s26  }
0x17a: {  	[hbm4b:s29+s3] =	stream.linear.scatter [tilespmem:s28], [sflag:$0x2], $0x80, $0x38;
	[tilespmem:$0x8C00] =	vst v63  }
0x17b: {  	s28 =	sadd.s32 $0x6C20, s0;
	s29 =	sadd.s32 $0x40, s26  }
0x17c: {  	[hbm4b:s29+s3] =	stream.linear.scatter [tilespmem:s28], [sflag:$0x2], $0x80, $0x38;
	[tilespmem:$0x8C00] =	vst v63  }
0x17d: {  	s28 =	sadd.s32 $0x6CA8, s0;
	s29 =	sadd.s32 $0x50, s26  }
0x17e: {  	[hbm4b:s29+s3] =	stream.linear.scatter [tilespmem:s28], [sflag:$0x2], $0x80, $0x38;
	[tilespmem:$0x8C00] =	vst v63  }
.Ltmp3:
0x17f: {  	_ = 	snop;
	(pc) =	sbr.rel @p0 .LBB2_8-.Ltmp3, $4  }
0x180: {  	s28 =	sadd.s32 $0x6D30, s0;
	s29 =	sadd.s32 $0x60, s26  }
0x181: {  	[hbm4b:s29+s3] =	stream.linear.scatter [tilespmem:s28], [sflag:$0x2], $0x80, $0x38;
	[tilespmem:$0x8C00] =	vst v63  }
0x182: {  	s29 =	sadd.s32 $0x6DB8, s0  }
0x183: {  	s0 =	sadd.s32 $0x70, s26;
	s26 =	sadd.s32 $0x1000, s26;
	s28 =	smov.u32 s2  }
0x184: {  	[hbm4b:s0+s3] =	stream.linear.scatter [tilespmem:s29], [sflag:$0x2], $0x80, $0x38;
	[tilespmem:$0x8C00] =	vst v63  }
0x185: {  	s30 =	sadd.s32 $0x6A00, s25  }
0x186: {  	[hbm4b:s26+s3] =	stream.linear.scatter [tilespmem:s30], [sflag:$0x2], $0x80, $0x38;
	[tilespmem:$0x8C00] =	vst v63  }
0x187: {  	s31 =	sadd.s32 $0x6A88, s25;
	s2 =	sadd.s32 $0x10, s26  }
0x188: {  	[hbm4b:s2+s3] =	stream.linear.scatter [tilespmem:s31], [sflag:$0x2], $0x80, $0x38;
	[tilespmem:$0x8C00] =	vst v63  }
0x189: {  	s14 =	sadd.s32 $0x20, s26;
	s2 =	sadd.s32 $0x6B10, s25  }
0x18a: {  	[hbm4b:s14+s3] =	stream.linear.scatter [tilespmem:s2], [sflag:$0x2], $0x80, $0x38;
	[tilespmem:$0x8C00] =	vst v63  }
0x18b: {  	s28 =	sadd.s32 $0x6B98, s25;
	s29 =	sadd.s32 $0x30, s26  }
0x18c: {  	[hbm4b:s29+s3] =	stream.linear.scatter [tilespmem:s28], [sflag:$0x2], $0x80, $0x38;
	[tilespmem:$0x8C00] =	vst v63  }
0x18d: {  	s30 =	sadd.s32 $0x6C20, s25;
	s31 =	sadd.s32 $0x40, s26  }
0x18e: {  	[hbm4b:s31+s3] =	stream.linear.scatter [tilespmem:s30], [sflag:$0x2], $0x80, $0x38;
	[tilespmem:$0x8C00] =	vst v63  }
0x18f: {  	v17 =	vld [tilespmem:$0x1FEE0];
	s2 =	sadd.s32 $0x6CA8, s25;
	s14 =	sadd.s32 $0x50, s26  }
0x190: {  	v12 =	vld [tilespmem:$0x1FEF0];
	[hbm4b:s14+s3] =	stream.linear.scatter [tilespmem:s2], [sflag:$0x2], $0x80, $0x38  }
0x191: {  	v15 =	vld [tilespmem:$0x1FF00];
	s28 =	sadd.s32 $0x6D30, s25;
	s29 =	sadd.s32 $0x60, s26  }
0x192: {  	v14 =	vld [tilespmem:$0x1FF10];
	[hbm4b:s29+s3] =	stream.linear.scatter [tilespmem:s28], [sflag:$0x2], $0x80, $0x38  }
0x193: {  	v18 =	vld [tilespmem:$0x1FF30];
	s30 =	sadd.s32 $0x6DB8, s25;
	s31 =	sadd.s32 $0x70, s26  }
0x194: {  	v30 =	vld [tilespmem:$0x1FFA0];
	[hbm4b:s31+s3] =	stream.linear.scatter [tilespmem:s30], [sflag:$0x2], $0x80, $0x38  }
0x195: {  	v31 =	vld [tilespmem:$0x1FE80];
	s25 =	simm.s32 $0x0;
	s26 =	simm.s32 $0x0  }
0x196: {  	v7 =	vld [tilespmem:$0x1FFC0];
	v63 =	vmov v21;
	[tilespmem:s17], [sflag:$0x1] =	stream.indirect.gather [hbm4b:s4+s13], $0x40, s22, s13, $0xb8  }
.LBB2_10:
0x197: {  	_ =	swait.ge [sflag:s18], $0x2000  }
0x198: {  	s14 =	simm.s32 $0x4;
	[sflag:s18] =	ssyncset.done $0x0  }
0x199: {  	v0 =	vmov s25;
	s0 =	simm.s32 $0x1;
	v5 =	vmov s14;
	s14 =	simm.s32 $0x7;
	[sflag:s18] =	ssyncadd.s32 $0xFFFFE000  }
0x19a: {  	s2 =	simm.s32 $0x2;
	s28 =	simm.s32 $0x3;
	v0 =	vshrl.u32 v0, $0x3;
	v2 =	vmov s0;
	v35 =	vmov s14;
	_ =	swait.ge [sflag:s23], $0x2000  }
0x19b: {  	v3 =	vmov s2;
	v4 =	vmov s28;
	s28 =	simm.s32 $0x6;
	v35 =	vshrl.u32 v35, $0x3;
	[sflag:s23] =	ssyncset.done $0x0;
	v8 =	vld [tilespmem:$0x1FEA0]  }
0x19c: {  	v34 =	vmov s28;
	v0 =	vshll.u32 v0, v1;
	s28 =	simm.s32 $0x900;
	v35 =	vshll.u32 v35, v1;
	[sflag:s23] =	ssyncadd.s32 $0xFFFFE000  }
0x19d: {  	v2 =	vshrl.u32 v2, $0x3;
	v39 =	vbroadcast v0, $0x0;
	v41 =	vbroadcast v35, $0x0;
	v0 =	vld [tilespmem:s28+$0xC0]  }
0x19e: {  	v3 =	vshrl.u32 v3, $0x3;
	v2 =	vshll.u32 v2, v1;
	v38 =	vld [tilespmem:s28+$0xFFFFFF00]  }
0x19f: {  	v4 =	vshrl.u32 v4, $0x3;
	v40 =	vbroadcast v2, $0x0;
	v2 =	vadd.s32 v7, v41  }
0x1a0: {  	v5 =	vshrl.u32 v5, $0x3;
	v3 =	vshll.u32 v3, v1;
	v42 =	vld [tilespmem:s28+$0xFFFFFF40];
	v43 =	vadd.s32 v8, v39  }
0x1a1: {  	v4 =	vshll.u32 v4, v1;
	v5 =	vshll.u32 v5, v1;
	v37 =	vbroadcast v3, $0x0;
	v44 =	vld [tilespmem:s28+$0xFFFFFF80]  }
0x1a2: {  	v36 =	vbroadcast v4, $0x0;
	v45 =	vadd.s32 v17, v40;
	v0 =	vmul.f32 $8.000000000e+00, v0  }
0x1a3: {  	v25 =	vld [tilespmem:$0x1FF50];
	v35 =	vbroadcast v5, $0x0;
	v4 =	vadd.s32 v15, v37;
	v5 =	vmul.f32 $8.000000000e+00, v38  }
0x1a4: {  	v46 =	vld [tilespmem:s28+$0xFFFFFFC0];
	[tilespmem:v2+s19+$0x0] =	vst.idx.msk $0xffff, v0  }
0x1a5: {  	s31 =	simm.s32 $0x5;
	v47 =	vld [tilespmem:s28+$0x0];
	v42 =	vmul.f32 $8.000000000e+00, v42;
	[tilespmem:v43+s19+$0x0] =	vst.idx.msk $0xffff, v5  }
0x1a6: {  	v33 =	vmov s31;
	v34 =	vshrl.u32 v34, $0x3;
	v2 =	vmul.f32 $8.000000000e+00, v44;
	v16 =	vld [tilespmem:$0x1FF80]  }
0x1a7: {  	v33 =	vshrl.u32 v33, $0x3;
	v3 =	vshll.u32 v34, v1;
	v48 =	vld [tilespmem:s28+$0x40];
	[tilespmem:v45+s19+$0x0] =	vst.idx.msk $0xffff, v42  }
0x1a8: {  	v33 =	vshll.u32 v33, v1;
	v34 =	vbroadcast v3, $0x0;
	v50 =	vld [tilespmem:s28+$0x80];
	v49 =	vadd.s32 v25, v35;
	[tilespmem:v4+s19+$0x0] =	vst.idx.msk $0xffff, v2  }
0x1a9: {  	v33 =	vbroadcast v33, $0x0;
	v56 =	vadd.s32 v18, v36;
	v8 =	vld [tilespmem:$0x1FEB0]  }
0x1aa: {  	v58 =	vadd.s32 v30, v34;
	v59 =	vld [tilespmem:s28+$0xFFFFFF50]  }
0x1ab: {  	v5 =	vld [tilespmem:s28+$0xD0];
	v2 =	vmul.f32 $8.000000000e+00, v47;
	v3 =	vadd.s32 v16, v33  }
0x1ac: {  	v57 =	vmul.f32 $8.000000000e+00, v46;
	v60 =	vmul.f32 $8.000000000e+00, v48;
	v48 =	vadd.s32 v26, v40;
	v43 =	vld [tilespmem:s28+$0xFFFFFF10]  }
0x1ad: {  	v4 =	vadd.s32 v6, v41;
	v52 =	vld [tilespmem:s28+$0xFFFFFF90];
	[tilespmem:v49+s19+$0x0] =	vst.idx.msk $0xffff, v2;
	v2 =	vmul.f32 $8.000000000e+00, v50  }
0x1ae: {  	[tilespmem:v56+s19+$0x0] =	vst.idx.msk $0xffff, v57;
	v51 =	vadd.s32 v8, v39  }
0x1af: {  	v50 =	vadd.s32 v63, v37;
	[tilespmem:v58+s19+$0x0] =	vst.idx.msk $0xffff, v2;
	v62 =	vmul.f32 $8.000000000e+00, v59  }
0x1b0: {  	[tilespmem:v3+s19+$0x0] =	vst.idx.msk $0xffff, v60;
	v3 =	vmul.f32 $8.000000000e+00, v5  }
0x1b1: {  	v61 =	vmul.f32 $8.000000000e+00, v43;
	[tilespmem:v48+s19+$0x0] =	vst.idx.msk $0xffff, v62  }
0x1b2: {  	[tilespmem:v4+s19+$0x0] =	vst.idx.msk $0xffff, v3;
	v3 =	vmul.f32 $8.000000000e+00, v52  }
0x1b3: {  	[tilespmem:v51+s19+$0x0] =	vst.idx.msk $0xffff, v61  }
0x1b4: {  	v53 =	vld [tilespmem:s28+$0xFFFFFFD0];
	[tilespmem:v50+s19+$0x0] =	vst.idx.msk $0xffff, v3  }
0x1b5: {  	v8 =	vld [tilespmem:$0x1FFD0]  }
0x1b6: {  	v54 =	vld [tilespmem:s28+$0x10]  }
0x1b7: {  	v43 =	vadd.s32 v22, v36;
	v55 =	vld [tilespmem:s28+$0x50]  }
0x1b8: {  	v32 =	vadd.s32 v19, v35;
	v56 =	vld [tilespmem:s28+$0x90]  }
0x1b9: {  	s14 =	simm.s32 $0xA;
	v4 =	vadd.s32 v29, v33;
	v51 =	vld [tilespmem:s28+$0xFFFFFF20]  }
0x1ba: {  	v47 =	vmov s14;
	v61 =	vmul.f32 $8.000000000e+00, v53;
	v50 =	vadd.s32 v8, v41;
	v8 =	vld [tilespmem:$0x1FEC0]  }
0x1bb: {  	v52 =	vshrl.u32 v47, $0x3;
	v47 =	vld [tilespmem:s28+$0xFFFFFF60];
	v3 =	vmul.f32 $8.000000000e+00, v54  }
0x1bc: {  	s31 =	simm.s32 $0x8;
	v48 =	vadd.s32 v13, v34;
	v60 =	vld [tilespmem:s28+$0xE0];
	v62 =	vmul.f32 $8.000000000e+00, v55;
	[tilespmem:v43+s19+$0x0] =	vst.idx.msk $0xffff, v61  }
0x1bd: {  	s2 =	simm.s32 $0x9;
	v0 =	vmov s31;
	v57 =	vld [tilespmem:s28+$0xFFFFFFA0];
	[tilespmem:v32+s19+$0x0] =	vst.idx.msk $0xffff, v3  }
0x1be: {  	s31 =	simm.s32 $0xB;
	v0 =	vshrl.u32 v0, $0x3;
	v45 =	vmov s2;
	[tilespmem:v4+s19+$0x0] =	vst.idx.msk $0xffff, v62;
	v58 =	vld [tilespmem:s28+$0xFFFFFFE0]  }
0x1bf: {  	v42 =	vmov s31;
	s2 =	simm.s32 $0xC;
	s31 =	simm.s32 $0xE;
	v3 =	vmul.f32 $8.000000000e+00, v56;
	v20 =	vld [tilespmem:$0x1FE60];
	v54 =	vadd.s32 v8, v39  }
0x1c0: {  	v49 =	vmov s2;
	v2 =	vmov s31;
	v53 =	vshrl.u32 v42, $0x3;
	v59 =	vld [tilespmem:s28+$0x20]  }
0x1c1: {  	v43 =	vshrl.u32 v49, $0x3;
	v49 =	vadd.s32 v12, v40;
	v4 =	vmul.f32 $8.000000000e+00, v60;
	v61 =	vld [tilespmem:s28+$0x60];
	[tilespmem:v48+s19+$0x0] =	vst.idx.msk $0xffff, v3  }
0x1c2: {  	v42 =	vshrl.u32 v2, $0x3;
	v2 =	vmul.f32 $8.000000000e+00, v51;
	v32 =	vadd.s32 v14, v37;
	v24 =	vld [tilespmem:$0x1FF60]  }
0x1c3: {  	v0 =	vshll.u32 v0, v1;
	v62 =	vld [tilespmem:s28+$0xA0];
	[tilespmem:v50+s19+$0x0] =	vst.idx.msk $0xffff, v4  }
0x1c4: {  	v38 =	vbroadcast v0, $0x0;
	v0 =	vmul.f32 $8.000000000e+00, v47;
	v60 =	vadd.s32 v20, v36;
	v56 =	vld [tilespmem:s28+$0xF0];
	[tilespmem:v54+s19+$0x0] =	vst.idx.msk $0xffff, v2  }
0x1c5: {  	v2 =	vmul.f32 $8.000000000e+00, v57;
	v28 =	vld [tilespmem:$0x1FE70]  }
0x1c6: {  	v50 =	vld [tilespmem:s28+$0xFFFFFF30];
	[tilespmem:v49+s19+$0x0] =	vst.idx.msk $0xffff, v0  }
0x1c7: {  	v44 =	vshll.u32 v52, v1;
	v0 =	vmul.f32 $8.000000000e+00, v58;
	v52 =	vld [tilespmem:s28+$0xFFFFFF70];
	[tilespmem:v32+s19+$0x0] =	vst.idx.msk $0xffff, v2  }
0x1c8: {  	v8 =	vld [tilespmem:$0x1FED0]  }
0x1c9: {  	s14 =	simm.s32 $0xD;
	v45 =	vshrl.u32 v45, $0x3;
	v49 =	vld [tilespmem:s28+$0xFFFFFFB0];
	[tilespmem:v60+s19+$0x0] =	vst.idx.msk $0xffff, v0  }
0x1ca: {  	v5 =	vmov s14;
	v51 =	vadd.s32 v31, v34;
	v3 =	vadd.s32 v24, v35;
	v32 =	vmovc v31;
	v31 =	vmovc v13;
	v13 =	vld [tilespmem:$0x1FE50]  }
0x1cb: {  	v10 =	vmovc v17;
	v23 =	vmovc v19;
	v19 =	vmov v22;
	v5 =	vshrl.u32 v5, $0x3;
	v47 =	vshll.u32 v45, v1;
	v21 =	vld [tilespmem:$0x1FF70]  }
0x1cc: {  	v22 =	vmovc v25;
	v45 =	vshll.u32 v53, v1;
	v53 =	vadd.s32 v11, v41;
	v46 =	vshll.u32 v43, v1;
	v9 =	vld [tilespmem:$0x1FF20]  }
0x1cd: {  	v43 =	vshll.u32 v5, v1;
	v2 =	vmul.f32 $8.000000000e+00, v59;
	v59 =	vmovc v11;
	v11 =	vmovc v26;
	v26 =	vmov v16;
	v17 =	vld [tilespmem:$0x1FF40]  }
0x1ce: {  	v16 =	vmovc v14;
	v14 =	vmovc v15;
	v15 =	vmov v63;
	v54 =	vld [tilespmem:s28+$0xFFFFFFF0];
	v55 =	vadd.s32 v28, v33;
	v48 =	vadd.s32 v8, v39  }
0x1cf: {  	s30 =	simm.s32 $0xF;
	s29 =	simm.s32 $0x10;
	v25 =	vmovc v59;
	v39 =	vmul.f32 $8.000000000e+00, v61;
	v8 =	vld [tilespmem:$0x1FF90];
	[tilespmem:v3+s19+$0x0] =	vst.idx.msk $0xffff, v2;
	v41 =	vadd.s32 v13, v40;
	v40 =	vmul.f32 $8.000000000e+00, v62  }
.LBB2_11:
0x1d0: {  	_ = 	snop  }
0x1d1: {  	v0 =	vmov s30;
	v2 =	vadd.s32 v9, v37  }
0x1d2: {  	v0 =	vshrl.u32 v0, $0x3  }
0x1d3: {  	v3 =	vld [tilespmem:s28+$0x30];
	[tilespmem:v55+s19+$0x0] =	vst.idx.msk $0xffff, v39;
	v0 =	vshll.u32 v0, v1;
	v4 =	vmul.f32 $8.000000000e+00, v56  }
0x1d4: {  	[tilespmem:v51+s19+$0x0] =	vst.idx.msk $0xffff, v40;
	v58 =	vld [tilespmem:s28+$0x70];
	v40 =	vbroadcast v0, $0x0;
	v0 =	vmul.f32 $8.000000000e+00, v49  }
0x1d5: {  	v35 =	vadd.s32 v21, v35;
	v60 =	vld [tilespmem:s28+$0xB0];
	v59 =	vmul.f32 $8.000000000e+00, v52;
	[tilespmem:v53+s19+$0x0] =	vst.idx.msk $0xffff, v4  }
0x1d6: {  	v36 =	vadd.s32 v17, v36;
	s28 =	sadd.s32 $0x200, s28;
	v5 =	vmul.f32 $8.000000000e+00, v50;
	[tilespmem:v2+s19+$0x0] =	vst.idx.msk $0xffff, v0;
	v2 =	vld [tilespmem:$0x1FEA0]  }
0x1d7: {  	v34 =	vadd.s32 v27, v34;
	[tilespmem:v41+s19+$0x0] =	vst.idx.msk $0xffff, v59;
	v4 =	vld [tilespmem:s28+$0xC0]  }
0x1d8: {  	[tilespmem:v48+s19+$0x0] =	vst.idx.msk $0xffff, v5;
	v5 =	vadd.s32 v8, v33;
	v41 =	vbroadcast v47, $0x0;
	v0 =	vmul.f32 $8.000000000e+00, v3;
	v52 =	vld [tilespmem:s28+$0xFFFFFF40]  }
0x1d9: {  	v63 =	vmul.f32 $8.000000000e+00, v54;
	v53 =	vadd.s32 v7, v40;
	v61 =	vld [tilespmem:s28+$0xFFFFFF00]  }
0x1da: {  	v39 =	vmov v38;
	v54 =	vadd.s32 v10, v41;
	[tilespmem:v35+s19+$0x0] =	vst.idx.msk $0xffff, v0;
	v0 =	vmul.f32 $8.000000000e+00, v60  }
0x1db: {  	v37 =	vbroadcast v44, $0x0;
	[tilespmem:v36+s19+$0x0] =	vst.idx.msk $0xffff, v63;
	v3 =	vld [tilespmem:s28+$0xFFFFFF80];
	v38 =	vmul.f32 $8.000000000e+00, v58;
	v2 =	vadd.s32 v2, v39  }
0x1dc: {  	v36 =	vbroadcast v45, $0x0;
	v48 =	vld [tilespmem:s28+$0xFFFFFFC0];
	[tilespmem:v34+s19+$0x0] =	vst.idx.msk $0xffff, v0;
	v4 =	vmul.f32 $8.000000000e+00, v4  }
0x1dd: {  	v55 =	vadd.s32 v14, v37;
	v35 =	vbroadcast v46, $0x0;
	v62 =	vld [tilespmem:s28+$0x0];
	[tilespmem:v5+s19+$0x0] =	vst.idx.msk $0xffff, v38;
	v0 =	vmul.f32 $8.000000000e+00, v52  }
0x1de: {  	v63 =	vadd.s32 v18, v36;
	v58 =	vld [tilespmem:s28+$0x80];
	v5 =	vmul.f32 $8.000000000e+00, v61;
	[tilespmem:v53+s19+$0x0] =	vst.idx.msk $0xffff, v4  }
0x1df: {  	v42 =	vshll.u32 v42, v1;
	v33 =	vbroadcast v43, $0x0;
	v57 =	vadd.s32 v22, v35;
	v56 =	vld [tilespmem:s28+$0x40];
	[tilespmem:v54+s19+$0x0] =	vst.idx.msk $0xffff, v0  }
0x1e0: {  	v34 =	vbroadcast v42, $0x0;
	v61 =	vld [tilespmem:s28+$0xFFFFFF50];
	[tilespmem:v2+s19+$0x0] =	vst.idx.msk $0xffff, v5;
	v2 =	vmul.f32 $8.000000000e+00, v3  }
0x1e1: {  	v0 =	vmul.f32 $8.000000000e+00, v48;
	v3 =	vadd.s32 v26, v33;
	v5 =	vld [tilespmem:s28+$0xD0]  }
0x1e2: {  	v60 =	vadd.s32 v30, v34;
	[tilespmem:v55+s19+$0x0] =	vst.idx.msk $0xffff, v2;
	v2 =	vmul.f32 $8.000000000e+00, v62;
	v62 =	vld [tilespmem:$0x1FEB0]  }
0x1e3: {  	v45 =	vadd.s32 v6, v40;
	[tilespmem:v63+s19+$0x0] =	vst.idx.msk $0xffff, v0;
	v52 =	vld [tilespmem:s28+$0xFFFFFF90]  }
0x1e4: {  	v46 =	vadd.s32 v11, v41;
	v59 =	vld [tilespmem:s28+$0xFFFFFF10];
	v0 =	vmul.f32 $8.000000000e+00, v56;
	[tilespmem:v57+s19+$0x0] =	vst.idx.msk $0xffff, v2  }
0x1e5: {  	v49 =	vadd.s32 v15, v37;
	v2 =	vmul.f32 $8.000000000e+00, v58;
	v54 =	vld [tilespmem:s28+$0x10]  }
0x1e6: {  	v4 =	vmov s29;
	v63 =	vld [tilespmem:s28+$0xFFFFFFD0];
	[tilespmem:v3+s19+$0x0] =	vst.idx.msk $0xffff, v0;
	v0 =	vmul.f32 $8.000000000e+00, v5  }
0x1e7: {  	v53 =	vld [tilespmem:$0x1FFD0];
	v4 =	vshrl.u32 v4, $0x3;
	[tilespmem:v60+s19+$0x0] =	vst.idx.msk $0xffff, v2;
	v60 =	vmul.f32 $8.000000000e+00, v61;
	v51 =	vadd.s32 v62, v39  }
0x1e8: {  	v42 =	vadd.s32 v19, v36;
	v55 =	vld [tilespmem:s28+$0x50];
	[tilespmem:v45+s19+$0x0] =	vst.idx.msk $0xffff, v0;
	v0 =	vshll.u32 v4, v1;
	v4 =	vmul.f32 $8.000000000e+00, v52  }
0x1e9: {  	v61 =	vadd.s32 v23, v35;
	v62 =	vld [tilespmem:s28+$0x90];
	[tilespmem:v46+s19+$0x0] =	vst.idx.msk $0xffff, v60  }
0x1ea: {  	s14 =	sadd.s32 $0x2, s29;
	v5 =	vmul.f32 $8.000000000e+00, v59;
	[tilespmem:v49+s19+$0x0] =	vst.idx.msk $0xffff, v4;
	v4 =	vmul.f32 $8.000000000e+00, v54;
	v54 =	vld [tilespmem:$0x1FEC0]  }
0x1eb: {  	s0 =	sadd.s32 $0x1, s29;
	v50 =	vmov s14;
	v63 =	vmul.f32 $8.000000000e+00, v63;
	v46 =	vadd.s32 v31, v34;
	v52 =	vld [tilespmem:s28+$0xFFFFFF60]  }
0x1ec: {  	s2 =	sadd.s32 $0x4, s29;
	v50 =	vshrl.u32 v50, $0x3;
	v47 =	vmov s0;
	v45 =	vld [tilespmem:s28+$0xE0];
	[tilespmem:v51+s19+$0x0] =	vst.idx.msk $0xffff, v5;
	v5 =	vadd.s32 v29, v33  }
0x1ed: {  	s31 =	sadd.s32 $0x3, s29;
	v43 =	vmov s2;
	v44 =	vshll.u32 v50, v1;
	v58 =	vadd.s32 v12, v41;
	[tilespmem:v42+s19+$0x0] =	vst.idx.msk $0xffff, v63;
	v51 =	vld [tilespmem:s28+$0xFFFFFF20]  }
0x1ee: {  	v38 =	vmov s31;
	v59 =	vld [tilespmem:s28+$0xFFFFFFE0];
	v49 =	vadd.s32 v53, v40;
	[tilespmem:v61+s19+$0x0] =	vst.idx.msk $0xffff, v4;
	v4 =	vmul.f32 $8.000000000e+00, v62  }
0x1ef: {  	v53 =	vshrl.u32 v38, $0x3;
	v57 =	vld [tilespmem:s28+$0xFFFFFFA0];
	v55 =	vmul.f32 $8.000000000e+00, v55;
	v54 =	vadd.s32 v54, v39  }
0x1f0: {  	s31 =	sadd.s32 $0x6, s29;
	v38 =	vbroadcast v0, $0x0;
	v61 =	vadd.s32 v20, v36;
	v60 =	vld [tilespmem:s28+$0x20];
	[tilespmem:v46+s19+$0x0] =	vst.idx.msk $0xffff, v4;
	v0 =	vmul.f32 $8.000000000e+00, v52  }
0x1f1: {  	v48 =	vadd.s32 v16, v37;
	v2 =	vmov s31;
	v63 =	vld [tilespmem:s28+$0xA0];
	[tilespmem:v5+s19+$0x0] =	vst.idx.msk $0xffff, v55;
	v5 =	vmul.f32 $8.000000000e+00, v45  }
0x1f2: {  	v47 =	vshrl.u32 v47, $0x3;
	v42 =	vshrl.u32 v2, $0x3;
	[tilespmem:v58+s19+$0x0] =	vst.idx.msk $0xffff, v0;
	v2 =	vmul.f32 $8.000000000e+00, v51;
	v62 =	vld [tilespmem:s28+$0x60]  }
0x1f3: {  	p0 =	slt.u32 s29, $0x78;
	s14 =	sadd.s32 $0x5, s29;
	v43 =	vshrl.u32 v43, $0x3;
	v4 =	vadd.s32 v24, v35;
	v0 =	vmul.f32 $8.000000000e+00, v59;
	[tilespmem:v49+s19+$0x0] =	vst.idx.msk $0xffff, v5;
	v5 =	vld [tilespmem:$0x1FED0]  }
.Ltmp4:
0x1f4: {  	v47 =	vshll.u32 v47, v1;
	v3 =	vmov s14;
	v52 =	vld [tilespmem:s28+$0xFFFFFF70];
	[tilespmem:v54+s19+$0x0] =	vst.idx.msk $0xffff, v2;
	v2 =	vmul.f32 $8.000000000e+00, v57;
	(pc) =	sbr.rel @p0 .LBB2_11-.Ltmp4, $4  }
0x1f5: {  	v41 =	vadd.s32 v13, v41;
	v3 =	vshrl.u32 v3, $0x3;
	v46 =	vshll.u32 v43, v1;
	[tilespmem:v61+s19+$0x0] =	vst.idx.msk $0xffff, v0;
	v56 =	vld [tilespmem:s28+$0xF0]  }
0x1f6: {  	v43 =	vshll.u32 v3, v1;
	v55 =	vadd.s32 v28, v33;
	v54 =	vld [tilespmem:s28+$0xFFFFFFF0];
	[tilespmem:v48+s19+$0x0] =	vst.idx.msk $0xffff, v2;
	v2 =	vmul.f32 $8.000000000e+00, v60  }
0x1f7: {  	v45 =	vshll.u32 v53, v1;
	v53 =	vadd.s32 v25, v40;
	v51 =	vadd.s32 v32, v34;
	v50 =	vld [tilespmem:s28+$0xFFFFFF30]  }
0x1f8: {  	s30 =	sadd.s32 $0x7, s29;
	s29 =	sadd.s32 $0x8, s29;
	v40 =	vmul.f32 $8.000000000e+00, v63;
	v49 =	vld [tilespmem:s28+$0xFFFFFFB0];
	v48 =	vadd.s32 v5, v39;
	v39 =	vmul.f32 $8.000000000e+00, v62;
	[tilespmem:v4+s19+$0x0] =	vst.idx.msk $0xffff, v2  }
0x1f9: {  	_ =	sdelay $0x3  }
0x1fa: {  	v2 =	vadd.s32 v9, v37;
	v59 =	vmul.f32 $8.000000000e+00, v52;
	[tilespmem:v55+s19+$0x0] =	vst.idx.msk $0xffff, v39  }
0x1fb: {  	v3 =	vld [tilespmem:s28+$0x30];
	[tilespmem:v51+s19+$0x0] =	vst.idx.msk $0xffff, v40;
	v5 =	vmul.f32 $8.000000000e+00, v50  }
0x1fc: {  	v4 =	vmul.f32 $8.000000000e+00, v56;
	[tilespmem:v41+s19+$0x0] =	vst.idx.msk $0xffff, v59  }
0x1fd: {  	[tilespmem:v48+s19+$0x0] =	vst.idx.msk $0xffff, v5;
	v5 =	vmul.f32 $8.000000000e+00, v49  }
0x1fe: {  	v0 =	vmov s30;
	v58 =	vld [tilespmem:s28+$0x70];
	[tilespmem:v53+s19+$0x0] =	vst.idx.msk $0xffff, v4  }
0x1ff: {  	v0 =	vshrl.u32 v0, $0x3;
	v40 =	vld [tilespmem:s28+$0xB0];
	[tilespmem:v2+s19+$0x0] =	vst.idx.msk $0xffff, v5  }
0x200: {  	v36 =	vadd.s32 v17, v36;
	v0 =	vshll.u32 v0, v1;
	s28 =	sadd.s32 $0x200, s28;
	v2 =	vmul.f32 $8.000000000e+00, v3;
	v3 =	vld [tilespmem:$0x1FEA0]  }
0x201: {  	v35 =	vadd.s32 v21, v35;
	v4 =	vld [tilespmem:s28+$0xC0];
	v0 =	vbroadcast v0, $0x0  }
0x202: {  	v33 =	vadd.s32 v8, v33  }
0x203: {  	v61 =	vmul.f32 $8.000000000e+00, v54;
	v60 =	vld [tilespmem:s28+$0xFFFFFF00];
	v63 =	vadd.s32 v7, v0  }
0x204: {  	v34 =	vadd.s32 v27, v34;
	v47 =	vbroadcast v47, $0x0;
	v62 =	vld [tilespmem:s28+$0xFFFFFF40]  }
0x205: {  	v44 =	vbroadcast v44, $0x0;
	v5 =	vld [tilespmem:s28+$0xFFFFFF80];
	v51 =	vmul.f32 $8.000000000e+00, v58;
	[tilespmem:v36+s19+$0x0] =	vst.idx.msk $0xffff, v61;
	v3 =	vadd.s32 v3, v38  }
0x206: {  	v52 =	vadd.s32 v10, v47;
	v4 =	vmul.f32 $8.000000000e+00, v4;
	[tilespmem:v35+s19+$0x0] =	vst.idx.msk $0xffff, v2  }
0x207: {  	v54 =	vadd.s32 v14, v44;
	v2 =	vmul.f32 $8.000000000e+00, v40;
	[tilespmem:v33+s19+$0x0] =	vst.idx.msk $0xffff, v51  }
0x208: {  	v53 =	vld [tilespmem:s28+$0xFFFFFFC0];
	v56 =	vmul.f32 $8.000000000e+00, v60;
	[tilespmem:v63+s19+$0x0] =	vst.idx.msk $0xffff, v4  }
0x209: {  	v45 =	vbroadcast v45, $0x0;
	v55 =	vld [tilespmem:s28+$0x0];
	[tilespmem:v34+s19+$0x0] =	vst.idx.msk $0xffff, v2;
	v2 =	vmul.f32 $8.000000000e+00, v62  }
0x20a: {  	v46 =	vbroadcast v46, $0x0;
	v58 =	vld [tilespmem:s28+$0x40];
	[tilespmem:v3+s19+$0x0] =	vst.idx.msk $0xffff, v56;
	v3 =	vmul.f32 $8.000000000e+00, v5  }
0x20b: {  	v42 =	vshll.u32 v42, v1;
	v43 =	vbroadcast v43, $0x0;
	v57 =	vadd.s32 v18, v45;
	v60 =	vld [tilespmem:s28+$0x80];
	[tilespmem:v52+s19+$0x0] =	vst.idx.msk $0xffff, v2  }
0x20c: {  	v42 =	vbroadcast v42, $0x0;
	v59 =	vadd.s32 v22, v46;
	v5 =	vld [tilespmem:s28+$0xD0];
	[tilespmem:v54+s19+$0x0] =	vst.idx.msk $0xffff, v3  }
0x20d: {  	v7 =	vmov v6;
	v4 =	vadd.s32 v26, v43;
	v63 =	vadd.s32 v6, v0;
	v6 =	vld [tilespmem:$0x1FEB0]  }
0x20e: {  	v61 =	vadd.s32 v30, v42;
	v2 =	vmul.f32 $8.000000000e+00, v53;
	v62 =	vld [tilespmem:s28+$0xFFFFFF50]  }
0x20f: {  	v3 =	vmul.f32 $8.000000000e+00, v55;
	v14 =	vld [tilespmem:s28+$0xFFFFFF90]  }
0x210: {  	v18 =	vadd.s32 v11, v47;
	v33 =	vld [tilespmem:s28+$0xFFFFFF10];
	[tilespmem:v57+s19+$0x0] =	vst.idx.msk $0xffff, v2;
	v2 =	vmul.f32 $8.000000000e+00, v58  }
0x211: {  	v26 =	vadd.s32 v15, v44;
	[tilespmem:v59+s19+$0x0] =	vst.idx.msk $0xffff, v3;
	v3 =	vmul.f32 $8.000000000e+00, v60  }
0x212: {  	[tilespmem:v4+s19+$0x0] =	vst.idx.msk $0xffff, v2;
	v2 =	vmul.f32 $8.000000000e+00, v5;
	v10 =	vadd.s32 v6, v38  }
0x213: {  	[tilespmem:v61+s19+$0x0] =	vst.idx.msk $0xffff, v3;
	v3 =	vmul.f32 $8.000000000e+00, v62  }
0x214: {  	[tilespmem:v63+s19+$0x0] =	vst.idx.msk $0xffff, v2;
	v2 =	vmul.f32 $8.000000000e+00, v14  }
0x215: {  	v4 =	vmul.f32 $8.000000000e+00, v33;
	[tilespmem:v18+s19+$0x0] =	vst.idx.msk $0xffff, v3  }
0x216: {  	[tilespmem:v26+s19+$0x0] =	vst.idx.msk $0xffff, v2  }
0x217: {  	v22 =	vld [tilespmem:s28+$0xFFFFFFD0];
	[tilespmem:v10+s19+$0x0] =	vst.idx.msk $0xffff, v4  }
0x218: {  	v6 =	vld [tilespmem:$0x1FFD0]  }
0x219: {  	v30 =	vld [tilespmem:s28+$0x10]  }
0x21a: {  	v52 =	vld [tilespmem:s28+$0x50]  }
0x21b: {  	v5 =	vadd.s32 v19, v45;
	v61 =	vld [tilespmem:s28+$0x90]  }
0x21c: {  	v60 =	vadd.s32 v23, v46;
	v35 =	vld [tilespmem:s28+$0xE0]  }
0x21d: {  	v4 =	vadd.s32 v29, v43;
	v10 =	vadd.s32 v6, v0;
	v6 =	vld [tilespmem:$0x1FEC0]  }
0x21e: {  	v62 =	vadd.s32 v31, v42;
	v3 =	vmul.f32 $8.000000000e+00, v22;
	v63 =	vld [tilespmem:s28+$0xFFFFFF60]  }
0x21f: {  	v2 =	vmul.f32 $8.000000000e+00, v30;
	v14 =	vld [tilespmem:s28+$0xFFFFFFA0]  }
0x220: {  	v40 =	vld [tilespmem:s28+$0xFFFFFF20];
	[tilespmem:v5+s19+$0x0] =	vst.idx.msk $0xffff, v3;
	v3 =	vmul.f32 $8.000000000e+00, v52;
	v5 =	vadd.s32 v12, v47  }
0x221: {  	v18 =	vadd.s32 v16, v44;
	[tilespmem:v60+s19+$0x0] =	vst.idx.msk $0xffff, v2;
	v2 =	vmul.f32 $8.000000000e+00, v61  }
0x222: {  	v53 =	vmov v11;
	[tilespmem:v4+s19+$0x0] =	vst.idx.msk $0xffff, v3;
	v3 =	vmul.f32 $8.000000000e+00, v35;
	v11 =	vadd.s32 v6, v38  }
0x223: {  	[tilespmem:v62+s19+$0x0] =	vst.idx.msk $0xffff, v2;
	v2 =	vmul.f32 $8.000000000e+00, v63  }
0x224: {  	v55 =	vmov v19;
	v19 =	vld [tilespmem:s28+$0x20];
	[tilespmem:v10+s19+$0x0] =	vst.idx.msk $0xffff, v3;
	v3 =	vmul.f32 $8.000000000e+00, v14  }
0x225: {  	v54 =	vmov v15;
	v15 =	vld [tilespmem:s28+$0xFFFFFFE0];
	v4 =	vmul.f32 $8.000000000e+00, v40;
	[tilespmem:v5+s19+$0x0] =	vst.idx.msk $0xffff, v2  }
0x226: {  	v57 =	vmov v29;
	v26 =	vadd.s32 v24, v46;
	v29 =	vld [tilespmem:s28+$0xA0];
	[tilespmem:v18+s19+$0x0] =	vst.idx.msk $0xffff, v3  }
0x227: {  	v56 =	vmov v23;
	v22 =	vadd.s32 v20, v45;
	v23 =	vld [tilespmem:s28+$0x60];
	[tilespmem:v11+s19+$0x0] =	vst.idx.msk $0xffff, v4  }
0x228: {  	v5 =	vadd.s32 v32, v42;
	v6 =	vld [tilespmem:$0x1FED0]  }
0x229: {  	v30 =	vld [tilespmem:s28+$0xFFFFFF70];
	v3 =	vmul.f32 $8.000000000e+00, v19;
	v4 =	vadd.s32 v28, v43  }
0x22a: {  	v34 =	vld [tilespmem:s28+$0xF0];
	v2 =	vmul.f32 $8.000000000e+00, v15  }
0x22b: {  	v50 =	vadd.s32 v13, v47;
	v41 =	vld [tilespmem:s28+$0xFFFFFF30];
	[tilespmem:v26+s19+$0x0] =	vst.idx.msk $0xffff, v3;
	v3 =	vmul.f32 $8.000000000e+00, v29  }
0x22c: {  	v0 =	vadd.s32 v25, v0;
	v49 =	vld [tilespmem:s28+$0xFFFFFFB0];
	[tilespmem:v22+s19+$0x0] =	vst.idx.msk $0xffff, v2;
	v2 =	vmul.f32 $8.000000000e+00, v23  }
0x22d: {  	v58 =	vmov v31;
	v51 =	vld [tilespmem:s28+$0xFFFFFFF0];
	[tilespmem:v5+s19+$0x0] =	vst.idx.msk $0xffff, v3;
	v31 =	vadd.s32 v6, v38  }
0x22e: {  	v52 =	vadd.s32 v9, v44;
	v59 =	vld [tilespmem:s28+$0x30];
	v3 =	vmul.f32 $8.000000000e+00, v30;
	[tilespmem:v4+s19+$0x0] =	vst.idx.msk $0xffff, v2  }
0x22f: {  	v60 =	vadd.s32 v17, v45;
	v2 =	vmul.f32 $8.000000000e+00, v34;
	v61 =	vld [tilespmem:s28+$0x70]  }
0x230: {  	v5 =	vadd.s32 v21, v46;
	v62 =	vld [tilespmem:s28+$0xB0];
	[tilespmem:v50+s19+$0x0] =	vst.idx.msk $0xffff, v3;
	v4 =	vmul.f32 $8.000000000e+00, v41  }
0x231: {  	[tilespmem:v0+s19+$0x0] =	vst.idx.msk $0xffff, v2;
	v0 =	vmul.f32 $8.000000000e+00, v49;
	v2 =	vadd.s32 v8, v43  }
0x232: {  	v3 =	vmul.f32 $8.000000000e+00, v51;
	[tilespmem:v31+s19+$0x0] =	vst.idx.msk $0xffff, v4;
	v4 =	vadd.s32 v27, v42  }
0x233: {  	[tilespmem:v52+s19+$0x0] =	vst.idx.msk $0xffff, v0;
	v0 =	vmul.f32 $8.000000000e+00, v59  }
0x234: {  	s26 =	sadd.s32 $0x1, s26;
	[tilespmem:v60+s19+$0x0] =	vst.idx.msk $0xffff, v3;
	v3 =	vmul.f32 $8.000000000e+00, v61  }
0x235: {  	s0 =	sshll.u32 s26, $0x10;
	[tilespmem:v5+s19+$0x0] =	vst.idx.msk $0xffff, v0;
	v0 =	vmul.f32 $8.000000000e+00, v62  }
0x236: {  	s28 =	sor.u32 s5, s0;
	[tilespmem:v2+s19+$0x0] =	vst.idx.msk $0xffff, v3  }
0x237: {  	s2 =	simm.s32 $0x4800;
	s30 =	sadd.s32 s1, s28;
	[tilespmem:v4+s19+$0x0] =	vst.idx.msk $0xffff, v0  }
0x238: {  	[hbm4b:s30+s3] =	stream.linear.scatter [tilespmem:s2], [sflag:$0x2], $0x80, $0x38;
	[tilespmem:$0x8C00] =	vst v63  }
0x239: {  	s14 =	simm.s32 $0x4888;
	s2 =	sadd.s32 $0x10, s30  }
0x23a: {  	[hbm4b:s2+s3] =	stream.linear.scatter [tilespmem:s14], [sflag:$0x2], $0x80, $0x38;
	[tilespmem:$0x8C00] =	vst v63  }
0x23b: {  	s2 =	simm.s32 $0x4910;
	s14 =	sadd.s32 $0x20, s30  }
0x23c: {  	[hbm4b:s14+s3] =	stream.linear.scatter [tilespmem:s2], [sflag:$0x2], $0x80, $0x38;
	[tilespmem:$0x8C00] =	vst v63  }
0x23d: {  	s2 =	simm.s32 $0x4998;
	s14 =	sadd.s32 $0x30, s30  }
0x23e: {  	[hbm4b:s14+s3] =	stream.linear.scatter [tilespmem:s2], [sflag:$0x2], $0x80, $0x38;
	[tilespmem:$0x8C00] =	vst v63  }
0x23f: {  	s2 =	simm.s32 $0x4A20;
	s14 =	sadd.s32 $0x40, s30  }
0x240: {  	[hbm4b:s14+s3] =	stream.linear.scatter [tilespmem:s2], [sflag:$0x2], $0x80, $0x38;
	[tilespmem:$0x8C00] =	vst v63  }
0x241: {  	s29 =	simm.s32 $0x440;
	s2 =	simm.s32 $0x4AA8;
	s14 =	sadd.s32 $0x50, s30  }
0x242: {  	[hbm4b:s14+s3] =	stream.linear.scatter [tilespmem:s2], [sflag:$0x2], $0x80, $0x38;
	[tilespmem:$0x8C00] =	vst v63  }
0x243: {  	s31 =	simm.s32 $0x2200;
	s2 =	simm.s32 $0x4B30;
	s14 =	sadd.s32 $0x60, s30  }
0x244: {  	[hbm4b:s14+s3] =	stream.linear.scatter [tilespmem:s2], [sflag:$0x2], $0x80, $0x38;
	[tilespmem:$0x8C00] =	vst v63  }
0x245: {  	v63 =	vmov v25;
	s0 =	simm.s32 $0x4BB8;
	s2 =	sadd.s32 $0x70, s30;
	s30 =	sadd.s32 $0x1000, s30  }
.LBB2_13:
0x246: {  	[hbm4b:s2+s3] =	stream.linear.scatter [tilespmem:s0], [sflag:$0x2], $0x80, $0x38;
	[tilespmem:$0x8C00] =	vst v63  }
0x247: {  	s0 =	smov.u32 s29;
	s2 =	smov.u32 s31  }
0x248: {  	s14 =	sadd.s32 $0x1100, s31;
	s29 =	sshra.s32 s2, $0x2;
	s2 =	sadd.s32 $0x4800, s0  }
0x249: {  	[hbm4b:s30+s3] =	stream.linear.scatter [tilespmem:s2], [sflag:$0x2], $0x80, $0x38;
	[tilespmem:$0x8C00] =	vst v63  }
0x24a: {  	p0 =	sne.s32 s31, $0x7700;
	s31 =	sadd.s32 $0x10, s30;
	s2 =	sadd.s32 $0x4888, s0  }
0x24b: {  	[hbm4b:s31+s3] =	stream.linear.scatter [tilespmem:s2], [sflag:$0x2], $0x80, $0x38;
	[tilespmem:$0x8C00] =	vst v63  }
0x24c: {  	s2 =	sadd.s32 $0x4910, s0;
	s31 =	sadd.s32 $0x20, s30  }
0x24d: {  	[hbm4b:s31+s3] =	stream.linear.scatter [tilespmem:s2], [sflag:$0x2], $0x80, $0x38;
	[tilespmem:$0x8C00] =	vst v63  }
0x24e: {  	s2 =	sadd.s32 $0x4998, s0;
	s31 =	sadd.s32 $0x30, s30  }
0x24f: {  	[hbm4b:s31+s3] =	stream.linear.scatter [tilespmem:s2], [sflag:$0x2], $0x80, $0x38;
	[tilespmem:$0x8C00] =	vst v63  }
0x250: {  	s2 =	sadd.s32 $0x4A20, s0;
	s31 =	sadd.s32 $0x40, s30  }
0x251: {  	[hbm4b:s31+s3] =	stream.linear.scatter [tilespmem:s2], [sflag:$0x2], $0x80, $0x38;
	[tilespmem:$0x8C00] =	vst v63  }
.Ltmp5:
0x252: {  	s2 =	sadd.s32 $0x4AA8, s0;
	s31 =	sadd.s32 $0x50, s30;
	(pc) =	sbr.rel @p0 .LBB2_13-.Ltmp5, $4  }
0x253: {  	[hbm4b:s31+s3] =	stream.linear.scatter [tilespmem:s2], [sflag:$0x2], $0x80, $0x38;
	[tilespmem:$0x8C00] =	vst v63  }
0x254: {  	s2 =	sadd.s32 $0x4B30, s0;
	s31 =	sadd.s32 $0x60, s30;
	s0 =	sadd.s32 $0x4BB8, s0  }
0x255: {  	[hbm4b:s31+s3] =	stream.linear.scatter [tilespmem:s2], [sflag:$0x2], $0x80, $0x38;
	[tilespmem:$0x8C00] =	vst v63  }
0x256: {  	s2 =	sadd.s32 $0x70, s30;
	s30 =	sadd.s32 $0x1000, s30;
	s31 =	smov.u32 s14  }
0x257: {  	[hbm4b:s2+s3] =	stream.linear.scatter [tilespmem:s0], [sflag:$0x2], $0x80, $0x38;
	[tilespmem:$0x8C00] =	vst v63  }
0x258: {  	s14 =	sadd.s32 $0x4800, s29  }
0x259: {  	[hbm4b:s30+s3] =	stream.linear.scatter [tilespmem:s14], [sflag:$0x2], $0x80, $0x38;
	[tilespmem:$0x8C00] =	vst v63  }
0x25a: {  	s2 =	sadd.s32 $0x4888, s29;
	s14 =	sadd.s32 $0x10, s30  }
0x25b: {  	[hbm4b:s14+s3] =	stream.linear.scatter [tilespmem:s2], [sflag:$0x2], $0x80, $0x38;
	[tilespmem:$0x8C00] =	vst v63  }
0x25c: {  	s2 =	sadd.s32 $0x4910, s29;
	s14 =	sadd.s32 $0x20, s30  }
0x25d: {  	[hbm4b:s14+s3] =	stream.linear.scatter [tilespmem:s2], [sflag:$0x2], $0x80, $0x38;
	[tilespmem:$0x8C00] =	vst v63  }
0x25e: {  	s2 =	sadd.s32 $0x4998, s29;
	s14 =	sadd.s32 $0x30, s30  }
0x25f: {  	[hbm4b:s14+s3] =	stream.linear.scatter [tilespmem:s2], [sflag:$0x2], $0x80, $0x38;
	[tilespmem:$0x8C00] =	vst v63  }
0x260: {  	s2 =	sadd.s32 $0x4A20, s29;
	s14 =	sadd.s32 $0x40, s30  }
0x261: {  	[hbm4b:s14+s3] =	stream.linear.scatter [tilespmem:s2], [sflag:$0x2], $0x80, $0x38;
	[tilespmem:$0x8C00] =	vst v63  }
0x262: {  	s2 =	sadd.s32 $0x4AA8, s29;
	s14 =	sadd.s32 $0x50, s30  }
0x263: {  	[hbm4b:s14+s3] =	stream.linear.scatter [tilespmem:s2], [sflag:$0x2], $0x80, $0x38;
	[tilespmem:$0x8C00] =	vst v63  }
0x264: {  	s2 =	sadd.s32 $0x4B30, s29;
	s14 =	sadd.s32 $0x60, s30  }
0x265: {  	[hbm4b:s14+s3] =	stream.linear.scatter [tilespmem:s2], [sflag:$0x2], $0x80, $0x38;
	[tilespmem:$0x8C00] =	vst v63  }
0x266: {  	s2 =	sadd.s32 $0x4BB8, s29;
	s14 =	sadd.s32 $0x70, s30  }
0x267: {  	[hbm4b:s14+s3] =	stream.linear.scatter [tilespmem:s2], [sflag:$0x2], $0x80, $0x38;
	[tilespmem:$0x8C00] =	vst v63  }
0x268: {  	s14 =	sshll.u32 s26, $0x1  }
0x269: {  	s0 =	sadd.s32 $0x2, s14  }
0x26a: {  	s2 =	sand.u32 $0x6, s0;
	s0 =	sshll.u32 s0, $0x9  }
0x26b: {  	p0 =	sne.s32 s2, $0x0;
	s14 =	sand.u32 $0x1000, s0  }
0x26c: {  	s29 =	sshrl.u32 @!p0 s14, $0x2  }
0x26d: {  	s0 =	sadd.s32 @!p0 s0, s7;
	s30 =	simm.s32 @!p0 $0x80;
	s31 =	simm.s32 @!p0 $0x1000  }
0x26e: {  	[tilespmem:s29], [sflag:$0x3] =	stream.strided.gather @!p0 [hbm4b:s0+s30], $0x400, s31, s30, $0x38;
	[tilespmem:$0x8C00] =	vst v63  }
0x26f: {  	s0 =	simm.s32 @!p0 $0x3  }
0x270: {  	_ =	swait.ge @!p0 [sflag:s0], $0x400  }
0x271: {  	s2 =	sshll.u32 s2, $0x7;
	s14 =	sshrl.u32 s14, $0x2;
	[sflag:s0] =	ssyncset.done @!p0 $0x0  }
0x272: {  	s2 =	sadd.s32 s2, s14;
	[sflag:s0] =	ssyncadd.s32 @!p0 $0xFFFFFC00  }
0x273: {  	[tilespmem:s16], [sflag:$0x1] =	stream.indirect.gather [hbm4b:s4+s13], $0x40, s2, s13, $0xb8;
	[tilespmem:$0x8C00] =	vst v63  }
0x274: {  	_ =	swait.ge [sflag:s18], $0x2000  }
0x275: {  	[sflag:s18] =	ssyncset.done $0x0  }
0x276: {  	s14 =	simm.s32 $0x0;
	[sflag:s18] =	ssyncadd.s32 $0xFFFFE000  }
0x277: {  	v0 =	vmov s14;
	s14 =	simm.s32 $0x3;
	s2 =	simm.s32 $0x2;
	_ =	swait.ge [sflag:s23], $0x2000  }
0x278: {  	v0 =	vshrl.u32 v0, $0x3;
	v4 =	vmov s14;
	v3 =	vmov s2;
	s2 =	simm.s32 $0x5;
	v15 =	vld [tilespmem:$0x1FFC0]  }
0x279: {  	s0 =	simm.s32 $0x1;
	v0 =	vshll.u32 v0, v1;
	v4 =	vshrl.u32 v4, $0x3;
	v33 =	vmov s2;
	s2 =	simm.s32 $0x7;
	v27 =	vld [tilespmem:$0x1FEA0]  }
0x27a: {  	v2 =	vmov s0;
	v4 =	vshll.u32 v4, v1;
	v35 =	vmov s2;
	[sflag:s23] =	ssyncset.done $0x0;
	v6 =	vld [tilespmem:$0x1FEE0]  }
0x27b: {  	s29 =	simm.s32 $0x29F0;
	v2 =	vshrl.u32 v2, $0x3;
	v36 =	vbroadcast v4, $0x0;
	v35 =	vshrl.u32 v35, $0x3;
	v4 =	vld [tilespmem:$0x1FF00];
	[sflag:s23] =	ssyncadd.s32 $0xFFFFE000  }
0x27c: {  	v39 =	vbroadcast v0, $0x0;
	v2 =	vshll.u32 v2, v1;
	v35 =	vshll.u32 v35, v1;
	v0 =	vld [tilespmem:s29+$0xFFFFFFD0]  }
0x27d: {  	v40 =	vbroadcast v2, $0x0;
	v41 =	vbroadcast v35, $0x0;
	v38 =	vld [tilespmem:s29+$0xFFFFFE10]  }
0x27e: {  	v42 =	vld [tilespmem:s29+$0xFFFFFE50]  }
0x27f: {  	s0 =	simm.s32 $0x4;
	v3 =	vshrl.u32 v3, $0x3;
	v2 =	vadd.s32 v15, v41;
	v45 =	vadd.s32 v6, v40;
	v6 =	vld [tilespmem:$0x1FF30]  }
0x280: {  	v5 =	vmov s0;
	v3 =	vshll.u32 v3, v1;
	v43 =	vadd.s32 v27, v39  }
0x281: {  	s14 =	simm.s32 $0x6;
	v5 =	vshrl.u32 v5, $0x3;
	v37 =	vbroadcast v3, $0x0;
	v44 =	vld [tilespmem:s29+$0xFFFFFE90]  }
0x282: {  	v34 =	vmov s14;
	v5 =	vshll.u32 v5, v1;
	v0 =	vmul.f32 $8.000000000e+00, v0  }
0x283: {  	v35 =	vbroadcast v5, $0x0;
	v46 =	vld [tilespmem:s29+$0xFFFFFED0];
	v4 =	vadd.s32 v4, v37;
	v5 =	vmul.f32 $8.000000000e+00, v38  }
0x284: {  	v34 =	vshrl.u32 v34, $0x3;
	v42 =	vmul.f32 $8.000000000e+00, v42;
	v61 =	vadd.s32 v6, v36;
	v6 =	vld [tilespmem:$0x1FF50];
	[tilespmem:v2+s21+$0x0] =	vst.idx.msk $0xffff, v0  }
0x285: {  	v3 =	vshll.u32 v34, v1;
	v47 =	vld [tilespmem:s29+$0xFFFFFF10];
	[tilespmem:v43+s21+$0x0] =	vst.idx.msk $0xffff, v5  }
0x286: {  	v34 =	vbroadcast v3, $0x0;
	v2 =	vmul.f32 $8.000000000e+00, v44;
	v3 =	vld [tilespmem:$0x1FF80];
	[tilespmem:v45+s21+$0x0] =	vst.idx.msk $0xffff, v42  }
0x287: {  	v33 =	vshrl.u32 v33, $0x3;
	v30 =	vld [tilespmem:$0x1FFA0]  }
0x288: {  	v33 =	vshll.u32 v33, v1;
	v48 =	vld [tilespmem:s29+$0xFFFFFF50];
	[tilespmem:v4+s21+$0x0] =	vst.idx.msk $0xffff, v2  }
0x289: {  	v33 =	vbroadcast v33, $0x0;
	v29 =	vld [tilespmem:$0x1FEB0]  }
0x28a: {  	v50 =	vld [tilespmem:s29+$0xFFFFFF90];
	v49 =	vadd.s32 v6, v35  }
0x28b: {  	v5 =	vld [tilespmem:s29+$0xFFFFFFE0];
	v3 =	vadd.s32 v3, v33  }
0x28c: {  	v62 =	vmul.f32 $8.000000000e+00, v46;
	v43 =	vld [tilespmem:s29+$0xFFFFFE20];
	v32 =	vadd.s32 v30, v34  }
0x28d: {  	v59 =	vld [tilespmem:s29+$0xFFFFFE60];
	v2 =	vmul.f32 $8.000000000e+00, v47;
	v4 =	vadd.s32 v7, v41  }
0x28e: {  	v60 =	vmul.f32 $8.000000000e+00, v48;
	v52 =	vld [tilespmem:s29+$0xFFFFFEA0];
	[tilespmem:v61+s21+$0x0] =	vst.idx.msk $0xffff, v62;
	v51 =	vadd.s32 v29, v39  }
0x28f: {  	v48 =	vadd.s32 v53, v40;
	[tilespmem:v49+s21+$0x0] =	vst.idx.msk $0xffff, v2;
	v2 =	vmul.f32 $8.000000000e+00, v50  }
0x290: {  	v26 =	vmov v53;
	v53 =	vld [tilespmem:s29+$0xFFFFFEE0];
	v50 =	vadd.s32 v54, v37;
	[tilespmem:v3+s21+$0x0] =	vst.idx.msk $0xffff, v60;
	v3 =	vmul.f32 $8.000000000e+00, v5  }
0x291: {  	v11 =	vmov v54;
	v61 =	vmul.f32 $8.000000000e+00, v43;
	v54 =	vld [tilespmem:s29+$0xFFFFFF20];
	[tilespmem:v32+s21+$0x0] =	vst.idx.msk $0xffff, v2  }
0x292: {  	v62 =	vld [tilespmem:s29+$0xFFFFFF60];
	v32 =	vmul.f32 $8.000000000e+00, v59;
	[tilespmem:v4+s21+$0x0] =	vst.idx.msk $0xffff, v3  }
0x293: {  	v46 =	vadd.s32 v56, v35;
	v6 =	vmovc v7;
	v7 =	vmov v56;
	v56 =	vld [tilespmem:s29+$0xFFFFFFA0];
	[tilespmem:v51+s21+$0x0] =	vst.idx.msk $0xffff, v61;
	v3 =	vmul.f32 $8.000000000e+00, v52  }
0x294: {  	v43 =	vadd.s32 v55, v36;
	v60 =	vld [tilespmem:s29+$0xFFFFFFF0];
	[tilespmem:v48+s21+$0x0] =	vst.idx.msk $0xffff, v32  }
0x295: {  	s14 =	simm.s32 $0x8;
	v51 =	vld [tilespmem:s29+$0xFFFFFE30];
	[tilespmem:v50+s21+$0x0] =	vst.idx.msk $0xffff, v3  }
0x296: {  	v0 =	vmov s14;
	s14 =	simm.s32 $0xA;
	v19 =	vld [tilespmem:$0x1FFD0]  }
0x297: {  	v47 =	vmov s14;
	v61 =	vmul.f32 $8.000000000e+00, v53;
	v17 =	vld [tilespmem:$0x1FEC0]  }
0x298: {  	v4 =	vadd.s32 v57, v33;
	v52 =	vshrl.u32 v47, $0x3;
	v47 =	vld [tilespmem:s29+$0xFFFFFE70]  }
0x299: {  	v10 =	vmov v57;
	v3 =	vmul.f32 $8.000000000e+00, v54;
	v57 =	vld [tilespmem:s29+$0xFFFFFEB0];
	[tilespmem:v43+s21+$0x0] =	vst.idx.msk $0xffff, v61  }
0x29a: {  	v48 =	vadd.s32 v58, v34;
	v12 =	vld [tilespmem:$0x1FEF0]  }
0x29b: {  	s2 =	simm.s32 $0x9;
	s14 =	simm.s32 $0xC;
	v62 =	vmul.f32 $8.000000000e+00, v62;
	v32 =	vld [tilespmem:s29+$0xFFFFFEF0];
	[tilespmem:v46+s21+$0x0] =	vst.idx.msk $0xffff, v3;
	v50 =	vadd.s32 v19, v41  }
0x29c: {  	v45 =	vmov s2;
	s2 =	simm.s32 $0xB;
	v49 =	vmov s14;
	s14 =	simm.s32 $0xE;
	v16 =	vld [tilespmem:$0x1FF10];
	v54 =	vadd.s32 v17, v39  }
0x29d: {  	v42 =	vmov s2;
	v2 =	vmov s14;
	v3 =	vmul.f32 $8.000000000e+00, v56;
	v59 =	vld [tilespmem:s29+$0xFFFFFF30];
	[tilespmem:v4+s21+$0x0] =	vst.idx.msk $0xffff, v62  }
0x29e: {  	v53 =	vshrl.u32 v42, $0x3;
	v42 =	vshrl.u32 v2, $0x3;
	v4 =	vmul.f32 $8.000000000e+00, v60;
	v20 =	vld [tilespmem:$0x1FE60]  }
0x29f: {  	v43 =	vshrl.u32 v49, $0x3;
	v2 =	vmul.f32 $8.000000000e+00, v51;
	v61 =	vld [tilespmem:s29+$0xFFFFFF70];
	[tilespmem:v48+s21+$0x0] =	vst.idx.msk $0xffff, v3;
	v49 =	vadd.s32 v12, v40  }
0x2a0: {  	v0 =	vshrl.u32 v0, $0x3;
	v24 =	vld [tilespmem:$0x1FF60];
	[tilespmem:v50+s21+$0x0] =	vst.idx.msk $0xffff, v4  }
0x2a1: {  	v0 =	vshll.u32 v0, v1;
	v62 =	vld [tilespmem:s29+$0xFFFFFFB0];
	v46 =	vadd.s32 v16, v37;
	[tilespmem:v54+s21+$0x0] =	vst.idx.msk $0xffff, v2  }
0x2a2: {  	v38 =	vbroadcast v0, $0x0;
	v0 =	vmul.f32 $8.000000000e+00, v47;
	v28 =	vld [tilespmem:$0x1FE70]  }
0x2a3: {  	v60 =	vadd.s32 v20, v36;
	v56 =	vld [tilespmem:s29+$0x0]  }
0x2a4: {  	v2 =	vmul.f32 $8.000000000e+00, v57;
	v50 =	vld [tilespmem:s29+$0xFFFFFE40];
	[tilespmem:v49+s21+$0x0] =	vst.idx.msk $0xffff, v0  }
0x2a5: {  	v3 =	vadd.s32 v24, v35;
	v0 =	vmul.f32 $8.000000000e+00, v32;
	v32 =	vld [tilespmem:$0x1FE80]  }
0x2a6: {  	v44 =	vshll.u32 v52, v1;
	v52 =	vld [tilespmem:s29+$0xFFFFFE80];
	[tilespmem:v46+s21+$0x0] =	vst.idx.msk $0xffff, v2  }
0x2a7: {  	v9 =	vld [tilespmem:$0x1FED0]  }
0x2a8: {  	v2 =	vmul.f32 $8.000000000e+00, v59;
	v49 =	vld [tilespmem:s29+$0xFFFFFEC0];
	[tilespmem:v60+s21+$0x0] =	vst.idx.msk $0xffff, v0  }
0x2a9: {  	v13 =	vld [tilespmem:$0x1FE50]  }
0x2aa: {  	s2 =	simm.s32 $0xD;
	v54 =	vld [tilespmem:s29+$0xFFFFFF00];
	[tilespmem:v3+s21+$0x0] =	vst.idx.msk $0xffff, v2  }
0x2ab: {  	v45 =	vshrl.u32 v45, $0x3;
	v5 =	vmov s2;
	v25 =	vld [tilespmem:$0x1FF20]  }
0x2ac: {  	v5 =	vshrl.u32 v5, $0x3;
	v47 =	vshll.u32 v45, v1;
	v45 =	vshll.u32 v53, v1;
	v31 =	vld [tilespmem:$0x1FF40]  }
0x2ad: {  	v22 =	vmovc v55;
	v53 =	vadd.s32 v63, v41;
	v46 =	vshll.u32 v43, v1;
	v55 =	vadd.s32 v28, v33;
	v21 =	vld [tilespmem:$0x1FF70]  }
0x2ae: {  	v43 =	vshll.u32 v5, v1;
	v23 =	vld [tilespmem:$0x1FF90];
	v51 =	vadd.s32 v32, v34;
	v48 =	vadd.s32 v9, v39  }
0x2af: {  	v14 =	vmovc v58;
	v8 =	vmovc v63;
	s31 =	simm.s32 $0xF;
	s30 =	simm.s32 $0x10;
	v18 =	vld [tilespmem:$0x1FFB0];
	v39 =	vmul.f32 $8.000000000e+00, v61;
	v41 =	vadd.s32 v13, v40;
	v40 =	vmul.f32 $8.000000000e+00, v62  }
.LBB2_15:
0x2b0: {  	_ = 	snop  }
0x2b1: {  	v0 =	vmov s31;
	v2 =	vadd.s32 v25, v37;
	v3 =	vld [tilespmem:s29+$0xFFFFFF40]  }
0x2b2: {  	v62 =	vld [tilespmem:$0x1FF30];
	[tilespmem:v55+s21+$0x0] =	vst.idx.msk $0xffff, v39;
	v0 =	vshrl.u32 v0, $0x3;
	v5 =	vmul.f32 $8.000000000e+00, v50  }
0x2b3: {  	[tilespmem:v51+s21+$0x0] =	vst.idx.msk $0xffff, v40;
	v55 =	vld [tilespmem:s29+$0xFFFFFF80];
	v0 =	vshll.u32 v0, v1  }
0x2b4: {  	v36 =	vadd.s32 v31, v36;
	v57 =	vld [tilespmem:s29+$0xFFFFFFC0];
	s29 =	sadd.s32 $0x200, s29;
	v40 =	vbroadcast v0, $0x0;
	v0 =	vmul.f32 $8.000000000e+00, v49;
	[tilespmem:v48+s21+$0x0] =	vst.idx.msk $0xffff, v5  }
0x2b5: {  	v4 =	vmul.f32 $8.000000000e+00, v56;
	v5 =	vadd.s32 v23, v33;
	v58 =	vld [tilespmem:s29+$0xFFFFFE10]  }
0x2b6: {  	v35 =	vadd.s32 v21, v35;
	v39 =	vmov v38;
	v51 =	vld [tilespmem:$0x1FEE0];
	v56 =	vmul.f32 $8.000000000e+00, v52;
	[tilespmem:v2+s21+$0x0] =	vst.idx.msk $0xffff, v0  }
0x2b7: {  	v59 =	vmul.f32 $8.000000000e+00, v54;
	[tilespmem:v53+s21+$0x0] =	vst.idx.msk $0xffff, v4;
	v0 =	vmul.f32 $8.000000000e+00, v3;
	v2 =	vadd.s32 v27, v39;
	v3 =	vld [tilespmem:s29+$0xFFFFFE90]  }
0x2b8: {  	[tilespmem:v41+s21+$0x0] =	vst.idx.msk $0xffff, v56;
	v53 =	vld [tilespmem:$0x1FF00];
	v38 =	vmul.f32 $8.000000000e+00, v55  }
0x2b9: {  	[tilespmem:v36+s21+$0x0] =	vst.idx.msk $0xffff, v59;
	v4 =	vld [tilespmem:s29+$0xFFFFFFD0]  }
0x2ba: {  	v34 =	vadd.s32 v18, v34;
	v60 =	vld [tilespmem:s29+$0xFFFFFE50];
	[tilespmem:v5+s21+$0x0] =	vst.idx.msk $0xffff, v38;
	v5 =	vmul.f32 $8.000000000e+00, v58  }
0x2bb: {  	v61 =	vadd.s32 v15, v40;
	v41 =	vbroadcast v47, $0x0;
	[tilespmem:v35+s21+$0x0] =	vst.idx.msk $0xffff, v0;
	v0 =	vmul.f32 $8.000000000e+00, v57;
	v57 =	vld [tilespmem:$0x1FF50]  }
0x2bc: {  	v37 =	vbroadcast v44, $0x0;
	[tilespmem:v2+s21+$0x0] =	vst.idx.msk $0xffff, v5;
	v2 =	vmul.f32 $8.000000000e+00, v3;
	v3 =	vld [tilespmem:$0x1FF80]  }
0x2bd: {  	v36 =	vbroadcast v45, $0x0;
	v48 =	vld [tilespmem:s29+$0xFFFFFED0];
	v52 =	vadd.s32 v51, v41  }
0x2be: {  	v35 =	vbroadcast v46, $0x0;
	v55 =	vld [tilespmem:s29+$0xFFFFFF10];
	v54 =	vadd.s32 v53, v37;
	v4 =	vmul.f32 $8.000000000e+00, v4  }
0x2bf: {  	v42 =	vshll.u32 v42, v1;
	v33 =	vbroadcast v43, $0x0;
	v63 =	vadd.s32 v62, v36;
	[tilespmem:v34+s21+$0x0] =	vst.idx.msk $0xffff, v0;
	v56 =	vld [tilespmem:s29+$0xFFFFFF50]  }
0x2c0: {  	s14 =	sadd.s32 $0x2, s30;
	v34 =	vbroadcast v42, $0x0;
	v59 =	vld [tilespmem:s29+$0xFFFFFF90];
	v0 =	vmul.f32 $8.000000000e+00, v60;
	v58 =	vadd.s32 v57, v35;
	[tilespmem:v61+s21+$0x0] =	vst.idx.msk $0xffff, v4  }
0x2c1: {  	v50 =	vmov s14;
	v49 =	vadd.s32 v11, v37;
	v5 =	vld [tilespmem:s29+$0xFFFFFFE0];
	v3 =	vadd.s32 v3, v33  }
0x2c2: {  	s0 =	sadd.s32 $0x1, s30;
	v50 =	vshrl.u32 v50, $0x3;
	[tilespmem:v52+s21+$0x0] =	vst.idx.msk $0xffff, v0;
	v0 =	vmul.f32 $8.000000000e+00, v48;
	v61 =	vadd.s32 v30, v34;
	v60 =	vld [tilespmem:s29+$0xFFFFFE20]  }
0x2c3: {  	s14 =	sadd.s32 $0x4, s30;
	v47 =	vmov s0;
	v45 =	vadd.s32 v6, v40;
	v62 =	vld [tilespmem:s29+$0xFFFFFE60];
	[tilespmem:v54+s21+$0x0] =	vst.idx.msk $0xffff, v2;
	v2 =	vmul.f32 $8.000000000e+00, v55  }
0x2c4: {  	v43 =	vmov s14;
	v51 =	vadd.s32 v29, v39;
	[tilespmem:v63+s21+$0x0] =	vst.idx.msk $0xffff, v0;
	v52 =	vld [tilespmem:s29+$0xFFFFFEA0];
	v0 =	vmul.f32 $8.000000000e+00, v56  }
0x2c5: {  	v44 =	vshll.u32 v50, v1;
	v46 =	vadd.s32 v26, v41;
	v63 =	vld [tilespmem:s29+$0xFFFFFEE0];
	[tilespmem:v58+s21+$0x0] =	vst.idx.msk $0xffff, v2;
	v2 =	vmul.f32 $8.000000000e+00, v59  }
0x2c6: {  	v47 =	vshrl.u32 v47, $0x3;
	v43 =	vshrl.u32 v43, $0x3;
	v54 =	vld [tilespmem:s29+$0xFFFFFF20];
	[tilespmem:v3+s21+$0x0] =	vst.idx.msk $0xffff, v0;
	v0 =	vmul.f32 $8.000000000e+00, v5  }
0x2c7: {  	v42 =	vadd.s32 v22, v36;
	v4 =	vmov s30;
	[tilespmem:v61+s21+$0x0] =	vst.idx.msk $0xffff, v2;
	v5 =	vmul.f32 $8.000000000e+00, v60;
	v55 =	vld [tilespmem:s29+$0xFFFFFF60]  }
0x2c8: {  	v4 =	vshrl.u32 v4, $0x3;
	v61 =	vadd.s32 v7, v35;
	v60 =	vmul.f32 $8.000000000e+00, v62;
	v62 =	vld [tilespmem:s29+$0xFFFFFFA0];
	[tilespmem:v45+s21+$0x0] =	vst.idx.msk $0xffff, v0  }
0x2c9: {  	v0 =	vshll.u32 v4, v1;
	[tilespmem:v51+s21+$0x0] =	vst.idx.msk $0xffff, v5;
	v4 =	vmul.f32 $8.000000000e+00, v52;
	v5 =	vadd.s32 v10, v33;
	v45 =	vld [tilespmem:s29+$0xFFFFFFF0]  }
0x2ca: {  	s2 =	sadd.s32 $0x3, s30;
	v47 =	vshll.u32 v47, v1;
	v63 =	vmul.f32 $8.000000000e+00, v63;
	[tilespmem:v46+s21+$0x0] =	vst.idx.msk $0xffff, v60;
	v46 =	vadd.s32 v14, v34;
	v51 =	vld [tilespmem:s29+$0xFFFFFE30]  }
0x2cb: {  	v38 =	vmov s2;
	v52 =	vld [tilespmem:s29+$0xFFFFFE70];
	[tilespmem:v49+s21+$0x0] =	vst.idx.msk $0xffff, v4;
	v4 =	vmul.f32 $8.000000000e+00, v54;
	v49 =	vadd.s32 v19, v40  }
0x2cc: {  	v53 =	vshrl.u32 v38, $0x3;
	[tilespmem:v42+s21+$0x0] =	vst.idx.msk $0xffff, v63;
	v54 =	vadd.s32 v17, v39;
	v57 =	vld [tilespmem:s29+$0xFFFFFEB0];
	v55 =	vmul.f32 $8.000000000e+00, v55  }
0x2cd: {  	s14 =	sadd.s32 $0x6, s30;
	s2 =	sadd.s32 $0x5, s30;
	v48 =	vadd.s32 v16, v37;
	v58 =	vadd.s32 v12, v41;
	v59 =	vld [tilespmem:s29+$0xFFFFFEF0];
	[tilespmem:v61+s21+$0x0] =	vst.idx.msk $0xffff, v4;
	v4 =	vmul.f32 $8.000000000e+00, v62  }
0x2ce: {  	v2 =	vmov s14;
	v3 =	vmov s2;
	v60 =	vld [tilespmem:s29+$0xFFFFFF30];
	[tilespmem:v5+s21+$0x0] =	vst.idx.msk $0xffff, v55;
	v5 =	vmul.f32 $8.000000000e+00, v45  }
0x2cf: {  	v42 =	vshrl.u32 v2, $0x3;
	v61 =	vadd.s32 v20, v36;
	v2 =	vmul.f32 $8.000000000e+00, v51;
	[tilespmem:v46+s21+$0x0] =	vst.idx.msk $0xffff, v4;
	v62 =	vld [tilespmem:s29+$0xFFFFFF70]  }
0x2d0: {  	p0 =	slt.u32 s30, $0x78;
	v38 =	vbroadcast v0, $0x0;
	v0 =	vmul.f32 $8.000000000e+00, v52;
	v4 =	vadd.s32 v24, v35;
	v63 =	vld [tilespmem:s29+$0xFFFFFFB0];
	[tilespmem:v49+s21+$0x0] =	vst.idx.msk $0xffff, v5  }
.Ltmp6:
0x2d1: {  	v41 =	vadd.s32 v13, v41;
	v3 =	vshrl.u32 v3, $0x3;
	[tilespmem:v54+s21+$0x0] =	vst.idx.msk $0xffff, v2;
	v2 =	vmul.f32 $8.000000000e+00, v57;
	v56 =	vld [tilespmem:s29+$0x0];
	(pc) =	sbr.rel @p0 .LBB2_15-.Ltmp6, $4  }
0x2d2: {  	v55 =	vadd.s32 v28, v33;
	v51 =	vadd.s32 v32, v34;
	[tilespmem:v58+s21+$0x0] =	vst.idx.msk $0xffff, v0;
	v0 =	vmul.f32 $8.000000000e+00, v59;
	v50 =	vld [tilespmem:s29+$0xFFFFFE40]  }
0x2d3: {  	v45 =	vshll.u32 v53, v1;
	v53 =	vadd.s32 v8, v40;
	v52 =	vld [tilespmem:s29+$0xFFFFFE80];
	[tilespmem:v48+s21+$0x0] =	vst.idx.msk $0xffff, v2;
	v2 =	vmul.f32 $8.000000000e+00, v60  }
0x2d4: {  	v46 =	vshll.u32 v43, v1;
	v43 =	vshll.u32 v3, v1;
	[tilespmem:v61+s21+$0x0] =	vst.idx.msk $0xffff, v0;
	v49 =	vld [tilespmem:s29+$0xFFFFFEC0]  }
0x2d5: {  	s31 =	sadd.s32 $0x7, s30;
	s30 =	sadd.s32 $0x8, s30;
	v48 =	vadd.s32 v9, v39;
	v54 =	vld [tilespmem:s29+$0xFFFFFF00];
	v39 =	vmul.f32 $8.000000000e+00, v62;
	[tilespmem:v4+s21+$0x0] =	vst.idx.msk $0xffff, v2;
	v40 =	vmul.f32 $8.000000000e+00, v63  }
0x2d6: {  	_ =	sdelay $0x3  }
0x2d7: {  	v2 =	vadd.s32 v25, v37;
	v4 =	vmul.f32 $8.000000000e+00, v56;
	[tilespmem:v55+s21+$0x0] =	vst.idx.msk $0xffff, v39  }
0x2d8: {  	v36 =	vadd.s32 v31, v36;
	v5 =	vmul.f32 $8.000000000e+00, v50;
	[tilespmem:v51+s21+$0x0] =	vst.idx.msk $0xffff, v40  }
0x2d9: {  	v0 =	vmov s31;
	v63 =	vmul.f32 $8.000000000e+00, v52;
	[tilespmem:v53+s21+$0x0] =	vst.idx.msk $0xffff, v4  }
0x2da: {  	v0 =	vshrl.u32 v0, $0x3;
	[tilespmem:v48+s21+$0x0] =	vst.idx.msk $0xffff, v5;
	v5 =	vmul.f32 $8.000000000e+00, v49  }
0x2db: {  	v3 =	vld [tilespmem:s29+$0xFFFFFF40];
	v0 =	vshll.u32 v0, v1;
	[tilespmem:v41+s21+$0x0] =	vst.idx.msk $0xffff, v63;
	v53 =	vmul.f32 $8.000000000e+00, v54  }
0x2dc: {  	v0 =	vbroadcast v0, $0x0;
	[tilespmem:v2+s21+$0x0] =	vst.idx.msk $0xffff, v5  }
0x2dd: {  	v35 =	vadd.s32 v21, v35;
	[tilespmem:v36+s21+$0x0] =	vst.idx.msk $0xffff, v53  }
0x2de: {  	v55 =	vadd.s32 v15, v0;
	v15 =	vld [tilespmem:$0x1FEE0];
	_ =	sdelay $0x1  }
0x2df: {  	v62 =	vld [tilespmem:s29+$0xFFFFFF80];
	v2 =	vmul.f32 $8.000000000e+00, v3  }
0x2e0: {  	v47 =	vbroadcast v47, $0x0  }
0x2e1: {  	v33 =	vadd.s32 v23, v33;
	[tilespmem:v35+s21+$0x0] =	vst.idx.msk $0xffff, v2  }
0x2e2: {  	v57 =	vadd.s32 v15, v47;
	v15 =	vld [tilespmem:$0x1FF00];
	_ =	sdelay $0x1  }
0x2e3: {  	v40 =	vld [tilespmem:s29+$0xFFFFFFC0];
	s29 =	sadd.s32 $0x200, s29;
	v56 =	vmul.f32 $8.000000000e+00, v62  }
0x2e4: {  	v44 =	vbroadcast v44, $0x0;
	v4 =	vld [tilespmem:s29+$0xFFFFFFD0]  }
0x2e5: {  	v34 =	vadd.s32 v18, v34;
	v52 =	vld [tilespmem:s29+$0xFFFFFE10];
	[tilespmem:v33+s21+$0x0] =	vst.idx.msk $0xffff, v56  }
0x2e6: {  	v59 =	vadd.s32 v15, v44;
	v15 =	vld [tilespmem:$0x1FF30]  }
0x2e7: {  	v3 =	vadd.s32 v27, v38  }
0x2e8: {  	v2 =	vmul.f32 $8.000000000e+00, v40  }
0x2e9: {  	v45 =	vbroadcast v45, $0x0;
	v4 =	vmul.f32 $8.000000000e+00, v4  }
0x2ea: {  	v54 =	vld [tilespmem:s29+$0xFFFFFE50];
	v61 =	vmul.f32 $8.000000000e+00, v52;
	[tilespmem:v34+s21+$0x0] =	vst.idx.msk $0xffff, v2  }
0x2eb: {  	v62 =	vadd.s32 v15, v45;
	v15 =	vld [tilespmem:$0x1FF50];
	[tilespmem:v55+s21+$0x0] =	vst.idx.msk $0xffff, v4  }
0x2ec: {  	v5 =	vld [tilespmem:s29+$0xFFFFFE90];
	[tilespmem:v3+s21+$0x0] =	vst.idx.msk $0xffff, v61  }
0x2ed: {  	v4 =	vld [tilespmem:$0x1FF80]  }
0x2ee: {  	v58 =	vld [tilespmem:s29+$0xFFFFFED0]  }
0x2ef: {  	v46 =	vbroadcast v46, $0x0;
	v60 =	vld [tilespmem:s29+$0xFFFFFF10]  }
0x2f0: {  	v42 =	vshll.u32 v42, v1;
	v43 =	vbroadcast v43, $0x0;
	v63 =	vld [tilespmem:s29+$0xFFFFFF50]  }
0x2f1: {  	v42 =	vbroadcast v42, $0x0;
	v53 =	vld [tilespmem:s29+$0xFFFFFF90];
	v2 =	vmul.f32 $8.000000000e+00, v54;
	v52 =	vadd.s32 v15, v46  }
0x2f2: {  	v3 =	vmul.f32 $8.000000000e+00, v5;
	v5 =	vld [tilespmem:s29+$0xFFFFFFE0];
	v4 =	vadd.s32 v4, v43  }
0x2f3: {  	v54 =	vadd.s32 v30, v42;
	v33 =	vld [tilespmem:s29+$0xFFFFFE20];
	[tilespmem:v57+s21+$0x0] =	vst.idx.msk $0xffff, v2;
	v2 =	vmul.f32 $8.000000000e+00, v58  }
0x2f4: {  	v56 =	vadd.s32 v6, v0;
	v55 =	vld [tilespmem:s29+$0xFFFFFE60];
	[tilespmem:v59+s21+$0x0] =	vst.idx.msk $0xffff, v3;
	v3 =	vmul.f32 $8.000000000e+00, v60  }
0x2f5: {  	v57 =	vadd.s32 v29, v38;
	v58 =	vld [tilespmem:s29+$0xFFFFFEA0];
	[tilespmem:v62+s21+$0x0] =	vst.idx.msk $0xffff, v2;
	v2 =	vmul.f32 $8.000000000e+00, v63  }
0x2f6: {  	v59 =	vadd.s32 v26, v47;
	v60 =	vld [tilespmem:s29+$0xFFFFFEE0];
	[tilespmem:v52+s21+$0x0] =	vst.idx.msk $0xffff, v3;
	v3 =	vmul.f32 $8.000000000e+00, v53  }
0x2f7: {  	v61 =	vadd.s32 v11, v44;
	v62 =	vld [tilespmem:s29+$0xFFFFFF20];
	[tilespmem:v4+s21+$0x0] =	vst.idx.msk $0xffff, v2;
	v2 =	vmul.f32 $8.000000000e+00, v5  }
0x2f8: {  	v4 =	vmul.f32 $8.000000000e+00, v33;
	v5 =	vadd.s32 v22, v45;
	v63 =	vld [tilespmem:s29+$0xFFFFFF60];
	[tilespmem:v54+s21+$0x0] =	vst.idx.msk $0xffff, v3  }
0x2f9: {  	v52 =	vadd.s32 v7, v46;
	v3 =	vmul.f32 $8.000000000e+00, v55;
	v53 =	vld [tilespmem:s29+$0xFFFFFFA0];
	[tilespmem:v56+s21+$0x0] =	vst.idx.msk $0xffff, v2  }
0x2fa: {  	[tilespmem:v57+s21+$0x0] =	vst.idx.msk $0xffff, v4;
	v2 =	vmul.f32 $8.000000000e+00, v58;
	v4 =	vadd.s32 v10, v43;
	v35 =	vld [tilespmem:s29+$0xFFFFFFF0]  }
0x2fb: {  	v54 =	vadd.s32 v14, v42;
	v40 =	vld [tilespmem:s29+$0xFFFFFE30];
	[tilespmem:v59+s21+$0x0] =	vst.idx.msk $0xffff, v3;
	v3 =	vmul.f32 $8.000000000e+00, v60  }
0x2fc: {  	v56 =	vadd.s32 v19, v0;
	v55 =	vld [tilespmem:s29+$0xFFFFFE70];
	[tilespmem:v61+s21+$0x0] =	vst.idx.msk $0xffff, v2;
	v2 =	vmul.f32 $8.000000000e+00, v62  }
0x2fd: {  	v57 =	vadd.s32 v17, v38;
	v58 =	vld [tilespmem:s29+$0xFFFFFEB0];
	[tilespmem:v5+s21+$0x0] =	vst.idx.msk $0xffff, v3;
	v3 =	vmul.f32 $8.000000000e+00, v63  }
0x2fe: {  	v5 =	vadd.s32 v12, v47;
	v59 =	vld [tilespmem:s29+$0xFFFFFEF0];
	[tilespmem:v52+s21+$0x0] =	vst.idx.msk $0xffff, v2;
	v2 =	vmul.f32 $8.000000000e+00, v53  }
0x2ff: {  	v60 =	vadd.s32 v16, v44;
	v61 =	vld [tilespmem:s29+$0xFFFFFF30];
	[tilespmem:v4+s21+$0x0] =	vst.idx.msk $0xffff, v3;
	v3 =	vmul.f32 $8.000000000e+00, v35  }
0x300: {  	v62 =	vadd.s32 v20, v45;
	v4 =	vmul.f32 $8.000000000e+00, v40;
	v63 =	vld [tilespmem:s29+$0xFFFFFF70];
	[tilespmem:v54+s21+$0x0] =	vst.idx.msk $0xffff, v2  }
0x301: {  	v52 =	vadd.s32 v24, v46;
	v2 =	vmul.f32 $8.000000000e+00, v55;
	v53 =	vld [tilespmem:s29+$0xFFFFFFB0];
	[tilespmem:v56+s21+$0x0] =	vst.idx.msk $0xffff, v3  }
0x302: {  	[tilespmem:v57+s21+$0x0] =	vst.idx.msk $0xffff, v4;
	v3 =	vmul.f32 $8.000000000e+00, v58;
	v4 =	vadd.s32 v28, v43;
	v34 =	vld [tilespmem:s29+$0x0]  }
0x303: {  	v41 =	vld [tilespmem:s29+$0xFFFFFE40];
	[tilespmem:v5+s21+$0x0] =	vst.idx.msk $0xffff, v2;
	v2 =	vmul.f32 $8.000000000e+00, v59;
	v5 =	vadd.s32 v32, v42  }
0x304: {  	v0 =	vadd.s32 v8, v0;
	v54 =	vld [tilespmem:s29+$0xFFFFFE80];
	[tilespmem:v60+s21+$0x0] =	vst.idx.msk $0xffff, v3;
	v3 =	vmul.f32 $8.000000000e+00, v61  }
0x305: {  	v55 =	vadd.s32 v9, v38;
	v56 =	vld [tilespmem:s29+$0xFFFFFEC0];
	[tilespmem:v62+s21+$0x0] =	vst.idx.msk $0xffff, v2;
	v2 =	vmul.f32 $8.000000000e+00, v63  }
0x306: {  	v57 =	vadd.s32 v13, v47;
	v58 =	vld [tilespmem:s29+$0xFFFFFF00];
	[tilespmem:v52+s21+$0x0] =	vst.idx.msk $0xffff, v3;
	v3 =	vmul.f32 $8.000000000e+00, v53  }
0x307: {  	v59 =	vadd.s32 v25, v44;
	v60 =	vld [tilespmem:s29+$0xFFFFFF40];
	[tilespmem:v4+s21+$0x0] =	vst.idx.msk $0xffff, v2;
	v2 =	vmul.f32 $8.000000000e+00, v34  }
0x308: {  	v61 =	vadd.s32 v31, v45;
	v4 =	vmul.f32 $8.000000000e+00, v41;
	v62 =	vld [tilespmem:s29+$0xFFFFFF80];
	[tilespmem:v5+s21+$0x0] =	vst.idx.msk $0xffff, v3  }
0x309: {  	v3 =	vmul.f32 $8.000000000e+00, v54;
	v5 =	vadd.s32 v21, v46;
	v63 =	vld [tilespmem:s29+$0xFFFFFFC0];
	[tilespmem:v0+s21+$0x0] =	vst.idx.msk $0xffff, v2  }
0x30a: {  	[tilespmem:v55+s21+$0x0] =	vst.idx.msk $0xffff, v4;
	v0 =	vmul.f32 $8.000000000e+00, v56;
	v2 =	vadd.s32 v23, v43  }
0x30b: {  	v4 =	vadd.s32 v18, v42;
	[tilespmem:v57+s21+$0x0] =	vst.idx.msk $0xffff, v3;
	v3 =	vmul.f32 $8.000000000e+00, v58  }
0x30c: {  	[tilespmem:v59+s21+$0x0] =	vst.idx.msk $0xffff, v0;
	v0 =	vmul.f32 $8.000000000e+00, v60  }
0x30d: {  	[tilespmem:v61+s21+$0x0] =	vst.idx.msk $0xffff, v3;
	v3 =	vmul.f32 $8.000000000e+00, v62  }
0x30e: {  	[tilespmem:v5+s21+$0x0] =	vst.idx.msk $0xffff, v0;
	v0 =	vmul.f32 $8.000000000e+00, v63  }
0x30f: {  	[tilespmem:v2+s21+$0x0] =	vst.idx.msk $0xffff, v3  }
0x310: {  	s14 =	sadd.s32 s28, s6;
	s0 =	simm.s32 $0x6A00;
	[tilespmem:v4+s21+$0x0] =	vst.idx.msk $0xffff, v0  }
0x311: {  	[hbm4b:s14+s3] =	stream.linear.scatter [tilespmem:s0], [sflag:$0x2], $0x80, $0x38;
	[tilespmem:$0x8C00] =	vst v63  }
0x312: {  	s31 =	simm.s32 $0x6A88;
	s2 =	sadd.s32 $0x10, s14  }
0x313: {  	[hbm4b:s2+s3] =	stream.linear.scatter [tilespmem:s31], [sflag:$0x2], $0x80, $0x38;
	[tilespmem:$0x8C00] =	vst v63  }
0x314: {  	s2 =	simm.s32 $0x6B10;
	s31 =	sadd.s32 $0x20, s14  }
0x315: {  	[hbm4b:s31+s3] =	stream.linear.scatter [tilespmem:s2], [sflag:$0x2], $0x80, $0x38;
	[tilespmem:$0x8C00] =	vst v63  }
0x316: {  	s2 =	simm.s32 $0x6B98;
	s31 =	sadd.s32 $0x30, s14  }
0x317: {  	[hbm4b:s31+s3] =	stream.linear.scatter [tilespmem:s2], [sflag:$0x2], $0x80, $0x38;
	[tilespmem:$0x8C00] =	vst v63  }
0x318: {  	s2 =	simm.s32 $0x6C20;
	s31 =	sadd.s32 $0x40, s14  }
0x319: {  	[hbm4b:s31+s3] =	stream.linear.scatter [tilespmem:s2], [sflag:$0x2], $0x80, $0x38;
	[tilespmem:$0x8C00] =	vst v63  }
0x31a: {  	s28 =	simm.s32 $0x440;
	s2 =	simm.s32 $0x6CA8;
	s31 =	sadd.s32 $0x50, s14  }
0x31b: {  	[hbm4b:s31+s3] =	stream.linear.scatter [tilespmem:s2], [sflag:$0x2], $0x80, $0x38;
	[tilespmem:$0x8C00] =	vst v63  }
0x31c: {  	s30 =	simm.s32 $0x2200;
	s2 =	simm.s32 $0x6D30;
	s31 =	sadd.s32 $0x60, s14  }
0x31d: {  	[hbm4b:s31+s3] =	stream.linear.scatter [tilespmem:s2], [sflag:$0x2], $0x80, $0x38;
	[tilespmem:$0x8C00] =	vst v63  }
0x31e: {  	v27 =	vmovc v18;
	v11 =	vmovc v8;
	v29 =	vmov v10;
	v19 =	vmov v7;
	v13 =	vmov v14;
	s29 =	sadd.s32 $0x1000, s14;
	s0 =	simm.s32 $0x6DB8;
	s2 =	sadd.s32 $0x70, s14  }
.LBB2_17:
0x31f: {  	[hbm4b:s2+s3] =	stream.linear.scatter [tilespmem:s0], [sflag:$0x2], $0x80, $0x38;
	[tilespmem:$0x8C00] =	vst v63  }
0x320: {  	s0 =	smov.u32 s28;
	s2 =	smov.u32 s30  }
0x321: {  	s14 =	sadd.s32 $0x1100, s30;
	s28 =	sshra.s32 s2, $0x2;
	s2 =	sadd.s32 $0x6A00, s0  }
0x322: {  	[hbm4b:s29+s3] =	stream.linear.scatter [tilespmem:s2], [sflag:$0x2], $0x80, $0x38;
	[tilespmem:$0x8C00] =	vst v63  }
0x323: {  	p0 =	sne.s32 s30, $0x7700;
	s30 =	sadd.s32 $0x10, s29;
	s2 =	sadd.s32 $0x6A88, s0  }
0x324: {  	[hbm4b:s30+s3] =	stream.linear.scatter [tilespmem:s2], [sflag:$0x2], $0x80, $0x38;
	[tilespmem:$0x8C00] =	vst v63  }
0x325: {  	s2 =	sadd.s32 $0x6B10, s0;
	s30 =	sadd.s32 $0x20, s29  }
0x326: {  	[hbm4b:s30+s3] =	stream.linear.scatter [tilespmem:s2], [sflag:$0x2], $0x80, $0x38;
	[tilespmem:$0x8C00] =	vst v63  }
0x327: {  	s2 =	sadd.s32 $0x6B98, s0;
	s30 =	sadd.s32 $0x30, s29  }
0x328: {  	[hbm4b:s30+s3] =	stream.linear.scatter [tilespmem:s2], [sflag:$0x2], $0x80, $0x38;
	[tilespmem:$0x8C00] =	vst v63  }
0x329: {  	s2 =	sadd.s32 $0x6C20, s0;
	s30 =	sadd.s32 $0x40, s29  }
0x32a: {  	[hbm4b:s30+s3] =	stream.linear.scatter [tilespmem:s2], [sflag:$0x2], $0x80, $0x38;
	[tilespmem:$0x8C00] =	vst v63  }
.Ltmp7:
0x32b: {  	s2 =	sadd.s32 $0x6CA8, s0;
	s30 =	sadd.s32 $0x50, s29;
	(pc) =	sbr.rel @p0 .LBB2_17-.Ltmp7, $4  }
0x32c: {  	[hbm4b:s30+s3] =	stream.linear.scatter [tilespmem:s2], [sflag:$0x2], $0x80, $0x38;
	[tilespmem:$0x8C00] =	vst v63  }
0x32d: {  	s2 =	sadd.s32 $0x6D30, s0;
	s30 =	sadd.s32 $0x60, s29;
	s0 =	sadd.s32 $0x6DB8, s0  }
0x32e: {  	[hbm4b:s30+s3] =	stream.linear.scatter [tilespmem:s2], [sflag:$0x2], $0x80, $0x38;
	[tilespmem:$0x8C00] =	vst v63  }
0x32f: {  	s2 =	sadd.s32 $0x70, s29;
	s29 =	sadd.s32 $0x1000, s29;
	s30 =	smov.u32 s14  }
0x330: {  	[hbm4b:s2+s3] =	stream.linear.scatter [tilespmem:s0], [sflag:$0x2], $0x80, $0x38;
	[tilespmem:$0x8C00] =	vst v63  }
0x331: {  	s14 =	sadd.s32 $0x6A00, s28  }
0x332: {  	[hbm4b:s29+s3] =	stream.linear.scatter [tilespmem:s14], [sflag:$0x2], $0x80, $0x38;
	[tilespmem:$0x8C00] =	vst v63  }
0x333: {  	s30 =	sadd.s32 $0x6A88, s28;
	s31 =	sadd.s32 $0x10, s29  }
0x334: {  	[hbm4b:s31+s3] =	stream.linear.scatter [tilespmem:s30], [sflag:$0x2], $0x80, $0x38;
	[tilespmem:$0x8C00] =	vst v63  }
0x335: {  	s2 =	sadd.s32 $0x6B10, s28;
	s14 =	sadd.s32 $0x20, s29  }
0x336: {  	[hbm4b:s14+s3] =	stream.linear.scatter [tilespmem:s2], [sflag:$0x2], $0x80, $0x38;
	[tilespmem:$0x8C00] =	vst v63  }
0x337: {  	s30 =	sadd.s32 $0x6B98, s28;
	s31 =	sadd.s32 $0x30, s29  }
0x338: {  	[hbm4b:s31+s3] =	stream.linear.scatter [tilespmem:s30], [sflag:$0x2], $0x80, $0x38;
	[tilespmem:$0x8C00] =	vst v63  }
0x339: {  	s2 =	sadd.s32 $0x6C20, s28;
	s14 =	sadd.s32 $0x40, s29  }
0x33a: {  	[hbm4b:s14+s3] =	stream.linear.scatter [tilespmem:s2], [sflag:$0x2], $0x80, $0x38;
	[tilespmem:$0x8C00] =	vst v63  }
0x33b: {  	p0 =	sne.s32 s26, $0x62;
	v17 =	vld [tilespmem:$0x1FEE0];
	s30 =	sadd.s32 $0x6CA8, s28;
	s31 =	sadd.s32 $0x50, s29  }
0x33c: {  	v12 =	vld [tilespmem:$0x1FEF0];
	[hbm4b:s31+s3] =	stream.linear.scatter [tilespmem:s30], [sflag:$0x2], $0x80, $0x38  }
0x33d: {  	v15 =	vld [tilespmem:$0x1FF00];
	s2 =	sadd.s32 $0x6D30, s28;
	s14 =	sadd.s32 $0x60, s29;
	s31 =	sshll.u32 s26, $0xA  }
0x33e: {  	v14 =	vld [tilespmem:$0x1FF10];
	[hbm4b:s14+s3] =	stream.linear.scatter [tilespmem:s2], [sflag:$0x2], $0x80, $0x38  }
.Ltmp8:
0x33f: {  	v18 =	vld [tilespmem:$0x1FF30];
	s0 =	sadd.s32 $0x600, s31;
	(pc) =	sbr.rel @p0 .LBB2_10-.Ltmp8, $4  }
0x340: {  	v30 =	vld [tilespmem:$0x1FFA0];
	s28 =	sadd.s32 $0x6DB8, s28;
	s30 =	sadd.s32 $0x70, s29;
	s0 =	sand.u32 $0x1E00, s0  }
0x341: {  	v31 =	vld [tilespmem:$0x1FE80];
	[hbm4b:s30+s3] =	stream.linear.scatter [tilespmem:s28], [sflag:$0x2], $0x80, $0x38  }
0x342: {  	v7 =	vld [tilespmem:$0x1FFC0];
	s0 =	sshrl.u32 s0, $0x2  }
0x343: {  	v63 =	vld [tilespmem:$0x1FFE0];
	[tilespmem:s17], [sflag:$0x1] =	stream.indirect.gather [hbm4b:s4+s13], $0x40, s0, s13, $0xb8  }
0x344: {  	_ =	swait.ge [sflag:s18], $0x2000  }
0x345: {  	s0 =	simm.s32 $0x0;
	s31 =	simm.s32 $0x1;
	[sflag:s18] =	ssyncset.done $0x0  }
0x346: {  	s2 =	simm.s32 $0x2;
	s30 =	simm.s32 $0x7;
	v0 =	vmov s0;
	[sflag:s18] =	ssyncadd.s32 $0xFFFFE000  }
0x347: {  	s14 =	simm.s32 $0x3;
	v2 =	vmov s31;
	v3 =	vmov s2;
	v35 =	vmov s30;
	_ =	swait.ge [sflag:s23], $0x2000  }
0x348: {  	s25 =	simm.s32 $0x4;
	v8 =	vmovc v6;
	v4 =	vmov s14;
	v0 =	vshrl.u32 v0, $0x3;
	v35 =	vshrl.u32 v35, $0x3;
	[sflag:s23] =	ssyncset.done $0x0;
	v6 =	vld [tilespmem:$0x1FEA0]  }
0x349: {  	v5 =	vmov s25;
	s25 =	simm.s32 $0x900;
	v0 =	vshll.u32 v0, v1;
	v35 =	vshll.u32 v35, v1;
	[sflag:s23] =	ssyncadd.s32 $0xFFFFE000  }
0x34a: {  	s29 =	simm.s32 $0x6;
	v2 =	vshrl.u32 v2, $0x3;
	v39 =	vbroadcast v0, $0x0;
	v41 =	vbroadcast v35, $0x0;
	v0 =	vld [tilespmem:s25+$0xC0]  }
0x34b: {  	v34 =	vmov s29;
	v3 =	vshrl.u32 v3, $0x3;
	v2 =	vshll.u32 v2, v1;
	v38 =	vld [tilespmem:s25+$0xFFFFFF00]  }
0x34c: {  	v4 =	vshrl.u32 v4, $0x3;
	v40 =	vbroadcast v2, $0x0;
	v2 =	vadd.s32 v7, v41  }
0x34d: {  	v5 =	vshrl.u32 v5, $0x3;
	v3 =	vshll.u32 v3, v1;
	v42 =	vld [tilespmem:s25+$0xFFFFFF40];
	v43 =	vadd.s32 v6, v39  }
0x34e: {  	v4 =	vshll.u32 v4, v1;
	v5 =	vshll.u32 v5, v1;
	v37 =	vbroadcast v3, $0x0;
	v44 =	vld [tilespmem:s25+$0xFFFFFF80]  }
0x34f: {  	v36 =	vbroadcast v4, $0x0;
	v45 =	vadd.s32 v17, v40;
	v0 =	vmul.f32 $8.000000000e+00, v0  }
0x350: {  	v10 =	vmovc v7;
	v35 =	vbroadcast v5, $0x0;
	v4 =	vadd.s32 v15, v37;
	v7 =	vld [tilespmem:$0x1FF50];
	v5 =	vmul.f32 $8.000000000e+00, v38  }
0x351: {  	v34 =	vshrl.u32 v34, $0x3;
	v46 =	vld [tilespmem:s25+$0xFFFFFFC0];
	[tilespmem:v2+s19+$0x0] =	vst.idx.msk $0xffff, v0  }
0x352: {  	s26 =	simm.s32 $0x5;
	v3 =	vshll.u32 v34, v1;
	v47 =	vld [tilespmem:s25+$0x0];
	v42 =	vmul.f32 $8.000000000e+00, v42;
	[tilespmem:v43+s19+$0x0] =	vst.idx.msk $0xffff, v5  }
0x353: {  	v33 =	vmov s26;
	v34 =	vbroadcast v3, $0x0;
	v2 =	vmul.f32 $8.000000000e+00, v44;
	v3 =	vld [tilespmem:$0x1FF80]  }
0x354: {  	v33 =	vshrl.u32 v33, $0x3;
	v48 =	vld [tilespmem:s25+$0x40];
	[tilespmem:v45+s19+$0x0] =	vst.idx.msk $0xffff, v42  }
0x355: {  	v33 =	vshll.u32 v33, v1;
	v50 =	vld [tilespmem:s25+$0x80];
	v49 =	vadd.s32 v7, v35;
	[tilespmem:v4+s19+$0x0] =	vst.idx.msk $0xffff, v2  }
0x356: {  	v33 =	vbroadcast v33, $0x0;
	v57 =	vadd.s32 v18, v36;
	v7 =	vld [tilespmem:$0x1FEB0]  }
0x357: {  	v59 =	vadd.s32 v30, v34;
	v60 =	vld [tilespmem:s25+$0xFFFFFF50]  }
0x358: {  	v5 =	vld [tilespmem:s25+$0xD0];
	v2 =	vmul.f32 $8.000000000e+00, v47;
	v3 =	vadd.s32 v3, v33  }
0x359: {  	v58 =	vmul.f32 $8.000000000e+00, v46;
	v61 =	vmul.f32 $8.000000000e+00, v48;
	v48 =	vadd.s32 v26, v40;
	v43 =	vld [tilespmem:s25+$0xFFFFFF10]  }
0x35a: {  	v4 =	vadd.s32 v8, v41;
	v52 =	vld [tilespmem:s25+$0xFFFFFF90];
	[tilespmem:v49+s19+$0x0] =	vst.idx.msk $0xffff, v2;
	v2 =	vmul.f32 $8.000000000e+00, v50  }
0x35b: {  	[tilespmem:v57+s19+$0x0] =	vst.idx.msk $0xffff, v58;
	v51 =	vadd.s32 v7, v39  }
0x35c: {  	v50 =	vadd.s32 v63, v37;
	[tilespmem:v59+s19+$0x0] =	vst.idx.msk $0xffff, v2;
	v32 =	vmul.f32 $8.000000000e+00, v60  }
0x35d: {  	[tilespmem:v3+s19+$0x0] =	vst.idx.msk $0xffff, v61;
	v3 =	vmul.f32 $8.000000000e+00, v5  }
0x35e: {  	v53 =	vld [tilespmem:s25+$0xFFFFFFD0];
	v62 =	vmul.f32 $8.000000000e+00, v43;
	[tilespmem:v48+s19+$0x0] =	vst.idx.msk $0xffff, v32  }
0x35f: {  	v54 =	vld [tilespmem:s25+$0x10];
	[tilespmem:v4+s19+$0x0] =	vst.idx.msk $0xffff, v3;
	v3 =	vmul.f32 $8.000000000e+00, v52  }
0x360: {  	v56 =	vld [tilespmem:s25+$0x90];
	[tilespmem:v51+s19+$0x0] =	vst.idx.msk $0xffff, v62  }
0x361: {  	v43 =	vadd.s32 v22, v36;
	v55 =	vld [tilespmem:s25+$0x50];
	[tilespmem:v50+s19+$0x0] =	vst.idx.msk $0xffff, v3  }
0x362: {  	v9 =	vmov v29;
	v60 =	vadd.s32 v19, v35;
	v4 =	vadd.s32 v29, v33;
	v29 =	vld [tilespmem:$0x1FFD0]  }
0x363: {  	v25 =	vmov v8;
	v8 =	vld [tilespmem:$0x1FEC0]  }
0x364: {  	s14 =	simm.s32 $0xA;
	v62 =	vmul.f32 $8.000000000e+00, v53;
	v51 =	vld [tilespmem:s25+$0xFFFFFF20]  }
0x365: {  	v47 =	vmov s14;
	v48 =	vadd.s32 v13, v34;
	v61 =	vld [tilespmem:s25+$0xE0];
	v3 =	vmul.f32 $8.000000000e+00, v54  }
0x366: {  	v21 =	vmovc v22;
	v22 =	vmov v63;
	v52 =	vshrl.u32 v47, $0x3;
	v47 =	vld [tilespmem:s25+$0xFFFFFF60];
	[tilespmem:v43+s19+$0x0] =	vst.idx.msk $0xffff, v62;
	v63 =	vmul.f32 $8.000000000e+00, v55  }
0x367: {  	s31 =	simm.s32 $0x8;
	v57 =	vld [tilespmem:s25+$0xFFFFFFA0];
	[tilespmem:v60+s19+$0x0] =	vst.idx.msk $0xffff, v3;
	v50 =	vadd.s32 v29, v41  }
0x368: {  	s26 =	simm.s32 $0xB;
	s29 =	simm.s32 $0xC;
	v0 =	vmov s31;
	s31 =	simm.s32 $0xE;
	v58 =	vld [tilespmem:s25+$0xFFFFFFE0];
	v3 =	vmul.f32 $8.000000000e+00, v56;
	[tilespmem:v4+s19+$0x0] =	vst.idx.msk $0xffff, v63;
	v54 =	vadd.s32 v8, v39  }
0x369: {  	v42 =	vmov s26;
	v49 =	vmov s29;
	v2 =	vmov s31;
	v28 =	vmovc v8;
	v8 =	vld [tilespmem:$0x1FE60]  }
0x36a: {  	v53 =	vshrl.u32 v42, $0x3;
	v42 =	vshrl.u32 v2, $0x3;
	v59 =	vld [tilespmem:s25+$0x20];
	v4 =	vmul.f32 $8.000000000e+00, v61;
	[tilespmem:v48+s19+$0x0] =	vst.idx.msk $0xffff, v3  }
0x36b: {  	v43 =	vshrl.u32 v49, $0x3;
	v49 =	vadd.s32 v12, v40;
	v2 =	vmul.f32 $8.000000000e+00, v51;
	v3 =	vld [tilespmem:$0x1FF60]  }
0x36c: {  	v0 =	vshrl.u32 v0, $0x3;
	v32 =	vadd.s32 v14, v37;
	v61 =	vld [tilespmem:s25+$0x60];
	[tilespmem:v50+s19+$0x0] =	vst.idx.msk $0xffff, v4  }
0x36d: {  	v0 =	vshll.u32 v0, v1;
	v62 =	vld [tilespmem:s25+$0xA0];
	[tilespmem:v54+s19+$0x0] =	vst.idx.msk $0xffff, v2  }
0x36e: {  	v38 =	vbroadcast v0, $0x0;
	v0 =	vmul.f32 $8.000000000e+00, v47;
	v60 =	vadd.s32 v8, v36;
	v4 =	vld [tilespmem:$0x1FE70]  }
0x36f: {  	v2 =	vmul.f32 $8.000000000e+00, v57;
	v56 =	vld [tilespmem:s25+$0xF0]  }
0x370: {  	v3 =	vadd.s32 v3, v35;
	v50 =	vld [tilespmem:s25+$0xFFFFFF30];
	[tilespmem:v49+s19+$0x0] =	vst.idx.msk $0xffff, v0  }
0x371: {  	v44 =	vshll.u32 v52, v1;
	v0 =	vmul.f32 $8.000000000e+00, v58;
	v52 =	vld [tilespmem:s25+$0xFFFFFF70];
	[tilespmem:v32+s19+$0x0] =	vst.idx.msk $0xffff, v2  }
0x372: {  	v24 =	vld [tilespmem:$0x1FED0]  }
0x373: {  	s30 =	simm.s32 $0xD;
	v2 =	vmul.f32 $8.000000000e+00, v59;
	v49 =	vld [tilespmem:s25+$0xFFFFFFB0];
	[tilespmem:v60+s19+$0x0] =	vst.idx.msk $0xffff, v0  }
0x374: {  	v23 =	vmov v14;
	s2 =	simm.s32 $0x9;
	v5 =	vmov s30;
	v14 =	vld [tilespmem:$0x1FE50]  }
0x375: {  	v45 =	vmov s2;
	v5 =	vshrl.u32 v5, $0x3;
	v54 =	vld [tilespmem:s25+$0xFFFFFFF0];
	[tilespmem:v3+s19+$0x0] =	vst.idx.msk $0xffff, v2  }
0x376: {  	v45 =	vshrl.u32 v45, $0x3;
	v46 =	vshll.u32 v43, v1;
	v43 =	vshll.u32 v5, v1;
	v16 =	vld [tilespmem:$0x1FF20]  }
0x377: {  	v47 =	vshll.u32 v45, v1;
	v51 =	vadd.s32 v31, v34;
	v45 =	vshll.u32 v53, v1;
	v32 =	vld [tilespmem:$0x1FF40]  }
0x378: {  	v53 =	vadd.s32 v11, v41;
	v55 =	vadd.s32 v4, v33;
	v8 =	vld [tilespmem:$0x1FF70];
	v48 =	vadd.s32 v24, v39  }
0x379: {  	s28 =	simm.s32 $0xF;
	v20 =	vmovc v27;
	s26 =	simm.s32 $0x10;
	v27 =	vld [tilespmem:$0x1FF90];
	v39 =	vmul.f32 $8.000000000e+00, v61;
	v41 =	vadd.s32 v14, v40;
	v40 =	vmul.f32 $8.000000000e+00, v62  }
.LBB2_20:
0x37a: {  	_ =	sdelay $0x3  }
0x37b: {  	v0 =	vmov s28;
	v2 =	vadd.s32 v16, v37;
	v3 =	vld [tilespmem:s25+$0x30];
	[tilespmem:v55+s19+$0x0] =	vst.idx.msk $0xffff, v39;
	v4 =	vmul.f32 $8.000000000e+00, v56  }
0x37c: {  	v36 =	vadd.s32 v32, v36;
	v0 =	vshrl.u32 v0, $0x3;
	[tilespmem:v51+s19+$0x0] =	vst.idx.msk $0xffff, v40;
	v57 =	vld [tilespmem:s25+$0x70];
	v5 =	vmul.f32 $8.000000000e+00, v50  }
0x37d: {  	v0 =	vshll.u32 v0, v1;
	v59 =	vld [tilespmem:s25+$0xB0];
	s25 =	sadd.s32 $0x200, s25;
	v58 =	vmul.f32 $8.000000000e+00, v52;
	[tilespmem:v53+s19+$0x0] =	vst.idx.msk $0xffff, v4  }
0x37e: {  	v35 =	vadd.s32 v8, v35;
	v40 =	vbroadcast v0, $0x0;
	v0 =	vmul.f32 $8.000000000e+00, v49;
	[tilespmem:v48+s19+$0x0] =	vst.idx.msk $0xffff, v5;
	v4 =	vld [tilespmem:s25+$0xC0]  }
0x37f: {  	v61 =	vmul.f32 $8.000000000e+00, v54;
	v5 =	vadd.s32 v27, v33;
	[tilespmem:v41+s19+$0x0] =	vst.idx.msk $0xffff, v58;
	v60 =	vld [tilespmem:s25+$0xFFFFFF00]  }
0x380: {  	v34 =	vadd.s32 v20, v34;
	v39 =	vmov v38;
	v41 =	vbroadcast v47, $0x0;
	[tilespmem:v2+s19+$0x0] =	vst.idx.msk $0xffff, v0;
	v62 =	vld [tilespmem:s25+$0xFFFFFF40]  }
0x381: {  	v0 =	vmul.f32 $8.000000000e+00, v3;
	v2 =	vadd.s32 v6, v39;
	[tilespmem:v36+s19+$0x0] =	vst.idx.msk $0xffff, v61;
	v3 =	vld [tilespmem:s25+$0xFFFFFF80]  }
0x382: {  	v36 =	vbroadcast v45, $0x0;
	v38 =	vmul.f32 $8.000000000e+00, v57;
	v48 =	vld [tilespmem:s25+$0xFFFFFFC0];
	v53 =	vadd.s32 v17, v41  }
0x383: {  	v52 =	vadd.s32 v10, v40;
	v57 =	vld [tilespmem:$0x1FF50];
	[tilespmem:v35+s19+$0x0] =	vst.idx.msk $0xffff, v0;
	v0 =	vmul.f32 $8.000000000e+00, v59  }
0x384: {  	v37 =	vbroadcast v44, $0x0;
	v63 =	vadd.s32 v18, v36;
	[tilespmem:v5+s19+$0x0] =	vst.idx.msk $0xffff, v38;
	v5 =	vmul.f32 $8.000000000e+00, v60  }
0x385: {  	v35 =	vbroadcast v46, $0x0;
	v55 =	vld [tilespmem:s25+$0x0];
	[tilespmem:v34+s19+$0x0] =	vst.idx.msk $0xffff, v0;
	v0 =	vmul.f32 $8.000000000e+00, v62  }
0x386: {  	v54 =	vadd.s32 v15, v37;
	v4 =	vmul.f32 $8.000000000e+00, v4;
	[tilespmem:v2+s19+$0x0] =	vst.idx.msk $0xffff, v5;
	v2 =	vmul.f32 $8.000000000e+00, v3;
	v3 =	vld [tilespmem:$0x1FF80]  }
0x387: {  	v42 =	vshll.u32 v42, v1;
	v59 =	vld [tilespmem:s25+$0x80];
	[tilespmem:v53+s19+$0x0] =	vst.idx.msk $0xffff, v0;
	v0 =	vmul.f32 $8.000000000e+00, v48  }
0x388: {  	v34 =	vbroadcast v42, $0x0;
	v56 =	vld [tilespmem:s25+$0x40];
	v58 =	vadd.s32 v57, v35;
	[tilespmem:v52+s19+$0x0] =	vst.idx.msk $0xffff, v4  }
0x389: {  	v33 =	vbroadcast v43, $0x0;
	v5 =	vld [tilespmem:s25+$0xD0];
	[tilespmem:v63+s19+$0x0] =	vst.idx.msk $0xffff, v0  }
0x38a: {  	v61 =	vadd.s32 v30, v34;
	v63 =	vld [tilespmem:s25+$0xFFFFFFD0]  }
0x38b: {  	v60 =	vld [tilespmem:s25+$0xFFFFFF10];
	[tilespmem:v54+s19+$0x0] =	vst.idx.msk $0xffff, v2;
	v2 =	vmul.f32 $8.000000000e+00, v55;
	v3 =	vadd.s32 v3, v33  }
0x38c: {  	v42 =	vadd.s32 v21, v36;
	v62 =	vld [tilespmem:s25+$0xFFFFFF50]  }
0x38d: {  	v45 =	vadd.s32 v25, v40;
	v52 =	vld [tilespmem:s25+$0xFFFFFF90];
	[tilespmem:v58+s19+$0x0] =	vst.idx.msk $0xffff, v2;
	v2 =	vmul.f32 $8.000000000e+00, v59  }
0x38e: {  	v46 =	vadd.s32 v26, v41;
	v0 =	vmul.f32 $8.000000000e+00, v56  }
0x38f: {  	v49 =	vadd.s32 v22, v37;
	v4 =	vmov s26;
	v54 =	vld [tilespmem:s25+$0x10];
	[tilespmem:v61+s19+$0x0] =	vst.idx.msk $0xffff, v2;
	v63 =	vmul.f32 $8.000000000e+00, v63  }
0x390: {  	v51 =	vadd.s32 v7, v39;
	v4 =	vshrl.u32 v4, $0x3;
	[tilespmem:v3+s19+$0x0] =	vst.idx.msk $0xffff, v0;
	v0 =	vmul.f32 $8.000000000e+00, v5  }
0x391: {  	v61 =	vadd.s32 v19, v35;
	v5 =	vmul.f32 $8.000000000e+00, v60;
	v60 =	vmul.f32 $8.000000000e+00, v62;
	v62 =	vld [tilespmem:s25+$0x90];
	[tilespmem:v42+s19+$0x0] =	vst.idx.msk $0xffff, v63  }
0x392: {  	v63 =	vld [tilespmem:$0x1FE60];
	[tilespmem:v45+s19+$0x0] =	vst.idx.msk $0xffff, v0;
	v0 =	vshll.u32 v4, v1;
	v4 =	vmul.f32 $8.000000000e+00, v52  }
0x393: {  	v55 =	vld [tilespmem:s25+$0x50];
	[tilespmem:v46+s19+$0x0] =	vst.idx.msk $0xffff, v60;
	v46 =	vadd.s32 v13, v34  }
0x394: {  	s2 =	sadd.s32 $0x2, s26;
	v59 =	vld [tilespmem:s25+$0xFFFFFFE0];
	[tilespmem:v49+s19+$0x0] =	vst.idx.msk $0xffff, v4;
	v4 =	vmul.f32 $8.000000000e+00, v54  }
0x395: {  	s0 =	sadd.s32 $0x1, s26;
	v50 =	vmov s2;
	[tilespmem:v51+s19+$0x0] =	vst.idx.msk $0xffff, v5;
	v5 =	vadd.s32 v9, v33;
	v45 =	vld [tilespmem:s25+$0xE0]  }
0x396: {  	s29 =	sadd.s32 $0x4, s26;
	v50 =	vshrl.u32 v50, $0x3;
	v47 =	vmov s0;
	v51 =	vld [tilespmem:s25+$0xFFFFFF20];
	[tilespmem:v61+s19+$0x0] =	vst.idx.msk $0xffff, v4;
	v4 =	vmul.f32 $8.000000000e+00, v62  }
0x397: {  	v43 =	vmov s29;
	v44 =	vshll.u32 v50, v1;
	v47 =	vshrl.u32 v47, $0x3;
	v52 =	vld [tilespmem:s25+$0xFFFFFF60]  }
0x398: {  	s14 =	sadd.s32 $0x3, s26;
	v43 =	vshrl.u32 v43, $0x3;
	v49 =	vadd.s32 v29, v40;
	v55 =	vmul.f32 $8.000000000e+00, v55;
	[tilespmem:v46+s19+$0x0] =	vst.idx.msk $0xffff, v4;
	v4 =	vld [tilespmem:$0x1FF60]  }
0x399: {  	v47 =	vshll.u32 v47, v1;
	v38 =	vmov s14;
	v54 =	vadd.s32 v28, v39;
	v57 =	vld [tilespmem:s25+$0xFFFFFFA0]  }
0x39a: {  	s30 =	sadd.s32 $0x5, s26;
	s31 =	sadd.s32 $0x6, s26;
	v53 =	vshrl.u32 v38, $0x3;
	v48 =	vadd.s32 v23, v37;
	v58 =	vadd.s32 v12, v41;
	v60 =	vld [tilespmem:s25+$0x20];
	[tilespmem:v5+s19+$0x0] =	vst.idx.msk $0xffff, v55  }
0x39b: {  	v2 =	vmov s31;
	v3 =	vmov s30;
	v5 =	vmul.f32 $8.000000000e+00, v45;
	v62 =	vld [tilespmem:s25+$0x60]  }
0x39c: {  	v42 =	vshrl.u32 v2, $0x3;
	v61 =	vadd.s32 v63, v36;
	v2 =	vmul.f32 $8.000000000e+00, v51;
	v63 =	vld [tilespmem:s25+$0xA0]  }
0x39d: {  	p0 =	slt.u32 s26, $0x78;
	v38 =	vbroadcast v0, $0x0;
	v0 =	vmul.f32 $8.000000000e+00, v52;
	[tilespmem:v49+s19+$0x0] =	vst.idx.msk $0xffff, v5;
	v5 =	vld [tilespmem:$0x1FE70];
	v4 =	vadd.s32 v4, v35  }
.Ltmp9:
0x39e: {  	v41 =	vadd.s32 v14, v41;
	v3 =	vshrl.u32 v3, $0x3;
	[tilespmem:v54+s19+$0x0] =	vst.idx.msk $0xffff, v2;
	v2 =	vmul.f32 $8.000000000e+00, v57;
	v56 =	vld [tilespmem:s25+$0xF0];
	(pc) =	sbr.rel @p0 .LBB2_20-.Ltmp9, $4  }
0x39f: {  	v51 =	vadd.s32 v31, v34;
	v45 =	vshll.u32 v53, v1;
	[tilespmem:v58+s19+$0x0] =	vst.idx.msk $0xffff, v0;
	v0 =	vmul.f32 $8.000000000e+00, v59;
	v50 =	vld [tilespmem:s25+$0xFFFFFF30]  }
0x3a0: {  	v53 =	vadd.s32 v11, v40;
	v46 =	vshll.u32 v43, v1;
	v52 =	vld [tilespmem:s25+$0xFFFFFF70];
	[tilespmem:v48+s19+$0x0] =	vst.idx.msk $0xffff, v2;
	v2 =	vmul.f32 $8.000000000e+00, v60  }
0x3a1: {  	v43 =	vshll.u32 v3, v1;
	v48 =	vadd.s32 v24, v39;
	[tilespmem:v61+s19+$0x0] =	vst.idx.msk $0xffff, v0;
	v49 =	vld [tilespmem:s25+$0xFFFFFFB0]  }
0x3a2: {  	s28 =	sadd.s32 $0x7, s26;
	s26 =	sadd.s32 $0x8, s26;
	v54 =	vld [tilespmem:s25+$0xFFFFFFF0];
	v39 =	vmul.f32 $8.000000000e+00, v62;
	v40 =	vmul.f32 $8.000000000e+00, v63;
	v55 =	vadd.s32 v5, v33;
	[tilespmem:v4+s19+$0x0] =	vst.idx.msk $0xffff, v2  }
0x3a3: {  	_ =	sdelay $0x3  }
0x3a4: {  	v0 =	vmov s28;
	v2 =	vadd.s32 v16, v37;
	v3 =	vld [tilespmem:s25+$0x30];
	v4 =	vmul.f32 $8.000000000e+00, v56;
	[tilespmem:v55+s19+$0x0] =	vst.idx.msk $0xffff, v39  }
0x3a5: {  	v36 =	vadd.s32 v32, v36;
	v0 =	vshrl.u32 v0, $0x3;
	v5 =	vmul.f32 $8.000000000e+00, v50;
	[tilespmem:v51+s19+$0x0] =	vst.idx.msk $0xffff, v40;
	v59 =	vld [tilespmem:s25+$0x70]  }
0x3a6: {  	v35 =	vadd.s32 v8, v35;
	s14 =	sadd.s32 $0x200, s25;
	v0 =	vshll.u32 v0, v1;
	v60 =	vmul.f32 $8.000000000e+00, v52;
	v40 =	vld [tilespmem:s25+$0xB0];
	[tilespmem:v53+s19+$0x0] =	vst.idx.msk $0xffff, v4  }
0x3a7: {  	v33 =	vadd.s32 v27, v33;
	v61 =	vld [tilespmem:s14+$0xC0];
	v0 =	vbroadcast v0, $0x0;
	[tilespmem:v48+s19+$0x0] =	vst.idx.msk $0xffff, v5;
	v62 =	vmul.f32 $8.000000000e+00, v49  }
0x3a8: {  	v34 =	vadd.s32 v20, v34;
	v63 =	vld [tilespmem:s14+$0xFFFFFF00];
	[tilespmem:v41+s19+$0x0] =	vst.idx.msk $0xffff, v60;
	v55 =	vmul.f32 $8.000000000e+00, v54  }
0x3a9: {  	v49 =	vadd.s32 v10, v0;
	[tilespmem:v2+s19+$0x0] =	vst.idx.msk $0xffff, v62;
	v2 =	vmul.f32 $8.000000000e+00, v3  }
0x3aa: {  	v3 =	vadd.s32 v6, v38;
	[tilespmem:v36+s19+$0x0] =	vst.idx.msk $0xffff, v55;
	v57 =	vmul.f32 $8.000000000e+00, v59  }
0x3ab: {  	[tilespmem:v35+s19+$0x0] =	vst.idx.msk $0xffff, v2;
	v2 =	vmul.f32 $8.000000000e+00, v40  }
0x3ac: {  	v4 =	vmul.f32 $8.000000000e+00, v61;
	[tilespmem:v33+s19+$0x0] =	vst.idx.msk $0xffff, v57  }
0x3ad: {  	v56 =	vld [tilespmem:s14+$0xFFFFFF40];
	v59 =	vmul.f32 $8.000000000e+00, v63;
	[tilespmem:v34+s19+$0x0] =	vst.idx.msk $0xffff, v2  }
0x3ae: {  	v44 =	vbroadcast v44, $0x0;
	v61 =	vld [tilespmem:$0x1FF50];
	[tilespmem:v49+s19+$0x0] =	vst.idx.msk $0xffff, v4  }
0x3af: {  	v47 =	vbroadcast v47, $0x0;
	v5 =	vld [tilespmem:s14+$0xFFFFFF80];
	[tilespmem:v3+s19+$0x0] =	vst.idx.msk $0xffff, v59  }
0x3b0: {  	v50 =	vmov v15;
	v35 =	vadd.s32 v15, v44;
	v15 =	vld [tilespmem:$0x1FF80]  }
0x3b1: {  	v45 =	vbroadcast v45, $0x0;
	v58 =	vld [tilespmem:s14+$0xFFFFFFC0];
	v37 =	vadd.s32 v17, v47  }
0x3b2: {  	v46 =	vbroadcast v46, $0x0;
	v40 =	vld [tilespmem:s14+$0x0]  }
0x3b3: {  	v42 =	vshll.u32 v42, v1;
	v43 =	vbroadcast v43, $0x0;
	v60 =	vld [tilespmem:s14+$0x40];
	v36 =	vadd.s32 v18, v45  }
0x3b4: {  	v42 =	vbroadcast v42, $0x0;
	v63 =	vld [tilespmem:s14+$0x80];
	v2 =	vmul.f32 $8.000000000e+00, v56;
	v62 =	vadd.s32 v61, v46  }
0x3b5: {  	v52 =	vmov v18;
	v3 =	vmul.f32 $8.000000000e+00, v5;
	v57 =	vld [tilespmem:s14+$0xD0];
	v18 =	vadd.s32 v15, v43  }
0x3b6: {  	v33 =	vld [tilespmem:s14+$0xFFFFFF10];
	[tilespmem:v37+s19+$0x0] =	vst.idx.msk $0xffff, v2;
	v2 =	vmul.f32 $8.000000000e+00, v58;
	v58 =	vadd.s32 v30, v42  }
0x3b7: {  	v59 =	vld [tilespmem:s14+$0xFFFFFF50];
	[tilespmem:v35+s19+$0x0] =	vst.idx.msk $0xffff, v3;
	v3 =	vmul.f32 $8.000000000e+00, v40;
	v35 =	vadd.s32 v25, v0  }
0x3b8: {  	v55 =	vmov v30;
	v40 =	vadd.s32 v7, v38;
	v30 =	vld [tilespmem:s14+$0xFFFFFF90];
	[tilespmem:v36+s19+$0x0] =	vst.idx.msk $0xffff, v2;
	v2 =	vmul.f32 $8.000000000e+00, v60  }
0x3b9: {  	v36 =	vadd.s32 v26, v47;
	v48 =	vld [tilespmem:s14+$0xFFFFFFD0];
	[tilespmem:v62+s19+$0x0] =	vst.idx.msk $0xffff, v3;
	v3 =	vmul.f32 $8.000000000e+00, v63  }
0x3ba: {  	v60 =	vadd.s32 v22, v44;
	v54 =	vmov v61;
	v61 =	vld [tilespmem:s14+$0x10];
	[tilespmem:v18+s19+$0x0] =	vst.idx.msk $0xffff, v2;
	v2 =	vmul.f32 $8.000000000e+00, v57  }
0x3bb: {  	v62 =	vmul.f32 $8.000000000e+00, v33;
	v63 =	vadd.s32 v21, v45;
	v18 =	vld [tilespmem:s14+$0x50];
	[tilespmem:v58+s19+$0x0] =	vst.idx.msk $0xffff, v3  }
0x3bc: {  	v56 =	vmov v19;
	v37 =	vadd.s32 v19, v46;
	v3 =	vmul.f32 $8.000000000e+00, v59;
	v19 =	vld [tilespmem:s14+$0x90];
	[tilespmem:v35+s19+$0x0] =	vst.idx.msk $0xffff, v2  }
0x3bd: {  	[tilespmem:v40+s19+$0x0] =	vst.idx.msk $0xffff, v62;
	v2 =	vmul.f32 $8.000000000e+00, v30;
	v30 =	vadd.s32 v9, v43;
	v35 =	vld [tilespmem:s14+$0xE0]  }
0x3be: {  	v40 =	vld [tilespmem:s14+$0xFFFFFF20];
	[tilespmem:v36+s19+$0x0] =	vst.idx.msk $0xffff, v3;
	v3 =	vmul.f32 $8.000000000e+00, v48;
	v36 =	vadd.s32 v13, v42  }
0x3bf: {  	v34 =	vadd.s32 v29, v0;
	v48 =	vld [tilespmem:s14+$0xFFFFFF60];
	[tilespmem:v60+s19+$0x0] =	vst.idx.msk $0xffff, v2;
	v2 =	vmul.f32 $8.000000000e+00, v61  }
0x3c0: {  	v41 =	vadd.s32 v28, v38;
	[tilespmem:v63+s19+$0x0] =	vst.idx.msk $0xffff, v3;
	v3 =	vmul.f32 $8.000000000e+00, v18  }
0x3c1: {  	[tilespmem:v37+s19+$0x0] =	vst.idx.msk $0xffff, v2;
	v2 =	vmul.f32 $8.000000000e+00, v19  }
0x3c2: {  	[tilespmem:v30+s19+$0x0] =	vst.idx.msk $0xffff, v3;
	v3 =	vmul.f32 $8.000000000e+00, v35  }
0x3c3: {  	v28 =	vmul.f32 $8.000000000e+00, v40;
	v10 =	vld [tilespmem:$0x1FE60];
	[tilespmem:v36+s19+$0x0] =	vst.idx.msk $0xffff, v2  }
0x3c4: {  	v2 =	vmul.f32 $8.000000000e+00, v48;
	v48 =	vld [tilespmem:$0x1FF60];
	[tilespmem:v34+s19+$0x0] =	vst.idx.msk $0xffff, v3  }
0x3c5: {  	v49 =	vld [tilespmem:s14+$0xFFFFFFA0];
	[tilespmem:v41+s19+$0x0] =	vst.idx.msk $0xffff, v28  }
0x3c6: {  	v60 =	vmov v12;
	v63 =	vadd.s32 v12, v47;
	v12 =	vld [tilespmem:$0x1FE70]  }
0x3c7: {  	v18 =	vld [tilespmem:s14+$0xFFFFFFE0]  }
0x3c8: {  	v37 =	vadd.s32 v23, v44;
	v19 =	vld [tilespmem:s14+$0x20]  }
0x3c9: {  	v30 =	vld [tilespmem:s14+$0x60];
	v29 =	vadd.s32 v10, v45  }
0x3ca: {  	v61 =	vld [tilespmem:s14+$0xA0];
	v36 =	vadd.s32 v48, v46  }
0x3cb: {  	v3 =	vmul.f32 $8.000000000e+00, v49;
	v41 =	vld [tilespmem:s14+$0xFFFFFF30];
	v62 =	vadd.s32 v12, v43  }
0x3cc: {  	v34 =	vld [tilespmem:s14+$0xF0];
	[tilespmem:v63+s19+$0x0] =	vst.idx.msk $0xffff, v2;
	v2 =	vmul.f32 $8.000000000e+00, v18;
	v63 =	vadd.s32 v31, v42  }
0x3cd: {  	v18 =	vld [tilespmem:s14+$0xFFFFFF70];
	[tilespmem:v37+s19+$0x0] =	vst.idx.msk $0xffff, v3;
	v3 =	vmul.f32 $8.000000000e+00, v19;
	v19 =	vadd.s32 v24, v38  }
0x3ce: {  	v0 =	vadd.s32 v11, v0;
	v28 =	vld [tilespmem:s14+$0xFFFFFFB0];
	[tilespmem:v29+s19+$0x0] =	vst.idx.msk $0xffff, v2;
	v2 =	vmul.f32 $8.000000000e+00, v30  }
0x3cf: {  	v29 =	vadd.s32 v14, v47;
	v30 =	vld [tilespmem:s14+$0xFFFFFFF0];
	[tilespmem:v36+s19+$0x0] =	vst.idx.msk $0xffff, v3;
	v3 =	vmul.f32 $8.000000000e+00, v61  }
0x3d0: {  	v31 =	vadd.s32 v16, v44;
	v47 =	vmul.f32 $8.000000000e+00, v41;
	v44 =	vld [tilespmem:s14+$0x30];
	[tilespmem:v62+s19+$0x0] =	vst.idx.msk $0xffff, v2  }
0x3d1: {  	v48 =	vadd.s32 v32, v45;
	v2 =	vmul.f32 $8.000000000e+00, v34;
	v49 =	vld [tilespmem:s14+$0x70];
	[tilespmem:v63+s19+$0x0] =	vst.idx.msk $0xffff, v3  }
0x3d2: {  	v61 =	vadd.s32 v8, v46;
	[tilespmem:v19+s19+$0x0] =	vst.idx.msk $0xffff, v47;
	v3 =	vmul.f32 $8.000000000e+00, v18;
	v62 =	vld [tilespmem:s14+$0xB0]  }
0x3d3: {  	[tilespmem:v0+s19+$0x0] =	vst.idx.msk $0xffff, v2;
	v0 =	vmul.f32 $8.000000000e+00, v28;
	v2 =	vadd.s32 v27, v43  }
0x3d4: {  	v63 =	vadd.s32 v20, v42;
	[tilespmem:v29+s19+$0x0] =	vst.idx.msk $0xffff, v3;
	v3 =	vmul.f32 $8.000000000e+00, v30  }
0x3d5: {  	[tilespmem:v31+s19+$0x0] =	vst.idx.msk $0xffff, v0;
	v0 =	vmul.f32 $8.000000000e+00, v44  }
0x3d6: {  	[tilespmem:v48+s19+$0x0] =	vst.idx.msk $0xffff, v3;
	v3 =	vmul.f32 $8.000000000e+00, v49  }
0x3d7: {  	[tilespmem:v61+s19+$0x0] =	vst.idx.msk $0xffff, v0;
	v0 =	vmul.f32 $8.000000000e+00, v62  }
0x3d8: {  	[tilespmem:v2+s19+$0x0] =	vst.idx.msk $0xffff, v3  }
0x3d9: {  	s0 =	simm.s32 $0x4800;
	[tilespmem:v63+s19+$0x0] =	vst.idx.msk $0xffff, v0  }
0x3da: {  	[hbm4b:s10+s3] =	stream.linear.scatter [tilespmem:s0], [sflag:$0x2], $0x80, $0x38;
	[tilespmem:$0x8C00] =	vst v63  }
0x3db: {  	s2 =	sadd.s32 $0x10, s10;
	s25 =	simm.s32 $0x4888  }
0x3dc: {  	[hbm4b:s2+s3] =	stream.linear.scatter [tilespmem:s25], [sflag:$0x2], $0x80, $0x38;
	[tilespmem:$0x8C00] =	vst v63  }
0x3dd: {  	s26 =	simm.s32 $0x4910;
	s29 =	sadd.s32 $0x20, s10;
	s30 =	simm.s32 $0x4998  }
0x3de: {  	[hbm4b:s29+s3] =	stream.linear.scatter [tilespmem:s26], [sflag:$0x2], $0x80, $0x38;
	[tilespmem:$0x8C00] =	vst v63  }
0x3df: {  	s31 =	sadd.s32 $0x30, s10;
	s28 =	simm.s32 $0x2200;
	s14 =	simm.s32 $0x4A20  }
0x3e0: {  	[hbm4b:s31+s3] =	stream.linear.scatter [tilespmem:s30], [sflag:$0x2], $0x80, $0x38;
	[tilespmem:$0x8C00] =	vst v63  }
0x3e1: {  	s0 =	simm.s32 $0x4BB8;
	s25 =	sadd.s32 $0x40, s10;
	s2 =	sadd.s32 $0x70, s10  }
0x3e2: {  	[hbm4b:s25+s3] =	stream.linear.scatter [tilespmem:s14], [sflag:$0x2], $0x80, $0x38;
	[tilespmem:$0x8C00] =	vst v63  }
0x3e3: {  	s26 =	simm.s32 $0x4AA8;
	s29 =	sadd.s32 $0x50, s10;
	s30 =	simm.s32 $0x4B30  }
0x3e4: {  	[hbm4b:s29+s3] =	stream.linear.scatter [tilespmem:s26], [sflag:$0x2], $0x80, $0x38;
	[tilespmem:$0x8C00] =	vst v63  }
0x3e5: {  	v51 =	vmov v17;
	v53 =	vmov v26;
	s31 =	sadd.s32 $0x60, s10;
	s25 =	simm.s32 $0x440;
	s26 =	sadd.s32 $0x1000, s10  }
0x3e6: {  	v26 =	vmovc v8;
	v57 =	vmovc v9;
	v58 =	vmov v13;
	v59 =	vmov v23;
	v14 =	vmov v12;
	[hbm4b:s31+s3] =	stream.linear.scatter [tilespmem:s30], [sflag:$0x2], $0x80, $0x38;
	[tilespmem:$0x8C00] =	vst v63  }
.LBB2_22:
0x3e7: {  	[hbm4b:s2+s3] =	stream.linear.scatter [tilespmem:s0], [sflag:$0x2], $0x80, $0x38;
	[tilespmem:$0x8C00] =	vst v63  }
0x3e8: {  	s0 =	smov.u32 s25;
	s2 =	smov.u32 s28  }
0x3e9: {  	s14 =	sadd.s32 $0x1100, s28;
	s25 =	sshra.s32 s2, $0x2;
	s2 =	sadd.s32 $0x4800, s0  }
0x3ea: {  	[hbm4b:s26+s3] =	stream.linear.scatter [tilespmem:s2], [sflag:$0x2], $0x80, $0x38;
	[tilespmem:$0x8C00] =	vst v63  }
0x3eb: {  	p0 =	sne.s32 s28, $0x7700;
	s28 =	sadd.s32 $0x10, s26;
	s2 =	sadd.s32 $0x4888, s0  }
0x3ec: {  	[hbm4b:s28+s3] =	stream.linear.scatter [tilespmem:s2], [sflag:$0x2], $0x80, $0x38;
	[tilespmem:$0x8C00] =	vst v63  }
0x3ed: {  	s2 =	sadd.s32 $0x4910, s0;
	s28 =	sadd.s32 $0x20, s26  }
0x3ee: {  	[hbm4b:s28+s3] =	stream.linear.scatter [tilespmem:s2], [sflag:$0x2], $0x80, $0x38;
	[tilespmem:$0x8C00] =	vst v63  }
0x3ef: {  	s2 =	sadd.s32 $0x4998, s0;
	s28 =	sadd.s32 $0x30, s26  }
0x3f0: {  	[hbm4b:s28+s3] =	stream.linear.scatter [tilespmem:s2], [sflag:$0x2], $0x80, $0x38;
	[tilespmem:$0x8C00] =	vst v63  }
0x3f1: {  	s2 =	sadd.s32 $0x4A20, s0;
	s28 =	sadd.s32 $0x40, s26  }
0x3f2: {  	[hbm4b:s28+s3] =	stream.linear.scatter [tilespmem:s2], [sflag:$0x2], $0x80, $0x38;
	[tilespmem:$0x8C00] =	vst v63  }
.Ltmp10:
0x3f3: {  	s2 =	sadd.s32 $0x4AA8, s0;
	s28 =	sadd.s32 $0x50, s26;
	(pc) =	sbr.rel @p0 .LBB2_22-.Ltmp10, $4  }
0x3f4: {  	[hbm4b:s28+s3] =	stream.linear.scatter [tilespmem:s2], [sflag:$0x2], $0x80, $0x38;
	[tilespmem:$0x8C00] =	vst v63  }
0x3f5: {  	s2 =	sadd.s32 $0x4B30, s0;
	s28 =	sadd.s32 $0x60, s26;
	s0 =	sadd.s32 $0x4BB8, s0  }
0x3f6: {  	[hbm4b:s28+s3] =	stream.linear.scatter [tilespmem:s2], [sflag:$0x2], $0x80, $0x38;
	[tilespmem:$0x8C00] =	vst v63  }
0x3f7: {  	s2 =	sadd.s32 $0x70, s26;
	s26 =	sadd.s32 $0x1000, s26;
	s28 =	smov.u32 s14  }
0x3f8: {  	[hbm4b:s2+s3] =	stream.linear.scatter [tilespmem:s0], [sflag:$0x2], $0x80, $0x38;
	[tilespmem:$0x8C00] =	vst v63  }
0x3f9: {  	s29 =	sadd.s32 $0x4800, s25  }
0x3fa: {  	[hbm4b:s26+s3] =	stream.linear.scatter [tilespmem:s29], [sflag:$0x2], $0x80, $0x38;
	[tilespmem:$0x8C00] =	vst v63  }
0x3fb: {  	s30 =	sadd.s32 $0x4888, s25;
	s31 =	sadd.s32 $0x10, s26  }
0x3fc: {  	[hbm4b:s31+s3] =	stream.linear.scatter [tilespmem:s30], [sflag:$0x2], $0x80, $0x38;
	[tilespmem:$0x8C00] =	vst v63  }
0x3fd: {  	s14 =	sadd.s32 $0x4910, s25;
	s29 =	sadd.s32 $0x20, s26  }
0x3fe: {  	[hbm4b:s29+s3] =	stream.linear.scatter [tilespmem:s14], [sflag:$0x2], $0x80, $0x38;
	[tilespmem:$0x8C00] =	vst v63  }
0x3ff: {  	s30 =	sadd.s32 $0x4998, s25;
	s31 =	sadd.s32 $0x30, s26  }
0x400: {  	[hbm4b:s31+s3] =	stream.linear.scatter [tilespmem:s30], [sflag:$0x2], $0x80, $0x38;
	[tilespmem:$0x8C00] =	vst v63  }
0x401: {  	s14 =	sadd.s32 $0x4A20, s25;
	s29 =	sadd.s32 $0x40, s26  }
0x402: {  	[hbm4b:s29+s3] =	stream.linear.scatter [tilespmem:s14], [sflag:$0x2], $0x80, $0x38;
	[tilespmem:$0x8C00] =	vst v63  }
0x403: {  	s30 =	sadd.s32 $0x4AA8, s25;
	s31 =	sadd.s32 $0x50, s26  }
0x404: {  	[hbm4b:s31+s3] =	stream.linear.scatter [tilespmem:s30], [sflag:$0x2], $0x80, $0x38;
	[tilespmem:$0x8C00] =	vst v63  }
0x405: {  	s2 =	sadd.s32 $0x4B30, s25;
	s14 =	sadd.s32 $0x60, s26  }
0x406: {  	[hbm4b:s14+s3] =	stream.linear.scatter [tilespmem:s2], [sflag:$0x2], $0x80, $0x38;
	[tilespmem:$0x8C00] =	vst v63  }
0x407: {  	s25 =	sadd.s32 $0x4BB8, s25;
	s26 =	sadd.s32 $0x70, s26  }
0x408: {  	[hbm4b:s26+s3] =	stream.linear.scatter [tilespmem:s25], [sflag:$0x2], $0x80, $0x38;
	[tilespmem:$0x8C00] =	vst v63  }
0x409: {  	_ =	swait.ge [sflag:s18], $0x2000  }
0x40a: {  	s29 =	simm.s32 $0x0;
	[sflag:s18] =	ssyncset.done $0x0  }
0x40b: {  	v0 =	vmov s29;
	s30 =	simm.s32 $0x1;
	[sflag:s18] =	ssyncadd.s32 $0xFFFFE000  }
0x40c: {  	v0 =	vshrl.u32 v0, $0x3;
	s31 =	simm.s32 $0x2;
	v2 =	vmov s30;
	s30 =	simm.s32 $0x7;
	_ =	swait.ge [sflag:s23], $0x2000  }
0x40d: {  	v3 =	vmov s31;
	v2 =	vshrl.u32 v2, $0x3;
	v35 =	vmov s30;
	s25 =	simm.s32 $0x4;
	[sflag:s23] =	ssyncset.done $0x0;
	v27 =	vld [tilespmem:$0x1FFC0]  }
0x40e: {  	v35 =	vshrl.u32 v35, $0x3;
	v2 =	vshll.u32 v2, v1;
	v5 =	vmov s25;
	s25 =	simm.s32 $0x29F0;
	v6 =	vld [tilespmem:$0x1FEA0];
	[sflag:s23] =	ssyncadd.s32 $0xFFFFE000  }
0x40f: {  	v0 =	vshll.u32 v0, v1;
	v35 =	vshll.u32 v35, v1;
	v40 =	vbroadcast v2, $0x0;
	v42 =	vld [tilespmem:s25+$0xFFFFFE50]  }
0x410: {  	s14 =	simm.s32 $0x3;
	v3 =	vshrl.u32 v3, $0x3;
	v39 =	vbroadcast v0, $0x0;
	v41 =	vbroadcast v35, $0x0;
	v0 =	vld [tilespmem:s25+$0xFFFFFFD0]  }
0x411: {  	v4 =	vmov s14;
	v3 =	vshll.u32 v3, v1;
	v45 =	vadd.s32 v51, v40;
	v38 =	vld [tilespmem:s25+$0xFFFFFE10]  }
0x412: {  	v4 =	vshrl.u32 v4, $0x3;
	v37 =	vbroadcast v3, $0x0;
	v44 =	vld [tilespmem:s25+$0xFFFFFE90];
	v2 =	vadd.s32 v27, v41  }
0x413: {  	v4 =	vshll.u32 v4, v1;
	v5 =	vshrl.u32 v5, $0x3;
	v43 =	vadd.s32 v6, v39  }
0x414: {  	v36 =	vbroadcast v4, $0x0;
	v4 =	vadd.s32 v50, v37;
	v42 =	vmul.f32 $8.000000000e+00, v42  }
0x415: {  	v5 =	vshll.u32 v5, v1;
	v0 =	vmul.f32 $8.000000000e+00, v0  }
0x416: {  	v35 =	vbroadcast v5, $0x0;
	v46 =	vld [tilespmem:s25+$0xFFFFFED0];
	v5 =	vmul.f32 $8.000000000e+00, v38;
	[tilespmem:v45+s21+$0x0] =	vst.idx.msk $0xffff, v42  }
0x417: {  	v47 =	vld [tilespmem:s25+$0xFFFFFF10];
	[tilespmem:v2+s21+$0x0] =	vst.idx.msk $0xffff, v0;
	v2 =	vmul.f32 $8.000000000e+00, v44  }
0x418: {  	v61 =	vadd.s32 v52, v36;
	[tilespmem:v43+s21+$0x0] =	vst.idx.msk $0xffff, v5  }
0x419: {  	s26 =	simm.s32 $0x5;
	v49 =	vadd.s32 v54, v35;
	[tilespmem:v4+s21+$0x0] =	vst.idx.msk $0xffff, v2  }
0x41a: {  	s29 =	simm.s32 $0x6;
	v33 =	vmov s26;
	v8 =	vld [tilespmem:$0x1FEB0]  }
0x41b: {  	v34 =	vmov s29;
	v33 =	vshrl.u32 v33, $0x3;
	v48 =	vld [tilespmem:s25+$0xFFFFFF50];
	v62 =	vmul.f32 $8.000000000e+00, v46  }
0x41c: {  	v34 =	vshrl.u32 v34, $0x3;
	v33 =	vshll.u32 v33, v1;
	v50 =	vld [tilespmem:s25+$0xFFFFFF90];
	v2 =	vmul.f32 $8.000000000e+00, v47  }
0x41d: {  	v3 =	vshll.u32 v34, v1;
	v33 =	vbroadcast v33, $0x0;
	v18 =	vld [tilespmem:$0x1FFF0];
	[tilespmem:v61+s21+$0x0] =	vst.idx.msk $0xffff, v62  }
0x41e: {  	v34 =	vbroadcast v3, $0x0;
	v63 =	vld [tilespmem:s25+$0xFFFFFE60];
	[tilespmem:v49+s21+$0x0] =	vst.idx.msk $0xffff, v2  }
0x41f: {  	v3 =	vadd.s32 v15, v33;
	v7 =	vmov v8;
	v51 =	vadd.s32 v8, v39;
	v8 =	vld [tilespmem:$0x1FFE0]  }
0x420: {  	v44 =	vadd.s32 v55, v34;
	v5 =	vld [tilespmem:s25+$0xFFFFFFE0]  }
0x421: {  	v43 =	vld [tilespmem:s25+$0xFFFFFE20];
	v61 =	vmul.f32 $8.000000000e+00, v48;
	v48 =	vadd.s32 v53, v40  }
0x422: {  	v32 =	vld [tilespmem:s25+$0xFFFFFEA0];
	v4 =	vadd.s32 v18, v41  }
0x423: {  	v2 =	vmul.f32 $8.000000000e+00, v50  }
0x424: {  	v63 =	vmul.f32 $8.000000000e+00, v63;
	[tilespmem:v3+s21+$0x0] =	vst.idx.msk $0xffff, v61;
	v50 =	vadd.s32 v8, v37  }
0x425: {  	v3 =	vmul.f32 $8.000000000e+00, v5;
	[tilespmem:v44+s21+$0x0] =	vst.idx.msk $0xffff, v2  }
0x426: {  	v19 =	vmov v53;
	v53 =	vld [tilespmem:s25+$0xFFFFFEE0];
	v62 =	vmul.f32 $8.000000000e+00, v43;
	[tilespmem:v48+s21+$0x0] =	vst.idx.msk $0xffff, v63  }
0x427: {  	v54 =	vld [tilespmem:s25+$0xFFFFFF20];
	[tilespmem:v4+s21+$0x0] =	vst.idx.msk $0xffff, v3;
	v3 =	vmul.f32 $8.000000000e+00, v32  }
0x428: {  	v55 =	vld [tilespmem:s25+$0xFFFFFF60];
	[tilespmem:v51+s21+$0x0] =	vst.idx.msk $0xffff, v62  }
0x429: {  	v24 =	vmov v56;
	v46 =	vadd.s32 v56, v35;
	v43 =	vadd.s32 v21, v36;
	v56 =	vld [tilespmem:s25+$0xFFFFFFA0];
	[tilespmem:v50+s21+$0x0] =	vst.idx.msk $0xffff, v3  }
0x42a: {  	s14 =	simm.s32 $0xA;
	v22 =	vld [tilespmem:$0x1FFD0]  }
0x42b: {  	v47 =	vmov s14;
	v25 =	vld [tilespmem:$0x1FEC0]  }
0x42c: {  	s29 =	simm.s32 $0xC;
	s31 =	simm.s32 $0x8;
	v52 =	vshrl.u32 v47, $0x3;
	v47 =	vld [tilespmem:s25+$0xFFFFFE70];
	v4 =	vadd.s32 v57, v33;
	v62 =	vmul.f32 $8.000000000e+00, v53  }
0x42d: {  	v0 =	vmov s31;
	v49 =	vmov s29;
	v48 =	vadd.s32 v58, v34;
	v61 =	vld [tilespmem:s25+$0xFFFFFFF0]  }
0x42e: {  	v51 =	vld [tilespmem:s25+$0xFFFFFE30];
	v3 =	vmul.f32 $8.000000000e+00, v54;
	[tilespmem:v43+s21+$0x0] =	vst.idx.msk $0xffff, v62;
	v43 =	vshrl.u32 v49, $0x3;
	v49 =	vadd.s32 v60, v40  }
0x42f: {  	v0 =	vshrl.u32 v0, $0x3;
	v63 =	vmul.f32 $8.000000000e+00, v55;
	v50 =	vadd.s32 v22, v41  }
0x430: {  	v0 =	vshll.u32 v0, v1;
	[tilespmem:v46+s21+$0x0] =	vst.idx.msk $0xffff, v3;
	v3 =	vmul.f32 $8.000000000e+00, v56;
	v54 =	vadd.s32 v25, v39  }
0x431: {  	s26 =	simm.s32 $0xB;
	s31 =	simm.s32 $0xE;
	v38 =	vbroadcast v0, $0x0;
	v0 =	vmul.f32 $8.000000000e+00, v47;
	[tilespmem:v4+s21+$0x0] =	vst.idx.msk $0xffff, v63  }
0x432: {  	v30 =	vmovc v57;
	v42 =	vmov s26;
	v2 =	vmov s31;
	v57 =	vld [tilespmem:s25+$0xFFFFFEB0];
	v4 =	vmul.f32 $8.000000000e+00, v61;
	[tilespmem:v48+s21+$0x0] =	vst.idx.msk $0xffff, v3  }
0x433: {  	v53 =	vshrl.u32 v42, $0x3;
	v42 =	vshrl.u32 v2, $0x3;
	v2 =	vmul.f32 $8.000000000e+00, v51;
	v17 =	vld [tilespmem:$0x1FF60];
	[tilespmem:v49+s21+$0x0] =	vst.idx.msk $0xffff, v0  }
0x434: {  	[tilespmem:v50+s21+$0x0] =	vst.idx.msk $0xffff, v4  }
0x435: {  	v46 =	vadd.s32 v59, v37;
	[tilespmem:v54+s21+$0x0] =	vst.idx.msk $0xffff, v2  }
0x436: {  	v4 =	vld [tilespmem:$0x1FE80];
	_ =	sdelay $0x1  }
0x437: {  	v32 =	vld [tilespmem:s25+$0xFFFFFEF0];
	v2 =	vmul.f32 $8.000000000e+00, v57  }
0x438: {  	v61 =	vld [tilespmem:s25+$0xFFFFFF70]  }
0x439: {  	v12 =	vmov v59;
	v59 =	vld [tilespmem:s25+$0xFFFFFF30];
	[tilespmem:v46+s21+$0x0] =	vst.idx.msk $0xffff, v2  }
0x43a: {  	v20 =	vmovc v60;
	v60 =	vadd.s32 v10, v36;
	v31 =	vmov v4;
	v51 =	vadd.s32 v4, v34;
	v4 =	vld [tilespmem:$0x1FE90]  }
0x43b: {  	s2 =	simm.s32 $0x9;
	v62 =	vld [tilespmem:s25+$0xFFFFFFB0]  }
0x43c: {  	v45 =	vmov s2;
	v44 =	vshll.u32 v52, v1;
	v52 =	vld [tilespmem:s25+$0xFFFFFE80]  }
0x43d: {  	v45 =	vshrl.u32 v45, $0x3;
	v0 =	vmul.f32 $8.000000000e+00, v32;
	v3 =	vadd.s32 v17, v35;
	v56 =	vld [tilespmem:s25+$0x0]  }
0x43e: {  	v47 =	vshll.u32 v45, v1;
	v50 =	vld [tilespmem:s25+$0xFFFFFE40]  }
0x43f: {  	v45 =	vshll.u32 v53, v1;
	v23 =	vmov v4;
	v53 =	vadd.s32 v4, v41;
	v4 =	vld [tilespmem:$0x1FED0];
	[tilespmem:v60+s21+$0x0] =	vst.idx.msk $0xffff, v0  }
0x440: {  	v2 =	vmul.f32 $8.000000000e+00, v59;
	v0 =	vld [tilespmem:$0x1FE50]  }
0x441: {  	v49 =	vld [tilespmem:s25+$0xFFFFFEC0]  }
0x442: {  	s30 =	simm.s32 $0xD;
	v54 =	vld [tilespmem:s25+$0xFFFFFF00];
	[tilespmem:v3+s21+$0x0] =	vst.idx.msk $0xffff, v2  }
0x443: {  	v13 =	vmov v10;
	v5 =	vmov s30;
	v10 =	vld [tilespmem:$0x1FF40]  }
0x444: {  	v9 =	vmovc v58;
	v16 =	vmov v14;
	v5 =	vshrl.u32 v5, $0x3;
	v55 =	vadd.s32 v14, v33;
	v59 =	vld [tilespmem:$0x1FF90]  }
0x445: {  	v28 =	vmovc v8;
	v46 =	vshll.u32 v43, v1;
	v43 =	vshll.u32 v5, v1;
	v29 =	vld [tilespmem:$0x1FF20];
	v41 =	vadd.s32 v0, v40  }
0x446: {  	s28 =	simm.s32 $0xF;
	s26 =	simm.s32 $0x10;
	v8 =	vld [tilespmem:$0x1FFB0];
	v32 =	vmovc v4;
	v48 =	vadd.s32 v4, v39;
	v39 =	vmul.f32 $8.000000000e+00, v61;
	v11 =	vmovc v0;
	v40 =	vmul.f32 $8.000000000e+00, v62  }
.LBB2_24:
0x447: {  	v14 =	vld [tilespmem:$0x1FEE0]  }
0x448: {  	v57 =	vmul.f32 $8.000000000e+00, v52;
	_ =	sdelay $0x1  }
0x449: {  	v4 =	vmul.f32 $8.000000000e+00, v56;
	[tilespmem:v41+s21+$0x0] =	vst.idx.msk $0xffff, v57;
	v41 =	vbroadcast v47, $0x0;
	_ =	sdelay $0x1  }
0x44a: {  	[tilespmem:v53+s21+$0x0] =	vst.idx.msk $0xffff, v4;
	v53 =	vadd.s32 v14, v41;
	v14 =	vld [tilespmem:$0x1FF00]  }
0x44b: {  	v0 =	vmov s28  }
0x44c: {  	v2 =	vadd.s32 v29, v37;
	v3 =	vld [tilespmem:s25+$0xFFFFFF40];
	v0 =	vshrl.u32 v0, $0x3;
	[tilespmem:v51+s21+$0x0] =	vst.idx.msk $0xffff, v40  }
0x44d: {  	v36 =	vadd.s32 v10, v36;
	v37 =	vbroadcast v44, $0x0;
	[tilespmem:v55+s21+$0x0] =	vst.idx.msk $0xffff, v39;
	v0 =	vshll.u32 v0, v1;
	v58 =	vld [tilespmem:s25+$0xFFFFFFC0]  }
0x44e: {  	v35 =	vadd.s32 v26, v35;
	v40 =	vbroadcast v0, $0x0;
	v5 =	vmul.f32 $8.000000000e+00, v50;
	v56 =	vld [tilespmem:s25+$0xFFFFFF80]  }
0x44f: {  	s25 =	sadd.s32 $0x200, s25;
	v0 =	vmul.f32 $8.000000000e+00, v49;
	v61 =	vmul.f32 $8.000000000e+00, v54;
	v54 =	vadd.s32 v14, v37;
	v14 =	vld [tilespmem:$0x1FF30]  }
0x450: {  	v34 =	vadd.s32 v8, v34;
	[tilespmem:v48+s21+$0x0] =	vst.idx.msk $0xffff, v5;
	v4 =	vld [tilespmem:s25+$0xFFFFFFD0]  }
0x451: {  	v5 =	vadd.s32 v59, v33;
	[tilespmem:v2+s21+$0x0] =	vst.idx.msk $0xffff, v0;
	v0 =	vmul.f32 $8.000000000e+00, v3;
	v60 =	vld [tilespmem:s25+$0xFFFFFE10]  }
0x452: {  	v39 =	vmov v38;
	v52 =	vadd.s32 v27, v40;
	[tilespmem:v36+s21+$0x0] =	vst.idx.msk $0xffff, v61;
	v36 =	vbroadcast v45, $0x0;
	v62 =	vld [tilespmem:s25+$0xFFFFFE50]  }
0x453: {  	v2 =	vadd.s32 v6, v39;
	v3 =	vld [tilespmem:s25+$0xFFFFFE90];
	[tilespmem:v35+s21+$0x0] =	vst.idx.msk $0xffff, v0;
	v0 =	vmul.f32 $8.000000000e+00, v58  }
0x454: {  	v38 =	vmul.f32 $8.000000000e+00, v56;
	v63 =	vadd.s32 v14, v36;
	v14 =	vld [tilespmem:$0x1FF50]  }
0x455: {  	v48 =	vld [tilespmem:s25+$0xFFFFFED0];
	[tilespmem:v34+s21+$0x0] =	vst.idx.msk $0xffff, v0;
	v4 =	vmul.f32 $8.000000000e+00, v4  }
0x456: {  	[tilespmem:v5+s21+$0x0] =	vst.idx.msk $0xffff, v38;
	v5 =	vmul.f32 $8.000000000e+00, v60  }
0x457: {  	v33 =	vbroadcast v43, $0x0;
	v35 =	vbroadcast v46, $0x0;
	v56 =	vld [tilespmem:s25+$0xFFFFFF50];
	[tilespmem:v52+s21+$0x0] =	vst.idx.msk $0xffff, v4  }
0x458: {  	v0 =	vmul.f32 $8.000000000e+00, v62;
	[tilespmem:v2+s21+$0x0] =	vst.idx.msk $0xffff, v5;
	v5 =	vld [tilespmem:s25+$0xFFFFFFE0]  }
0x459: {  	v2 =	vmul.f32 $8.000000000e+00, v3;
	v3 =	vadd.s32 v15, v33;
	v57 =	vadd.s32 v14, v35;
	v14 =	vld [tilespmem:$0x1FFA0]  }
0x45a: {  	v55 =	vld [tilespmem:s25+$0xFFFFFF10];
	[tilespmem:v53+s21+$0x0] =	vst.idx.msk $0xffff, v0;
	v0 =	vmul.f32 $8.000000000e+00, v48  }
0x45b: {  	v42 =	vshll.u32 v42, v1;
	v45 =	vadd.s32 v18, v40;
	v60 =	vld [tilespmem:s25+$0xFFFFFE20]  }
0x45c: {  	v34 =	vbroadcast v42, $0x0;
	v58 =	vld [tilespmem:s25+$0xFFFFFF90];
	[tilespmem:v63+s21+$0x0] =	vst.idx.msk $0xffff, v0;
	v0 =	vmul.f32 $8.000000000e+00, v56  }
0x45d: {  	v51 =	vadd.s32 v7, v39;
	v62 =	vld [tilespmem:s25+$0xFFFFFE60];
	[tilespmem:v54+s21+$0x0] =	vst.idx.msk $0xffff, v2  }
0x45e: {  	v52 =	vld [tilespmem:s25+$0xFFFFFEA0];
	[tilespmem:v3+s21+$0x0] =	vst.idx.msk $0xffff, v0;
	v0 =	vmul.f32 $8.000000000e+00, v5;
	v61 =	vadd.s32 v14, v34  }
0x45f: {  	v46 =	vadd.s32 v19, v41;
	v2 =	vmul.f32 $8.000000000e+00, v55  }
0x460: {  	s2 =	sadd.s32 $0x2, s26;
	v49 =	vadd.s32 v28, v37;
	v63 =	vld [tilespmem:s25+$0xFFFFFEE0];
	v5 =	vmul.f32 $8.000000000e+00, v60;
	[tilespmem:v45+s21+$0x0] =	vst.idx.msk $0xffff, v0  }
0x461: {  	v50 =	vmov s2;
	v4 =	vmov s26;
	v55 =	vld [tilespmem:s25+$0xFFFFFF60];
	[tilespmem:v57+s21+$0x0] =	vst.idx.msk $0xffff, v2;
	v2 =	vmul.f32 $8.000000000e+00, v58  }
0x462: {  	v42 =	vadd.s32 v21, v36;
	v4 =	vshrl.u32 v4, $0x3;
	v60 =	vmul.f32 $8.000000000e+00, v62;
	[tilespmem:v51+s21+$0x0] =	vst.idx.msk $0xffff, v5;
	v54 =	vld [tilespmem:s25+$0xFFFFFF20]  }
0x463: {  	s0 =	sadd.s32 $0x1, s26;
	v0 =	vshll.u32 v4, v1;
	v4 =	vmul.f32 $8.000000000e+00, v52;
	v5 =	vadd.s32 v30, v33;
	v45 =	vld [tilespmem:s25+$0xFFFFFFF0];
	[tilespmem:v61+s21+$0x0] =	vst.idx.msk $0xffff, v2  }
0x464: {  	s29 =	sadd.s32 $0x4, s26;
	v50 =	vshrl.u32 v50, $0x3;
	v47 =	vmov s0;
	[tilespmem:v46+s21+$0x0] =	vst.idx.msk $0xffff, v60;
	v61 =	vadd.s32 v24, v35;
	v62 =	vld [tilespmem:s25+$0xFFFFFFA0]  }
0x465: {  	v43 =	vmov s29;
	v52 =	vld [tilespmem:s25+$0xFFFFFE70];
	v63 =	vmul.f32 $8.000000000e+00, v63;
	[tilespmem:v49+s21+$0x0] =	vst.idx.msk $0xffff, v4;
	v49 =	vadd.s32 v22, v40  }
0x466: {  	v44 =	vshll.u32 v50, v1;
	v46 =	vadd.s32 v9, v34;
	v51 =	vld [tilespmem:s25+$0xFFFFFE30];
	v55 =	vmul.f32 $8.000000000e+00, v55  }
0x467: {  	s14 =	sadd.s32 $0x3, s26;
	v47 =	vshrl.u32 v47, $0x3;
	v58 =	vadd.s32 v20, v41;
	[tilespmem:v42+s21+$0x0] =	vst.idx.msk $0xffff, v63;
	v4 =	vmul.f32 $8.000000000e+00, v54  }
0x468: {  	v38 =	vmov s14;
	v57 =	vld [tilespmem:s25+$0xFFFFFEB0];
	[tilespmem:v5+s21+$0x0] =	vst.idx.msk $0xffff, v55;
	v5 =	vmul.f32 $8.000000000e+00, v45;
	v54 =	vadd.s32 v25, v39  }
0x469: {  	s31 =	sadd.s32 $0x6, s26;
	v53 =	vshrl.u32 v38, $0x3;
	v48 =	vadd.s32 v12, v37;
	v14 =	vmovc v59;
	v59 =	vld [tilespmem:s25+$0xFFFFFEF0];
	[tilespmem:v61+s21+$0x0] =	vst.idx.msk $0xffff, v4;
	v4 =	vmul.f32 $8.000000000e+00, v62  }
0x46a: {  	v38 =	vbroadcast v0, $0x0;
	v2 =	vmov s31;
	v0 =	vmul.f32 $8.000000000e+00, v52;
	[tilespmem:v49+s21+$0x0] =	vst.idx.msk $0xffff, v5;
	v60 =	vld [tilespmem:s25+$0xFFFFFF30]  }
0x46b: {  	v42 =	vshrl.u32 v2, $0x3;
	v2 =	vmul.f32 $8.000000000e+00, v51;
	v61 =	vadd.s32 v13, v36;
	v62 =	vld [tilespmem:s25+$0xFFFFFF70];
	[tilespmem:v46+s21+$0x0] =	vst.idx.msk $0xffff, v4  }
0x46c: {  	p0 =	slt.u32 s26, $0x78;
	s30 =	sadd.s32 $0x5, s26;
	v43 =	vshrl.u32 v43, $0x3;
	v47 =	vshll.u32 v47, v1;
	[tilespmem:v58+s21+$0x0] =	vst.idx.msk $0xffff, v0;
	v4 =	vadd.s32 v17, v35;
	v63 =	vld [tilespmem:s25+$0xFFFFFFB0]  }
.Ltmp11:
0x46d: {  	v3 =	vmov s30;
	v41 =	vadd.s32 v11, v41;
	v56 =	vld [tilespmem:s25+$0x0];
	[tilespmem:v54+s21+$0x0] =	vst.idx.msk $0xffff, v2;
	v2 =	vmul.f32 $8.000000000e+00, v57;
	(pc) =	sbr.rel @p0 .LBB2_24-.Ltmp11, $4  }
0x46e: {  	v55 =	vadd.s32 v16, v33;
	v45 =	vshll.u32 v53, v1;
	v52 =	vld [tilespmem:s25+$0xFFFFFE80];
	v0 =	vmul.f32 $8.000000000e+00, v59  }
0x46f: {  	v53 =	vadd.s32 v23, v40;
	v51 =	vadd.s32 v31, v34;
	v50 =	vld [tilespmem:s25+$0xFFFFFE40];
	[tilespmem:v48+s21+$0x0] =	vst.idx.msk $0xffff, v2;
	v2 =	vmul.f32 $8.000000000e+00, v60  }
0x470: {  	v3 =	vshrl.u32 v3, $0x3;
	v46 =	vshll.u32 v43, v1;
	v48 =	vadd.s32 v32, v39;
	v49 =	vld [tilespmem:s25+$0xFFFFFEC0];
	[tilespmem:v61+s21+$0x0] =	vst.idx.msk $0xffff, v0  }
0x471: {  	s28 =	sadd.s32 $0x7, s26;
	s26 =	sadd.s32 $0x8, s26;
	v59 =	vmovc v14;
	v43 =	vshll.u32 v3, v1;
	v39 =	vmul.f32 $8.000000000e+00, v62;
	v54 =	vld [tilespmem:s25+$0xFFFFFF00];
	[tilespmem:v4+s21+$0x0] =	vst.idx.msk $0xffff, v2;
	v40 =	vmul.f32 $8.000000000e+00, v63  }
0x472: {  	_ =	sdelay $0x3  }
0x473: {  	v2 =	vadd.s32 v29, v37;
	v4 =	vmul.f32 $8.000000000e+00, v56;
	[tilespmem:v55+s21+$0x0] =	vst.idx.msk $0xffff, v39  }
0x474: {  	v36 =	vadd.s32 v10, v36;
	[tilespmem:v51+s21+$0x0] =	vst.idx.msk $0xffff, v40;
	v5 =	vmul.f32 $8.000000000e+00, v50  }
0x475: {  	v3 =	vld [tilespmem:s25+$0xFFFFFF40];
	v57 =	vmul.f32 $8.000000000e+00, v52;
	[tilespmem:v53+s21+$0x0] =	vst.idx.msk $0xffff, v4  }
0x476: {  	[tilespmem:v48+s21+$0x0] =	vst.idx.msk $0xffff, v5;
	v5 =	vmul.f32 $8.000000000e+00, v49  }
0x477: {  	[tilespmem:v41+s21+$0x0] =	vst.idx.msk $0xffff, v57;
	v62 =	vmul.f32 $8.000000000e+00, v54  }
0x478: {  	v0 =	vmov s28;
	v56 =	vld [tilespmem:s25+$0xFFFFFF80];
	[tilespmem:v2+s21+$0x0] =	vst.idx.msk $0xffff, v5  }
0x479: {  	v35 =	vadd.s32 v26, v35;
	v33 =	vadd.s32 v59, v33;
	v0 =	vshrl.u32 v0, $0x3;
	v40 =	vld [tilespmem:s25+$0xFFFFFFC0];
	[tilespmem:v36+s21+$0x0] =	vst.idx.msk $0xffff, v62  }
0x47a: {  	s14 =	sadd.s32 $0x200, s25;
	v0 =	vshll.u32 v0, v1;
	v2 =	vmul.f32 $8.000000000e+00, v3;
	v3 =	vadd.s32 v6, v38;
	v6 =	vld [tilespmem:$0x1FEE0]  }
0x47b: {  	v4 =	vld [tilespmem:s14+$0xFFFFFFD0];
	v0 =	vbroadcast v0, $0x0  }
0x47c: {  	v34 =	vadd.s32 v8, v34;
	v58 =	vld [tilespmem:s14+$0xFFFFFE10]  }
0x47d: {  	v47 =	vbroadcast v47, $0x0;
	v63 =	vld [tilespmem:s14+$0xFFFFFE50];
	v49 =	vadd.s32 v27, v0;
	v50 =	vmul.f32 $8.000000000e+00, v56  }
0x47e: {  	[tilespmem:v35+s21+$0x0] =	vst.idx.msk $0xffff, v2  }
0x47f: {  	v2 =	vmul.f32 $8.000000000e+00, v40;
	v52 =	vmov v6;
	v56 =	vadd.s32 v6, v47;
	v6 =	vld [tilespmem:$0x1FF00];
	[tilespmem:v33+s21+$0x0] =	vst.idx.msk $0xffff, v50  }
0x480: {  	v4 =	vmul.f32 $8.000000000e+00, v4;
	v14 =	vld [tilespmem:$0x1FF30]  }
0x481: {  	v58 =	vmul.f32 $8.000000000e+00, v58;
	[tilespmem:v34+s21+$0x0] =	vst.idx.msk $0xffff, v2  }
0x482: {  	v60 =	vmov v26;
	v2 =	vmul.f32 $8.000000000e+00, v63;
	v26 =	vld [tilespmem:$0x1FF50];
	[tilespmem:v49+s21+$0x0] =	vst.idx.msk $0xffff, v4  }
0x483: {  	v45 =	vbroadcast v45, $0x0;
	v57 =	vld [tilespmem:s14+$0xFFFFFED0];
	[tilespmem:v3+s21+$0x0] =	vst.idx.msk $0xffff, v58  }
0x484: {  	v44 =	vbroadcast v44, $0x0;
	v5 =	vld [tilespmem:s14+$0xFFFFFE90];
	[tilespmem:v56+s21+$0x0] =	vst.idx.msk $0xffff, v2  }
0x485: {  	v53 =	vmov v14;
	v36 =	vadd.s32 v14, v45;
	v14 =	vld [tilespmem:$0x1FFA0]  }
0x486: {  	v46 =	vbroadcast v46, $0x0;
	v40 =	vld [tilespmem:s14+$0xFFFFFF10];
	v35 =	vadd.s32 v6, v44  }
0x487: {  	v42 =	vshll.u32 v42, v1;
	v43 =	vbroadcast v43, $0x0;
	v62 =	vld [tilespmem:s14+$0xFFFFFF50]  }
0x488: {  	v42 =	vbroadcast v42, $0x0;
	v63 =	vld [tilespmem:s14+$0xFFFFFF90];
	v34 =	vadd.s32 v26, v46  }
0x489: {  	v3 =	vmul.f32 $8.000000000e+00, v5;
	v4 =	vadd.s32 v15, v43;
	v5 =	vld [tilespmem:s14+$0xFFFFFFE0]  }
0x48a: {  	v33 =	vld [tilespmem:s14+$0xFFFFFE20];
	v2 =	vmul.f32 $8.000000000e+00, v57;
	v57 =	vadd.s32 v14, v42  }
0x48b: {  	v58 =	vld [tilespmem:s14+$0xFFFFFE60];
	[tilespmem:v35+s21+$0x0] =	vst.idx.msk $0xffff, v3;
	v3 =	vmul.f32 $8.000000000e+00, v40;
	v35 =	vadd.s32 v18, v0  }
0x48c: {  	v40 =	vadd.s32 v7, v38;
	v49 =	vld [tilespmem:s14+$0xFFFFFEA0];
	[tilespmem:v36+s21+$0x0] =	vst.idx.msk $0xffff, v2;
	v2 =	vmul.f32 $8.000000000e+00, v62  }
0x48d: {  	v36 =	vadd.s32 v19, v47;
	v62 =	vld [tilespmem:s14+$0xFFFFFEE0];
	[tilespmem:v34+s21+$0x0] =	vst.idx.msk $0xffff, v3;
	v3 =	vmul.f32 $8.000000000e+00, v63  }
0x48e: {  	v34 =	vadd.s32 v28, v44;
	v63 =	vld [tilespmem:s14+$0xFFFFFF20];
	[tilespmem:v4+s21+$0x0] =	vst.idx.msk $0xffff, v2;
	v2 =	vmul.f32 $8.000000000e+00, v5  }
0x48f: {  	v4 =	vmul.f32 $8.000000000e+00, v33;
	v5 =	vadd.s32 v21, v45;
	v54 =	vld [tilespmem:s14+$0xFFFFFF60];
	[tilespmem:v57+s21+$0x0] =	vst.idx.msk $0xffff, v3  }
0x490: {  	v37 =	vadd.s32 v24, v46;
	[tilespmem:v35+s21+$0x0] =	vst.idx.msk $0xffff, v2;
	v3 =	vmul.f32 $8.000000000e+00, v58;
	v39 =	vld [tilespmem:s14+$0xFFFFFFA0]  }
0x491: {  	[tilespmem:v40+s21+$0x0] =	vst.idx.msk $0xffff, v4;
	v4 =	vadd.s32 v30, v43;
	v2 =	vmul.f32 $8.000000000e+00, v49;
	v35 =	vld [tilespmem:s14+$0xFFFFFFF0]  }
0x492: {  	v40 =	vld [tilespmem:s14+$0xFFFFFE30];
	[tilespmem:v36+s21+$0x0] =	vst.idx.msk $0xffff, v3;
	v3 =	vmul.f32 $8.000000000e+00, v62;
	v36 =	vadd.s32 v9, v42  }
0x493: {  	[tilespmem:v34+s21+$0x0] =	vst.idx.msk $0xffff, v2;
	v2 =	vmul.f32 $8.000000000e+00, v63;
	v34 =	vadd.s32 v22, v0;
	v62 =	vld [tilespmem:s14+$0xFFFFFE70]  }
0x494: {  	v41 =	vadd.s32 v25, v38;
	v49 =	vld [tilespmem:s14+$0xFFFFFEB0];
	[tilespmem:v5+s21+$0x0] =	vst.idx.msk $0xffff, v3;
	v3 =	vmul.f32 $8.000000000e+00, v54  }
0x495: {  	v5 =	vadd.s32 v20, v47;
	[tilespmem:v37+s21+$0x0] =	vst.idx.msk $0xffff, v2;
	v63 =	vld [tilespmem:s14+$0xFFFFFEF0];
	v2 =	vmul.f32 $8.000000000e+00, v39  }
0x496: {  	v37 =	vadd.s32 v12, v44;
	v39 =	vld [tilespmem:s14+$0xFFFFFF30];
	[tilespmem:v4+s21+$0x0] =	vst.idx.msk $0xffff, v3;
	v3 =	vmul.f32 $8.000000000e+00, v35  }
0x497: {  	v4 =	vmul.f32 $8.000000000e+00, v40;
	v35 =	vadd.s32 v13, v45;
	v54 =	vld [tilespmem:s14+$0xFFFFFF70];
	[tilespmem:v36+s21+$0x0] =	vst.idx.msk $0xffff, v2  }
0x498: {  	v58 =	vadd.s32 v17, v46;
	v2 =	vmul.f32 $8.000000000e+00, v62;
	[tilespmem:v34+s21+$0x0] =	vst.idx.msk $0xffff, v3;
	v62 =	vld [tilespmem:s14+$0xFFFFFFB0]  }
0x499: {  	[tilespmem:v41+s21+$0x0] =	vst.idx.msk $0xffff, v4;
	v3 =	vmul.f32 $8.000000000e+00, v49;
	v4 =	vadd.s32 v16, v43;
	v34 =	vld [tilespmem:s14+$0x0]  }
0x49a: {  	v41 =	vld [tilespmem:s14+$0xFFFFFE40];
	[tilespmem:v5+s21+$0x0] =	vst.idx.msk $0xffff, v2;
	v2 =	vmul.f32 $8.000000000e+00, v63;
	v5 =	vadd.s32 v31, v42  }
0x49b: {  	v0 =	vadd.s32 v23, v0;
	[tilespmem:v37+s21+$0x0] =	vst.idx.msk $0xffff, v3;
	v63 =	vld [tilespmem:s14+$0xFFFFFE80];
	v3 =	vmul.f32 $8.000000000e+00, v39  }
0x49c: {  	v37 =	vadd.s32 v32, v38;
	v38 =	vld [tilespmem:s14+$0xFFFFFEC0];
	[tilespmem:v35+s21+$0x0] =	vst.idx.msk $0xffff, v2;
	v2 =	vmul.f32 $8.000000000e+00, v54  }
0x49d: {  	v61 =	vmov v29;
	v35 =	vadd.s32 v11, v47;
	v39 =	vld [tilespmem:s14+$0xFFFFFF00];
	[tilespmem:v58+s21+$0x0] =	vst.idx.msk $0xffff, v3;
	v3 =	vmul.f32 $8.000000000e+00, v62  }
0x49e: {  	v49 =	vadd.s32 v61, v44;
	v54 =	vld [tilespmem:s14+$0xFFFFFF40];
	[tilespmem:v4+s21+$0x0] =	vst.idx.msk $0xffff, v2;
	v2 =	vmul.f32 $8.000000000e+00, v34  }
0x49f: {  	v58 =	vadd.s32 v10, v45;
	v4 =	vmul.f32 $8.000000000e+00, v41;
	v62 =	vld [tilespmem:s14+$0xFFFFFF80];
	[tilespmem:v5+s21+$0x0] =	vst.idx.msk $0xffff, v3  }
0x4a0: {  	v3 =	vmul.f32 $8.000000000e+00, v63;
	v5 =	vadd.s32 v60, v46;
	[tilespmem:v0+s21+$0x0] =	vst.idx.msk $0xffff, v2;
	v63 =	vld [tilespmem:s14+$0xFFFFFFC0]  }
0x4a1: {  	[tilespmem:v37+s21+$0x0] =	vst.idx.msk $0xffff, v4;
	v0 =	vmul.f32 $8.000000000e+00, v38;
	v2 =	vadd.s32 v59, v43  }
0x4a2: {  	v4 =	vadd.s32 v8, v42;
	[tilespmem:v35+s21+$0x0] =	vst.idx.msk $0xffff, v3;
	v3 =	vmul.f32 $8.000000000e+00, v39  }
0x4a3: {  	[tilespmem:v49+s21+$0x0] =	vst.idx.msk $0xffff, v0;
	v0 =	vmul.f32 $8.000000000e+00, v54  }
0x4a4: {  	[tilespmem:v58+s21+$0x0] =	vst.idx.msk $0xffff, v3;
	v3 =	vmul.f32 $8.000000000e+00, v62  }
0x4a5: {  	[tilespmem:v5+s21+$0x0] =	vst.idx.msk $0xffff, v0;
	v0 =	vmul.f32 $8.000000000e+00, v63  }
0x4a6: {  	[tilespmem:v2+s21+$0x0] =	vst.idx.msk $0xffff, v3  }
0x4a7: {  	s0 =	simm.s32 $0x6A00;
	[tilespmem:v4+s21+$0x0] =	vst.idx.msk $0xffff, v0  }
0x4a8: {  	[hbm4b:s11+s3] =	stream.linear.scatter [tilespmem:s0], [sflag:$0x2], $0x80, $0x38;
	[tilespmem:$0x8C00] =	vst v63  }
0x4a9: {  	s2 =	sadd.s32 $0x10, s11;
	s25 =	simm.s32 $0x6A88  }
0x4aa: {  	[hbm4b:s2+s3] =	stream.linear.scatter [tilespmem:s25], [sflag:$0x2], $0x80, $0x38;
	[tilespmem:$0x8C00] =	vst v63  }
0x4ab: {  	s26 =	simm.s32 $0x6B10;
	s29 =	sadd.s32 $0x20, s11;
	s30 =	simm.s32 $0x6B98  }
0x4ac: {  	[hbm4b:s29+s3] =	stream.linear.scatter [tilespmem:s26], [sflag:$0x2], $0x80, $0x38;
	[tilespmem:$0x8C00] =	vst v63  }
0x4ad: {  	s31 =	sadd.s32 $0x30, s11;
	s28 =	simm.s32 $0x2200;
	s14 =	simm.s32 $0x6C20  }
0x4ae: {  	[hbm4b:s31+s3] =	stream.linear.scatter [tilespmem:s30], [sflag:$0x2], $0x80, $0x38;
	[tilespmem:$0x8C00] =	vst v63  }
0x4af: {  	s0 =	simm.s32 $0x6DB8;
	s25 =	sadd.s32 $0x40, s11;
	s2 =	sadd.s32 $0x70, s11  }
0x4b0: {  	[hbm4b:s25+s3] =	stream.linear.scatter [tilespmem:s14], [sflag:$0x2], $0x80, $0x38;
	[tilespmem:$0x8C00] =	vst v63  }
0x4b1: {  	v29 =	vmov v22;
	s26 =	simm.s32 $0x6CA8;
	s29 =	sadd.s32 $0x50, s11;
	s30 =	simm.s32 $0x6D30  }
0x4b2: {  	v51 =	vmovc v15;
	v27 =	vmovc v19;
	v50 =	vmov v21;
	v56 =	vmov v20;
	v15 =	vmov v26;
	[hbm4b:s29+s3] =	stream.linear.scatter [tilespmem:s26], [sflag:$0x2], $0x80, $0x38;
	[tilespmem:$0x8C00] =	vst v63  }
0x4b3: {  	v55 =	vmovc v14;
	v14 =	vmovc v28;
	v19 =	vmov v6;
	v57 =	vmov v24;
	v24 =	vmov v12;
	s31 =	sadd.s32 $0x60, s11;
	s25 =	simm.s32 $0x440;
	s26 =	sadd.s32 $0x1000, s11  }
0x4b4: {  	v23 =	vmovc v61;
	v20 =	vmovc v60;
	v44 =	vmov v10;
	v11 =	vmov v9;
	v4 =	vmov v32;
	[hbm4b:s31+s3] =	stream.linear.scatter [tilespmem:s30], [sflag:$0x2], $0x80, $0x38;
	[tilespmem:$0x8C00] =	vst v63  }
.LBB2_26:
0x4b5: {  	[hbm4b:s2+s3] =	stream.linear.scatter [tilespmem:s0], [sflag:$0x2], $0x80, $0x38;
	[tilespmem:$0x8C00] =	vst v63  }
0x4b6: {  	s0 =	smov.u32 s25;
	s2 =	smov.u32 s28  }
0x4b7: {  	s14 =	sadd.s32 $0x1100, s28;
	s25 =	sshra.s32 s2, $0x2;
	s2 =	sadd.s32 $0x6A00, s0  }
0x4b8: {  	[hbm4b:s26+s3] =	stream.linear.scatter [tilespmem:s2], [sflag:$0x2], $0x80, $0x38;
	[tilespmem:$0x8C00] =	vst v63  }
0x4b9: {  	p0 =	sne.s32 s28, $0x7700;
	s28 =	sadd.s32 $0x10, s26;
	s2 =	sadd.s32 $0x6A88, s0  }
0x4ba: {  	[hbm4b:s28+s3] =	stream.linear.scatter [tilespmem:s2], [sflag:$0x2], $0x80, $0x38;
	[tilespmem:$0x8C00] =	vst v63  }
0x4bb: {  	s2 =	sadd.s32 $0x6B10, s0;
	s28 =	sadd.s32 $0x20, s26  }
0x4bc: {  	[hbm4b:s28+s3] =	stream.linear.scatter [tilespmem:s2], [sflag:$0x2], $0x80, $0x38;
	[tilespmem:$0x8C00] =	vst v63  }
0x4bd: {  	s2 =	sadd.s32 $0x6B98, s0;
	s28 =	sadd.s32 $0x30, s26  }
0x4be: {  	[hbm4b:s28+s3] =	stream.linear.scatter [tilespmem:s2], [sflag:$0x2], $0x80, $0x38;
	[tilespmem:$0x8C00] =	vst v63  }
0x4bf: {  	s2 =	sadd.s32 $0x6C20, s0;
	s28 =	sadd.s32 $0x40, s26  }
0x4c0: {  	[hbm4b:s28+s3] =	stream.linear.scatter [tilespmem:s2], [sflag:$0x2], $0x80, $0x38;
	[tilespmem:$0x8C00] =	vst v63  }
.Ltmp12:
0x4c1: {  	s2 =	sadd.s32 $0x6CA8, s0;
	s28 =	sadd.s32 $0x50, s26;
	(pc) =	sbr.rel @p0 .LBB2_26-.Ltmp12, $4  }
0x4c2: {  	[hbm4b:s28+s3] =	stream.linear.scatter [tilespmem:s2], [sflag:$0x2], $0x80, $0x38;
	[tilespmem:$0x8C00] =	vst v63  }
0x4c3: {  	s2 =	sadd.s32 $0x6D30, s0;
	s28 =	sadd.s32 $0x60, s26;
	s0 =	sadd.s32 $0x6DB8, s0  }
0x4c4: {  	[hbm4b:s28+s3] =	stream.linear.scatter [tilespmem:s2], [sflag:$0x2], $0x80, $0x38;
	[tilespmem:$0x8C00] =	vst v63  }
0x4c5: {  	s2 =	sadd.s32 $0x70, s26;
	s26 =	sadd.s32 $0x1000, s26;
	s28 =	smov.u32 s14  }
0x4c6: {  	[hbm4b:s2+s3] =	stream.linear.scatter [tilespmem:s0], [sflag:$0x2], $0x80, $0x38;
	[tilespmem:$0x8C00] =	vst v63  }
0x4c7: {  	s29 =	sadd.s32 $0x6A00, s25  }
0x4c8: {  	[hbm4b:s26+s3] =	stream.linear.scatter [tilespmem:s29], [sflag:$0x2], $0x80, $0x38;
	[tilespmem:$0x8C00] =	vst v63  }
0x4c9: {  	s30 =	sadd.s32 $0x6A88, s25;
	s31 =	sadd.s32 $0x10, s26  }
0x4ca: {  	[hbm4b:s31+s3] =	stream.linear.scatter [tilespmem:s30], [sflag:$0x2], $0x80, $0x38;
	[tilespmem:$0x8C00] =	vst v63  }
0x4cb: {  	s2 =	sadd.s32 $0x6B10, s25;
	s14 =	sadd.s32 $0x20, s26  }
0x4cc: {  	[hbm4b:s14+s3] =	stream.linear.scatter [tilespmem:s2], [sflag:$0x2], $0x80, $0x38;
	[tilespmem:$0x8C00] =	vst v63  }
0x4cd: {  	s28 =	sadd.s32 $0x6B98, s25;
	s29 =	sadd.s32 $0x30, s26  }
0x4ce: {  	[hbm4b:s29+s3] =	stream.linear.scatter [tilespmem:s28], [sflag:$0x2], $0x80, $0x38;
	[tilespmem:$0x8C00] =	vst v63  }
0x4cf: {  	s30 =	sadd.s32 $0x6C20, s25;
	s31 =	sadd.s32 $0x40, s26  }
0x4d0: {  	[hbm4b:s31+s3] =	stream.linear.scatter [tilespmem:s30], [sflag:$0x2], $0x80, $0x38;
	[tilespmem:$0x8C00] =	vst v63  }
0x4d1: {  	s2 =	sadd.s32 $0x6CA8, s25;
	s14 =	sadd.s32 $0x50, s26  }
0x4d2: {  	[hbm4b:s14+s3] =	stream.linear.scatter [tilespmem:s2], [sflag:$0x2], $0x80, $0x38;
	[tilespmem:$0x8C00] =	vst v63  }
0x4d3: {  	s28 =	sadd.s32 $0x6D30, s25;
	s29 =	sadd.s32 $0x60, s26  }
0x4d4: {  	[hbm4b:s29+s3] =	stream.linear.scatter [tilespmem:s28], [sflag:$0x2], $0x80, $0x38;
	[tilespmem:$0x8C00] =	vst v63  }
0x4d5: {  	s30 =	sadd.s32 $0x6DB8, s25;
	s31 =	sadd.s32 $0x70, s26  }
0x4d6: {  	[hbm4b:s31+s3] =	stream.linear.scatter [tilespmem:s30], [sflag:$0x2], $0x80, $0x38;
	[tilespmem:$0x8C00] =	vst v63  }
0x4d7: {  	_ =	swait.ge [sflag:s23], $0x2000  }
0x4d8: {  	[sflag:s23] =	ssyncset.done $0x0  }
0x4d9: {  	[sflag:s23] =	ssyncadd.s32 $0xFFFFE000  }
0x4da: {  	s24 =	sadd.s32 $0x1, s24;
	_ =	swait.ge [sflag:s23], $0x2000  }
0x4db: {  	p0 =	sne.s32 s24, s12;
	v22 =	vld [tilespmem:$0x1FEA0]  }
.Ltmp13:
0x4dc: {  	v12 =	vld [tilespmem:$0x1FFC0];
	(pc) =	sbr.rel @p0 .LBB2_1-.Ltmp13, $4  }
0x4dd: {  	v18 =	vld [tilespmem:$0x1FEC0]  }
0x4de: {  	v8 =	vld [tilespmem:$0x1FF60]  }
0x4df: {  	v10 =	vmov v50;
	v28 =	vmov v51;
	[sflag:s23] =	ssyncset.done $0x0;
	v32 =	vld [tilespmem:$0x1FFF0]  }
0x4e0: {  	v25 =	vmovc v52;
	v9 =	vmovc v55;
	v31 =	vmov v56;
	v13 =	vmov v57;
	v6 =	vmov v44;
	v21 =	vld [tilespmem:$0x1FFB0];
	[sflag:s23] =	ssyncadd.s32 $0xFFFFE000  }
0x4e1: {  	_ =	sfence.sel $0x180000  }
0x4e2: {  	[bflag:$0x0] =	sbarrier.arrive $0xFFFF  }
0x4e3: {  	_ =	strace $0x90000047  }
0x4e4: {  	s0 =	stileid.u32;
	[bflag:$0x2] =	sbarrier.arrive $0xFFFF  }
0x4e5: {  	p0 =	sne.s32 s0, $0x0;
	s0 =	rddreg [dreg:$0x2]  }
0x4e6: {  	s0 =	sadd.s32 @!p0 $0x100000, s0  }
0x4e7: {  	[sflag:s0] =	ssyncadd.tile.s32 @!p0 $0x1;
	_ =	shalt  }
.Lfunc_end2:
_tile_overlayer_lowered:
.L_overlay_start_2:
0x4e8: {  	(tag) =	ssettag $0x2  }
0x4e9: {  	s0 =	rddreg [dreg:$0x0];
	s2 =	stileid.u32  }
0x4ea: {  	s1 =	rddreg [dreg:$0x1];
	p0 =	sne.s32 s2, $0x0  }
0x4eb: {  	s3 =	rddreg [dreg:$0x2];
	[bflag:$0x3] =	sbarrier.arrive $0xFFFF;
	s2 =	simm.s32 @!p0 $0x1C03  }
0x4ec: {  	[timem:s3], [sflag:s2] =	dma.local @!p0 [hbm:s0], s1  }
0x4ed: {  	s0 =	simm.s32 @!p0 $0x3  }
0x4ee: {  	_ =	swait.ge @!p0 [sflag:s0], s1  }
0x4ef: {  	s1 =	ssub.s32 @!p0 $0x0, s1;
	[sflag:s0] =	ssyncset.done @!p0 $0x0  }
0x4f0: {  	[sflag:s0] =	ssyncadd.s32 @!p0 s1  }
0x4f1: {  	[bflag:$0x3] =	sbarrier.arrive $0xFFFF  }
0x4f2: {  	_ =	shalt  }

</sc_bundles>
